<compile_context>
chip_gen: v7x
topology: tpu7x:2x2x1
jax: 0.10.2.dev20260603
libtpu: 0.0.44.dev20260713+nightly
codegen_flags: <defaults>
</compile_context>

<pallas_src>
import functools

import jax
import jax.numpy as jnp
from jax import lax
from jax.experimental import pallas as pl
from jax.experimental.pallas import tpu as pltpu
from jax.experimental.pallas import tpu_sc as plsc

EMB = 32
BATCH = 16384
FIELDS = 26

NUM_CORES = 2
NUM_SUBCORES = 16
NW = NUM_CORES * NUM_SUBCORES
BPW = BATCH // NW
SB = 128
NSB = BPW // SB

_mesh = plsc.VectorSubcoreMesh(core_axis_name="c", subcore_axis_name="s")


@functools.partial(
    pl.kernel,
    mesh=_mesh,
    compiler_params=pltpu.CompilerParams(
        use_tc_tiling_on_sc=True, needs_layout_passes=False
    ),
    out_type=jax.ShapeDtypeStruct((FIELDS, EMB, BATCH), jnp.float32),
    scratch_types=[
        pltpu.VMEM((FIELDS, BPW), jnp.int32),
        pltpu.VMEM((2, SB), jnp.int32),
        pltpu.VMEM((2, SB, 128), jnp.float32),
        pltpu.VMEM((2, EMB, BPW), jnp.float32),
        pltpu.SemaphoreType.DMA,
        pltpu.SemaphoreType.DMA,
    ],
)
def _emb_lookup(xt_hbm, tab_hbm, out_hbm, idx_v, bkt_v, rows_v, obuf, gsem, osem):
    wid = lax.axis_index("s") * NUM_CORES + lax.axis_index("c")
    b0 = wid * BPW

    pltpu.sync_copy(xt_hbm.at[:, pl.ds(b0, BPW)], idx_v)

    def compute_bkt(f, sb, slot):
        c0 = sb * SB
        for g in range(SB // 16):
            v = idx_v[f, pl.ds(c0 + g * 16, 16)]
            bkt_v[slot, pl.ds(g * 16, 16)] = lax.shift_right_logical(v, 2)

    def gstart(slot):
        pltpu.make_async_copy(
            tab_hbm.at[bkt_v.at[slot]], rows_v.at[slot], gsem
        ).start()

    def gwait(slot):
        pltpu.make_async_copy(
            tab_hbm.at[bkt_v.at[0]], rows_v.at[slot], gsem
        ).wait()

    def ostart(f, oslot):
        pltpu.make_async_copy(
            obuf.at[oslot], out_hbm.at[f, :, pl.ds(b0, BPW)], osem
        ).start()

    def owait(oslot):
        pltpu.make_async_copy(
            obuf.at[oslot], out_hbm.at[0, :, pl.ds(b0, BPW)], osem
        ).wait()

    compute_bkt(0, 0, 0)
    gstart(0)

    def f_body(f, carry):
        oslot = lax.rem(f, 2)
        @pl.when(f >= 2)
        def _():
            owait(oslot)

        for sb in range(NSB):
            slot = sb % 2
            gwait(slot)
            if sb + 1 < NSB:
                compute_bkt(f, sb + 1, 1 - slot)
                gstart(1 - slot)
            else:
                @pl.when(f + 1 < FIELDS)
                def _():
                    compute_bkt(f + 1, 0, 1 - slot)
                    gstart(1 - slot)

            for bg in range(SB // 16):
                r_idx = lax.iota(jnp.int32, 16) + bg * 16
                q = idx_v[f, pl.ds(sb * SB + bg * 16, 16)] & 3
                dst0 = sb * SB + bg * 16

                @plsc.parallel_loop(0, EMB, 1, unroll=8, carry=q * EMB)
                def _t(e, col):
                    val = plsc.load_gather(rows_v.at[slot], [r_idx, col])
                    obuf[oslot, e, pl.ds(dst0, 16)] = val
                    return col + 1

        ostart(f, oslot)
        return carry

    lax.fori_loop(0, FIELDS, f_body, 0)
    owait(0)
    owait(1)


def kernel(x, table):
    xt = x.T
    tabr = table.reshape(250000, 128)
    out = _emb_lookup(xt, tabr)
    return out.transpose(2, 0, 1)

# --- scband reference (transcript-rebuilt; emitter-appended) ---
"""Pipeline reference for scband-emb-67843303407875 (READ-ONLY COPY).

The authoritative reference and input builder live on the scoring server;
editing this copy changes nothing except your own understanding.
"""

import jax, jax.numpy as jnp
import numpy as np

VOCAB = 1000000
EMB = 32
BATCH = 16384
FIELDS = 26

def setup_inputs(seed: int = 0) -> dict:
    key = jax.random.key(seed)
    k1, k2 = jax.random.split(key)
    x = jax.random.randint(k1, (BATCH, FIELDS), 0, VOCAB, dtype=jnp.int64 if jax.config.jax_enable_x64 else jnp.int32)
    table = jax.random.normal(k2, (VOCAB, EMB), dtype=jnp.float32)
    return {"x": x, "table": table}

def reference(x, table):
    # torch.nn.Embedding forward: row gather from the embedding table
    return jnp.take(table, x, axis=0)

if __name__ == "__main__":
    import jax
    _d = setup_inputs()
    print(jax.jit(kernel)(*tuple(_d.values())))

</pallas_src>

<mosaic_0001>
#map = affine_map<(d0, d1) -> (0, 0)>
#map1 = affine_map<(d0, d1) -> (0, 0, 0)>
module attributes {stable_mosaic.version = 14 : i64} {
  func.func @_emb_lookup(%arg0: i32, %arg1: i32, %arg2: memref<26x16384xi32, #tpu.memory_space<hbm>>, %arg3: memref<250000x128xf32, #tpu.memory_space<hbm>>, %arg4: memref<26x32x16384xf32, #tpu.memory_space<hbm>>, %arg5: memref<26x512xi32, #tpu.memory_space<vmem>>, %arg6: memref<2x128xi32, #tpu.memory_space<vmem>>, %arg7: memref<2x128x128xf32, #tpu.memory_space<vmem>>, %arg8: memref<2x32x512xf32, #tpu.memory_space<vmem>>, %arg9: memref<!tpu.dma_semaphore, #tpu.memory_space<semaphore_mem>>, %arg10: memref<!tpu.dma_semaphore, #tpu.memory_space<semaphore_mem>>) attributes {dimension_semantics = [#tpu.dimension_semantics<core_parallel>, #tpu.dimension_semantics<subcore_parallel>], iteration_bounds = array<i64: 2, 16>, scalar_prefetch = 0 : i64, scratch_operands = 6 : i64, tpu.core_type = #tpu.core_type<sc_vector_subcore>, window_params = [{transform_indices = #map}, {transform_indices = #map}, {transform_indices = #map1}]} {
    %mul3A = arith.constant 2 : i32
    %mul3A_0 = arith.muli %arg1, %mul3A : i32
    %add3A = arith.addi %mul3A_0, %arg0 : i32
    %mul3A_1 = arith.constant 512 : i32
    %mul3A_2 = arith.muli %add3A, %mul3A_1 : i32
    "tpu.region"() ({
      %run_scoped3A = tpu.sem_alloc : memref<!tpu.dma_semaphore, #tpu.memory_space<semaphore_mem>>
      %dma_start3A_135 = arith.constant 0 : i32
      %dma_start3A_136 = tpu.memref_slice %arg2[%dma_start3A_135, %mul3A_2] : memref<26x16384xi32, #tpu.memory_space<hbm>> -> memref<26x512xi32, #tpu.memory_space<hbm>>
      %dma_start3A_137 = arith.constant 0 : i32
      %dma_start3A_138 = tpu.memref_slice %arg2[%dma_start3A_137, %mul3A_2] : memref<26x16384xi32, #tpu.memory_space<hbm>> -> memref<26x512xi32, #tpu.memory_space<hbm>>
      tpu.enqueue_dma source(%dma_start3A_138 : memref<26x512xi32, #tpu.memory_space<hbm>>) target(%arg5 : memref<26x512xi32, #tpu.memory_space<vmem>>) target_semaphore(%run_scoped3A : memref<!tpu.dma_semaphore, #tpu.memory_space<semaphore_mem>>)
      %dma_wait3A_139 = arith.constant 0 : i32
      %dma_wait3A_140 = tpu.memref_slice %arg2[%dma_wait3A_139, %mul3A_2] : memref<26x16384xi32, #tpu.memory_space<hbm>> -> memref<26x512xi32, #tpu.memory_space<hbm>>
      %dma_wait3A_141 = arith.constant 0 : i32
      %dma_wait3A_142 = tpu.memref_slice %arg2[%dma_wait3A_141, %mul3A_2] : memref<26x16384xi32, #tpu.memory_space<hbm>> -> memref<26x512xi32, #tpu.memory_space<hbm>>
      tpu.wait_dma2 semaphore(%run_scoped3A : memref<!tpu.dma_semaphore, #tpu.memory_space<semaphore_mem>>) src(%dma_wait3A_142 : memref<26x512xi32, #tpu.memory_space<hbm>>) dst(%arg5 : memref<26x512xi32, #tpu.memory_space<vmem>>)
      tpu.yield
    }) : () -> ()
    %get3A = arith.constant 0 : i32
    %get3A_3 = arith.index_cast %get3A : i32 to index
    %get3A_4 = arith.constant 0 : index
    %get3A_5 = tpu.vector_load %arg5[%get3A_3, %get3A_4] {strides = array<i32>} : memref<26x512xi32, #tpu.memory_space<vmem>>, vector<16xi32>,
    %shift_right_logical3A = arith.constant 2 : i32
    %shift_right_logical3A_6 = vector.broadcast %shift_right_logical3A : i32 to vector<16xi32>
    %shift_right_logical3A_7 = arith.shrui %get3A_5, %shift_right_logical3A_6 : vector<16xi32>
    %swap3A = arith.constant 0 : i32
    %swap3A_8 = arith.index_cast %swap3A : i32 to index
    %swap3A_9 = arith.constant 0 : index
    %swap3A_10 = tpu.vector_load %arg6[%swap3A_8, %swap3A_9] {strides = array<i32>} : memref<2x128xi32, #tpu.memory_space<vmem>>, vector<16xi32>,
    tpu.vector_store %arg6[%swap3A_8, %swap3A_9], %shift_right_logical3A_7 {strides = array<i32>} : memref<2x128xi32, #tpu.memory_space<vmem>>, vector<16xi32>,
    %get3A_11 = arith.constant 0 : i32
    %get3A_12 = arith.index_cast %get3A_11 : i32 to index
    %get3A_13 = arith.constant 16 : index
    %get3A_14 = tpu.vector_load %arg5[%get3A_12, %get3A_13] {strides = array<i32>} : memref<26x512xi32, #tpu.memory_space<vmem>>, vector<16xi32>,
    %shift_right_logical3A_15 = arith.constant 2 : i32
    %shift_right_logical3A_16 = vector.broadcast %shift_right_logical3A_15 : i32 to vector<16xi32>
    %shift_right_logical3A_17 = arith.shrui %get3A_14, %shift_right_logical3A_16 : vector<16xi32>
    %swap3A_18 = arith.constant 0 : i32
    %swap3A_19 = arith.index_cast %swap3A_18 : i32 to index
    %swap3A_20 = arith.constant 16 : index
    %swap3A_21 = tpu.vector_load %arg6[%swap3A_19, %swap3A_20] {strides = array<i32>} : memref<2x128xi32, #tpu.memory_space<vmem>>, vector<16xi32>,
    tpu.vector_store %arg6[%swap3A_19, %swap3A_20], %shift_right_logical3A_17 {strides = array<i32>} : memref<2x128xi32, #tpu.memory_space<vmem>>, vector<16xi32>,
    %get3A_22 = arith.constant 0 : i32
    %get3A_23 = arith.index_cast %get3A_22 : i32 to index
    %get3A_24 = arith.constant 32 : index
    %get3A_25 = tpu.vector_load %arg5[%get3A_23, %get3A_24] {strides = array<i32>} : memref<26x512xi32, #tpu.memory_space<vmem>>, vector<16xi32>,
    %shift_right_logical3A_26 = arith.constant 2 : i32
    %shift_right_logical3A_27 = vector.broadcast %shift_right_logical3A_26 : i32 to vector<16xi32>
    %shift_right_logical3A_28 = arith.shrui %get3A_25, %shift_right_logical3A_27 : vector<16xi32>
    %swap3A_29 = arith.constant 0 : i32
    %swap3A_30 = arith.index_cast %swap3A_29 : i32 to index
    %swap3A_31 = arith.constant 32 : index
    %swap3A_32 = tpu.vector_load %arg6[%swap3A_30, %swap3A_31] {strides = array<i32>} : memref<2x128xi32, #tpu.memory_space<vmem>>, vector<16xi32>,
    tpu.vector_store %arg6[%swap3A_30, %swap3A_31], %shift_right_logical3A_28 {strides = array<i32>} : memref<2x128xi32, #tpu.memory_space<vmem>>, vector<16xi32>,
    %get3A_33 = arith.constant 0 : i32
    %get3A_34 = arith.index_cast %get3A_33 : i32 to index
    %get3A_35 = arith.constant 48 : index
    %get3A_36 = tpu.vector_load %arg5[%get3A_34, %get3A_35] {strides = array<i32>} : memref<26x512xi32, #tpu.memory_space<vmem>>, vector<16xi32>,
    %shift_right_logical3A_37 = arith.constant 2 : i32
    %shift_right_logical3A_38 = vector.broadcast %shift_right_logical3A_37 : i32 to vector<16xi32>
    %shift_right_logical3A_39 = arith.shrui %get3A_36, %shift_right_logical3A_38 : vector<16xi32>
    %swap3A_40 = arith.constant 0 : i32
    %swap3A_41 = arith.index_cast %swap3A_40 : i32 to index
    %swap3A_42 = arith.constant 48 : index
    %swap3A_43 = tpu.vector_load %arg6[%swap3A_41, %swap3A_42] {strides = array<i32>} : memref<2x128xi32, #tpu.memory_space<vmem>>, vector<16xi32>,
    tpu.vector_store %arg6[%swap3A_41, %swap3A_42], %shift_right_logical3A_39 {strides = array<i32>} : memref<2x128xi32, #tpu.memory_space<vmem>>, vector<16xi32>,
    %get3A_44 = arith.constant 0 : i32
    %get3A_45 = arith.index_cast %get3A_44 : i32 to index
    %get3A_46 = arith.constant 64 : index
    %get3A_47 = tpu.vector_load %arg5[%get3A_45, %get3A_46] {strides = array<i32>} : memref<26x512xi32, #tpu.memory_space<vmem>>, vector<16xi32>,
    %shift_right_logical3A_48 = arith.constant 2 : i32
    %shift_right_logical3A_49 = vector.broadcast %shift_right_logical3A_48 : i32 to vector<16xi32>
    %shift_right_logical3A_50 = arith.shrui %get3A_47, %shift_right_logical3A_49 : vector<16xi32>
    %swap3A_51 = arith.constant 0 : i32
    %swap3A_52 = arith.index_cast %swap3A_51 : i32 to index
    %swap3A_53 = arith.constant 64 : index
    %swap3A_54 = tpu.vector_load %arg6[%swap3A_52, %swap3A_53] {strides = array<i32>} : memref<2x128xi32, #tpu.memory_space<vmem>>, vector<16xi32>,
    tpu.vector_store %arg6[%swap3A_52, %swap3A_53], %shift_right_logical3A_50 {strides = array<i32>} : memref<2x128xi32, #tpu.memory_space<vmem>>, vector<16xi32>,
    %get3A_55 = arith.constant 0 : i32
    %get3A_56 = arith.index_cast %get3A_55 : i32 to index
    %get3A_57 = arith.constant 80 : index
    %get3A_58 = tpu.vector_load %arg5[%get3A_56, %get3A_57] {strides = array<i32>} : memref<26x512xi32, #tpu.memory_space<vmem>>, vector<16xi32>,
    %shift_right_logical3A_59 = arith.constant 2 : i32
    %shift_right_logical3A_60 = vector.broadcast %shift_right_logical3A_59 : i32 to vector<16xi32>
    %shift_right_logical3A_61 = arith.shrui %get3A_58, %shift_right_logical3A_60 : vector<16xi32>
    %swap3A_62 = arith.constant 0 : i32
    %swap3A_63 = arith.index_cast %swap3A_62 : i32 to index
    %swap3A_64 = arith.constant 80 : index
    %swap3A_65 = tpu.vector_load %arg6[%swap3A_63, %swap3A_64] {strides = array<i32>} : memref<2x128xi32, #tpu.memory_space<vmem>>, vector<16xi32>,
    tpu.vector_store %arg6[%swap3A_63, %swap3A_64], %shift_right_logical3A_61 {strides = array<i32>} : memref<2x128xi32, #tpu.memory_space<vmem>>, vector<16xi32>,
    %get3A_66 = arith.constant 0 : i32
    %get3A_67 = arith.index_cast %get3A_66 : i32 to index
    %get3A_68 = arith.constant 96 : index
    %get3A_69 = tpu.vector_load %arg5[%get3A_67, %get3A_68] {strides = array<i32>} : memref<26x512xi32, #tpu.memory_space<vmem>>, vector<16xi32>,
    %shift_right_logical3A_70 = arith.constant 2 : i32
    %shift_right_logical3A_71 = vector.broadcast %shift_right_logical3A_70 : i32 to vector<16xi32>
    %shift_right_logical3A_72 = arith.shrui %get3A_69, %shift_right_logical3A_71 : vector<16xi32>
    %swap3A_73 = arith.constant 0 : i32
    %swap3A_74 = arith.index_cast %swap3A_73 : i32 to index
    %swap3A_75 = arith.constant 96 : index
    %swap3A_76 = tpu.vector_load %arg6[%swap3A_74, %swap3A_75] {strides = array<i32>} : memref<2x128xi32, #tpu.memory_space<vmem>>, vector<16xi32>,
    tpu.vector_store %arg6[%swap3A_74, %swap3A_75], %shift_right_logical3A_72 {strides = array<i32>} : memref<2x128xi32, #tpu.memory_space<vmem>>, vector<16xi32>,
    %get3A_77 = arith.constant 0 : i32
    %get3A_78 = arith.index_cast %get3A_77 : i32 to index
    %get3A_79 = arith.constant 112 : index
    %get3A_80 = tpu.vector_load %arg5[%get3A_78, %get3A_79] {strides = array<i32>} : memref<26x512xi32, #tpu.memory_space<vmem>>, vector<16xi32>,
    %shift_right_logical3A_81 = arith.constant 2 : i32
    %shift_right_logical3A_82 = vector.broadcast %shift_right_logical3A_81 : i32 to vector<16xi32>
    %shift_right_logical3A_83 = arith.shrui %get3A_80, %shift_right_logical3A_82 : vector<16xi32>
    %swap3A_84 = arith.constant 0 : i32
    %swap3A_85 = arith.index_cast %swap3A_84 : i32 to index
    %swap3A_86 = arith.constant 112 : index
    %swap3A_87 = tpu.vector_load %arg6[%swap3A_85, %swap3A_86] {strides = array<i32>} : memref<2x128xi32, #tpu.memory_space<vmem>>, vector<16xi32>,
    tpu.vector_store %arg6[%swap3A_85, %swap3A_86], %shift_right_logical3A_83 {strides = array<i32>} : memref<2x128xi32, #tpu.memory_space<vmem>>, vector<16xi32>,
    %dma_start3A = arith.constant 0 : i32
    %dma_start3A_88 = arith.constant 0 : i32
    %dma_start3A_89 = arith.constant 0 : i32
    %dma_start3A_90 = arith.constant 0 : i32
    %dma_start3A_91 = tpu.memref_slice %arg7[%dma_start3A_88, %dma_start3A_89, %dma_start3A_90] : memref<2x128x128xf32, #tpu.memory_space<vmem>> -> memref<1x128x128xf32, #tpu.memory_space<vmem>>
    %dma_start3A_92 = tpu.memref_squeeze %dma_start3A_91 : memref<1x128x128xf32, #tpu.memory_space<vmem>> -> memref<128x128xf32, #tpu.memory_space<vmem>>
    %dma_start3A_93 = arith.constant 0 : i32
    %dma_start3A_94 = tpu.memref_slice %arg6[%dma_start3A, %dma_start3A_93] : memref<2x128xi32, #tpu.memory_space<vmem>> -> memref<1x128xi32, #tpu.memory_space<vmem>>
    %dma_start3A_95 = tpu.memref_squeeze %dma_start3A_94 : memref<1x128xi32, #tpu.memory_space<vmem>> -> memref<128xi32, #tpu.memory_space<vmem>>
    %dma_start3A_96 = arith.constant 0 : i32
    %dma_start3A_97 = arith.constant 0 : i32
    %dma_start3A_98 = tpu.memref_slice %arg3[%dma_start3A_96, %dma_start3A_97] : memref<250000x128xf32, #tpu.memory_space<hbm>> -> memref<250000x128xf32, #tpu.memory_space<hbm>>
    tpu.enqueue_indirect_dma source(%dma_start3A_98 : memref<250000x128xf32, #tpu.memory_space<hbm>>) target(%dma_start3A_92 : memref<128x128xf32, #tpu.memory_space<vmem>>) offsets(%dma_start3A_95 : memref<128xi32, #tpu.memory_space<vmem>>) semaphore(%arg9 : memref<!tpu.dma_semaphore, #tpu.memory_space<semaphore_mem>>)
    %scan3A = arith.constant 0 : i32
    %scan3A_99 = arith.constant 0 : i32
    %scan3A_100 = arith.constant 26 : i32
    %scan3A_101 = arith.addi %scan3A_99, %scan3A_100 : i32
    %scan3A_102 = arith.constant 1 : i32
    scf.for %scan3A_135 = %scan3A_99 to %scan3A_101 step %scan3A_102  : i32 {
      %rem3A = arith.constant 2 : i32
      %rem3A_136 = arith.remsi %scan3A_135, %rem3A : i32
      %ge3A = arith.constant 2 : i32
      %ge3A_137 = arith.cmpi sge, %scan3A_135, %ge3A : i32
      %convert_element_type3A = arith.extui %ge3A_137 : i1 to i32
      %cond3A = arith.constant 0 : i32
      %cond3A_138 = arith.cmpi ne, %convert_element_type3A, %cond3A : i32
      scf.if %cond3A_138 {
        %dma_wait3A_1024 = arith.constant 0 : i32
        %dma_wait3A_1025 = arith.constant 0 : i32
        %dma_wait3A_1026 = arith.constant 0 : i32
        %dma_wait3A_1027 = tpu.memref_slice %arg8[%rem3A_136, %dma_wait3A_1025, %dma_wait3A_1026] : memref<2x32x512xf32, #tpu.memory_space<vmem>> -> memref<1x32x512xf32, #tpu.memory_space<vmem>>
        %dma_wait3A_1028 = tpu.memref_squeeze %dma_wait3A_1027 : memref<1x32x512xf32, #tpu.memory_space<vmem>> -> memref<32x512xf32, #tpu.memory_space<vmem>>
        %dma_wait3A_1029 = arith.constant 0 : i32
        %dma_wait3A_1030 = tpu.memref_slice %arg4[%dma_wait3A_1024, %dma_wait3A_1029, %mul3A_2] : memref<26x32x16384xf32, #tpu.memory_space<hbm>> -> memref<1x32x512xf32, #tpu.memory_space<hbm>>
        %dma_wait3A_1031 = tpu.memref_squeeze %dma_wait3A_1030 : memref<1x32x512xf32, #tpu.memory_space<hbm>> -> memref<32x512xf32, #tpu.memory_space<hbm>>
        %dma_wait3A_1032 = arith.constant 0 : i32
        %dma_wait3A_1033 = tpu.memref_slice %arg4[%dma_wait3A_1024, %dma_wait3A_1032, %mul3A_2] : memref<26x32x16384xf32, #tpu.memory_space<hbm>> -> memref<1x32x512xf32, #tpu.memory_space<hbm>>
        %dma_wait3A_1034 = tpu.memref_squeeze %dma_wait3A_1033 : memref<1x32x512xf32, #tpu.memory_space<hbm>> -> memref<32x512xf32, #tpu.memory_space<hbm>>
        %dma_wait3A_1035 = arith.constant 0 : i32
        %dma_wait3A_1036 = arith.constant 0 : i32
        %dma_wait3A_1037 = tpu.memref_slice %arg8[%rem3A_136, %dma_wait3A_1035, %dma_wait3A_1036] : memref<2x32x512xf32, #tpu.memory_space<vmem>> -> memref<1x32x512xf32, #tpu.memory_space<vmem>>
        %dma_wait3A_1038 = tpu.memref_squeeze %dma_wait3A_1037 : memref<1x32x512xf32, #tpu.memory_space<vmem>> -> memref<32x512xf32, #tpu.memory_space<vmem>>
        tpu.wait_dma2 semaphore(%arg10 : memref<!tpu.dma_semaphore, #tpu.memory_space<semaphore_mem>>) src(%dma_wait3A_1038 : memref<32x512xf32, #tpu.memory_space<vmem>>) dst(%dma_wait3A_1034 : memref<32x512xf32, #tpu.memory_space<hbm>>)
      } else {
      }
      %dma_wait3A_139 = arith.constant 0 : i32
      %dma_wait3A_140 = arith.constant 0 : i32
      %dma_wait3A_141 = arith.constant 0 : i32
      %dma_wait3A_142 = arith.constant 0 : i32
      %dma_wait3A_143 = tpu.memref_slice %arg7[%dma_wait3A_140, %dma_wait3A_141, %dma_wait3A_142] : memref<2x128x128xf32, #tpu.memory_space<vmem>> -> memref<1x128x128xf32, #tpu.memory_space<vmem>>
      %dma_wait3A_144 = tpu.memref_squeeze %dma_wait3A_143 : memref<1x128x128xf32, #tpu.memory_space<vmem>> -> memref<128x128xf32, #tpu.memory_space<vmem>>
      %dma_wait3A_145 = arith.constant 0 : i32
      %dma_wait3A_146 = tpu.memref_slice %arg6[%dma_wait3A_139, %dma_wait3A_145] : memref<2x128xi32, #tpu.memory_space<vmem>> -> memref<1x128xi32, #tpu.memory_space<vmem>>
      %dma_wait3A_147 = tpu.memref_squeeze %dma_wait3A_146 : memref<1x128xi32, #tpu.memory_space<vmem>> -> memref<128xi32, #tpu.memory_space<vmem>>
      %dma_wait3A_148 = arith.constant 0 : i32
      %dma_wait3A_149 = arith.constant 0 : i32
      %dma_wait3A_150 = tpu.memref_slice %arg3[%dma_wait3A_148, %dma_wait3A_149] : memref<250000x128xf32, #tpu.memory_space<hbm>> -> memref<250000x128xf32, #tpu.memory_space<hbm>>
      tpu.wait_indirect_dma semaphore(%arg9 : memref<!tpu.dma_semaphore, #tpu.memory_space<semaphore_mem>>) src(%dma_wait3A_150 : memref<250000x128xf32, #tpu.memory_space<hbm>>) dst(%dma_wait3A_144 : memref<128x128xf32, #tpu.memory_space<vmem>>)
      %get3A_151 = arith.index_cast %scan3A_135 : i32 to index
      %get3A_152 = arith.constant 128 : index
      %get3A_153 = tpu.vector_load %arg5[%get3A_151, %get3A_152] {strides = array<i32>} : memref<26x512xi32, #tpu.memory_space<vmem>>, vector<16xi32>,
      %shift_right_logical3A_154 = arith.constant 2 : i32
      %shift_right_logical3A_155 = vector.broadcast %shift_right_logical3A_154 : i32 to vector<16xi32>
      %shift_right_logical3A_156 = arith.shrui %get3A_153, %shift_right_logical3A_155 : vector<16xi32>
      %swap3A_157 = arith.constant 1 : i32
      %swap3A_158 = arith.index_cast %swap3A_157 : i32 to index
      %swap3A_159 = arith.constant 0 : index
      %swap3A_160 = tpu.vector_load %arg6[%swap3A_158, %swap3A_159] {strides = array<i32>} : memref<2x128xi32, #tpu.memory_space<vmem>>, vector<16xi32>,
      tpu.vector_store %arg6[%swap3A_158, %swap3A_159], %shift_right_logical3A_156 {strides = array<i32>} : memref<2x128xi32, #tpu.memory_space<vmem>>, vector<16xi32>,
      %get3A_161 = arith.index_cast %scan3A_135 : i32 to index
      %get3A_162 = arith.constant 144 : index
      %get3A_163 = tpu.vector_load %arg5[%get3A_161, %get3A_162] {strides = array<i32>} : memref<26x512xi32, #tpu.memory_space<vmem>>, vector<16xi32>,
      %shift_right_logical3A_164 = arith.constant 2 : i32
      %shift_right_logical3A_165 = vector.broadcast %shift_right_logical3A_164 : i32 to vector<16xi32>
      %shift_right_logical3A_166 = arith.shrui %get3A_163, %shift_right_logical3A_165 : vector<16xi32>
      %swap3A_167 = arith.constant 1 : i32
      %swap3A_168 = arith.index_cast %swap3A_167 : i32 to index
      %swap3A_169 = arith.constant 16 : index
      %swap3A_170 = tpu.vector_load %arg6[%swap3A_168, %swap3A_169] {strides = array<i32>} : memref<2x128xi32, #tpu.memory_space<vmem>>, vector<16xi32>,
      tpu.vector_store %arg6[%swap3A_168, %swap3A_169], %shift_right_logical3A_166 {strides = array<i32>} : memref<2x128xi32, #tpu.memory_space<vmem>>, vector<16xi32>,
      %get3A_171 = arith.index_cast %scan3A_135 : i32 to index
      %get3A_172 = arith.constant 160 : index
      %get3A_173 = tpu.vector_load %arg5[%get3A_171, %get3A_172] {strides = array<i32>} : memref<26x512xi32, #tpu.memory_space<vmem>>, vector<16xi32>,
      %shift_right_logical3A_174 = arith.constant 2 : i32
      %shift_right_logical3A_175 = vector.broadcast %shift_right_logical3A_174 : i32 to vector<16xi32>
      %shift_right_logical3A_176 = arith.shrui %get3A_173, %shift_right_logical3A_175 : vector<16xi32>
      %swap3A_177 = arith.constant 1 : i32
      %swap3A_178 = arith.index_cast %swap3A_177 : i32 to index
      %swap3A_179 = arith.constant 32 : index
      %swap3A_180 = tpu.vector_load %arg6[%swap3A_178, %swap3A_179] {strides = array<i32>} : memref<2x128xi32, #tpu.memory_space<vmem>>, vector<16xi32>,
      tpu.vector_store %arg6[%swap3A_178, %swap3A_179], %shift_right_logical3A_176 {strides = array<i32>} : memref<2x128xi32, #tpu.memory_space<vmem>>, vector<16xi32>,
      %get3A_181 = arith.index_cast %scan3A_135 : i32 to index
      %get3A_182 = arith.constant 176 : index
      %get3A_183 = tpu.vector_load %arg5[%get3A_181, %get3A_182] {strides = array<i32>} : memref<26x512xi32, #tpu.memory_space<vmem>>, vector<16xi32>,
      %shift_right_logical3A_184 = arith.constant 2 : i32
      %shift_right_logical3A_185 = vector.broadcast %shift_right_logical3A_184 : i32 to vector<16xi32>
      %shift_right_logical3A_186 = arith.shrui %get3A_183, %shift_right_logical3A_185 : vector<16xi32>
      %swap3A_187 = arith.constant 1 : i32
      %swap3A_188 = arith.index_cast %swap3A_187 : i32 to index
      %swap3A_189 = arith.constant 48 : index
      %swap3A_190 = tpu.vector_load %arg6[%swap3A_188, %swap3A_189] {strides = array<i32>} : memref<2x128xi32, #tpu.memory_space<vmem>>, vector<16xi32>,
      tpu.vector_store %arg6[%swap3A_188, %swap3A_189], %shift_right_logical3A_186 {strides = array<i32>} : memref<2x128xi32, #tpu.memory_space<vmem>>, vector<16xi32>,
      %get3A_191 = arith.index_cast %scan3A_135 : i32 to index
      %get3A_192 = arith.constant 192 : index
      %get3A_193 = tpu.vector_load %arg5[%get3A_191, %get3A_192] {strides = array<i32>} : memref<26x512xi32, #tpu.memory_space<vmem>>, vector<16xi32>,
      %shift_right_logical3A_194 = arith.constant 2 : i32
      %shift_right_logical3A_195 = vector.broadcast %shift_right_logical3A_194 : i32 to vector<16xi32>
      %shift_right_logical3A_196 = arith.shrui %get3A_193, %shift_right_logical3A_195 : vector<16xi32>
      %swap3A_197 = arith.constant 1 : i32
      %swap3A_198 = arith.index_cast %swap3A_197 : i32 to index
      %swap3A_199 = arith.constant 64 : index
      %swap3A_200 = tpu.vector_load %arg6[%swap3A_198, %swap3A_199] {strides = array<i32>} : memref<2x128xi32, #tpu.memory_space<vmem>>, vector<16xi32>,
      tpu.vector_store %arg6[%swap3A_198, %swap3A_199], %shift_right_logical3A_196 {strides = array<i32>} : memref<2x128xi32, #tpu.memory_space<vmem>>, vector<16xi32>,
      %get3A_201 = arith.index_cast %scan3A_135 : i32 to index
      %get3A_202 = arith.constant 208 : index
      %get3A_203 = tpu.vector_load %arg5[%get3A_201, %get3A_202] {strides = array<i32>} : memref<26x512xi32, #tpu.memory_space<vmem>>, vector<16xi32>,
      %shift_right_logical3A_204 = arith.constant 2 : i32
      %shift_right_logical3A_205 = vector.broadcast %shift_right_logical3A_204 : i32 to vector<16xi32>
      %shift_right_logical3A_206 = arith.shrui %get3A_203, %shift_right_logical3A_205 : vector<16xi32>
      %swap3A_207 = arith.constant 1 : i32
      %swap3A_208 = arith.index_cast %swap3A_207 : i32 to index
      %swap3A_209 = arith.constant 80 : index
      %swap3A_210 = tpu.vector_load %arg6[%swap3A_208, %swap3A_209] {strides = array<i32>} : memref<2x128xi32, #tpu.memory_space<vmem>>, vector<16xi32>,
      tpu.vector_store %arg6[%swap3A_208, %swap3A_209], %shift_right_logical3A_206 {strides = array<i32>} : memref<2x128xi32, #tpu.memory_space<vmem>>, vector<16xi32>,
      %get3A_211 = arith.index_cast %scan3A_135 : i32 to index
      %get3A_212 = arith.constant 224 : index
      %get3A_213 = tpu.vector_load %arg5[%get3A_211, %get3A_212] {strides = array<i32>} : memref<26x512xi32, #tpu.memory_space<vmem>>, vector<16xi32>,
      %shift_right_logical3A_214 = arith.constant 2 : i32
      %shift_right_logical3A_215 = vector.broadcast %shift_right_logical3A_214 : i32 to vector<16xi32>
      %shift_right_logical3A_216 = arith.shrui %get3A_213, %shift_right_logical3A_215 : vector<16xi32>
      %swap3A_217 = arith.constant 1 : i32
      %swap3A_218 = arith.index_cast %swap3A_217 : i32 to index
      %swap3A_219 = arith.constant 96 : index
      %swap3A_220 = tpu.vector_load %arg6[%swap3A_218, %swap3A_219] {strides = array<i32>} : memref<2x128xi32, #tpu.memory_space<vmem>>, vector<16xi32>,
      tpu.vector_store %arg6[%swap3A_218, %swap3A_219], %shift_right_logical3A_216 {strides = array<i32>} : memref<2x128xi32, #tpu.memory_space<vmem>>, vector<16xi32>,
      %get3A_221 = arith.index_cast %scan3A_135 : i32 to index
      %get3A_222 = arith.constant 240 : index
      %get3A_223 = tpu.vector_load %arg5[%get3A_221, %get3A_222] {strides = array<i32>} : memref<26x512xi32, #tpu.memory_space<vmem>>, vector<16xi32>,
      %shift_right_logical3A_224 = arith.constant 2 : i32
      %shift_right_logical3A_225 = vector.broadcast %shift_right_logical3A_224 : i32 to vector<16xi32>
      %shift_right_logical3A_226 = arith.shrui %get3A_223, %shift_right_logical3A_225 : vector<16xi32>
      %swap3A_227 = arith.constant 1 : i32
      %swap3A_228 = arith.index_cast %swap3A_227 : i32 to index
      %swap3A_229 = arith.constant 112 : index
      %swap3A_230 = tpu.vector_load %arg6[%swap3A_228, %swap3A_229] {strides = array<i32>} : memref<2x128xi32, #tpu.memory_space<vmem>>, vector<16xi32>,
      tpu.vector_store %arg6[%swap3A_228, %swap3A_229], %shift_right_logical3A_226 {strides = array<i32>} : memref<2x128xi32, #tpu.memory_space<vmem>>, vector<16xi32>,
      %dma_start3A_231 = arith.constant 1 : i32
      %dma_start3A_232 = arith.constant 1 : i32
      %dma_start3A_233 = arith.constant 0 : i32
      %dma_start3A_234 = arith.constant 0 : i32
      %dma_start3A_235 = tpu.memref_slice %arg7[%dma_start3A_232, %dma_start3A_233, %dma_start3A_234] : memref<2x128x128xf32, #tpu.memory_space<vmem>> -> memref<1x128x128xf32, #tpu.memory_space<vmem>>
      %dma_start3A_236 = tpu.memref_squeeze %dma_start3A_235 : memref<1x128x128xf32, #tpu.memory_space<vmem>> -> memref<128x128xf32, #tpu.memory_space<vmem>>
      %dma_start3A_237 = arith.constant 0 : i32
      %dma_start3A_238 = tpu.memref_slice %arg6[%dma_start3A_231, %dma_start3A_237] : memref<2x128xi32, #tpu.memory_space<vmem>> -> memref<1x128xi32, #tpu.memory_space<vmem>>
      %dma_start3A_239 = tpu.memref_squeeze %dma_start3A_238 : memref<1x128xi32, #tpu.memory_space<vmem>> -> memref<128xi32, #tpu.memory_space<vmem>>
      %dma_start3A_240 = arith.constant 0 : i32
      %dma_start3A_241 = arith.constant 0 : i32
      %dma_start3A_242 = tpu.memref_slice %arg3[%dma_start3A_240, %dma_start3A_241] : memref<250000x128xf32, #tpu.memory_space<hbm>> -> memref<250000x128xf32, #tpu.memory_space<hbm>>
      tpu.enqueue_indirect_dma source(%dma_start3A_242 : memref<250000x128xf32, #tpu.memory_space<hbm>>) target(%dma_start3A_236 : memref<128x128xf32, #tpu.memory_space<vmem>>) offsets(%dma_start3A_239 : memref<128xi32, #tpu.memory_space<vmem>>) semaphore(%arg9 : memref<!tpu.dma_semaphore, #tpu.memory_space<semaphore_mem>>)
      %iota3A = tpu.iota {dimensions = array<i32: 0>} : vector<16xi32>
      %add3A_243 = arith.constant 0 : i32
      %add3A_244 = vector.broadcast %add3A_243 : i32 to vector<16xi32>
      %add3A_245 = arith.addi %iota3A, %add3A_244 : vector<16xi32>
      %get3A_246 = arith.index_cast %scan3A_135 : i32 to index
      %get3A_247 = arith.constant 0 : index
      %get3A_248 = tpu.vector_load %arg5[%get3A_246, %get3A_247] {strides = array<i32>} : memref<26x512xi32, #tpu.memory_space<vmem>>, vector<16xi32>,
      %and3A = arith.constant 3 : i32
      %and3A_249 = vector.broadcast %and3A : i32 to vector<16xi32>
      %and3A_250 = arith.andi %get3A_248, %and3A_249 : vector<16xi32>
      %mul3A_251 = arith.constant 32 : i32
      %mul3A_252 = vector.broadcast %mul3A_251 : i32 to vector<16xi32>
      %mul3A_253 = arith.muli %and3A_250, %mul3A_252 : vector<16xi32>
      %parallel_loop3A = arith.constant 0 : i32
      %parallel_loop3A_254 = arith.constant 32 : i32
      %parallel_loop3A_255 = arith.constant 1 : i32
      %parallel_loop3A_256 = scf.for %parallel_loop3A_1024 = %parallel_loop3A to %parallel_loop3A_254 step %parallel_loop3A_255 iter_args(%parallel_loop3A_1025 = %mul3A_253) -> (vector<16xi32>)  : i32 {
        %parallel_loop3A_1026 = arith.constant 0 : i32
        %parallel_loop3A_1027 = arith.constant 0 : i32
        %parallel_loop3A_1028 = arith.constant 0 : i32
        %parallel_loop3A_1029 = tpu.memref_slice %arg7[%parallel_loop3A_1026, %parallel_loop3A_1027, %parallel_loop3A_1028] : memref<2x128x128xf32, #tpu.memory_space<vmem>> -> memref<1x128x128xf32, #tpu.memory_space<vmem>>
        %parallel_loop3A_1030 = tpu.memref_squeeze %parallel_loop3A_1029 : memref<1x128x128xf32, #tpu.memory_space<vmem>> -> memref<128x128xf32, #tpu.memory_space<vmem>>
        %parallel_loop3A_1031 = tpu.vector_load_idx %parallel_loop3A_1030[%add3A_245, %parallel_loop3A_1025] : memref<128x128xf32, #tpu.memory_space<vmem>>[vector<16xi32>, vector<16xi32>], vector<16xf32>,
        %parallel_loop3A_1032 = arith.index_cast %rem3A_136 : i32 to index
        %parallel_loop3A_1033 = arith.index_cast %parallel_loop3A_1024 : i32 to index
        %parallel_loop3A_1034 = arith.constant 0 : index
        %parallel_loop3A_1035 = tpu.vector_load %arg8[%parallel_loop3A_1032, %parallel_loop3A_1033, %parallel_loop3A_1034] {strides = array<i32>} : memref<2x32x512xf32, #tpu.memory_space<vmem>>, vector<16xf32>,
        tpu.vector_store %arg8[%parallel_loop3A_1032, %parallel_loop3A_1033, %parallel_loop3A_1034], %parallel_loop3A_1031 {strides = array<i32>} : memref<2x32x512xf32, #tpu.memory_space<vmem>>, vector<16xf32>,
        %parallel_loop3A_1036 = arith.constant 1 : i32
        %parallel_loop3A_1037 = vector.broadcast %parallel_loop3A_1036 : i32 to vector<16xi32>
        %parallel_loop3A_1038 = arith.addi %parallel_loop3A_1025, %parallel_loop3A_1037 : vector<16xi32>
        scf.yield %parallel_loop3A_1038 : vector<16xi32>
      } {sc.loop_unroll_factor = 8 : i64, sc.parallel_access}
      %iota3A_257 = tpu.iota {dimensions = array<i32: 0>} : vector<16xi32>
      %add3A_258 = arith.constant 16 : i32
      %add3A_259 = vector.broadcast %add3A_258 : i32 to vector<16xi32>
      %add3A_260 = arith.addi %iota3A_257, %add3A_259 : vector<16xi32>
      %get3A_261 = arith.index_cast %scan3A_135 : i32 to index
      %get3A_262 = arith.constant 16 : index
      %get3A_263 = tpu.vector_load %arg5[%get3A_261, %get3A_262] {strides = array<i32>} : memref<26x512xi32, #tpu.memory_space<vmem>>, vector<16xi32>,
      %and3A_264 = arith.constant 3 : i32
      %and3A_265 = vector.broadcast %and3A_264 : i32 to vector<16xi32>
      %and3A_266 = arith.andi %get3A_263, %and3A_265 : vector<16xi32>
      %mul3A_267 = arith.constant 32 : i32
      %mul3A_268 = vector.broadcast %mul3A_267 : i32 to vector<16xi32>
      %mul3A_269 = arith.muli %and3A_266, %mul3A_268 : vector<16xi32>
      %parallel_loop3A_270 = arith.constant 0 : i32
      %parallel_loop3A_271 = arith.constant 32 : i32
      %parallel_loop3A_272 = arith.constant 1 : i32
      %parallel_loop3A_273 = scf.for %parallel_loop3A_1024 = %parallel_loop3A_270 to %parallel_loop3A_271 step %parallel_loop3A_272 iter_args(%parallel_loop3A_1025 = %mul3A_269) -> (vector<16xi32>)  : i32 {
        %parallel_loop3A_1026 = arith.constant 0 : i32
        %parallel_loop3A_1027 = arith.constant 0 : i32
        %parallel_loop3A_1028 = arith.constant 0 : i32
        %parallel_loop3A_1029 = tpu.memref_slice %arg7[%parallel_loop3A_1026, %parallel_loop3A_1027, %parallel_loop3A_1028] : memref<2x128x128xf32, #tpu.memory_space<vmem>> -> memref<1x128x128xf32, #tpu.memory_space<vmem>>
        %parallel_loop3A_1030 = tpu.memref_squeeze %parallel_loop3A_1029 : memref<1x128x128xf32, #tpu.memory_space<vmem>> -> memref<128x128xf32, #tpu.memory_space<vmem>>
        %parallel_loop3A_1031 = tpu.vector_load_idx %parallel_loop3A_1030[%add3A_260, %parallel_loop3A_1025] : memref<128x128xf32, #tpu.memory_space<vmem>>[vector<16xi32>, vector<16xi32>], vector<16xf32>,
        %parallel_loop3A_1032 = arith.index_cast %rem3A_136 : i32 to index
        %parallel_loop3A_1033 = arith.index_cast %parallel_loop3A_1024 : i32 to index
        %parallel_loop3A_1034 = arith.constant 16 : index
        %parallel_loop3A_1035 = tpu.vector_load %arg8[%parallel_loop3A_1032, %parallel_loop3A_1033, %parallel_loop3A_1034] {strides = array<i32>} : memref<2x32x512xf32, #tpu.memory_space<vmem>>, vector<16xf32>,
        tpu.vector_store %arg8[%parallel_loop3A_1032, %parallel_loop3A_1033, %parallel_loop3A_1034], %parallel_loop3A_1031 {strides = array<i32>} : memref<2x32x512xf32, #tpu.memory_space<vmem>>, vector<16xf32>,
        %parallel_loop3A_1036 = arith.constant 1 : i32
        %parallel_loop3A_1037 = vector.broadcast %parallel_loop3A_1036 : i32 to vector<16xi32>
        %parallel_loop3A_1038 = arith.addi %parallel_loop3A_1025, %parallel_loop3A_1037 : vector<16xi32>
        scf.yield %parallel_loop3A_1038 : vector<16xi32>
      } {sc.loop_unroll_factor = 8 : i64, sc.parallel_access}
      %iota3A_274 = tpu.iota {dimensions = array<i32: 0>} : vector<16xi32>
      %add3A_275 = arith.constant 32 : i32
      %add3A_276 = vector.broadcast %add3A_275 : i32 to vector<16xi32>
      %add3A_277 = arith.addi %iota3A_274, %add3A_276 : vector<16xi32>
      %get3A_278 = arith.index_cast %scan3A_135 : i32 to index
      %get3A_279 = arith.constant 32 : index
      %get3A_280 = tpu.vector_load %arg5[%get3A_278, %get3A_279] {strides = array<i32>} : memref<26x512xi32, #tpu.memory_space<vmem>>, vector<16xi32>,
      %and3A_281 = arith.constant 3 : i32
      %and3A_282 = vector.broadcast %and3A_281 : i32 to vector<16xi32>
      %and3A_283 = arith.andi %get3A_280, %and3A_282 : vector<16xi32>
      %mul3A_284 = arith.constant 32 : i32
      %mul3A_285 = vector.broadcast %mul3A_284 : i32 to vector<16xi32>
      %mul3A_286 = arith.muli %and3A_283, %mul3A_285 : vector<16xi32>
      %parallel_loop3A_287 = arith.constant 0 : i32
      %parallel_loop3A_288 = arith.constant 32 : i32
      %parallel_loop3A_289 = arith.constant 1 : i32
      %parallel_loop3A_290 = scf.for %parallel_loop3A_1024 = %parallel_loop3A_287 to %parallel_loop3A_288 step %parallel_loop3A_289 iter_args(%parallel_loop3A_1025 = %mul3A_286) -> (vector<16xi32>)  : i32 {
        %parallel_loop3A_1026 = arith.constant 0 : i32
        %parallel_loop3A_1027 = arith.constant 0 : i32
        %parallel_loop3A_1028 = arith.constant 0 : i32
        %parallel_loop3A_1029 = tpu.memref_slice %arg7[%parallel_loop3A_1026, %parallel_loop3A_1027, %parallel_loop3A_1028] : memref<2x128x128xf32, #tpu.memory_space<vmem>> -> memref<1x128x128xf32, #tpu.memory_space<vmem>>
        %parallel_loop3A_1030 = tpu.memref_squeeze %parallel_loop3A_1029 : memref<1x128x128xf32, #tpu.memory_space<vmem>> -> memref<128x128xf32, #tpu.memory_space<vmem>>
        %parallel_loop3A_1031 = tpu.vector_load_idx %parallel_loop3A_1030[%add3A_277, %parallel_loop3A_1025] : memref<128x128xf32, #tpu.memory_space<vmem>>[vector<16xi32>, vector<16xi32>], vector<16xf32>,
        %parallel_loop3A_1032 = arith.index_cast %rem3A_136 : i32 to index
        %parallel_loop3A_1033 = arith.index_cast %parallel_loop3A_1024 : i32 to index
        %parallel_loop3A_1034 = arith.constant 32 : index
        %parallel_loop3A_1035 = tpu.vector_load %arg8[%parallel_loop3A_1032, %parallel_loop3A_1033, %parallel_loop3A_1034] {strides = array<i32>} : memref<2x32x512xf32, #tpu.memory_space<vmem>>, vector<16xf32>,
        tpu.vector_store %arg8[%parallel_loop3A_1032, %parallel_loop3A_1033, %parallel_loop3A_1034], %parallel_loop3A_1031 {strides = array<i32>} : memref<2x32x512xf32, #tpu.memory_space<vmem>>, vector<16xf32>,
        %parallel_loop3A_1036 = arith.constant 1 : i32
        %parallel_loop3A_1037 = vector.broadcast %parallel_loop3A_1036 : i32 to vector<16xi32>
        %parallel_loop3A_1038 = arith.addi %parallel_loop3A_1025, %parallel_loop3A_1037 : vector<16xi32>
        scf.yield %parallel_loop3A_1038 : vector<16xi32>
      } {sc.loop_unroll_factor = 8 : i64, sc.parallel_access}
      %iota3A_291 = tpu.iota {dimensions = array<i32: 0>} : vector<16xi32>
      %add3A_292 = arith.constant 48 : i32
      %add3A_293 = vector.broadcast %add3A_292 : i32 to vector<16xi32>
      %add3A_294 = arith.addi %iota3A_291, %add3A_293 : vector<16xi32>
      %get3A_295 = arith.index_cast %scan3A_135 : i32 to index
      %get3A_296 = arith.constant 48 : index
      %get3A_297 = tpu.vector_load %arg5[%get3A_295, %get3A_296] {strides = array<i32>} : memref<26x512xi32, #tpu.memory_space<vmem>>, vector<16xi32>,
      %and3A_298 = arith.constant 3 : i32
      %and3A_299 = vector.broadcast %and3A_298 : i32 to vector<16xi32>
      %and3A_300 = arith.andi %get3A_297, %and3A_299 : vector<16xi32>
      %mul3A_301 = arith.constant 32 : i32
      %mul3A_302 = vector.broadcast %mul3A_301 : i32 to vector<16xi32>
      %mul3A_303 = arith.muli %and3A_300, %mul3A_302 : vector<16xi32>
      %parallel_loop3A_304 = arith.constant 0 : i32
      %parallel_loop3A_305 = arith.constant 32 : i32
      %parallel_loop3A_306 = arith.constant 1 : i32
      %parallel_loop3A_307 = scf.for %parallel_loop3A_1024 = %parallel_loop3A_304 to %parallel_loop3A_305 step %parallel_loop3A_306 iter_args(%parallel_loop3A_1025 = %mul3A_303) -> (vector<16xi32>)  : i32 {
        %parallel_loop3A_1026 = arith.constant 0 : i32
        %parallel_loop3A_1027 = arith.constant 0 : i32
        %parallel_loop3A_1028 = arith.constant 0 : i32
        %parallel_loop3A_1029 = tpu.memref_slice %arg7[%parallel_loop3A_1026, %parallel_loop3A_1027, %parallel_loop3A_1028] : memref<2x128x128xf32, #tpu.memory_space<vmem>> -> memref<1x128x128xf32, #tpu.memory_space<vmem>>
        %parallel_loop3A_1030 = tpu.memref_squeeze %parallel_loop3A_1029 : memref<1x128x128xf32, #tpu.memory_space<vmem>> -> memref<128x128xf32, #tpu.memory_space<vmem>>
        %parallel_loop3A_1031 = tpu.vector_load_idx %parallel_loop3A_1030[%add3A_294, %parallel_loop3A_1025] : memref<128x128xf32, #tpu.memory_space<vmem>>[vector<16xi32>, vector<16xi32>], vector<16xf32>,
        %parallel_loop3A_1032 = arith.index_cast %rem3A_136 : i32 to index
        %parallel_loop3A_1033 = arith.index_cast %parallel_loop3A_1024 : i32 to index
        %parallel_loop3A_1034 = arith.constant 48 : index
        %parallel_loop3A_1035 = tpu.vector_load %arg8[%parallel_loop3A_1032, %parallel_loop3A_1033, %parallel_loop3A_1034] {strides = array<i32>} : memref<2x32x512xf32, #tpu.memory_space<vmem>>, vector<16xf32>,
        tpu.vector_store %arg8[%parallel_loop3A_1032, %parallel_loop3A_1033, %parallel_loop3A_1034], %parallel_loop3A_1031 {strides = array<i32>} : memref<2x32x512xf32, #tpu.memory_space<vmem>>, vector<16xf32>,
        %parallel_loop3A_1036 = arith.constant 1 : i32
        %parallel_loop3A_1037 = vector.broadcast %parallel_loop3A_1036 : i32 to vector<16xi32>
        %parallel_loop3A_1038 = arith.addi %parallel_loop3A_1025, %parallel_loop3A_1037 : vector<16xi32>
        scf.yield %parallel_loop3A_1038 : vector<16xi32>
      } {sc.loop_unroll_factor = 8 : i64, sc.parallel_access}
      %iota3A_308 = tpu.iota {dimensions = array<i32: 0>} : vector<16xi32>
      %add3A_309 = arith.constant 64 : i32
      %add3A_310 = vector.broadcast %add3A_309 : i32 to vector<16xi32>
      %add3A_311 = arith.addi %iota3A_308, %add3A_310 : vector<16xi32>
      %get3A_312 = arith.index_cast %scan3A_135 : i32 to index
      %get3A_313 = arith.constant 64 : index
      %get3A_314 = tpu.vector_load %arg5[%get3A_312, %get3A_313] {strides = array<i32>} : memref<26x512xi32, #tpu.memory_space<vmem>>, vector<16xi32>,
      %and3A_315 = arith.constant 3 : i32
      %and3A_316 = vector.broadcast %and3A_315 : i32 to vector<16xi32>
      %and3A_317 = arith.andi %get3A_314, %and3A_316 : vector<16xi32>
      %mul3A_318 = arith.constant 32 : i32
      %mul3A_319 = vector.broadcast %mul3A_318 : i32 to vector<16xi32>
      %mul3A_320 = arith.muli %and3A_317, %mul3A_319 : vector<16xi32>
      %parallel_loop3A_321 = arith.constant 0 : i32
      %parallel_loop3A_322 = arith.constant 32 : i32
      %parallel_loop3A_323 = arith.constant 1 : i32
      %parallel_loop3A_324 = scf.for %parallel_loop3A_1024 = %parallel_loop3A_321 to %parallel_loop3A_322 step %parallel_loop3A_323 iter_args(%parallel_loop3A_1025 = %mul3A_320) -> (vector<16xi32>)  : i32 {
        %parallel_loop3A_1026 = arith.constant 0 : i32
        %parallel_loop3A_1027 = arith.constant 0 : i32
        %parallel_loop3A_1028 = arith.constant 0 : i32
        %parallel_loop3A_1029 = tpu.memref_slice %arg7[%parallel_loop3A_1026, %parallel_loop3A_1027, %parallel_loop3A_1028] : memref<2x128x128xf32, #tpu.memory_space<vmem>> -> memref<1x128x128xf32, #tpu.memory_space<vmem>>
        %parallel_loop3A_1030 = tpu.memref_squeeze %parallel_loop3A_1029 : memref<1x128x128xf32, #tpu.memory_space<vmem>> -> memref<128x128xf32, #tpu.memory_space<vmem>>
        %parallel_loop3A_1031 = tpu.vector_load_idx %parallel_loop3A_1030[%add3A_311, %parallel_loop3A_1025] : memref<128x128xf32, #tpu.memory_space<vmem>>[vector<16xi32>, vector<16xi32>], vector<16xf32>,
        %parallel_loop3A_1032 = arith.index_cast %rem3A_136 : i32 to index
        %parallel_loop3A_1033 = arith.index_cast %parallel_loop3A_1024 : i32 to index
        %parallel_loop3A_1034 = arith.constant 64 : index
        %parallel_loop3A_1035 = tpu.vector_load %arg8[%parallel_loop3A_1032, %parallel_loop3A_1033, %parallel_loop3A_1034] {strides = array<i32>} : memref<2x32x512xf32, #tpu.memory_space<vmem>>, vector<16xf32>,
        tpu.vector_store %arg8[%parallel_loop3A_1032, %parallel_loop3A_1033, %parallel_loop3A_1034], %parallel_loop3A_1031 {strides = array<i32>} : memref<2x32x512xf32, #tpu.memory_space<vmem>>, vector<16xf32>,
        %parallel_loop3A_1036 = arith.constant 1 : i32
        %parallel_loop3A_1037 = vector.broadcast %parallel_loop3A_1036 : i32 to vector<16xi32>
        %parallel_loop3A_1038 = arith.addi %parallel_loop3A_1025, %parallel_loop3A_1037 : vector<16xi32>
        scf.yield %parallel_loop3A_1038 : vector<16xi32>
      } {sc.loop_unroll_factor = 8 : i64, sc.parallel_access}
      %iota3A_325 = tpu.iota {dimensions = array<i32: 0>} : vector<16xi32>
      %add3A_326 = arith.constant 80 : i32
      %add3A_327 = vector.broadcast %add3A_326 : i32 to vector<16xi32>
      %add3A_328 = arith.addi %iota3A_325, %add3A_327 : vector<16xi32>
      %get3A_329 = arith.index_cast %scan3A_135 : i32 to index
      %get3A_330 = arith.constant 80 : index
      %get3A_331 = tpu.vector_load %arg5[%get3A_329, %get3A_330] {strides = array<i32>} : memref<26x512xi32, #tpu.memory_space<vmem>>, vector<16xi32>,
      %and3A_332 = arith.constant 3 : i32
      %and3A_333 = vector.broadcast %and3A_332 : i32 to vector<16xi32>
      %and3A_334 = arith.andi %get3A_331, %and3A_333 : vector<16xi32>
      %mul3A_335 = arith.constant 32 : i32
      %mul3A_336 = vector.broadcast %mul3A_335 : i32 to vector<16xi32>
      %mul3A_337 = arith.muli %and3A_334, %mul3A_336 : vector<16xi32>
      %parallel_loop3A_338 = arith.constant 0 : i32
      %parallel_loop3A_339 = arith.constant 32 : i32
      %parallel_loop3A_340 = arith.constant 1 : i32
      %parallel_loop3A_341 = scf.for %parallel_loop3A_1024 = %parallel_loop3A_338 to %parallel_loop3A_339 step %parallel_loop3A_340 iter_args(%parallel_loop3A_1025 = %mul3A_337) -> (vector<16xi32>)  : i32 {
        %parallel_loop3A_1026 = arith.constant 0 : i32
        %parallel_loop3A_1027 = arith.constant 0 : i32
        %parallel_loop3A_1028 = arith.constant 0 : i32
        %parallel_loop3A_1029 = tpu.memref_slice %arg7[%parallel_loop3A_1026, %parallel_loop3A_1027, %parallel_loop3A_1028] : memref<2x128x128xf32, #tpu.memory_space<vmem>> -> memref<1x128x128xf32, #tpu.memory_space<vmem>>
        %parallel_loop3A_1030 = tpu.memref_squeeze %parallel_loop3A_1029 : memref<1x128x128xf32, #tpu.memory_space<vmem>> -> memref<128x128xf32, #tpu.memory_space<vmem>>
        %parallel_loop3A_1031 = tpu.vector_load_idx %parallel_loop3A_1030[%add3A_328, %parallel_loop3A_1025] : memref<128x128xf32, #tpu.memory_space<vmem>>[vector<16xi32>, vector<16xi32>], vector<16xf32>,
        %parallel_loop3A_1032 = arith.index_cast %rem3A_136 : i32 to index
        %parallel_loop3A_1033 = arith.index_cast %parallel_loop3A_1024 : i32 to index
        %parallel_loop3A_1034 = arith.constant 80 : index
        %parallel_loop3A_1035 = tpu.vector_load %arg8[%parallel_loop3A_1032, %parallel_loop3A_1033, %parallel_loop3A_1034] {strides = array<i32>} : memref<2x32x512xf32, #tpu.memory_space<vmem>>, vector<16xf32>,
        tpu.vector_store %arg8[%parallel_loop3A_1032, %parallel_loop3A_1033, %parallel_loop3A_1034], %parallel_loop3A_1031 {strides = array<i32>} : memref<2x32x512xf32, #tpu.memory_space<vmem>>, vector<16xf32>,
        %parallel_loop3A_1036 = arith.constant 1 : i32
        %parallel_loop3A_1037 = vector.broadcast %parallel_loop3A_1036 : i32 to vector<16xi32>
        %parallel_loop3A_1038 = arith.addi %parallel_loop3A_1025, %parallel_loop3A_1037 : vector<16xi32>
        scf.yield %parallel_loop3A_1038 : vector<16xi32>
      } {sc.loop_unroll_factor = 8 : i64, sc.parallel_access}
      %iota3A_342 = tpu.iota {dimensions = array<i32: 0>} : vector<16xi32>
      %add3A_343 = arith.constant 96 : i32
      %add3A_344 = vector.broadcast %add3A_343 : i32 to vector<16xi32>
      %add3A_345 = arith.addi %iota3A_342, %add3A_344 : vector<16xi32>
      %get3A_346 = arith.index_cast %scan3A_135 : i32 to index
      %get3A_347 = arith.constant 96 : index
      %get3A_348 = tpu.vector_load %arg5[%get3A_346, %get3A_347] {strides = array<i32>} : memref<26x512xi32, #tpu.memory_space<vmem>>, vector<16xi32>,
      %and3A_349 = arith.constant 3 : i32
      %and3A_350 = vector.broadcast %and3A_349 : i32 to vector<16xi32>
      %and3A_351 = arith.andi %get3A_348, %and3A_350 : vector<16xi32>
      %mul3A_352 = arith.constant 32 : i32
      %mul3A_353 = vector.broadcast %mul3A_352 : i32 to vector<16xi32>
      %mul3A_354 = arith.muli %and3A_351, %mul3A_353 : vector<16xi32>
      %parallel_loop3A_355 = arith.constant 0 : i32
      %parallel_loop3A_356 = arith.constant 32 : i32
      %parallel_loop3A_357 = arith.constant 1 : i32
      %parallel_loop3A_358 = scf.for %parallel_loop3A_1024 = %parallel_loop3A_355 to %parallel_loop3A_356 step %parallel_loop3A_357 iter_args(%parallel_loop3A_1025 = %mul3A_354) -> (vector<16xi32>)  : i32 {
        %parallel_loop3A_1026 = arith.constant 0 : i32
        %parallel_loop3A_1027 = arith.constant 0 : i32
        %parallel_loop3A_1028 = arith.constant 0 : i32
        %parallel_loop3A_1029 = tpu.memref_slice %arg7[%parallel_loop3A_1026, %parallel_loop3A_1027, %parallel_loop3A_1028] : memref<2x128x128xf32, #tpu.memory_space<vmem>> -> memref<1x128x128xf32, #tpu.memory_space<vmem>>
        %parallel_loop3A_1030 = tpu.memref_squeeze %parallel_loop3A_1029 : memref<1x128x128xf32, #tpu.memory_space<vmem>> -> memref<128x128xf32, #tpu.memory_space<vmem>>
        %parallel_loop3A_1031 = tpu.vector_load_idx %parallel_loop3A_1030[%add3A_345, %parallel_loop3A_1025] : memref<128x128xf32, #tpu.memory_space<vmem>>[vector<16xi32>, vector<16xi32>], vector<16xf32>,
        %parallel_loop3A_1032 = arith.index_cast %rem3A_136 : i32 to index
        %parallel_loop3A_1033 = arith.index_cast %parallel_loop3A_1024 : i32 to index
        %parallel_loop3A_1034 = arith.constant 96 : index
        %parallel_loop3A_1035 = tpu.vector_load %arg8[%parallel_loop3A_1032, %parallel_loop3A_1033, %parallel_loop3A_1034] {strides = array<i32>} : memref<2x32x512xf32, #tpu.memory_space<vmem>>, vector<16xf32>,
        tpu.vector_store %arg8[%parallel_loop3A_1032, %parallel_loop3A_1033, %parallel_loop3A_1034], %parallel_loop3A_1031 {strides = array<i32>} : memref<2x32x512xf32, #tpu.memory_space<vmem>>, vector<16xf32>,
        %parallel_loop3A_1036 = arith.constant 1 : i32
        %parallel_loop3A_1037 = vector.broadcast %parallel_loop3A_1036 : i32 to vector<16xi32>
        %parallel_loop3A_1038 = arith.addi %parallel_loop3A_1025, %parallel_loop3A_1037 : vector<16xi32>
        scf.yield %parallel_loop3A_1038 : vector<16xi32>
      } {sc.loop_unroll_factor = 8 : i64, sc.parallel_access}
      %iota3A_359 = tpu.iota {dimensions = array<i32: 0>} : vector<16xi32>
      %add3A_360 = arith.constant 112 : i32
      %add3A_361 = vector.broadcast %add3A_360 : i32 to vector<16xi32>
      %add3A_362 = arith.addi %iota3A_359, %add3A_361 : vector<16xi32>
      %get3A_363 = arith.index_cast %scan3A_135 : i32 to index
      %get3A_364 = arith.constant 112 : index
      %get3A_365 = tpu.vector_load %arg5[%get3A_363, %get3A_364] {strides = array<i32>} : memref<26x512xi32, #tpu.memory_space<vmem>>, vector<16xi32>,
      %and3A_366 = arith.constant 3 : i32
      %and3A_367 = vector.broadcast %and3A_366 : i32 to vector<16xi32>
      %and3A_368 = arith.andi %get3A_365, %and3A_367 : vector<16xi32>
      %mul3A_369 = arith.constant 32 : i32
      %mul3A_370 = vector.broadcast %mul3A_369 : i32 to vector<16xi32>
      %mul3A_371 = arith.muli %and3A_368, %mul3A_370 : vector<16xi32>
      %parallel_loop3A_372 = arith.constant 0 : i32
      %parallel_loop3A_373 = arith.constant 32 : i32
      %parallel_loop3A_374 = arith.constant 1 : i32
      %parallel_loop3A_375 = scf.for %parallel_loop3A_1024 = %parallel_loop3A_372 to %parallel_loop3A_373 step %parallel_loop3A_374 iter_args(%parallel_loop3A_1025 = %mul3A_371) -> (vector<16xi32>)  : i32 {
        %parallel_loop3A_1026 = arith.constant 0 : i32
        %parallel_loop3A_1027 = arith.constant 0 : i32
        %parallel_loop3A_1028 = arith.constant 0 : i32
        %parallel_loop3A_1029 = tpu.memref_slice %arg7[%parallel_loop3A_1026, %parallel_loop3A_1027, %parallel_loop3A_1028] : memref<2x128x128xf32, #tpu.memory_space<vmem>> -> memref<1x128x128xf32, #tpu.memory_space<vmem>>
        %parallel_loop3A_1030 = tpu.memref_squeeze %parallel_loop3A_1029 : memref<1x128x128xf32, #tpu.memory_space<vmem>> -> memref<128x128xf32, #tpu.memory_space<vmem>>
        %parallel_loop3A_1031 = tpu.vector_load_idx %parallel_loop3A_1030[%add3A_362, %parallel_loop3A_1025] : memref<128x128xf32, #tpu.memory_space<vmem>>[vector<16xi32>, vector<16xi32>], vector<16xf32>,
        %parallel_loop3A_1032 = arith.index_cast %rem3A_136 : i32 to index
        %parallel_loop3A_1033 = arith.index_cast %parallel_loop3A_1024 : i32 to index
        %parallel_loop3A_1034 = arith.constant 112 : index
        %parallel_loop3A_1035 = tpu.vector_load %arg8[%parallel_loop3A_1032, %parallel_loop3A_1033, %parallel_loop3A_1034] {strides = array<i32>} : memref<2x32x512xf32, #tpu.memory_space<vmem>>, vector<16xf32>,
        tpu.vector_store %arg8[%parallel_loop3A_1032, %parallel_loop3A_1033, %parallel_loop3A_1034], %parallel_loop3A_1031 {strides = array<i32>} : memref<2x32x512xf32, #tpu.memory_space<vmem>>, vector<16xf32>,
        %parallel_loop3A_1036 = arith.constant 1 : i32
        %parallel_loop3A_1037 = vector.broadcast %parallel_loop3A_1036 : i32 to vector<16xi32>
        %parallel_loop3A_1038 = arith.addi %parallel_loop3A_1025, %parallel_loop3A_1037 : vector<16xi32>
        scf.yield %parallel_loop3A_1038 : vector<16xi32>
      } {sc.loop_unroll_factor = 8 : i64, sc.parallel_access}
      %dma_wait3A_376 = arith.constant 0 : i32
      %dma_wait3A_377 = arith.constant 1 : i32
      %dma_wait3A_378 = arith.constant 0 : i32
      %dma_wait3A_379 = arith.constant 0 : i32
      %dma_wait3A_380 = tpu.memref_slice %arg7[%dma_wait3A_377, %dma_wait3A_378, %dma_wait3A_379] : memref<2x128x128xf32, #tpu.memory_space<vmem>> -> memref<1x128x128xf32, #tpu.memory_space<vmem>>
      %dma_wait3A_381 = tpu.memref_squeeze %dma_wait3A_380 : memref<1x128x128xf32, #tpu.memory_space<vmem>> -> memref<128x128xf32, #tpu.memory_space<vmem>>
      %dma_wait3A_382 = arith.constant 0 : i32
      %dma_wait3A_383 = tpu.memref_slice %arg6[%dma_wait3A_376, %dma_wait3A_382] : memref<2x128xi32, #tpu.memory_space<vmem>> -> memref<1x128xi32, #tpu.memory_space<vmem>>
      %dma_wait3A_384 = tpu.memref_squeeze %dma_wait3A_383 : memref<1x128xi32, #tpu.memory_space<vmem>> -> memref<128xi32, #tpu.memory_space<vmem>>
      %dma_wait3A_385 = arith.constant 0 : i32
      %dma_wait3A_386 = arith.constant 0 : i32
      %dma_wait3A_387 = tpu.memref_slice %arg3[%dma_wait3A_385, %dma_wait3A_386] : memref<250000x128xf32, #tpu.memory_space<hbm>> -> memref<250000x128xf32, #tpu.memory_space<hbm>>
      tpu.wait_indirect_dma semaphore(%arg9 : memref<!tpu.dma_semaphore, #tpu.memory_space<semaphore_mem>>) src(%dma_wait3A_387 : memref<250000x128xf32, #tpu.memory_space<hbm>>) dst(%dma_wait3A_381 : memref<128x128xf32, #tpu.memory_space<vmem>>)
      %get3A_388 = arith.index_cast %scan3A_135 : i32 to index
      %get3A_389 = arith.constant 256 : index
      %get3A_390 = tpu.vector_load %arg5[%get3A_388, %get3A_389] {strides = array<i32>} : memref<26x512xi32, #tpu.memory_space<vmem>>, vector<16xi32>,
      %shift_right_logical3A_391 = arith.constant 2 : i32
      %shift_right_logical3A_392 = vector.broadcast %shift_right_logical3A_391 : i32 to vector<16xi32>
      %shift_right_logical3A_393 = arith.shrui %get3A_390, %shift_right_logical3A_392 : vector<16xi32>
      %swap3A_394 = arith.constant 0 : i32
      %swap3A_395 = arith.index_cast %swap3A_394 : i32 to index
      %swap3A_396 = arith.constant 0 : index
      %swap3A_397 = tpu.vector_load %arg6[%swap3A_395, %swap3A_396] {strides = array<i32>} : memref<2x128xi32, #tpu.memory_space<vmem>>, vector<16xi32>,
      tpu.vector_store %arg6[%swap3A_395, %swap3A_396], %shift_right_logical3A_393 {strides = array<i32>} : memref<2x128xi32, #tpu.memory_space<vmem>>, vector<16xi32>,
      %get3A_398 = arith.index_cast %scan3A_135 : i32 to index
      %get3A_399 = arith.constant 272 : index
      %get3A_400 = tpu.vector_load %arg5[%get3A_398, %get3A_399] {strides = array<i32>} : memref<26x512xi32, #tpu.memory_space<vmem>>, vector<16xi32>,
      %shift_right_logical3A_401 = arith.constant 2 : i32
      %shift_right_logical3A_402 = vector.broadcast %shift_right_logical3A_401 : i32 to vector<16xi32>
      %shift_right_logical3A_403 = arith.shrui %get3A_400, %shift_right_logical3A_402 : vector<16xi32>
      %swap3A_404 = arith.constant 0 : i32
      %swap3A_405 = arith.index_cast %swap3A_404 : i32 to index
      %swap3A_406 = arith.constant 16 : index
      %swap3A_407 = tpu.vector_load %arg6[%swap3A_405, %swap3A_406] {strides = array<i32>} : memref<2x128xi32, #tpu.memory_space<vmem>>, vector<16xi32>,
      tpu.vector_store %arg6[%swap3A_405, %swap3A_406], %shift_right_logical3A_403 {strides = array<i32>} : memref<2x128xi32, #tpu.memory_space<vmem>>, vector<16xi32>,
      %get3A_408 = arith.index_cast %scan3A_135 : i32 to index
      %get3A_409 = arith.constant 288 : index
      %get3A_410 = tpu.vector_load %arg5[%get3A_408, %get3A_409] {strides = array<i32>} : memref<26x512xi32, #tpu.memory_space<vmem>>, vector<16xi32>,
      %shift_right_logical3A_411 = arith.constant 2 : i32
      %shift_right_logical3A_412 = vector.broadcast %shift_right_logical3A_411 : i32 to vector<16xi32>
      %shift_right_logical3A_413 = arith.shrui %get3A_410, %shift_right_logical3A_412 : vector<16xi32>
      %swap3A_414 = arith.constant 0 : i32
      %swap3A_415 = arith.index_cast %swap3A_414 : i32 to index
      %swap3A_416 = arith.constant 32 : index
      %swap3A_417 = tpu.vector_load %arg6[%swap3A_415, %swap3A_416] {strides = array<i32>} : memref<2x128xi32, #tpu.memory_space<vmem>>, vector<16xi32>,
      tpu.vector_store %arg6[%swap3A_415, %swap3A_416], %shift_right_logical3A_413 {strides = array<i32>} : memref<2x128xi32, #tpu.memory_space<vmem>>, vector<16xi32>,
      %get3A_418 = arith.index_cast %scan3A_135 : i32 to index
      %get3A_419 = arith.constant 304 : index
      %get3A_420 = tpu.vector_load %arg5[%get3A_418, %get3A_419] {strides = array<i32>} : memref<26x512xi32, #tpu.memory_space<vmem>>, vector<16xi32>,
      %shift_right_logical3A_421 = arith.constant 2 : i32
      %shift_right_logical3A_422 = vector.broadcast %shift_right_logical3A_421 : i32 to vector<16xi32>
      %shift_right_logical3A_423 = arith.shrui %get3A_420, %shift_right_logical3A_422 : vector<16xi32>
      %swap3A_424 = arith.constant 0 : i32
      %swap3A_425 = arith.index_cast %swap3A_424 : i32 to index
      %swap3A_426 = arith.constant 48 : index
      %swap3A_427 = tpu.vector_load %arg6[%swap3A_425, %swap3A_426] {strides = array<i32>} : memref<2x128xi32, #tpu.memory_space<vmem>>, vector<16xi32>,
      tpu.vector_store %arg6[%swap3A_425, %swap3A_426], %shift_right_logical3A_423 {strides = array<i32>} : memref<2x128xi32, #tpu.memory_space<vmem>>, vector<16xi32>,
      %get3A_428 = arith.index_cast %scan3A_135 : i32 to index
      %get3A_429 = arith.constant 320 : index
      %get3A_430 = tpu.vector_load %arg5[%get3A_428, %get3A_429] {strides = array<i32>} : memref<26x512xi32, #tpu.memory_space<vmem>>, vector<16xi32>,
      %shift_right_logical3A_431 = arith.constant 2 : i32
      %shift_right_logical3A_432 = vector.broadcast %shift_right_logical3A_431 : i32 to vector<16xi32>
      %shift_right_logical3A_433 = arith.shrui %get3A_430, %shift_right_logical3A_432 : vector<16xi32>
      %swap3A_434 = arith.constant 0 : i32
      %swap3A_435 = arith.index_cast %swap3A_434 : i32 to index
      %swap3A_436 = arith.constant 64 : index
      %swap3A_437 = tpu.vector_load %arg6[%swap3A_435, %swap3A_436] {strides = array<i32>} : memref<2x128xi32, #tpu.memory_space<vmem>>, vector<16xi32>,
      tpu.vector_store %arg6[%swap3A_435, %swap3A_436], %shift_right_logical3A_433 {strides = array<i32>} : memref<2x128xi32, #tpu.memory_space<vmem>>, vector<16xi32>,
      %get3A_438 = arith.index_cast %scan3A_135 : i32 to index
      %get3A_439 = arith.constant 336 : index
      %get3A_440 = tpu.vector_load %arg5[%get3A_438, %get3A_439] {strides = array<i32>} : memref<26x512xi32, #tpu.memory_space<vmem>>, vector<16xi32>,
      %shift_right_logical3A_441 = arith.constant 2 : i32
      %shift_right_logical3A_442 = vector.broadcast %shift_right_logical3A_441 : i32 to vector<16xi32>
      %shift_right_logical3A_443 = arith.shrui %get3A_440, %shift_right_logical3A_442 : vector<16xi32>
      %swap3A_444 = arith.constant 0 : i32
      %swap3A_445 = arith.index_cast %swap3A_444 : i32 to index
      %swap3A_446 = arith.constant 80 : index
      %swap3A_447 = tpu.vector_load %arg6[%swap3A_445, %swap3A_446] {strides = array<i32>} : memref<2x128xi32, #tpu.memory_space<vmem>>, vector<16xi32>,
      tpu.vector_store %arg6[%swap3A_445, %swap3A_446], %shift_right_logical3A_443 {strides = array<i32>} : memref<2x128xi32, #tpu.memory_space<vmem>>, vector<16xi32>,
      %get3A_448 = arith.index_cast %scan3A_135 : i32 to index
      %get3A_449 = arith.constant 352 : index
      %get3A_450 = tpu.vector_load %arg5[%get3A_448, %get3A_449] {strides = array<i32>} : memref<26x512xi32, #tpu.memory_space<vmem>>, vector<16xi32>,
      %shift_right_logical3A_451 = arith.constant 2 : i32
      %shift_right_logical3A_452 = vector.broadcast %shift_right_logical3A_451 : i32 to vector<16xi32>
      %shift_right_logical3A_453 = arith.shrui %get3A_450, %shift_right_logical3A_452 : vector<16xi32>
      %swap3A_454 = arith.constant 0 : i32
      %swap3A_455 = arith.index_cast %swap3A_454 : i32 to index
      %swap3A_456 = arith.constant 96 : index
      %swap3A_457 = tpu.vector_load %arg6[%swap3A_455, %swap3A_456] {strides = array<i32>} : memref<2x128xi32, #tpu.memory_space<vmem>>, vector<16xi32>,
      tpu.vector_store %arg6[%swap3A_455, %swap3A_456], %shift_right_logical3A_453 {strides = array<i32>} : memref<2x128xi32, #tpu.memory_space<vmem>>, vector<16xi32>,
      %get3A_458 = arith.index_cast %scan3A_135 : i32 to index
      %get3A_459 = arith.constant 368 : index
      %get3A_460 = tpu.vector_load %arg5[%get3A_458, %get3A_459] {strides = array<i32>} : memref<26x512xi32, #tpu.memory_space<vmem>>, vector<16xi32>,
      %shift_right_logical3A_461 = arith.constant 2 : i32
      %shift_right_logical3A_462 = vector.broadcast %shift_right_logical3A_461 : i32 to vector<16xi32>
      %shift_right_logical3A_463 = arith.shrui %get3A_460, %shift_right_logical3A_462 : vector<16xi32>
      %swap3A_464 = arith.constant 0 : i32
      %swap3A_465 = arith.index_cast %swap3A_464 : i32 to index
      %swap3A_466 = arith.constant 112 : index
      %swap3A_467 = tpu.vector_load %arg6[%swap3A_465, %swap3A_466] {strides = array<i32>} : memref<2x128xi32, #tpu.memory_space<vmem>>, vector<16xi32>,
      tpu.vector_store %arg6[%swap3A_465, %swap3A_466], %shift_right_logical3A_463 {strides = array<i32>} : memref<2x128xi32, #tpu.memory_space<vmem>>, vector<16xi32>,
      %dma_start3A_468 = arith.constant 0 : i32
      %dma_start3A_469 = arith.constant 0 : i32
      %dma_start3A_470 = arith.constant 0 : i32
      %dma_start3A_471 = arith.constant 0 : i32
      %dma_start3A_472 = tpu.memref_slice %arg7[%dma_start3A_469, %dma_start3A_470, %dma_start3A_471] : memref<2x128x128xf32, #tpu.memory_space<vmem>> -> memref<1x128x128xf32, #tpu.memory_space<vmem>>
      %dma_start3A_473 = tpu.memref_squeeze %dma_start3A_472 : memref<1x128x128xf32, #tpu.memory_space<vmem>> -> memref<128x128xf32, #tpu.memory_space<vmem>>
      %dma_start3A_474 = arith.constant 0 : i32
      %dma_start3A_475 = tpu.memref_slice %arg6[%dma_start3A_468, %dma_start3A_474] : memref<2x128xi32, #tpu.memory_space<vmem>> -> memref<1x128xi32, #tpu.memory_space<vmem>>
      %dma_start3A_476 = tpu.memref_squeeze %dma_start3A_475 : memref<1x128xi32, #tpu.memory_space<vmem>> -> memref<128xi32, #tpu.memory_space<vmem>>
      %dma_start3A_477 = arith.constant 0 : i32
      %dma_start3A_478 = arith.constant 0 : i32
      %dma_start3A_479 = tpu.memref_slice %arg3[%dma_start3A_477, %dma_start3A_478] : memref<250000x128xf32, #tpu.memory_space<hbm>> -> memref<250000x128xf32, #tpu.memory_space<hbm>>
      tpu.enqueue_indirect_dma source(%dma_start3A_479 : memref<250000x128xf32, #tpu.memory_space<hbm>>) target(%dma_start3A_473 : memref<128x128xf32, #tpu.memory_space<vmem>>) offsets(%dma_start3A_476 : memref<128xi32, #tpu.memory_space<vmem>>) semaphore(%arg9 : memref<!tpu.dma_semaphore, #tpu.memory_space<semaphore_mem>>)
      %iota3A_480 = tpu.iota {dimensions = array<i32: 0>} : vector<16xi32>
      %add3A_481 = arith.constant 0 : i32
      %add3A_482 = vector.broadcast %add3A_481 : i32 to vector<16xi32>
      %add3A_483 = arith.addi %iota3A_480, %add3A_482 : vector<16xi32>
      %get3A_484 = arith.index_cast %scan3A_135 : i32 to index
      %get3A_485 = arith.constant 128 : index
      %get3A_486 = tpu.vector_load %arg5[%get3A_484, %get3A_485] {strides = array<i32>} : memref<26x512xi32, #tpu.memory_space<vmem>>, vector<16xi32>,
      %and3A_487 = arith.constant 3 : i32
      %and3A_488 = vector.broadcast %and3A_487 : i32 to vector<16xi32>
      %and3A_489 = arith.andi %get3A_486, %and3A_488 : vector<16xi32>
      %mul3A_490 = arith.constant 32 : i32
      %mul3A_491 = vector.broadcast %mul3A_490 : i32 to vector<16xi32>
      %mul3A_492 = arith.muli %and3A_489, %mul3A_491 : vector<16xi32>
      %parallel_loop3A_493 = arith.constant 0 : i32
      %parallel_loop3A_494 = arith.constant 32 : i32
      %parallel_loop3A_495 = arith.constant 1 : i32
      %parallel_loop3A_496 = scf.for %parallel_loop3A_1024 = %parallel_loop3A_493 to %parallel_loop3A_494 step %parallel_loop3A_495 iter_args(%parallel_loop3A_1025 = %mul3A_492) -> (vector<16xi32>)  : i32 {
        %parallel_loop3A_1026 = arith.constant 1 : i32
        %parallel_loop3A_1027 = arith.constant 0 : i32
        %parallel_loop3A_1028 = arith.constant 0 : i32
        %parallel_loop3A_1029 = tpu.memref_slice %arg7[%parallel_loop3A_1026, %parallel_loop3A_1027, %parallel_loop3A_1028] : memref<2x128x128xf32, #tpu.memory_space<vmem>> -> memref<1x128x128xf32, #tpu.memory_space<vmem>>
        %parallel_loop3A_1030 = tpu.memref_squeeze %parallel_loop3A_1029 : memref<1x128x128xf32, #tpu.memory_space<vmem>> -> memref<128x128xf32, #tpu.memory_space<vmem>>
        %parallel_loop3A_1031 = tpu.vector_load_idx %parallel_loop3A_1030[%add3A_483, %parallel_loop3A_1025] : memref<128x128xf32, #tpu.memory_space<vmem>>[vector<16xi32>, vector<16xi32>], vector<16xf32>,
        %parallel_loop3A_1032 = arith.index_cast %rem3A_136 : i32 to index
        %parallel_loop3A_1033 = arith.index_cast %parallel_loop3A_1024 : i32 to index
        %parallel_loop3A_1034 = arith.constant 128 : index
        %parallel_loop3A_1035 = tpu.vector_load %arg8[%parallel_loop3A_1032, %parallel_loop3A_1033, %parallel_loop3A_1034] {strides = array<i32>} : memref<2x32x512xf32, #tpu.memory_space<vmem>>, vector<16xf32>,
        tpu.vector_store %arg8[%parallel_loop3A_1032, %parallel_loop3A_1033, %parallel_loop3A_1034], %parallel_loop3A_1031 {strides = array<i32>} : memref<2x32x512xf32, #tpu.memory_space<vmem>>, vector<16xf32>,
        %parallel_loop3A_1036 = arith.constant 1 : i32
        %parallel_loop3A_1037 = vector.broadcast %parallel_loop3A_1036 : i32 to vector<16xi32>
        %parallel_loop3A_1038 = arith.addi %parallel_loop3A_1025, %parallel_loop3A_1037 : vector<16xi32>
        scf.yield %parallel_loop3A_1038 : vector<16xi32>
      } {sc.loop_unroll_factor = 8 : i64, sc.parallel_access}
      %iota3A_497 = tpu.iota {dimensions = array<i32: 0>} : vector<16xi32>
      %add3A_498 = arith.constant 16 : i32
      %add3A_499 = vector.broadcast %add3A_498 : i32 to vector<16xi32>
      %add3A_500 = arith.addi %iota3A_497, %add3A_499 : vector<16xi32>
      %get3A_501 = arith.index_cast %scan3A_135 : i32 to index
      %get3A_502 = arith.constant 144 : index
      %get3A_503 = tpu.vector_load %arg5[%get3A_501, %get3A_502] {strides = array<i32>} : memref<26x512xi32, #tpu.memory_space<vmem>>, vector<16xi32>,
      %and3A_504 = arith.constant 3 : i32
      %and3A_505 = vector.broadcast %and3A_504 : i32 to vector<16xi32>
      %and3A_506 = arith.andi %get3A_503, %and3A_505 : vector<16xi32>
      %mul3A_507 = arith.constant 32 : i32
      %mul3A_508 = vector.broadcast %mul3A_507 : i32 to vector<16xi32>
      %mul3A_509 = arith.muli %and3A_506, %mul3A_508 : vector<16xi32>
      %parallel_loop3A_510 = arith.constant 0 : i32
      %parallel_loop3A_511 = arith.constant 32 : i32
      %parallel_loop3A_512 = arith.constant 1 : i32
      %parallel_loop3A_513 = scf.for %parallel_loop3A_1024 = %parallel_loop3A_510 to %parallel_loop3A_511 step %parallel_loop3A_512 iter_args(%parallel_loop3A_1025 = %mul3A_509) -> (vector<16xi32>)  : i32 {
        %parallel_loop3A_1026 = arith.constant 1 : i32
        %parallel_loop3A_1027 = arith.constant 0 : i32
        %parallel_loop3A_1028 = arith.constant 0 : i32
        %parallel_loop3A_1029 = tpu.memref_slice %arg7[%parallel_loop3A_1026, %parallel_loop3A_1027, %parallel_loop3A_1028] : memref<2x128x128xf32, #tpu.memory_space<vmem>> -> memref<1x128x128xf32, #tpu.memory_space<vmem>>
        %parallel_loop3A_1030 = tpu.memref_squeeze %parallel_loop3A_1029 : memref<1x128x128xf32, #tpu.memory_space<vmem>> -> memref<128x128xf32, #tpu.memory_space<vmem>>
        %parallel_loop3A_1031 = tpu.vector_load_idx %parallel_loop3A_1030[%add3A_500, %parallel_loop3A_1025] : memref<128x128xf32, #tpu.memory_space<vmem>>[vector<16xi32>, vector<16xi32>], vector<16xf32>,
        %parallel_loop3A_1032 = arith.index_cast %rem3A_136 : i32 to index
        %parallel_loop3A_1033 = arith.index_cast %parallel_loop3A_1024 : i32 to index
        %parallel_loop3A_1034 = arith.constant 144 : index
        %parallel_loop3A_1035 = tpu.vector_load %arg8[%parallel_loop3A_1032, %parallel_loop3A_1033, %parallel_loop3A_1034] {strides = array<i32>} : memref<2x32x512xf32, #tpu.memory_space<vmem>>, vector<16xf32>,
        tpu.vector_store %arg8[%parallel_loop3A_1032, %parallel_loop3A_1033, %parallel_loop3A_1034], %parallel_loop3A_1031 {strides = array<i32>} : memref<2x32x512xf32, #tpu.memory_space<vmem>>, vector<16xf32>,
        %parallel_loop3A_1036 = arith.constant 1 : i32
        %parallel_loop3A_1037 = vector.broadcast %parallel_loop3A_1036 : i32 to vector<16xi32>
        %parallel_loop3A_1038 = arith.addi %parallel_loop3A_1025, %parallel_loop3A_1037 : vector<16xi32>
        scf.yield %parallel_loop3A_1038 : vector<16xi32>
      } {sc.loop_unroll_factor = 8 : i64, sc.parallel_access}
      %iota3A_514 = tpu.iota {dimensions = array<i32: 0>} : vector<16xi32>
      %add3A_515 = arith.constant 32 : i32
      %add3A_516 = vector.broadcast %add3A_515 : i32 to vector<16xi32>
      %add3A_517 = arith.addi %iota3A_514, %add3A_516 : vector<16xi32>
      %get3A_518 = arith.index_cast %scan3A_135 : i32 to index
      %get3A_519 = arith.constant 160 : index
      %get3A_520 = tpu.vector_load %arg5[%get3A_518, %get3A_519] {strides = array<i32>} : memref<26x512xi32, #tpu.memory_space<vmem>>, vector<16xi32>,
      %and3A_521 = arith.constant 3 : i32
      %and3A_522 = vector.broadcast %and3A_521 : i32 to vector<16xi32>
      %and3A_523 = arith.andi %get3A_520, %and3A_522 : vector<16xi32>
      %mul3A_524 = arith.constant 32 : i32
      %mul3A_525 = vector.broadcast %mul3A_524 : i32 to vector<16xi32>
      %mul3A_526 = arith.muli %and3A_523, %mul3A_525 : vector<16xi32>
      %parallel_loop3A_527 = arith.constant 0 : i32
      %parallel_loop3A_528 = arith.constant 32 : i32
      %parallel_loop3A_529 = arith.constant 1 : i32
      %parallel_loop3A_530 = scf.for %parallel_loop3A_1024 = %parallel_loop3A_527 to %parallel_loop3A_528 step %parallel_loop3A_529 iter_args(%parallel_loop3A_1025 = %mul3A_526) -> (vector<16xi32>)  : i32 {
        %parallel_loop3A_1026 = arith.constant 1 : i32
        %parallel_loop3A_1027 = arith.constant 0 : i32
        %parallel_loop3A_1028 = arith.constant 0 : i32
        %parallel_loop3A_1029 = tpu.memref_slice %arg7[%parallel_loop3A_1026, %parallel_loop3A_1027, %parallel_loop3A_1028] : memref<2x128x128xf32, #tpu.memory_space<vmem>> -> memref<1x128x128xf32, #tpu.memory_space<vmem>>
        %parallel_loop3A_1030 = tpu.memref_squeeze %parallel_loop3A_1029 : memref<1x128x128xf32, #tpu.memory_space<vmem>> -> memref<128x128xf32, #tpu.memory_space<vmem>>
        %parallel_loop3A_1031 = tpu.vector_load_idx %parallel_loop3A_1030[%add3A_517, %parallel_loop3A_1025] : memref<128x128xf32, #tpu.memory_space<vmem>>[vector<16xi32>, vector<16xi32>], vector<16xf32>,
        %parallel_loop3A_1032 = arith.index_cast %rem3A_136 : i32 to index
        %parallel_loop3A_1033 = arith.index_cast %parallel_loop3A_1024 : i32 to index
        %parallel_loop3A_1034 = arith.constant 160 : index
        %parallel_loop3A_1035 = tpu.vector_load %arg8[%parallel_loop3A_1032, %parallel_loop3A_1033, %parallel_loop3A_1034] {strides = array<i32>} : memref<2x32x512xf32, #tpu.memory_space<vmem>>, vector<16xf32>,
        tpu.vector_store %arg8[%parallel_loop3A_1032, %parallel_loop3A_1033, %parallel_loop3A_1034], %parallel_loop3A_1031 {strides = array<i32>} : memref<2x32x512xf32, #tpu.memory_space<vmem>>, vector<16xf32>,
        %parallel_loop3A_1036 = arith.constant 1 : i32
        %parallel_loop3A_1037 = vector.broadcast %parallel_loop3A_1036 : i32 to vector<16xi32>
        %parallel_loop3A_1038 = arith.addi %parallel_loop3A_1025, %parallel_loop3A_1037 : vector<16xi32>
        scf.yield %parallel_loop3A_1038 : vector<16xi32>
      } {sc.loop_unroll_factor = 8 : i64, sc.parallel_access}
      %iota3A_531 = tpu.iota {dimensions = array<i32: 0>} : vector<16xi32>
      %add3A_532 = arith.constant 48 : i32
      %add3A_533 = vector.broadcast %add3A_532 : i32 to vector<16xi32>
      %add3A_534 = arith.addi %iota3A_531, %add3A_533 : vector<16xi32>
      %get3A_535 = arith.index_cast %scan3A_135 : i32 to index
      %get3A_536 = arith.constant 176 : index
      %get3A_537 = tpu.vector_load %arg5[%get3A_535, %get3A_536] {strides = array<i32>} : memref<26x512xi32, #tpu.memory_space<vmem>>, vector<16xi32>,
      %and3A_538 = arith.constant 3 : i32
      %and3A_539 = vector.broadcast %and3A_538 : i32 to vector<16xi32>
      %and3A_540 = arith.andi %get3A_537, %and3A_539 : vector<16xi32>
      %mul3A_541 = arith.constant 32 : i32
      %mul3A_542 = vector.broadcast %mul3A_541 : i32 to vector<16xi32>
      %mul3A_543 = arith.muli %and3A_540, %mul3A_542 : vector<16xi32>
      %parallel_loop3A_544 = arith.constant 0 : i32
      %parallel_loop3A_545 = arith.constant 32 : i32
      %parallel_loop3A_546 = arith.constant 1 : i32
      %parallel_loop3A_547 = scf.for %parallel_loop3A_1024 = %parallel_loop3A_544 to %parallel_loop3A_545 step %parallel_loop3A_546 iter_args(%parallel_loop3A_1025 = %mul3A_543) -> (vector<16xi32>)  : i32 {
        %parallel_loop3A_1026 = arith.constant 1 : i32
        %parallel_loop3A_1027 = arith.constant 0 : i32
        %parallel_loop3A_1028 = arith.constant 0 : i32
        %parallel_loop3A_1029 = tpu.memref_slice %arg7[%parallel_loop3A_1026, %parallel_loop3A_1027, %parallel_loop3A_1028] : memref<2x128x128xf32, #tpu.memory_space<vmem>> -> memref<1x128x128xf32, #tpu.memory_space<vmem>>
        %parallel_loop3A_1030 = tpu.memref_squeeze %parallel_loop3A_1029 : memref<1x128x128xf32, #tpu.memory_space<vmem>> -> memref<128x128xf32, #tpu.memory_space<vmem>>
        %parallel_loop3A_1031 = tpu.vector_load_idx %parallel_loop3A_1030[%add3A_534, %parallel_loop3A_1025] : memref<128x128xf32, #tpu.memory_space<vmem>>[vector<16xi32>, vector<16xi32>], vector<16xf32>,
        %parallel_loop3A_1032 = arith.index_cast %rem3A_136 : i32 to index
        %parallel_loop3A_1033 = arith.index_cast %parallel_loop3A_1024 : i32 to index
        %parallel_loop3A_1034 = arith.constant 176 : index
        %parallel_loop3A_1035 = tpu.vector_load %arg8[%parallel_loop3A_1032, %parallel_loop3A_1033, %parallel_loop3A_1034] {strides = array<i32>} : memref<2x32x512xf32, #tpu.memory_space<vmem>>, vector<16xf32>,
        tpu.vector_store %arg8[%parallel_loop3A_1032, %parallel_loop3A_1033, %parallel_loop3A_1034], %parallel_loop3A_1031 {strides = array<i32>} : memref<2x32x512xf32, #tpu.memory_space<vmem>>, vector<16xf32>,
        %parallel_loop3A_1036 = arith.constant 1 : i32
        %parallel_loop3A_1037 = vector.broadcast %parallel_loop3A_1036 : i32 to vector<16xi32>
        %parallel_loop3A_1038 = arith.addi %parallel_loop3A_1025, %parallel_loop3A_1037 : vector<16xi32>
        scf.yield %parallel_loop3A_1038 : vector<16xi32>
      } {sc.loop_unroll_factor = 8 : i64, sc.parallel_access}
      %iota3A_548 = tpu.iota {dimensions = array<i32: 0>} : vector<16xi32>
      %add3A_549 = arith.constant 64 : i32
      %add3A_550 = vector.broadcast %add3A_549 : i32 to vector<16xi32>
      %add3A_551 = arith.addi %iota3A_548, %add3A_550 : vector<16xi32>
      %get3A_552 = arith.index_cast %scan3A_135 : i32 to index
      %get3A_553 = arith.constant 192 : index
      %get3A_554 = tpu.vector_load %arg5[%get3A_552, %get3A_553] {strides = array<i32>} : memref<26x512xi32, #tpu.memory_space<vmem>>, vector<16xi32>,
      %and3A_555 = arith.constant 3 : i32
      %and3A_556 = vector.broadcast %and3A_555 : i32 to vector<16xi32>
      %and3A_557 = arith.andi %get3A_554, %and3A_556 : vector<16xi32>
      %mul3A_558 = arith.constant 32 : i32
      %mul3A_559 = vector.broadcast %mul3A_558 : i32 to vector<16xi32>
      %mul3A_560 = arith.muli %and3A_557, %mul3A_559 : vector<16xi32>
      %parallel_loop3A_561 = arith.constant 0 : i32
      %parallel_loop3A_562 = arith.constant 32 : i32
      %parallel_loop3A_563 = arith.constant 1 : i32
      %parallel_loop3A_564 = scf.for %parallel_loop3A_1024 = %parallel_loop3A_561 to %parallel_loop3A_562 step %parallel_loop3A_563 iter_args(%parallel_loop3A_1025 = %mul3A_560) -> (vector<16xi32>)  : i32 {
        %parallel_loop3A_1026 = arith.constant 1 : i32
        %parallel_loop3A_1027 = arith.constant 0 : i32
        %parallel_loop3A_1028 = arith.constant 0 : i32
        %parallel_loop3A_1029 = tpu.memref_slice %arg7[%parallel_loop3A_1026, %parallel_loop3A_1027, %parallel_loop3A_1028] : memref<2x128x128xf32, #tpu.memory_space<vmem>> -> memref<1x128x128xf32, #tpu.memory_space<vmem>>
        %parallel_loop3A_1030 = tpu.memref_squeeze %parallel_loop3A_1029 : memref<1x128x128xf32, #tpu.memory_space<vmem>> -> memref<128x128xf32, #tpu.memory_space<vmem>>
        %parallel_loop3A_1031 = tpu.vector_load_idx %parallel_loop3A_1030[%add3A_551, %parallel_loop3A_1025] : memref<128x128xf32, #tpu.memory_space<vmem>>[vector<16xi32>, vector<16xi32>], vector<16xf32>,
        %parallel_loop3A_1032 = arith.index_cast %rem3A_136 : i32 to index
        %parallel_loop3A_1033 = arith.index_cast %parallel_loop3A_1024 : i32 to index
        %parallel_loop3A_1034 = arith.constant 192 : index
        %parallel_loop3A_1035 = tpu.vector_load %arg8[%parallel_loop3A_1032, %parallel_loop3A_1033, %parallel_loop3A_1034] {strides = array<i32>} : memref<2x32x512xf32, #tpu.memory_space<vmem>>, vector<16xf32>,
        tpu.vector_store %arg8[%parallel_loop3A_1032, %parallel_loop3A_1033, %parallel_loop3A_1034], %parallel_loop3A_1031 {strides = array<i32>} : memref<2x32x512xf32, #tpu.memory_space<vmem>>, vector<16xf32>,
        %parallel_loop3A_1036 = arith.constant 1 : i32
        %parallel_loop3A_1037 = vector.broadcast %parallel_loop3A_1036 : i32 to vector<16xi32>
        %parallel_loop3A_1038 = arith.addi %parallel_loop3A_1025, %parallel_loop3A_1037 : vector<16xi32>
        scf.yield %parallel_loop3A_1038 : vector<16xi32>
      } {sc.loop_unroll_factor = 8 : i64, sc.parallel_access}
      %iota3A_565 = tpu.iota {dimensions = array<i32: 0>} : vector<16xi32>
      %add3A_566 = arith.constant 80 : i32
      %add3A_567 = vector.broadcast %add3A_566 : i32 to vector<16xi32>
      %add3A_568 = arith.addi %iota3A_565, %add3A_567 : vector<16xi32>
      %get3A_569 = arith.index_cast %scan3A_135 : i32 to index
      %get3A_570 = arith.constant 208 : index
      %get3A_571 = tpu.vector_load %arg5[%get3A_569, %get3A_570] {strides = array<i32>} : memref<26x512xi32, #tpu.memory_space<vmem>>, vector<16xi32>,
      %and3A_572 = arith.constant 3 : i32
      %and3A_573 = vector.broadcast %and3A_572 : i32 to vector<16xi32>
      %and3A_574 = arith.andi %get3A_571, %and3A_573 : vector<16xi32>
      %mul3A_575 = arith.constant 32 : i32
      %mul3A_576 = vector.broadcast %mul3A_575 : i32 to vector<16xi32>
      %mul3A_577 = arith.muli %and3A_574, %mul3A_576 : vector<16xi32>
      %parallel_loop3A_578 = arith.constant 0 : i32
      %parallel_loop3A_579 = arith.constant 32 : i32
      %parallel_loop3A_580 = arith.constant 1 : i32
      %parallel_loop3A_581 = scf.for %parallel_loop3A_1024 = %parallel_loop3A_578 to %parallel_loop3A_579 step %parallel_loop3A_580 iter_args(%parallel_loop3A_1025 = %mul3A_577) -> (vector<16xi32>)  : i32 {
        %parallel_loop3A_1026 = arith.constant 1 : i32
        %parallel_loop3A_1027 = arith.constant 0 : i32
        %parallel_loop3A_1028 = arith.constant 0 : i32
        %parallel_loop3A_1029 = tpu.memref_slice %arg7[%parallel_loop3A_1026, %parallel_loop3A_1027, %parallel_loop3A_1028] : memref<2x128x128xf32, #tpu.memory_space<vmem>> -> memref<1x128x128xf32, #tpu.memory_space<vmem>>
        %parallel_loop3A_1030 = tpu.memref_squeeze %parallel_loop3A_1029 : memref<1x128x128xf32, #tpu.memory_space<vmem>> -> memref<128x128xf32, #tpu.memory_space<vmem>>
        %parallel_loop3A_1031 = tpu.vector_load_idx %parallel_loop3A_1030[%add3A_568, %parallel_loop3A_1025] : memref<128x128xf32, #tpu.memory_space<vmem>>[vector<16xi32>, vector<16xi32>], vector<16xf32>,
        %parallel_loop3A_1032 = arith.index_cast %rem3A_136 : i32 to index
        %parallel_loop3A_1033 = arith.index_cast %parallel_loop3A_1024 : i32 to index
        %parallel_loop3A_1034 = arith.constant 208 : index
        %parallel_loop3A_1035 = tpu.vector_load %arg8[%parallel_loop3A_1032, %parallel_loop3A_1033, %parallel_loop3A_1034] {strides = array<i32>} : memref<2x32x512xf32, #tpu.memory_space<vmem>>, vector<16xf32>,
        tpu.vector_store %arg8[%parallel_loop3A_1032, %parallel_loop3A_1033, %parallel_loop3A_1034], %parallel_loop3A_1031 {strides = array<i32>} : memref<2x32x512xf32, #tpu.memory_space<vmem>>, vector<16xf32>,
        %parallel_loop3A_1036 = arith.constant 1 : i32
        %parallel_loop3A_1037 = vector.broadcast %parallel_loop3A_1036 : i32 to vector<16xi32>
        %parallel_loop3A_1038 = arith.addi %parallel_loop3A_1025, %parallel_loop3A_1037 : vector<16xi32>
        scf.yield %parallel_loop3A_1038 : vector<16xi32>
      } {sc.loop_unroll_factor = 8 : i64, sc.parallel_access}
      %iota3A_582 = tpu.iota {dimensions = array<i32: 0>} : vector<16xi32>
      %add3A_583 = arith.constant 96 : i32
      %add3A_584 = vector.broadcast %add3A_583 : i32 to vector<16xi32>
      %add3A_585 = arith.addi %iota3A_582, %add3A_584 : vector<16xi32>
      %get3A_586 = arith.index_cast %scan3A_135 : i32 to index
      %get3A_587 = arith.constant 224 : index
      %get3A_588 = tpu.vector_load %arg5[%get3A_586, %get3A_587] {strides = array<i32>} : memref<26x512xi32, #tpu.memory_space<vmem>>, vector<16xi32>,
      %and3A_589 = arith.constant 3 : i32
      %and3A_590 = vector.broadcast %and3A_589 : i32 to vector<16xi32>
      %and3A_591 = arith.andi %get3A_588, %and3A_590 : vector<16xi32>
      %mul3A_592 = arith.constant 32 : i32
      %mul3A_593 = vector.broadcast %mul3A_592 : i32 to vector<16xi32>
      %mul3A_594 = arith.muli %and3A_591, %mul3A_593 : vector<16xi32>
      %parallel_loop3A_595 = arith.constant 0 : i32
      %parallel_loop3A_596 = arith.constant 32 : i32
      %parallel_loop3A_597 = arith.constant 1 : i32
      %parallel_loop3A_598 = scf.for %parallel_loop3A_1024 = %parallel_loop3A_595 to %parallel_loop3A_596 step %parallel_loop3A_597 iter_args(%parallel_loop3A_1025 = %mul3A_594) -> (vector<16xi32>)  : i32 {
        %parallel_loop3A_1026 = arith.constant 1 : i32
        %parallel_loop3A_1027 = arith.constant 0 : i32
        %parallel_loop3A_1028 = arith.constant 0 : i32
        %parallel_loop3A_1029 = tpu.memref_slice %arg7[%parallel_loop3A_1026, %parallel_loop3A_1027, %parallel_loop3A_1028] : memref<2x128x128xf32, #tpu.memory_space<vmem>> -> memref<1x128x128xf32, #tpu.memory_space<vmem>>
        %parallel_loop3A_1030 = tpu.memref_squeeze %parallel_loop3A_1029 : memref<1x128x128xf32, #tpu.memory_space<vmem>> -> memref<128x128xf32, #tpu.memory_space<vmem>>
        %parallel_loop3A_1031 = tpu.vector_load_idx %parallel_loop3A_1030[%add3A_585, %parallel_loop3A_1025] : memref<128x128xf32, #tpu.memory_space<vmem>>[vector<16xi32>, vector<16xi32>], vector<16xf32>,
        %parallel_loop3A_1032 = arith.index_cast %rem3A_136 : i32 to index
        %parallel_loop3A_1033 = arith.index_cast %parallel_loop3A_1024 : i32 to index
        %parallel_loop3A_1034 = arith.constant 224 : index
        %parallel_loop3A_1035 = tpu.vector_load %arg8[%parallel_loop3A_1032, %parallel_loop3A_1033, %parallel_loop3A_1034] {strides = array<i32>} : memref<2x32x512xf32, #tpu.memory_space<vmem>>, vector<16xf32>,
        tpu.vector_store %arg8[%parallel_loop3A_1032, %parallel_loop3A_1033, %parallel_loop3A_1034], %parallel_loop3A_1031 {strides = array<i32>} : memref<2x32x512xf32, #tpu.memory_space<vmem>>, vector<16xf32>,
        %parallel_loop3A_1036 = arith.constant 1 : i32
        %parallel_loop3A_1037 = vector.broadcast %parallel_loop3A_1036 : i32 to vector<16xi32>
        %parallel_loop3A_1038 = arith.addi %parallel_loop3A_1025, %parallel_loop3A_1037 : vector<16xi32>
        scf.yield %parallel_loop3A_1038 : vector<16xi32>
      } {sc.loop_unroll_factor = 8 : i64, sc.parallel_access}
      %iota3A_599 = tpu.iota {dimensions = array<i32: 0>} : vector<16xi32>
      %add3A_600 = arith.constant 112 : i32
      %add3A_601 = vector.broadcast %add3A_600 : i32 to vector<16xi32>
      %add3A_602 = arith.addi %iota3A_599, %add3A_601 : vector<16xi32>
      %get3A_603 = arith.index_cast %scan3A_135 : i32 to index
      %get3A_604 = arith.constant 240 : index
      %get3A_605 = tpu.vector_load %arg5[%get3A_603, %get3A_604] {strides = array<i32>} : memref<26x512xi32, #tpu.memory_space<vmem>>, vector<16xi32>,
      %and3A_606 = arith.constant 3 : i32
      %and3A_607 = vector.broadcast %and3A_606 : i32 to vector<16xi32>
      %and3A_608 = arith.andi %get3A_605, %and3A_607 : vector<16xi32>
      %mul3A_609 = arith.constant 32 : i32
      %mul3A_610 = vector.broadcast %mul3A_609 : i32 to vector<16xi32>
      %mul3A_611 = arith.muli %and3A_608, %mul3A_610 : vector<16xi32>
      %parallel_loop3A_612 = arith.constant 0 : i32
      %parallel_loop3A_613 = arith.constant 32 : i32
      %parallel_loop3A_614 = arith.constant 1 : i32
      %parallel_loop3A_615 = scf.for %parallel_loop3A_1024 = %parallel_loop3A_612 to %parallel_loop3A_613 step %parallel_loop3A_614 iter_args(%parallel_loop3A_1025 = %mul3A_611) -> (vector<16xi32>)  : i32 {
        %parallel_loop3A_1026 = arith.constant 1 : i32
        %parallel_loop3A_1027 = arith.constant 0 : i32
        %parallel_loop3A_1028 = arith.constant 0 : i32
        %parallel_loop3A_1029 = tpu.memref_slice %arg7[%parallel_loop3A_1026, %parallel_loop3A_1027, %parallel_loop3A_1028] : memref<2x128x128xf32, #tpu.memory_space<vmem>> -> memref<1x128x128xf32, #tpu.memory_space<vmem>>
        %parallel_loop3A_1030 = tpu.memref_squeeze %parallel_loop3A_1029 : memref<1x128x128xf32, #tpu.memory_space<vmem>> -> memref<128x128xf32, #tpu.memory_space<vmem>>
        %parallel_loop3A_1031 = tpu.vector_load_idx %parallel_loop3A_1030[%add3A_602, %parallel_loop3A_1025] : memref<128x128xf32, #tpu.memory_space<vmem>>[vector<16xi32>, vector<16xi32>], vector<16xf32>,
        %parallel_loop3A_1032 = arith.index_cast %rem3A_136 : i32 to index
        %parallel_loop3A_1033 = arith.index_cast %parallel_loop3A_1024 : i32 to index
        %parallel_loop3A_1034 = arith.constant 240 : index
        %parallel_loop3A_1035 = tpu.vector_load %arg8[%parallel_loop3A_1032, %parallel_loop3A_1033, %parallel_loop3A_1034] {strides = array<i32>} : memref<2x32x512xf32, #tpu.memory_space<vmem>>, vector<16xf32>,
        tpu.vector_store %arg8[%parallel_loop3A_1032, %parallel_loop3A_1033, %parallel_loop3A_1034], %parallel_loop3A_1031 {strides = array<i32>} : memref<2x32x512xf32, #tpu.memory_space<vmem>>, vector<16xf32>,
        %parallel_loop3A_1036 = arith.constant 1 : i32
        %parallel_loop3A_1037 = vector.broadcast %parallel_loop3A_1036 : i32 to vector<16xi32>
        %parallel_loop3A_1038 = arith.addi %parallel_loop3A_1025, %parallel_loop3A_1037 : vector<16xi32>
        scf.yield %parallel_loop3A_1038 : vector<16xi32>
      } {sc.loop_unroll_factor = 8 : i64, sc.parallel_access}
      %dma_wait3A_616 = arith.constant 0 : i32
      %dma_wait3A_617 = arith.constant 0 : i32
      %dma_wait3A_618 = arith.constant 0 : i32
      %dma_wait3A_619 = arith.constant 0 : i32
      %dma_wait3A_620 = tpu.memref_slice %arg7[%dma_wait3A_617, %dma_wait3A_618, %dma_wait3A_619] : memref<2x128x128xf32, #tpu.memory_space<vmem>> -> memref<1x128x128xf32, #tpu.memory_space<vmem>>
      %dma_wait3A_621 = tpu.memref_squeeze %dma_wait3A_620 : memref<1x128x128xf32, #tpu.memory_space<vmem>> -> memref<128x128xf32, #tpu.memory_space<vmem>>
      %dma_wait3A_622 = arith.constant 0 : i32
      %dma_wait3A_623 = tpu.memref_slice %arg6[%dma_wait3A_616, %dma_wait3A_622] : memref<2x128xi32, #tpu.memory_space<vmem>> -> memref<1x128xi32, #tpu.memory_space<vmem>>
      %dma_wait3A_624 = tpu.memref_squeeze %dma_wait3A_623 : memref<1x128xi32, #tpu.memory_space<vmem>> -> memref<128xi32, #tpu.memory_space<vmem>>
      %dma_wait3A_625 = arith.constant 0 : i32
      %dma_wait3A_626 = arith.constant 0 : i32
      %dma_wait3A_627 = tpu.memref_slice %arg3[%dma_wait3A_625, %dma_wait3A_626] : memref<250000x128xf32, #tpu.memory_space<hbm>> -> memref<250000x128xf32, #tpu.memory_space<hbm>>
      tpu.wait_indirect_dma semaphore(%arg9 : memref<!tpu.dma_semaphore, #tpu.memory_space<semaphore_mem>>) src(%dma_wait3A_627 : memref<250000x128xf32, #tpu.memory_space<hbm>>) dst(%dma_wait3A_621 : memref<128x128xf32, #tpu.memory_space<vmem>>)
      %get3A_628 = arith.index_cast %scan3A_135 : i32 to index
      %get3A_629 = arith.constant 384 : index
      %get3A_630 = tpu.vector_load %arg5[%get3A_628, %get3A_629] {strides = array<i32>} : memref<26x512xi32, #tpu.memory_space<vmem>>, vector<16xi32>,
      %shift_right_logical3A_631 = arith.constant 2 : i32
      %shift_right_logical3A_632 = vector.broadcast %shift_right_logical3A_631 : i32 to vector<16xi32>
      %shift_right_logical3A_633 = arith.shrui %get3A_630, %shift_right_logical3A_632 : vector<16xi32>
      %swap3A_634 = arith.constant 1 : i32
      %swap3A_635 = arith.index_cast %swap3A_634 : i32 to index
      %swap3A_636 = arith.constant 0 : index
      %swap3A_637 = tpu.vector_load %arg6[%swap3A_635, %swap3A_636] {strides = array<i32>} : memref<2x128xi32, #tpu.memory_space<vmem>>, vector<16xi32>,
      tpu.vector_store %arg6[%swap3A_635, %swap3A_636], %shift_right_logical3A_633 {strides = array<i32>} : memref<2x128xi32, #tpu.memory_space<vmem>>, vector<16xi32>,
      %get3A_638 = arith.index_cast %scan3A_135 : i32 to index
      %get3A_639 = arith.constant 400 : index
      %get3A_640 = tpu.vector_load %arg5[%get3A_638, %get3A_639] {strides = array<i32>} : memref<26x512xi32, #tpu.memory_space<vmem>>, vector<16xi32>,
      %shift_right_logical3A_641 = arith.constant 2 : i32
      %shift_right_logical3A_642 = vector.broadcast %shift_right_logical3A_641 : i32 to vector<16xi32>
      %shift_right_logical3A_643 = arith.shrui %get3A_640, %shift_right_logical3A_642 : vector<16xi32>
      %swap3A_644 = arith.constant 1 : i32
      %swap3A_645 = arith.index_cast %swap3A_644 : i32 to index
      %swap3A_646 = arith.constant 16 : index
      %swap3A_647 = tpu.vector_load %arg6[%swap3A_645, %swap3A_646] {strides = array<i32>} : memref<2x128xi32, #tpu.memory_space<vmem>>, vector<16xi32>,
      tpu.vector_store %arg6[%swap3A_645, %swap3A_646], %shift_right_logical3A_643 {strides = array<i32>} : memref<2x128xi32, #tpu.memory_space<vmem>>, vector<16xi32>,
      %get3A_648 = arith.index_cast %scan3A_135 : i32 to index
      %get3A_649 = arith.constant 416 : index
      %get3A_650 = tpu.vector_load %arg5[%get3A_648, %get3A_649] {strides = array<i32>} : memref<26x512xi32, #tpu.memory_space<vmem>>, vector<16xi32>,
      %shift_right_logical3A_651 = arith.constant 2 : i32
      %shift_right_logical3A_652 = vector.broadcast %shift_right_logical3A_651 : i32 to vector<16xi32>
      %shift_right_logical3A_653 = arith.shrui %get3A_650, %shift_right_logical3A_652 : vector<16xi32>
      %swap3A_654 = arith.constant 1 : i32
      %swap3A_655 = arith.index_cast %swap3A_654 : i32 to index
      %swap3A_656 = arith.constant 32 : index
      %swap3A_657 = tpu.vector_load %arg6[%swap3A_655, %swap3A_656] {strides = array<i32>} : memref<2x128xi32, #tpu.memory_space<vmem>>, vector<16xi32>,
      tpu.vector_store %arg6[%swap3A_655, %swap3A_656], %shift_right_logical3A_653 {strides = array<i32>} : memref<2x128xi32, #tpu.memory_space<vmem>>, vector<16xi32>,
      %get3A_658 = arith.index_cast %scan3A_135 : i32 to index
      %get3A_659 = arith.constant 432 : index
      %get3A_660 = tpu.vector_load %arg5[%get3A_658, %get3A_659] {strides = array<i32>} : memref<26x512xi32, #tpu.memory_space<vmem>>, vector<16xi32>,
      %shift_right_logical3A_661 = arith.constant 2 : i32
      %shift_right_logical3A_662 = vector.broadcast %shift_right_logical3A_661 : i32 to vector<16xi32>
      %shift_right_logical3A_663 = arith.shrui %get3A_660, %shift_right_logical3A_662 : vector<16xi32>
      %swap3A_664 = arith.constant 1 : i32
      %swap3A_665 = arith.index_cast %swap3A_664 : i32 to index
      %swap3A_666 = arith.constant 48 : index
      %swap3A_667 = tpu.vector_load %arg6[%swap3A_665, %swap3A_666] {strides = array<i32>} : memref<2x128xi32, #tpu.memory_space<vmem>>, vector<16xi32>,
      tpu.vector_store %arg6[%swap3A_665, %swap3A_666], %shift_right_logical3A_663 {strides = array<i32>} : memref<2x128xi32, #tpu.memory_space<vmem>>, vector<16xi32>,
      %get3A_668 = arith.index_cast %scan3A_135 : i32 to index
      %get3A_669 = arith.constant 448 : index
      %get3A_670 = tpu.vector_load %arg5[%get3A_668, %get3A_669] {strides = array<i32>} : memref<26x512xi32, #tpu.memory_space<vmem>>, vector<16xi32>,
      %shift_right_logical3A_671 = arith.constant 2 : i32
      %shift_right_logical3A_672 = vector.broadcast %shift_right_logical3A_671 : i32 to vector<16xi32>
      %shift_right_logical3A_673 = arith.shrui %get3A_670, %shift_right_logical3A_672 : vector<16xi32>
      %swap3A_674 = arith.constant 1 : i32
      %swap3A_675 = arith.index_cast %swap3A_674 : i32 to index
      %swap3A_676 = arith.constant 64 : index
      %swap3A_677 = tpu.vector_load %arg6[%swap3A_675, %swap3A_676] {strides = array<i32>} : memref<2x128xi32, #tpu.memory_space<vmem>>, vector<16xi32>,
      tpu.vector_store %arg6[%swap3A_675, %swap3A_676], %shift_right_logical3A_673 {strides = array<i32>} : memref<2x128xi32, #tpu.memory_space<vmem>>, vector<16xi32>,
      %get3A_678 = arith.index_cast %scan3A_135 : i32 to index
      %get3A_679 = arith.constant 464 : index
      %get3A_680 = tpu.vector_load %arg5[%get3A_678, %get3A_679] {strides = array<i32>} : memref<26x512xi32, #tpu.memory_space<vmem>>, vector<16xi32>,
      %shift_right_logical3A_681 = arith.constant 2 : i32
      %shift_right_logical3A_682 = vector.broadcast %shift_right_logical3A_681 : i32 to vector<16xi32>
      %shift_right_logical3A_683 = arith.shrui %get3A_680, %shift_right_logical3A_682 : vector<16xi32>
      %swap3A_684 = arith.constant 1 : i32
      %swap3A_685 = arith.index_cast %swap3A_684 : i32 to index
      %swap3A_686 = arith.constant 80 : index
      %swap3A_687 = tpu.vector_load %arg6[%swap3A_685, %swap3A_686] {strides = array<i32>} : memref<2x128xi32, #tpu.memory_space<vmem>>, vector<16xi32>,
      tpu.vector_store %arg6[%swap3A_685, %swap3A_686], %shift_right_logical3A_683 {strides = array<i32>} : memref<2x128xi32, #tpu.memory_space<vmem>>, vector<16xi32>,
      %get3A_688 = arith.index_cast %scan3A_135 : i32 to index
      %get3A_689 = arith.constant 480 : index
      %get3A_690 = tpu.vector_load %arg5[%get3A_688, %get3A_689] {strides = array<i32>} : memref<26x512xi32, #tpu.memory_space<vmem>>, vector<16xi32>,
      %shift_right_logical3A_691 = arith.constant 2 : i32
      %shift_right_logical3A_692 = vector.broadcast %shift_right_logical3A_691 : i32 to vector<16xi32>
      %shift_right_logical3A_693 = arith.shrui %get3A_690, %shift_right_logical3A_692 : vector<16xi32>
      %swap3A_694 = arith.constant 1 : i32
      %swap3A_695 = arith.index_cast %swap3A_694 : i32 to index
      %swap3A_696 = arith.constant 96 : index
      %swap3A_697 = tpu.vector_load %arg6[%swap3A_695, %swap3A_696] {strides = array<i32>} : memref<2x128xi32, #tpu.memory_space<vmem>>, vector<16xi32>,
      tpu.vector_store %arg6[%swap3A_695, %swap3A_696], %shift_right_logical3A_693 {strides = array<i32>} : memref<2x128xi32, #tpu.memory_space<vmem>>, vector<16xi32>,
      %get3A_698 = arith.index_cast %scan3A_135 : i32 to index
      %get3A_699 = arith.constant 496 : index
      %get3A_700 = tpu.vector_load %arg5[%get3A_698, %get3A_699] {strides = array<i32>} : memref<26x512xi32, #tpu.memory_space<vmem>>, vector<16xi32>,
      %shift_right_logical3A_701 = arith.constant 2 : i32
      %shift_right_logical3A_702 = vector.broadcast %shift_right_logical3A_701 : i32 to vector<16xi32>
      %shift_right_logical3A_703 = arith.shrui %get3A_700, %shift_right_logical3A_702 : vector<16xi32>
      %swap3A_704 = arith.constant 1 : i32
      %swap3A_705 = arith.index_cast %swap3A_704 : i32 to index
      %swap3A_706 = arith.constant 112 : index
      %swap3A_707 = tpu.vector_load %arg6[%swap3A_705, %swap3A_706] {strides = array<i32>} : memref<2x128xi32, #tpu.memory_space<vmem>>, vector<16xi32>,
      tpu.vector_store %arg6[%swap3A_705, %swap3A_706], %shift_right_logical3A_703 {strides = array<i32>} : memref<2x128xi32, #tpu.memory_space<vmem>>, vector<16xi32>,
      %dma_start3A_708 = arith.constant 1 : i32
      %dma_start3A_709 = arith.constant 1 : i32
      %dma_start3A_710 = arith.constant 0 : i32
      %dma_start3A_711 = arith.constant 0 : i32
      %dma_start3A_712 = tpu.memref_slice %arg7[%dma_start3A_709, %dma_start3A_710, %dma_start3A_711] : memref<2x128x128xf32, #tpu.memory_space<vmem>> -> memref<1x128x128xf32, #tpu.memory_space<vmem>>
      %dma_start3A_713 = tpu.memref_squeeze %dma_start3A_712 : memref<1x128x128xf32, #tpu.memory_space<vmem>> -> memref<128x128xf32, #tpu.memory_space<vmem>>
      %dma_start3A_714 = arith.constant 0 : i32
      %dma_start3A_715 = tpu.memref_slice %arg6[%dma_start3A_708, %dma_start3A_714] : memref<2x128xi32, #tpu.memory_space<vmem>> -> memref<1x128xi32, #tpu.memory_space<vmem>>
      %dma_start3A_716 = tpu.memref_squeeze %dma_start3A_715 : memref<1x128xi32, #tpu.memory_space<vmem>> -> memref<128xi32, #tpu.memory_space<vmem>>
      %dma_start3A_717 = arith.constant 0 : i32
      %dma_start3A_718 = arith.constant 0 : i32
      %dma_start3A_719 = tpu.memref_slice %arg3[%dma_start3A_717, %dma_start3A_718] : memref<250000x128xf32, #tpu.memory_space<hbm>> -> memref<250000x128xf32, #tpu.memory_space<hbm>>
      tpu.enqueue_indirect_dma source(%dma_start3A_719 : memref<250000x128xf32, #tpu.memory_space<hbm>>) target(%dma_start3A_713 : memref<128x128xf32, #tpu.memory_space<vmem>>) offsets(%dma_start3A_716 : memref<128xi32, #tpu.memory_space<vmem>>) semaphore(%arg9 : memref<!tpu.dma_semaphore, #tpu.memory_space<semaphore_mem>>)
      %iota3A_720 = tpu.iota {dimensions = array<i32: 0>} : vector<16xi32>
      %add3A_721 = arith.constant 0 : i32
      %add3A_722 = vector.broadcast %add3A_721 : i32 to vector<16xi32>
      %add3A_723 = arith.addi %iota3A_720, %add3A_722 : vector<16xi32>
      %get3A_724 = arith.index_cast %scan3A_135 : i32 to index
      %get3A_725 = arith.constant 256 : index
      %get3A_726 = tpu.vector_load %arg5[%get3A_724, %get3A_725] {strides = array<i32>} : memref<26x512xi32, #tpu.memory_space<vmem>>, vector<16xi32>,
      %and3A_727 = arith.constant 3 : i32
      %and3A_728 = vector.broadcast %and3A_727 : i32 to vector<16xi32>
      %and3A_729 = arith.andi %get3A_726, %and3A_728 : vector<16xi32>
      %mul3A_730 = arith.constant 32 : i32
      %mul3A_731 = vector.broadcast %mul3A_730 : i32 to vector<16xi32>
      %mul3A_732 = arith.muli %and3A_729, %mul3A_731 : vector<16xi32>
      %parallel_loop3A_733 = arith.constant 0 : i32
      %parallel_loop3A_734 = arith.constant 32 : i32
      %parallel_loop3A_735 = arith.constant 1 : i32
      %parallel_loop3A_736 = scf.for %parallel_loop3A_1024 = %parallel_loop3A_733 to %parallel_loop3A_734 step %parallel_loop3A_735 iter_args(%parallel_loop3A_1025 = %mul3A_732) -> (vector<16xi32>)  : i32 {
        %parallel_loop3A_1026 = arith.constant 0 : i32
        %parallel_loop3A_1027 = arith.constant 0 : i32
        %parallel_loop3A_1028 = arith.constant 0 : i32
        %parallel_loop3A_1029 = tpu.memref_slice %arg7[%parallel_loop3A_1026, %parallel_loop3A_1027, %parallel_loop3A_1028] : memref<2x128x128xf32, #tpu.memory_space<vmem>> -> memref<1x128x128xf32, #tpu.memory_space<vmem>>
        %parallel_loop3A_1030 = tpu.memref_squeeze %parallel_loop3A_1029 : memref<1x128x128xf32, #tpu.memory_space<vmem>> -> memref<128x128xf32, #tpu.memory_space<vmem>>
        %parallel_loop3A_1031 = tpu.vector_load_idx %parallel_loop3A_1030[%add3A_723, %parallel_loop3A_1025] : memref<128x128xf32, #tpu.memory_space<vmem>>[vector<16xi32>, vector<16xi32>], vector<16xf32>,
        %parallel_loop3A_1032 = arith.index_cast %rem3A_136 : i32 to index
        %parallel_loop3A_1033 = arith.index_cast %parallel_loop3A_1024 : i32 to index
        %parallel_loop3A_1034 = arith.constant 256 : index
        %parallel_loop3A_1035 = tpu.vector_load %arg8[%parallel_loop3A_1032, %parallel_loop3A_1033, %parallel_loop3A_1034] {strides = array<i32>} : memref<2x32x512xf32, #tpu.memory_space<vmem>>, vector<16xf32>,
        tpu.vector_store %arg8[%parallel_loop3A_1032, %parallel_loop3A_1033, %parallel_loop3A_1034], %parallel_loop3A_1031 {strides = array<i32>} : memref<2x32x512xf32, #tpu.memory_space<vmem>>, vector<16xf32>,
        %parallel_loop3A_1036 = arith.constant 1 : i32
        %parallel_loop3A_1037 = vector.broadcast %parallel_loop3A_1036 : i32 to vector<16xi32>
        %parallel_loop3A_1038 = arith.addi %parallel_loop3A_1025, %parallel_loop3A_1037 : vector<16xi32>
        scf.yield %parallel_loop3A_1038 : vector<16xi32>
      } {sc.loop_unroll_factor = 8 : i64, sc.parallel_access}
      %iota3A_737 = tpu.iota {dimensions = array<i32: 0>} : vector<16xi32>
      %add3A_738 = arith.constant 16 : i32
      %add3A_739 = vector.broadcast %add3A_738 : i32 to vector<16xi32>
      %add3A_740 = arith.addi %iota3A_737, %add3A_739 : vector<16xi32>
      %get3A_741 = arith.index_cast %scan3A_135 : i32 to index
      %get3A_742 = arith.constant 272 : index
      %get3A_743 = tpu.vector_load %arg5[%get3A_741, %get3A_742] {strides = array<i32>} : memref<26x512xi32, #tpu.memory_space<vmem>>, vector<16xi32>,
      %and3A_744 = arith.constant 3 : i32
      %and3A_745 = vector.broadcast %and3A_744 : i32 to vector<16xi32>
      %and3A_746 = arith.andi %get3A_743, %and3A_745 : vector<16xi32>
      %mul3A_747 = arith.constant 32 : i32
      %mul3A_748 = vector.broadcast %mul3A_747 : i32 to vector<16xi32>
      %mul3A_749 = arith.muli %and3A_746, %mul3A_748 : vector<16xi32>
      %parallel_loop3A_750 = arith.constant 0 : i32
      %parallel_loop3A_751 = arith.constant 32 : i32
      %parallel_loop3A_752 = arith.constant 1 : i32
      %parallel_loop3A_753 = scf.for %parallel_loop3A_1024 = %parallel_loop3A_750 to %parallel_loop3A_751 step %parallel_loop3A_752 iter_args(%parallel_loop3A_1025 = %mul3A_749) -> (vector<16xi32>)  : i32 {
        %parallel_loop3A_1026 = arith.constant 0 : i32
        %parallel_loop3A_1027 = arith.constant 0 : i32
        %parallel_loop3A_1028 = arith.constant 0 : i32
        %parallel_loop3A_1029 = tpu.memref_slice %arg7[%parallel_loop3A_1026, %parallel_loop3A_1027, %parallel_loop3A_1028] : memref<2x128x128xf32, #tpu.memory_space<vmem>> -> memref<1x128x128xf32, #tpu.memory_space<vmem>>
        %parallel_loop3A_1030 = tpu.memref_squeeze %parallel_loop3A_1029 : memref<1x128x128xf32, #tpu.memory_space<vmem>> -> memref<128x128xf32, #tpu.memory_space<vmem>>
        %parallel_loop3A_1031 = tpu.vector_load_idx %parallel_loop3A_1030[%add3A_740, %parallel_loop3A_1025] : memref<128x128xf32, #tpu.memory_space<vmem>>[vector<16xi32>, vector<16xi32>], vector<16xf32>,
        %parallel_loop3A_1032 = arith.index_cast %rem3A_136 : i32 to index
        %parallel_loop3A_1033 = arith.index_cast %parallel_loop3A_1024 : i32 to index
        %parallel_loop3A_1034 = arith.constant 272 : index
        %parallel_loop3A_1035 = tpu.vector_load %arg8[%parallel_loop3A_1032, %parallel_loop3A_1033, %parallel_loop3A_1034] {strides = array<i32>} : memref<2x32x512xf32, #tpu.memory_space<vmem>>, vector<16xf32>,
        tpu.vector_store %arg8[%parallel_loop3A_1032, %parallel_loop3A_1033, %parallel_loop3A_1034], %parallel_loop3A_1031 {strides = array<i32>} : memref<2x32x512xf32, #tpu.memory_space<vmem>>, vector<16xf32>,
        %parallel_loop3A_1036 = arith.constant 1 : i32
        %parallel_loop3A_1037 = vector.broadcast %parallel_loop3A_1036 : i32 to vector<16xi32>
        %parallel_loop3A_1038 = arith.addi %parallel_loop3A_1025, %parallel_loop3A_1037 : vector<16xi32>
        scf.yield %parallel_loop3A_1038 : vector<16xi32>
      } {sc.loop_unroll_factor = 8 : i64, sc.parallel_access}
      %iota3A_754 = tpu.iota {dimensions = array<i32: 0>} : vector<16xi32>
      %add3A_755 = arith.constant 32 : i32
      %add3A_756 = vector.broadcast %add3A_755 : i32 to vector<16xi32>
      %add3A_757 = arith.addi %iota3A_754, %add3A_756 : vector<16xi32>
      %get3A_758 = arith.index_cast %scan3A_135 : i32 to index
      %get3A_759 = arith.constant 288 : index
      %get3A_760 = tpu.vector_load %arg5[%get3A_758, %get3A_759] {strides = array<i32>} : memref<26x512xi32, #tpu.memory_space<vmem>>, vector<16xi32>,
      %and3A_761 = arith.constant 3 : i32
      %and3A_762 = vector.broadcast %and3A_761 : i32 to vector<16xi32>
      %and3A_763 = arith.andi %get3A_760, %and3A_762 : vector<16xi32>
      %mul3A_764 = arith.constant 32 : i32
      %mul3A_765 = vector.broadcast %mul3A_764 : i32 to vector<16xi32>
      %mul3A_766 = arith.muli %and3A_763, %mul3A_765 : vector<16xi32>
      %parallel_loop3A_767 = arith.constant 0 : i32
      %parallel_loop3A_768 = arith.constant 32 : i32
      %parallel_loop3A_769 = arith.constant 1 : i32
      %parallel_loop3A_770 = scf.for %parallel_loop3A_1024 = %parallel_loop3A_767 to %parallel_loop3A_768 step %parallel_loop3A_769 iter_args(%parallel_loop3A_1025 = %mul3A_766) -> (vector<16xi32>)  : i32 {
        %parallel_loop3A_1026 = arith.constant 0 : i32
        %parallel_loop3A_1027 = arith.constant 0 : i32
        %parallel_loop3A_1028 = arith.constant 0 : i32
        %parallel_loop3A_1029 = tpu.memref_slice %arg7[%parallel_loop3A_1026, %parallel_loop3A_1027, %parallel_loop3A_1028] : memref<2x128x128xf32, #tpu.memory_space<vmem>> -> memref<1x128x128xf32, #tpu.memory_space<vmem>>
        %parallel_loop3A_1030 = tpu.memref_squeeze %parallel_loop3A_1029 : memref<1x128x128xf32, #tpu.memory_space<vmem>> -> memref<128x128xf32, #tpu.memory_space<vmem>>
        %parallel_loop3A_1031 = tpu.vector_load_idx %parallel_loop3A_1030[%add3A_757, %parallel_loop3A_1025] : memref<128x128xf32, #tpu.memory_space<vmem>>[vector<16xi32>, vector<16xi32>], vector<16xf32>,
        %parallel_loop3A_1032 = arith.index_cast %rem3A_136 : i32 to index
        %parallel_loop3A_1033 = arith.index_cast %parallel_loop3A_1024 : i32 to index
        %parallel_loop3A_1034 = arith.constant 288 : index
        %parallel_loop3A_1035 = tpu.vector_load %arg8[%parallel_loop3A_1032, %parallel_loop3A_1033, %parallel_loop3A_1034] {strides = array<i32>} : memref<2x32x512xf32, #tpu.memory_space<vmem>>, vector<16xf32>,
        tpu.vector_store %arg8[%parallel_loop3A_1032, %parallel_loop3A_1033, %parallel_loop3A_1034], %parallel_loop3A_1031 {strides = array<i32>} : memref<2x32x512xf32, #tpu.memory_space<vmem>>, vector<16xf32>,
        %parallel_loop3A_1036 = arith.constant 1 : i32
        %parallel_loop3A_1037 = vector.broadcast %parallel_loop3A_1036 : i32 to vector<16xi32>
        %parallel_loop3A_1038 = arith.addi %parallel_loop3A_1025, %parallel_loop3A_1037 : vector<16xi32>
        scf.yield %parallel_loop3A_1038 : vector<16xi32>
      } {sc.loop_unroll_factor = 8 : i64, sc.parallel_access}
      %iota3A_771 = tpu.iota {dimensions = array<i32: 0>} : vector<16xi32>
      %add3A_772 = arith.constant 48 : i32
      %add3A_773 = vector.broadcast %add3A_772 : i32 to vector<16xi32>
      %add3A_774 = arith.addi %iota3A_771, %add3A_773 : vector<16xi32>
      %get3A_775 = arith.index_cast %scan3A_135 : i32 to index
      %get3A_776 = arith.constant 304 : index
      %get3A_777 = tpu.vector_load %arg5[%get3A_775, %get3A_776] {strides = array<i32>} : memref<26x512xi32, #tpu.memory_space<vmem>>, vector<16xi32>,
      %and3A_778 = arith.constant 3 : i32
      %and3A_779 = vector.broadcast %and3A_778 : i32 to vector<16xi32>
      %and3A_780 = arith.andi %get3A_777, %and3A_779 : vector<16xi32>
      %mul3A_781 = arith.constant 32 : i32
      %mul3A_782 = vector.broadcast %mul3A_781 : i32 to vector<16xi32>
      %mul3A_783 = arith.muli %and3A_780, %mul3A_782 : vector<16xi32>
      %parallel_loop3A_784 = arith.constant 0 : i32
      %parallel_loop3A_785 = arith.constant 32 : i32
      %parallel_loop3A_786 = arith.constant 1 : i32
      %parallel_loop3A_787 = scf.for %parallel_loop3A_1024 = %parallel_loop3A_784 to %parallel_loop3A_785 step %parallel_loop3A_786 iter_args(%parallel_loop3A_1025 = %mul3A_783) -> (vector<16xi32>)  : i32 {
        %parallel_loop3A_1026 = arith.constant 0 : i32
        %parallel_loop3A_1027 = arith.constant 0 : i32
        %parallel_loop3A_1028 = arith.constant 0 : i32
        %parallel_loop3A_1029 = tpu.memref_slice %arg7[%parallel_loop3A_1026, %parallel_loop3A_1027, %parallel_loop3A_1028] : memref<2x128x128xf32, #tpu.memory_space<vmem>> -> memref<1x128x128xf32, #tpu.memory_space<vmem>>
        %parallel_loop3A_1030 = tpu.memref_squeeze %parallel_loop3A_1029 : memref<1x128x128xf32, #tpu.memory_space<vmem>> -> memref<128x128xf32, #tpu.memory_space<vmem>>
        %parallel_loop3A_1031 = tpu.vector_load_idx %parallel_loop3A_1030[%add3A_774, %parallel_loop3A_1025] : memref<128x128xf32, #tpu.memory_space<vmem>>[vector<16xi32>, vector<16xi32>], vector<16xf32>,
        %parallel_loop3A_1032 = arith.index_cast %rem3A_136 : i32 to index
        %parallel_loop3A_1033 = arith.index_cast %parallel_loop3A_1024 : i32 to index
        %parallel_loop3A_1034 = arith.constant 304 : index
        %parallel_loop3A_1035 = tpu.vector_load %arg8[%parallel_loop3A_1032, %parallel_loop3A_1033, %parallel_loop3A_1034] {strides = array<i32>} : memref<2x32x512xf32, #tpu.memory_space<vmem>>, vector<16xf32>,
        tpu.vector_store %arg8[%parallel_loop3A_1032, %parallel_loop3A_1033, %parallel_loop3A_1034], %parallel_loop3A_1031 {strides = array<i32>} : memref<2x32x512xf32, #tpu.memory_space<vmem>>, vector<16xf32>,
        %parallel_loop3A_1036 = arith.constant 1 : i32
        %parallel_loop3A_1037 = vector.broadcast %parallel_loop3A_1036 : i32 to vector<16xi32>
        %parallel_loop3A_1038 = arith.addi %parallel_loop3A_1025, %parallel_loop3A_1037 : vector<16xi32>
        scf.yield %parallel_loop3A_1038 : vector<16xi32>
      } {sc.loop_unroll_factor = 8 : i64, sc.parallel_access}
      %iota3A_788 = tpu.iota {dimensions = array<i32: 0>} : vector<16xi32>
      %add3A_789 = arith.constant 64 : i32
      %add3A_790 = vector.broadcast %add3A_789 : i32 to vector<16xi32>
      %add3A_791 = arith.addi %iota3A_788, %add3A_790 : vector<16xi32>
      %get3A_792 = arith.index_cast %scan3A_135 : i32 to index
      %get3A_793 = arith.constant 320 : index
      %get3A_794 = tpu.vector_load %arg5[%get3A_792, %get3A_793] {strides = array<i32>} : memref<26x512xi32, #tpu.memory_space<vmem>>, vector<16xi32>,
      %and3A_795 = arith.constant 3 : i32
      %and3A_796 = vector.broadcast %and3A_795 : i32 to vector<16xi32>
      %and3A_797 = arith.andi %get3A_794, %and3A_796 : vector<16xi32>
      %mul3A_798 = arith.constant 32 : i32
      %mul3A_799 = vector.broadcast %mul3A_798 : i32 to vector<16xi32>
      %mul3A_800 = arith.muli %and3A_797, %mul3A_799 : vector<16xi32>
      %parallel_loop3A_801 = arith.constant 0 : i32
      %parallel_loop3A_802 = arith.constant 32 : i32
      %parallel_loop3A_803 = arith.constant 1 : i32
      %parallel_loop3A_804 = scf.for %parallel_loop3A_1024 = %parallel_loop3A_801 to %parallel_loop3A_802 step %parallel_loop3A_803 iter_args(%parallel_loop3A_1025 = %mul3A_800) -> (vector<16xi32>)  : i32 {
        %parallel_loop3A_1026 = arith.constant 0 : i32
        %parallel_loop3A_1027 = arith.constant 0 : i32
        %parallel_loop3A_1028 = arith.constant 0 : i32
        %parallel_loop3A_1029 = tpu.memref_slice %arg7[%parallel_loop3A_1026, %parallel_loop3A_1027, %parallel_loop3A_1028] : memref<2x128x128xf32, #tpu.memory_space<vmem>> -> memref<1x128x128xf32, #tpu.memory_space<vmem>>
        %parallel_loop3A_1030 = tpu.memref_squeeze %parallel_loop3A_1029 : memref<1x128x128xf32, #tpu.memory_space<vmem>> -> memref<128x128xf32, #tpu.memory_space<vmem>>
        %parallel_loop3A_1031 = tpu.vector_load_idx %parallel_loop3A_1030[%add3A_791, %parallel_loop3A_1025] : memref<128x128xf32, #tpu.memory_space<vmem>>[vector<16xi32>, vector<16xi32>], vector<16xf32>,
        %parallel_loop3A_1032 = arith.index_cast %rem3A_136 : i32 to index
        %parallel_loop3A_1033 = arith.index_cast %parallel_loop3A_1024 : i32 to index
        %parallel_loop3A_1034 = arith.constant 320 : index
        %parallel_loop3A_1035 = tpu.vector_load %arg8[%parallel_loop3A_1032, %parallel_loop3A_1033, %parallel_loop3A_1034] {strides = array<i32>} : memref<2x32x512xf32, #tpu.memory_space<vmem>>, vector<16xf32>,
        tpu.vector_store %arg8[%parallel_loop3A_1032, %parallel_loop3A_1033, %parallel_loop3A_1034], %parallel_loop3A_1031 {strides = array<i32>} : memref<2x32x512xf32, #tpu.memory_space<vmem>>, vector<16xf32>,
        %parallel_loop3A_1036 = arith.constant 1 : i32
        %parallel_loop3A_1037 = vector.broadcast %parallel_loop3A_1036 : i32 to vector<16xi32>
        %parallel_loop3A_1038 = arith.addi %parallel_loop3A_1025, %parallel_loop3A_1037 : vector<16xi32>
        scf.yield %parallel_loop3A_1038 : vector<16xi32>
      } {sc.loop_unroll_factor = 8 : i64, sc.parallel_access}
      %iota3A_805 = tpu.iota {dimensions = array<i32: 0>} : vector<16xi32>
      %add3A_806 = arith.constant 80 : i32
      %add3A_807 = vector.broadcast %add3A_806 : i32 to vector<16xi32>
      %add3A_808 = arith.addi %iota3A_805, %add3A_807 : vector<16xi32>
      %get3A_809 = arith.index_cast %scan3A_135 : i32 to index
      %get3A_810 = arith.constant 336 : index
      %get3A_811 = tpu.vector_load %arg5[%get3A_809, %get3A_810] {strides = array<i32>} : memref<26x512xi32, #tpu.memory_space<vmem>>, vector<16xi32>,
      %and3A_812 = arith.constant 3 : i32
      %and3A_813 = vector.broadcast %and3A_812 : i32 to vector<16xi32>
      %and3A_814 = arith.andi %get3A_811, %and3A_813 : vector<16xi32>
      %mul3A_815 = arith.constant 32 : i32
      %mul3A_816 = vector.broadcast %mul3A_815 : i32 to vector<16xi32>
      %mul3A_817 = arith.muli %and3A_814, %mul3A_816 : vector<16xi32>
      %parallel_loop3A_818 = arith.constant 0 : i32
      %parallel_loop3A_819 = arith.constant 32 : i32
      %parallel_loop3A_820 = arith.constant 1 : i32
      %parallel_loop3A_821 = scf.for %parallel_loop3A_1024 = %parallel_loop3A_818 to %parallel_loop3A_819 step %parallel_loop3A_820 iter_args(%parallel_loop3A_1025 = %mul3A_817) -> (vector<16xi32>)  : i32 {
        %parallel_loop3A_1026 = arith.constant 0 : i32
        %parallel_loop3A_1027 = arith.constant 0 : i32
        %parallel_loop3A_1028 = arith.constant 0 : i32
        %parallel_loop3A_1029 = tpu.memref_slice %arg7[%parallel_loop3A_1026, %parallel_loop3A_1027, %parallel_loop3A_1028] : memref<2x128x128xf32, #tpu.memory_space<vmem>> -> memref<1x128x128xf32, #tpu.memory_space<vmem>>
        %parallel_loop3A_1030 = tpu.memref_squeeze %parallel_loop3A_1029 : memref<1x128x128xf32, #tpu.memory_space<vmem>> -> memref<128x128xf32, #tpu.memory_space<vmem>>
        %parallel_loop3A_1031 = tpu.vector_load_idx %parallel_loop3A_1030[%add3A_808, %parallel_loop3A_1025] : memref<128x128xf32, #tpu.memory_space<vmem>>[vector<16xi32>, vector<16xi32>], vector<16xf32>,
        %parallel_loop3A_1032 = arith.index_cast %rem3A_136 : i32 to index
        %parallel_loop3A_1033 = arith.index_cast %parallel_loop3A_1024 : i32 to index
        %parallel_loop3A_1034 = arith.constant 336 : index
        %parallel_loop3A_1035 = tpu.vector_load %arg8[%parallel_loop3A_1032, %parallel_loop3A_1033, %parallel_loop3A_1034] {strides = array<i32>} : memref<2x32x512xf32, #tpu.memory_space<vmem>>, vector<16xf32>,
        tpu.vector_store %arg8[%parallel_loop3A_1032, %parallel_loop3A_1033, %parallel_loop3A_1034], %parallel_loop3A_1031 {strides = array<i32>} : memref<2x32x512xf32, #tpu.memory_space<vmem>>, vector<16xf32>,
        %parallel_loop3A_1036 = arith.constant 1 : i32
        %parallel_loop3A_1037 = vector.broadcast %parallel_loop3A_1036 : i32 to vector<16xi32>
        %parallel_loop3A_1038 = arith.addi %parallel_loop3A_1025, %parallel_loop3A_1037 : vector<16xi32>
        scf.yield %parallel_loop3A_1038 : vector<16xi32>
      } {sc.loop_unroll_factor = 8 : i64, sc.parallel_access}
      %iota3A_822 = tpu.iota {dimensions = array<i32: 0>} : vector<16xi32>
      %add3A_823 = arith.constant 96 : i32
      %add3A_824 = vector.broadcast %add3A_823 : i32 to vector<16xi32>
      %add3A_825 = arith.addi %iota3A_822, %add3A_824 : vector<16xi32>
      %get3A_826 = arith.index_cast %scan3A_135 : i32 to index
      %get3A_827 = arith.constant 352 : index
      %get3A_828 = tpu.vector_load %arg5[%get3A_826, %get3A_827] {strides = array<i32>} : memref<26x512xi32, #tpu.memory_space<vmem>>, vector<16xi32>,
      %and3A_829 = arith.constant 3 : i32
      %and3A_830 = vector.broadcast %and3A_829 : i32 to vector<16xi32>
      %and3A_831 = arith.andi %get3A_828, %and3A_830 : vector<16xi32>
      %mul3A_832 = arith.constant 32 : i32
      %mul3A_833 = vector.broadcast %mul3A_832 : i32 to vector<16xi32>
      %mul3A_834 = arith.muli %and3A_831, %mul3A_833 : vector<16xi32>
      %parallel_loop3A_835 = arith.constant 0 : i32
      %parallel_loop3A_836 = arith.constant 32 : i32
      %parallel_loop3A_837 = arith.constant 1 : i32
      %parallel_loop3A_838 = scf.for %parallel_loop3A_1024 = %parallel_loop3A_835 to %parallel_loop3A_836 step %parallel_loop3A_837 iter_args(%parallel_loop3A_1025 = %mul3A_834) -> (vector<16xi32>)  : i32 {
        %parallel_loop3A_1026 = arith.constant 0 : i32
        %parallel_loop3A_1027 = arith.constant 0 : i32
        %parallel_loop3A_1028 = arith.constant 0 : i32
        %parallel_loop3A_1029 = tpu.memref_slice %arg7[%parallel_loop3A_1026, %parallel_loop3A_1027, %parallel_loop3A_1028] : memref<2x128x128xf32, #tpu.memory_space<vmem>> -> memref<1x128x128xf32, #tpu.memory_space<vmem>>
        %parallel_loop3A_1030 = tpu.memref_squeeze %parallel_loop3A_1029 : memref<1x128x128xf32, #tpu.memory_space<vmem>> -> memref<128x128xf32, #tpu.memory_space<vmem>>
        %parallel_loop3A_1031 = tpu.vector_load_idx %parallel_loop3A_1030[%add3A_825, %parallel_loop3A_1025] : memref<128x128xf32, #tpu.memory_space<vmem>>[vector<16xi32>, vector<16xi32>], vector<16xf32>,
        %parallel_loop3A_1032 = arith.index_cast %rem3A_136 : i32 to index
        %parallel_loop3A_1033 = arith.index_cast %parallel_loop3A_1024 : i32 to index
        %parallel_loop3A_1034 = arith.constant 352 : index
        %parallel_loop3A_1035 = tpu.vector_load %arg8[%parallel_loop3A_1032, %parallel_loop3A_1033, %parallel_loop3A_1034] {strides = array<i32>} : memref<2x32x512xf32, #tpu.memory_space<vmem>>, vector<16xf32>,
        tpu.vector_store %arg8[%parallel_loop3A_1032, %parallel_loop3A_1033, %parallel_loop3A_1034], %parallel_loop3A_1031 {strides = array<i32>} : memref<2x32x512xf32, #tpu.memory_space<vmem>>, vector<16xf32>,
        %parallel_loop3A_1036 = arith.constant 1 : i32
        %parallel_loop3A_1037 = vector.broadcast %parallel_loop3A_1036 : i32 to vector<16xi32>
        %parallel_loop3A_1038 = arith.addi %parallel_loop3A_1025, %parallel_loop3A_1037 : vector<16xi32>
        scf.yield %parallel_loop3A_1038 : vector<16xi32>
      } {sc.loop_unroll_factor = 8 : i64, sc.parallel_access}
      %iota3A_839 = tpu.iota {dimensions = array<i32: 0>} : vector<16xi32>
      %add3A_840 = arith.constant 112 : i32
      %add3A_841 = vector.broadcast %add3A_840 : i32 to vector<16xi32>
      %add3A_842 = arith.addi %iota3A_839, %add3A_841 : vector<16xi32>
      %get3A_843 = arith.index_cast %scan3A_135 : i32 to index
      %get3A_844 = arith.constant 368 : index
      %get3A_845 = tpu.vector_load %arg5[%get3A_843, %get3A_844] {strides = array<i32>} : memref<26x512xi32, #tpu.memory_space<vmem>>, vector<16xi32>,
      %and3A_846 = arith.constant 3 : i32
      %and3A_847 = vector.broadcast %and3A_846 : i32 to vector<16xi32>
      %and3A_848 = arith.andi %get3A_845, %and3A_847 : vector<16xi32>
      %mul3A_849 = arith.constant 32 : i32
      %mul3A_850 = vector.broadcast %mul3A_849 : i32 to vector<16xi32>
      %mul3A_851 = arith.muli %and3A_848, %mul3A_850 : vector<16xi32>
      %parallel_loop3A_852 = arith.constant 0 : i32
      %parallel_loop3A_853 = arith.constant 32 : i32
      %parallel_loop3A_854 = arith.constant 1 : i32
      %parallel_loop3A_855 = scf.for %parallel_loop3A_1024 = %parallel_loop3A_852 to %parallel_loop3A_853 step %parallel_loop3A_854 iter_args(%parallel_loop3A_1025 = %mul3A_851) -> (vector<16xi32>)  : i32 {
        %parallel_loop3A_1026 = arith.constant 0 : i32
        %parallel_loop3A_1027 = arith.constant 0 : i32
        %parallel_loop3A_1028 = arith.constant 0 : i32
        %parallel_loop3A_1029 = tpu.memref_slice %arg7[%parallel_loop3A_1026, %parallel_loop3A_1027, %parallel_loop3A_1028] : memref<2x128x128xf32, #tpu.memory_space<vmem>> -> memref<1x128x128xf32, #tpu.memory_space<vmem>>
        %parallel_loop3A_1030 = tpu.memref_squeeze %parallel_loop3A_1029 : memref<1x128x128xf32, #tpu.memory_space<vmem>> -> memref<128x128xf32, #tpu.memory_space<vmem>>
        %parallel_loop3A_1031 = tpu.vector_load_idx %parallel_loop3A_1030[%add3A_842, %parallel_loop3A_1025] : memref<128x128xf32, #tpu.memory_space<vmem>>[vector<16xi32>, vector<16xi32>], vector<16xf32>,
        %parallel_loop3A_1032 = arith.index_cast %rem3A_136 : i32 to index
        %parallel_loop3A_1033 = arith.index_cast %parallel_loop3A_1024 : i32 to index
        %parallel_loop3A_1034 = arith.constant 368 : index
        %parallel_loop3A_1035 = tpu.vector_load %arg8[%parallel_loop3A_1032, %parallel_loop3A_1033, %parallel_loop3A_1034] {strides = array<i32>} : memref<2x32x512xf32, #tpu.memory_space<vmem>>, vector<16xf32>,
        tpu.vector_store %arg8[%parallel_loop3A_1032, %parallel_loop3A_1033, %parallel_loop3A_1034], %parallel_loop3A_1031 {strides = array<i32>} : memref<2x32x512xf32, #tpu.memory_space<vmem>>, vector<16xf32>,
        %parallel_loop3A_1036 = arith.constant 1 : i32
        %parallel_loop3A_1037 = vector.broadcast %parallel_loop3A_1036 : i32 to vector<16xi32>
        %parallel_loop3A_1038 = arith.addi %parallel_loop3A_1025, %parallel_loop3A_1037 : vector<16xi32>
        scf.yield %parallel_loop3A_1038 : vector<16xi32>
      } {sc.loop_unroll_factor = 8 : i64, sc.parallel_access}
      %dma_wait3A_856 = arith.constant 0 : i32
      %dma_wait3A_857 = arith.constant 1 : i32
      %dma_wait3A_858 = arith.constant 0 : i32
      %dma_wait3A_859 = arith.constant 0 : i32
      %dma_wait3A_860 = tpu.memref_slice %arg7[%dma_wait3A_857, %dma_wait3A_858, %dma_wait3A_859] : memref<2x128x128xf32, #tpu.memory_space<vmem>> -> memref<1x128x128xf32, #tpu.memory_space<vmem>>
      %dma_wait3A_861 = tpu.memref_squeeze %dma_wait3A_860 : memref<1x128x128xf32, #tpu.memory_space<vmem>> -> memref<128x128xf32, #tpu.memory_space<vmem>>
      %dma_wait3A_862 = arith.constant 0 : i32
      %dma_wait3A_863 = tpu.memref_slice %arg6[%dma_wait3A_856, %dma_wait3A_862] : memref<2x128xi32, #tpu.memory_space<vmem>> -> memref<1x128xi32, #tpu.memory_space<vmem>>
      %dma_wait3A_864 = tpu.memref_squeeze %dma_wait3A_863 : memref<1x128xi32, #tpu.memory_space<vmem>> -> memref<128xi32, #tpu.memory_space<vmem>>
      %dma_wait3A_865 = arith.constant 0 : i32
      %dma_wait3A_866 = arith.constant 0 : i32
      %dma_wait3A_867 = tpu.memref_slice %arg3[%dma_wait3A_865, %dma_wait3A_866] : memref<250000x128xf32, #tpu.memory_space<hbm>> -> memref<250000x128xf32, #tpu.memory_space<hbm>>
      tpu.wait_indirect_dma semaphore(%arg9 : memref<!tpu.dma_semaphore, #tpu.memory_space<semaphore_mem>>) src(%dma_wait3A_867 : memref<250000x128xf32, #tpu.memory_space<hbm>>) dst(%dma_wait3A_861 : memref<128x128xf32, #tpu.memory_space<vmem>>)
      %add3A_868 = arith.constant 1 : i32
      %add3A_869 = arith.addi %scan3A_135, %add3A_868 : i32
      %lt3A = arith.constant 26 : i32
      %lt3A_870 = arith.cmpi slt, %add3A_869, %lt3A : i32
      %convert_element_type3A_871 = arith.extui %lt3A_870 : i1 to i32
      %cond3A_872 = arith.constant 0 : i32
      %cond3A_873 = arith.cmpi ne, %convert_element_type3A_871, %cond3A_872 : i32
      scf.if %cond3A_873 {
        %add3A_1024 = arith.constant 1 : i32
        %add3A_1025 = arith.addi %scan3A_135, %add3A_1024 : i32
        %get3A_1026 = arith.index_cast %add3A_1025 : i32 to index
        %get3A_1027 = arith.constant 0 : index
        %get3A_1028 = tpu.vector_load %arg5[%get3A_1026, %get3A_1027] {strides = array<i32>} : memref<26x512xi32, #tpu.memory_space<vmem>>, vector<16xi32>,
        %shift_right_logical3A_1029 = arith.constant 2 : i32
        %shift_right_logical3A_1030 = vector.broadcast %shift_right_logical3A_1029 : i32 to vector<16xi32>
        %shift_right_logical3A_1031 = arith.shrui %get3A_1028, %shift_right_logical3A_1030 : vector<16xi32>
        %swap3A_1032 = arith.constant 0 : i32
        %swap3A_1033 = arith.index_cast %swap3A_1032 : i32 to index
        %swap3A_1034 = arith.constant 0 : index
        %swap3A_1035 = tpu.vector_load %arg6[%swap3A_1033, %swap3A_1034] {strides = array<i32>} : memref<2x128xi32, #tpu.memory_space<vmem>>, vector<16xi32>,
        tpu.vector_store %arg6[%swap3A_1033, %swap3A_1034], %shift_right_logical3A_1031 {strides = array<i32>} : memref<2x128xi32, #tpu.memory_space<vmem>>, vector<16xi32>,
        %get3A_1036 = arith.index_cast %add3A_1025 : i32 to index
        %get3A_1037 = arith.constant 16 : index
        %get3A_1038 = tpu.vector_load %arg5[%get3A_1036, %get3A_1037] {strides = array<i32>} : memref<26x512xi32, #tpu.memory_space<vmem>>, vector<16xi32>,
        %shift_right_logical3A_1039 = arith.constant 2 : i32
        %shift_right_logical3A_1040 = vector.broadcast %shift_right_logical3A_1039 : i32 to vector<16xi32>
        %shift_right_logical3A_1041 = arith.shrui %get3A_1038, %shift_right_logical3A_1040 : vector<16xi32>
        %swap3A_1042 = arith.constant 0 : i32
        %swap3A_1043 = arith.index_cast %swap3A_1042 : i32 to index
        %swap3A_1044 = arith.constant 16 : index
        %swap3A_1045 = tpu.vector_load %arg6[%swap3A_1043, %swap3A_1044] {strides = array<i32>} : memref<2x128xi32, #tpu.memory_space<vmem>>, vector<16xi32>,
        tpu.vector_store %arg6[%swap3A_1043, %swap3A_1044], %shift_right_logical3A_1041 {strides = array<i32>} : memref<2x128xi32, #tpu.memory_space<vmem>>, vector<16xi32>,
        %get3A_1046 = arith.index_cast %add3A_1025 : i32 to index
        %get3A_1047 = arith.constant 32 : index
        %get3A_1048 = tpu.vector_load %arg5[%get3A_1046, %get3A_1047] {strides = array<i32>} : memref<26x512xi32, #tpu.memory_space<vmem>>, vector<16xi32>,
        %shift_right_logical3A_1049 = arith.constant 2 : i32
        %shift_right_logical3A_1050 = vector.broadcast %shift_right_logical3A_1049 : i32 to vector<16xi32>
        %shift_right_logical3A_1051 = arith.shrui %get3A_1048, %shift_right_logical3A_1050 : vector<16xi32>
        %swap3A_1052 = arith.constant 0 : i32
        %swap3A_1053 = arith.index_cast %swap3A_1052 : i32 to index
        %swap3A_1054 = arith.constant 32 : index
        %swap3A_1055 = tpu.vector_load %arg6[%swap3A_1053, %swap3A_1054] {strides = array<i32>} : memref<2x128xi32, #tpu.memory_space<vmem>>, vector<16xi32>,
        tpu.vector_store %arg6[%swap3A_1053, %swap3A_1054], %shift_right_logical3A_1051 {strides = array<i32>} : memref<2x128xi32, #tpu.memory_space<vmem>>, vector<16xi32>,
        %get3A_1056 = arith.index_cast %add3A_1025 : i32 to index
        %get3A_1057 = arith.constant 48 : index
        %get3A_1058 = tpu.vector_load %arg5[%get3A_1056, %get3A_1057] {strides = array<i32>} : memref<26x512xi32, #tpu.memory_space<vmem>>, vector<16xi32>,
        %shift_right_logical3A_1059 = arith.constant 2 : i32
        %shift_right_logical3A_1060 = vector.broadcast %shift_right_logical3A_1059 : i32 to vector<16xi32>
        %shift_right_logical3A_1061 = arith.shrui %get3A_1058, %shift_right_logical3A_1060 : vector<16xi32>
        %swap3A_1062 = arith.constant 0 : i32
        %swap3A_1063 = arith.index_cast %swap3A_1062 : i32 to index
        %swap3A_1064 = arith.constant 48 : index
        %swap3A_1065 = tpu.vector_load %arg6[%swap3A_1063, %swap3A_1064] {strides = array<i32>} : memref<2x128xi32, #tpu.memory_space<vmem>>, vector<16xi32>,
        tpu.vector_store %arg6[%swap3A_1063, %swap3A_1064], %shift_right_logical3A_1061 {strides = array<i32>} : memref<2x128xi32, #tpu.memory_space<vmem>>, vector<16xi32>,
        %get3A_1066 = arith.index_cast %add3A_1025 : i32 to index
        %get3A_1067 = arith.constant 64 : index
        %get3A_1068 = tpu.vector_load %arg5[%get3A_1066, %get3A_1067] {strides = array<i32>} : memref<26x512xi32, #tpu.memory_space<vmem>>, vector<16xi32>,
        %shift_right_logical3A_1069 = arith.constant 2 : i32
        %shift_right_logical3A_1070 = vector.broadcast %shift_right_logical3A_1069 : i32 to vector<16xi32>
        %shift_right_logical3A_1071 = arith.shrui %get3A_1068, %shift_right_logical3A_1070 : vector<16xi32>
        %swap3A_1072 = arith.constant 0 : i32
        %swap3A_1073 = arith.index_cast %swap3A_1072 : i32 to index
        %swap3A_1074 = arith.constant 64 : index
        %swap3A_1075 = tpu.vector_load %arg6[%swap3A_1073, %swap3A_1074] {strides = array<i32>} : memref<2x128xi32, #tpu.memory_space<vmem>>, vector<16xi32>,
        tpu.vector_store %arg6[%swap3A_1073, %swap3A_1074], %shift_right_logical3A_1071 {strides = array<i32>} : memref<2x128xi32, #tpu.memory_space<vmem>>, vector<16xi32>,
        %get3A_1076 = arith.index_cast %add3A_1025 : i32 to index
        %get3A_1077 = arith.constant 80 : index
        %get3A_1078 = tpu.vector_load %arg5[%get3A_1076, %get3A_1077] {strides = array<i32>} : memref<26x512xi32, #tpu.memory_space<vmem>>, vector<16xi32>,
        %shift_right_logical3A_1079 = arith.constant 2 : i32
        %shift_right_logical3A_1080 = vector.broadcast %shift_right_logical3A_1079 : i32 to vector<16xi32>
        %shift_right_logical3A_1081 = arith.shrui %get3A_1078, %shift_right_logical3A_1080 : vector<16xi32>
        %swap3A_1082 = arith.constant 0 : i32
        %swap3A_1083 = arith.index_cast %swap3A_1082 : i32 to index
        %swap3A_1084 = arith.constant 80 : index
        %swap3A_1085 = tpu.vector_load %arg6[%swap3A_1083, %swap3A_1084] {strides = array<i32>} : memref<2x128xi32, #tpu.memory_space<vmem>>, vector<16xi32>,
        tpu.vector_store %arg6[%swap3A_1083, %swap3A_1084], %shift_right_logical3A_1081 {strides = array<i32>} : memref<2x128xi32, #tpu.memory_space<vmem>>, vector<16xi32>,
        %get3A_1086 = arith.index_cast %add3A_1025 : i32 to index
        %get3A_1087 = arith.constant 96 : index
        %get3A_1088 = tpu.vector_load %arg5[%get3A_1086, %get3A_1087] {strides = array<i32>} : memref<26x512xi32, #tpu.memory_space<vmem>>, vector<16xi32>,
        %shift_right_logical3A_1089 = arith.constant 2 : i32
        %shift_right_logical3A_1090 = vector.broadcast %shift_right_logical3A_1089 : i32 to vector<16xi32>
        %shift_right_logical3A_1091 = arith.shrui %get3A_1088, %shift_right_logical3A_1090 : vector<16xi32>
        %swap3A_1092 = arith.constant 0 : i32
        %swap3A_1093 = arith.index_cast %swap3A_1092 : i32 to index
        %swap3A_1094 = arith.constant 96 : index
        %swap3A_1095 = tpu.vector_load %arg6[%swap3A_1093, %swap3A_1094] {strides = array<i32>} : memref<2x128xi32, #tpu.memory_space<vmem>>, vector<16xi32>,
        tpu.vector_store %arg6[%swap3A_1093, %swap3A_1094], %shift_right_logical3A_1091 {strides = array<i32>} : memref<2x128xi32, #tpu.memory_space<vmem>>, vector<16xi32>,
        %get3A_1096 = arith.index_cast %add3A_1025 : i32 to index
        %get3A_1097 = arith.constant 112 : index
        %get3A_1098 = tpu.vector_load %arg5[%get3A_1096, %get3A_1097] {strides = array<i32>} : memref<26x512xi32, #tpu.memory_space<vmem>>, vector<16xi32>,
        %shift_right_logical3A_1099 = arith.constant 2 : i32
        %shift_right_logical3A_1100 = vector.broadcast %shift_right_logical3A_1099 : i32 to vector<16xi32>
        %shift_right_logical3A_1101 = arith.shrui %get3A_1098, %shift_right_logical3A_1100 : vector<16xi32>
        %swap3A_1102 = arith.constant 0 : i32
        %swap3A_1103 = arith.index_cast %swap3A_1102 : i32 to index
        %swap3A_1104 = arith.constant 112 : index
        %swap3A_1105 = tpu.vector_load %arg6[%swap3A_1103, %swap3A_1104] {strides = array<i32>} : memref<2x128xi32, #tpu.memory_space<vmem>>, vector<16xi32>,
        tpu.vector_store %arg6[%swap3A_1103, %swap3A_1104], %shift_right_logical3A_1101 {strides = array<i32>} : memref<2x128xi32, #tpu.memory_space<vmem>>, vector<16xi32>,
        %dma_start3A_1106 = arith.constant 0 : i32
        %dma_start3A_1107 = arith.constant 0 : i32
        %dma_start3A_1108 = arith.constant 0 : i32
        %dma_start3A_1109 = arith.constant 0 : i32
        %dma_start3A_1110 = tpu.memref_slice %arg7[%dma_start3A_1107, %dma_start3A_1108, %dma_start3A_1109] : memref<2x128x128xf32, #tpu.memory_space<vmem>> -> memref<1x128x128xf32, #tpu.memory_space<vmem>>
        %dma_start3A_1111 = tpu.memref_squeeze %dma_start3A_1110 : memref<1x128x128xf32, #tpu.memory_space<vmem>> -> memref<128x128xf32, #tpu.memory_space<vmem>>
        %dma_start3A_1112 = arith.constant 0 : i32
        %dma_start3A_1113 = tpu.memref_slice %arg6[%dma_start3A_1106, %dma_start3A_1112] : memref<2x128xi32, #tpu.memory_space<vmem>> -> memref<1x128xi32, #tpu.memory_space<vmem>>
        %dma_start3A_1114 = tpu.memref_squeeze %dma_start3A_1113 : memref<1x128xi32, #tpu.memory_space<vmem>> -> memref<128xi32, #tpu.memory_space<vmem>>
        %dma_start3A_1115 = arith.constant 0 : i32
        %dma_start3A_1116 = arith.constant 0 : i32
        %dma_start3A_1117 = tpu.memref_slice %arg3[%dma_start3A_1115, %dma_start3A_1116] : memref<250000x128xf32, #tpu.memory_space<hbm>> -> memref<250000x128xf32, #tpu.memory_space<hbm>>
        tpu.enqueue_indirect_dma source(%dma_start3A_1117 : memref<250000x128xf32, #tpu.memory_space<hbm>>) target(%dma_start3A_1111 : memref<128x128xf32, #tpu.memory_space<vmem>>) offsets(%dma_start3A_1114 : memref<128xi32, #tpu.memory_space<vmem>>) semaphore(%arg9 : memref<!tpu.dma_semaphore, #tpu.memory_space<semaphore_mem>>)
      } else {
      }
      %iota3A_874 = tpu.iota {dimensions = array<i32: 0>} : vector<16xi32>
      %add3A_875 = arith.constant 0 : i32
      %add3A_876 = vector.broadcast %add3A_875 : i32 to vector<16xi32>
      %add3A_877 = arith.addi %iota3A_874, %add3A_876 : vector<16xi32>
      %get3A_878 = arith.index_cast %scan3A_135 : i32 to index
      %get3A_879 = arith.constant 384 : index
      %get3A_880 = tpu.vector_load %arg5[%get3A_878, %get3A_879] {strides = array<i32>} : memref<26x512xi32, #tpu.memory_space<vmem>>, vector<16xi32>,
      %and3A_881 = arith.constant 3 : i32
      %and3A_882 = vector.broadcast %and3A_881 : i32 to vector<16xi32>
      %and3A_883 = arith.andi %get3A_880, %and3A_882 : vector<16xi32>
      %mul3A_884 = arith.constant 32 : i32
      %mul3A_885 = vector.broadcast %mul3A_884 : i32 to vector<16xi32>
      %mul3A_886 = arith.muli %and3A_883, %mul3A_885 : vector<16xi32>
      %parallel_loop3A_887 = arith.constant 0 : i32
      %parallel_loop3A_888 = arith.constant 32 : i32
      %parallel_loop3A_889 = arith.constant 1 : i32
      %parallel_loop3A_890 = scf.for %parallel_loop3A_1024 = %parallel_loop3A_887 to %parallel_loop3A_888 step %parallel_loop3A_889 iter_args(%parallel_loop3A_1025 = %mul3A_886) -> (vector<16xi32>)  : i32 {
        %parallel_loop3A_1026 = arith.constant 1 : i32
        %parallel_loop3A_1027 = arith.constant 0 : i32
        %parallel_loop3A_1028 = arith.constant 0 : i32
        %parallel_loop3A_1029 = tpu.memref_slice %arg7[%parallel_loop3A_1026, %parallel_loop3A_1027, %parallel_loop3A_1028] : memref<2x128x128xf32, #tpu.memory_space<vmem>> -> memref<1x128x128xf32, #tpu.memory_space<vmem>>
        %parallel_loop3A_1030 = tpu.memref_squeeze %parallel_loop3A_1029 : memref<1x128x128xf32, #tpu.memory_space<vmem>> -> memref<128x128xf32, #tpu.memory_space<vmem>>
        %parallel_loop3A_1031 = tpu.vector_load_idx %parallel_loop3A_1030[%add3A_877, %parallel_loop3A_1025] : memref<128x128xf32, #tpu.memory_space<vmem>>[vector<16xi32>, vector<16xi32>], vector<16xf32>,
        %parallel_loop3A_1032 = arith.index_cast %rem3A_136 : i32 to index
        %parallel_loop3A_1033 = arith.index_cast %parallel_loop3A_1024 : i32 to index
        %parallel_loop3A_1034 = arith.constant 384 : index
        %parallel_loop3A_1035 = tpu.vector_load %arg8[%parallel_loop3A_1032, %parallel_loop3A_1033, %parallel_loop3A_1034] {strides = array<i32>} : memref<2x32x512xf32, #tpu.memory_space<vmem>>, vector<16xf32>,
        tpu.vector_store %arg8[%parallel_loop3A_1032, %parallel_loop3A_1033, %parallel_loop3A_1034], %parallel_loop3A_1031 {strides = array<i32>} : memref<2x32x512xf32, #tpu.memory_space<vmem>>, vector<16xf32>,
        %parallel_loop3A_1036 = arith.constant 1 : i32
        %parallel_loop3A_1037 = vector.broadcast %parallel_loop3A_1036 : i32 to vector<16xi32>
        %parallel_loop3A_1038 = arith.addi %parallel_loop3A_1025, %parallel_loop3A_1037 : vector<16xi32>
        scf.yield %parallel_loop3A_1038 : vector<16xi32>
      } {sc.loop_unroll_factor = 8 : i64, sc.parallel_access}
      %iota3A_891 = tpu.iota {dimensions = array<i32: 0>} : vector<16xi32>
      %add3A_892 = arith.constant 16 : i32
      %add3A_893 = vector.broadcast %add3A_892 : i32 to vector<16xi32>
      %add3A_894 = arith.addi %iota3A_891, %add3A_893 : vector<16xi32>
      %get3A_895 = arith.index_cast %scan3A_135 : i32 to index
      %get3A_896 = arith.constant 400 : index
      %get3A_897 = tpu.vector_load %arg5[%get3A_895, %get3A_896] {strides = array<i32>} : memref<26x512xi32, #tpu.memory_space<vmem>>, vector<16xi32>,
      %and3A_898 = arith.constant 3 : i32
      %and3A_899 = vector.broadcast %and3A_898 : i32 to vector<16xi32>
      %and3A_900 = arith.andi %get3A_897, %and3A_899 : vector<16xi32>
      %mul3A_901 = arith.constant 32 : i32
      %mul3A_902 = vector.broadcast %mul3A_901 : i32 to vector<16xi32>
      %mul3A_903 = arith.muli %and3A_900, %mul3A_902 : vector<16xi32>
      %parallel_loop3A_904 = arith.constant 0 : i32
      %parallel_loop3A_905 = arith.constant 32 : i32
      %parallel_loop3A_906 = arith.constant 1 : i32
      %parallel_loop3A_907 = scf.for %parallel_loop3A_1024 = %parallel_loop3A_904 to %parallel_loop3A_905 step %parallel_loop3A_906 iter_args(%parallel_loop3A_1025 = %mul3A_903) -> (vector<16xi32>)  : i32 {
        %parallel_loop3A_1026 = arith.constant 1 : i32
        %parallel_loop3A_1027 = arith.constant 0 : i32
        %parallel_loop3A_1028 = arith.constant 0 : i32
        %parallel_loop3A_1029 = tpu.memref_slice %arg7[%parallel_loop3A_1026, %parallel_loop3A_1027, %parallel_loop3A_1028] : memref<2x128x128xf32, #tpu.memory_space<vmem>> -> memref<1x128x128xf32, #tpu.memory_space<vmem>>
        %parallel_loop3A_1030 = tpu.memref_squeeze %parallel_loop3A_1029 : memref<1x128x128xf32, #tpu.memory_space<vmem>> -> memref<128x128xf32, #tpu.memory_space<vmem>>
        %parallel_loop3A_1031 = tpu.vector_load_idx %parallel_loop3A_1030[%add3A_894, %parallel_loop3A_1025] : memref<128x128xf32, #tpu.memory_space<vmem>>[vector<16xi32>, vector<16xi32>], vector<16xf32>,
        %parallel_loop3A_1032 = arith.index_cast %rem3A_136 : i32 to index
        %parallel_loop3A_1033 = arith.index_cast %parallel_loop3A_1024 : i32 to index
        %parallel_loop3A_1034 = arith.constant 400 : index
        %parallel_loop3A_1035 = tpu.vector_load %arg8[%parallel_loop3A_1032, %parallel_loop3A_1033, %parallel_loop3A_1034] {strides = array<i32>} : memref<2x32x512xf32, #tpu.memory_space<vmem>>, vector<16xf32>,
        tpu.vector_store %arg8[%parallel_loop3A_1032, %parallel_loop3A_1033, %parallel_loop3A_1034], %parallel_loop3A_1031 {strides = array<i32>} : memref<2x32x512xf32, #tpu.memory_space<vmem>>, vector<16xf32>,
        %parallel_loop3A_1036 = arith.constant 1 : i32
        %parallel_loop3A_1037 = vector.broadcast %parallel_loop3A_1036 : i32 to vector<16xi32>
        %parallel_loop3A_1038 = arith.addi %parallel_loop3A_1025, %parallel_loop3A_1037 : vector<16xi32>
        scf.yield %parallel_loop3A_1038 : vector<16xi32>
      } {sc.loop_unroll_factor = 8 : i64, sc.parallel_access}
      %iota3A_908 = tpu.iota {dimensions = array<i32: 0>} : vector<16xi32>
      %add3A_909 = arith.constant 32 : i32
      %add3A_910 = vector.broadcast %add3A_909 : i32 to vector<16xi32>
      %add3A_911 = arith.addi %iota3A_908, %add3A_910 : vector<16xi32>
      %get3A_912 = arith.index_cast %scan3A_135 : i32 to index
      %get3A_913 = arith.constant 416 : index
      %get3A_914 = tpu.vector_load %arg5[%get3A_912, %get3A_913] {strides = array<i32>} : memref<26x512xi32, #tpu.memory_space<vmem>>, vector<16xi32>,
      %and3A_915 = arith.constant 3 : i32
      %and3A_916 = vector.broadcast %and3A_915 : i32 to vector<16xi32>
      %and3A_917 = arith.andi %get3A_914, %and3A_916 : vector<16xi32>
      %mul3A_918 = arith.constant 32 : i32
      %mul3A_919 = vector.broadcast %mul3A_918 : i32 to vector<16xi32>
      %mul3A_920 = arith.muli %and3A_917, %mul3A_919 : vector<16xi32>
      %parallel_loop3A_921 = arith.constant 0 : i32
      %parallel_loop3A_922 = arith.constant 32 : i32
      %parallel_loop3A_923 = arith.constant 1 : i32
      %parallel_loop3A_924 = scf.for %parallel_loop3A_1024 = %parallel_loop3A_921 to %parallel_loop3A_922 step %parallel_loop3A_923 iter_args(%parallel_loop3A_1025 = %mul3A_920) -> (vector<16xi32>)  : i32 {
        %parallel_loop3A_1026 = arith.constant 1 : i32
        %parallel_loop3A_1027 = arith.constant 0 : i32
        %parallel_loop3A_1028 = arith.constant 0 : i32
        %parallel_loop3A_1029 = tpu.memref_slice %arg7[%parallel_loop3A_1026, %parallel_loop3A_1027, %parallel_loop3A_1028] : memref<2x128x128xf32, #tpu.memory_space<vmem>> -> memref<1x128x128xf32, #tpu.memory_space<vmem>>
        %parallel_loop3A_1030 = tpu.memref_squeeze %parallel_loop3A_1029 : memref<1x128x128xf32, #tpu.memory_space<vmem>> -> memref<128x128xf32, #tpu.memory_space<vmem>>
        %parallel_loop3A_1031 = tpu.vector_load_idx %parallel_loop3A_1030[%add3A_911, %parallel_loop3A_1025] : memref<128x128xf32, #tpu.memory_space<vmem>>[vector<16xi32>, vector<16xi32>], vector<16xf32>,
        %parallel_loop3A_1032 = arith.index_cast %rem3A_136 : i32 to index
        %parallel_loop3A_1033 = arith.index_cast %parallel_loop3A_1024 : i32 to index
        %parallel_loop3A_1034 = arith.constant 416 : index
        %parallel_loop3A_1035 = tpu.vector_load %arg8[%parallel_loop3A_1032, %parallel_loop3A_1033, %parallel_loop3A_1034] {strides = array<i32>} : memref<2x32x512xf32, #tpu.memory_space<vmem>>, vector<16xf32>,
        tpu.vector_store %arg8[%parallel_loop3A_1032, %parallel_loop3A_1033, %parallel_loop3A_1034], %parallel_loop3A_1031 {strides = array<i32>} : memref<2x32x512xf32, #tpu.memory_space<vmem>>, vector<16xf32>,
        %parallel_loop3A_1036 = arith.constant 1 : i32
        %parallel_loop3A_1037 = vector.broadcast %parallel_loop3A_1036 : i32 to vector<16xi32>
        %parallel_loop3A_1038 = arith.addi %parallel_loop3A_1025, %parallel_loop3A_1037 : vector<16xi32>
        scf.yield %parallel_loop3A_1038 : vector<16xi32>
      } {sc.loop_unroll_factor = 8 : i64, sc.parallel_access}
      %iota3A_925 = tpu.iota {dimensions = array<i32: 0>} : vector<16xi32>
      %add3A_926 = arith.constant 48 : i32
      %add3A_927 = vector.broadcast %add3A_926 : i32 to vector<16xi32>
      %add3A_928 = arith.addi %iota3A_925, %add3A_927 : vector<16xi32>
      %get3A_929 = arith.index_cast %scan3A_135 : i32 to index
      %get3A_930 = arith.constant 432 : index
      %get3A_931 = tpu.vector_load %arg5[%get3A_929, %get3A_930] {strides = array<i32>} : memref<26x512xi32, #tpu.memory_space<vmem>>, vector<16xi32>,
      %and3A_932 = arith.constant 3 : i32
      %and3A_933 = vector.broadcast %and3A_932 : i32 to vector<16xi32>
      %and3A_934 = arith.andi %get3A_931, %and3A_933 : vector<16xi32>
      %mul3A_935 = arith.constant 32 : i32
      %mul3A_936 = vector.broadcast %mul3A_935 : i32 to vector<16xi32>
      %mul3A_937 = arith.muli %and3A_934, %mul3A_936 : vector<16xi32>
      %parallel_loop3A_938 = arith.constant 0 : i32
      %parallel_loop3A_939 = arith.constant 32 : i32
      %parallel_loop3A_940 = arith.constant 1 : i32
      %parallel_loop3A_941 = scf.for %parallel_loop3A_1024 = %parallel_loop3A_938 to %parallel_loop3A_939 step %parallel_loop3A_940 iter_args(%parallel_loop3A_1025 = %mul3A_937) -> (vector<16xi32>)  : i32 {
        %parallel_loop3A_1026 = arith.constant 1 : i32
        %parallel_loop3A_1027 = arith.constant 0 : i32
        %parallel_loop3A_1028 = arith.constant 0 : i32
        %parallel_loop3A_1029 = tpu.memref_slice %arg7[%parallel_loop3A_1026, %parallel_loop3A_1027, %parallel_loop3A_1028] : memref<2x128x128xf32, #tpu.memory_space<vmem>> -> memref<1x128x128xf32, #tpu.memory_space<vmem>>
        %parallel_loop3A_1030 = tpu.memref_squeeze %parallel_loop3A_1029 : memref<1x128x128xf32, #tpu.memory_space<vmem>> -> memref<128x128xf32, #tpu.memory_space<vmem>>
        %parallel_loop3A_1031 = tpu.vector_load_idx %parallel_loop3A_1030[%add3A_928, %parallel_loop3A_1025] : memref<128x128xf32, #tpu.memory_space<vmem>>[vector<16xi32>, vector<16xi32>], vector<16xf32>,
        %parallel_loop3A_1032 = arith.index_cast %rem3A_136 : i32 to index
        %parallel_loop3A_1033 = arith.index_cast %parallel_loop3A_1024 : i32 to index
        %parallel_loop3A_1034 = arith.constant 432 : index
        %parallel_loop3A_1035 = tpu.vector_load %arg8[%parallel_loop3A_1032, %parallel_loop3A_1033, %parallel_loop3A_1034] {strides = array<i32>} : memref<2x32x512xf32, #tpu.memory_space<vmem>>, vector<16xf32>,
        tpu.vector_store %arg8[%parallel_loop3A_1032, %parallel_loop3A_1033, %parallel_loop3A_1034], %parallel_loop3A_1031 {strides = array<i32>} : memref<2x32x512xf32, #tpu.memory_space<vmem>>, vector<16xf32>,
        %parallel_loop3A_1036 = arith.constant 1 : i32
        %parallel_loop3A_1037 = vector.broadcast %parallel_loop3A_1036 : i32 to vector<16xi32>
        %parallel_loop3A_1038 = arith.addi %parallel_loop3A_1025, %parallel_loop3A_1037 : vector<16xi32>
        scf.yield %parallel_loop3A_1038 : vector<16xi32>
      } {sc.loop_unroll_factor = 8 : i64, sc.parallel_access}
      %iota3A_942 = tpu.iota {dimensions = array<i32: 0>} : vector<16xi32>
      %add3A_943 = arith.constant 64 : i32
      %add3A_944 = vector.broadcast %add3A_943 : i32 to vector<16xi32>
      %add3A_945 = arith.addi %iota3A_942, %add3A_944 : vector<16xi32>
      %get3A_946 = arith.index_cast %scan3A_135 : i32 to index
      %get3A_947 = arith.constant 448 : index
      %get3A_948 = tpu.vector_load %arg5[%get3A_946, %get3A_947] {strides = array<i32>} : memref<26x512xi32, #tpu.memory_space<vmem>>, vector<16xi32>,
      %and3A_949 = arith.constant 3 : i32
      %and3A_950 = vector.broadcast %and3A_949 : i32 to vector<16xi32>
      %and3A_951 = arith.andi %get3A_948, %and3A_950 : vector<16xi32>
      %mul3A_952 = arith.constant 32 : i32
      %mul3A_953 = vector.broadcast %mul3A_952 : i32 to vector<16xi32>
      %mul3A_954 = arith.muli %and3A_951, %mul3A_953 : vector<16xi32>
      %parallel_loop3A_955 = arith.constant 0 : i32
      %parallel_loop3A_956 = arith.constant 32 : i32
      %parallel_loop3A_957 = arith.constant 1 : i32
      %parallel_loop3A_958 = scf.for %parallel_loop3A_1024 = %parallel_loop3A_955 to %parallel_loop3A_956 step %parallel_loop3A_957 iter_args(%parallel_loop3A_1025 = %mul3A_954) -> (vector<16xi32>)  : i32 {
        %parallel_loop3A_1026 = arith.constant 1 : i32
        %parallel_loop3A_1027 = arith.constant 0 : i32
        %parallel_loop3A_1028 = arith.constant 0 : i32
        %parallel_loop3A_1029 = tpu.memref_slice %arg7[%parallel_loop3A_1026, %parallel_loop3A_1027, %parallel_loop3A_1028] : memref<2x128x128xf32, #tpu.memory_space<vmem>> -> memref<1x128x128xf32, #tpu.memory_space<vmem>>
        %parallel_loop3A_1030 = tpu.memref_squeeze %parallel_loop3A_1029 : memref<1x128x128xf32, #tpu.memory_space<vmem>> -> memref<128x128xf32, #tpu.memory_space<vmem>>
        %parallel_loop3A_1031 = tpu.vector_load_idx %parallel_loop3A_1030[%add3A_945, %parallel_loop3A_1025] : memref<128x128xf32, #tpu.memory_space<vmem>>[vector<16xi32>, vector<16xi32>], vector<16xf32>,
        %parallel_loop3A_1032 = arith.index_cast %rem3A_136 : i32 to index
        %parallel_loop3A_1033 = arith.index_cast %parallel_loop3A_1024 : i32 to index
        %parallel_loop3A_1034 = arith.constant 448 : index
        %parallel_loop3A_1035 = tpu.vector_load %arg8[%parallel_loop3A_1032, %parallel_loop3A_1033, %parallel_loop3A_1034] {strides = array<i32>} : memref<2x32x512xf32, #tpu.memory_space<vmem>>, vector<16xf32>,
        tpu.vector_store %arg8[%parallel_loop3A_1032, %parallel_loop3A_1033, %parallel_loop3A_1034], %parallel_loop3A_1031 {strides = array<i32>} : memref<2x32x512xf32, #tpu.memory_space<vmem>>, vector<16xf32>,
        %parallel_loop3A_1036 = arith.constant 1 : i32
        %parallel_loop3A_1037 = vector.broadcast %parallel_loop3A_1036 : i32 to vector<16xi32>
        %parallel_loop3A_1038 = arith.addi %parallel_loop3A_1025, %parallel_loop3A_1037 : vector<16xi32>
        scf.yield %parallel_loop3A_1038 : vector<16xi32>
      } {sc.loop_unroll_factor = 8 : i64, sc.parallel_access}
      %iota3A_959 = tpu.iota {dimensions = array<i32: 0>} : vector<16xi32>
      %add3A_960 = arith.constant 80 : i32
      %add3A_961 = vector.broadcast %add3A_960 : i32 to vector<16xi32>
      %add3A_962 = arith.addi %iota3A_959, %add3A_961 : vector<16xi32>
      %get3A_963 = arith.index_cast %scan3A_135 : i32 to index
      %get3A_964 = arith.constant 464 : index
      %get3A_965 = tpu.vector_load %arg5[%get3A_963, %get3A_964] {strides = array<i32>} : memref<26x512xi32, #tpu.memory_space<vmem>>, vector<16xi32>,
      %and3A_966 = arith.constant 3 : i32
      %and3A_967 = vector.broadcast %and3A_966 : i32 to vector<16xi32>
      %and3A_968 = arith.andi %get3A_965, %and3A_967 : vector<16xi32>
      %mul3A_969 = arith.constant 32 : i32
      %mul3A_970 = vector.broadcast %mul3A_969 : i32 to vector<16xi32>
      %mul3A_971 = arith.muli %and3A_968, %mul3A_970 : vector<16xi32>
      %parallel_loop3A_972 = arith.constant 0 : i32
      %parallel_loop3A_973 = arith.constant 32 : i32
      %parallel_loop3A_974 = arith.constant 1 : i32
      %parallel_loop3A_975 = scf.for %parallel_loop3A_1024 = %parallel_loop3A_972 to %parallel_loop3A_973 step %parallel_loop3A_974 iter_args(%parallel_loop3A_1025 = %mul3A_971) -> (vector<16xi32>)  : i32 {
        %parallel_loop3A_1026 = arith.constant 1 : i32
        %parallel_loop3A_1027 = arith.constant 0 : i32
        %parallel_loop3A_1028 = arith.constant 0 : i32
        %parallel_loop3A_1029 = tpu.memref_slice %arg7[%parallel_loop3A_1026, %parallel_loop3A_1027, %parallel_loop3A_1028] : memref<2x128x128xf32, #tpu.memory_space<vmem>> -> memref<1x128x128xf32, #tpu.memory_space<vmem>>
        %parallel_loop3A_1030 = tpu.memref_squeeze %parallel_loop3A_1029 : memref<1x128x128xf32, #tpu.memory_space<vmem>> -> memref<128x128xf32, #tpu.memory_space<vmem>>
        %parallel_loop3A_1031 = tpu.vector_load_idx %parallel_loop3A_1030[%add3A_962, %parallel_loop3A_1025] : memref<128x128xf32, #tpu.memory_space<vmem>>[vector<16xi32>, vector<16xi32>], vector<16xf32>,
        %parallel_loop3A_1032 = arith.index_cast %rem3A_136 : i32 to index
        %parallel_loop3A_1033 = arith.index_cast %parallel_loop3A_1024 : i32 to index
        %parallel_loop3A_1034 = arith.constant 464 : index
        %parallel_loop3A_1035 = tpu.vector_load %arg8[%parallel_loop3A_1032, %parallel_loop3A_1033, %parallel_loop3A_1034] {strides = array<i32>} : memref<2x32x512xf32, #tpu.memory_space<vmem>>, vector<16xf32>,
        tpu.vector_store %arg8[%parallel_loop3A_1032, %parallel_loop3A_1033, %parallel_loop3A_1034], %parallel_loop3A_1031 {strides = array<i32>} : memref<2x32x512xf32, #tpu.memory_space<vmem>>, vector<16xf32>,
        %parallel_loop3A_1036 = arith.constant 1 : i32
        %parallel_loop3A_1037 = vector.broadcast %parallel_loop3A_1036 : i32 to vector<16xi32>
        %parallel_loop3A_1038 = arith.addi %parallel_loop3A_1025, %parallel_loop3A_1037 : vector<16xi32>
        scf.yield %parallel_loop3A_1038 : vector<16xi32>
      } {sc.loop_unroll_factor = 8 : i64, sc.parallel_access}
      %iota3A_976 = tpu.iota {dimensions = array<i32: 0>} : vector<16xi32>
      %add3A_977 = arith.constant 96 : i32
      %add3A_978 = vector.broadcast %add3A_977 : i32 to vector<16xi32>
      %add3A_979 = arith.addi %iota3A_976, %add3A_978 : vector<16xi32>
      %get3A_980 = arith.index_cast %scan3A_135 : i32 to index
      %get3A_981 = arith.constant 480 : index
      %get3A_982 = tpu.vector_load %arg5[%get3A_980, %get3A_981] {strides = array<i32>} : memref<26x512xi32, #tpu.memory_space<vmem>>, vector<16xi32>,
      %and3A_983 = arith.constant 3 : i32
      %and3A_984 = vector.broadcast %and3A_983 : i32 to vector<16xi32>
      %and3A_985 = arith.andi %get3A_982, %and3A_984 : vector<16xi32>
      %mul3A_986 = arith.constant 32 : i32
      %mul3A_987 = vector.broadcast %mul3A_986 : i32 to vector<16xi32>
      %mul3A_988 = arith.muli %and3A_985, %mul3A_987 : vector<16xi32>
      %parallel_loop3A_989 = arith.constant 0 : i32
      %parallel_loop3A_990 = arith.constant 32 : i32
      %parallel_loop3A_991 = arith.constant 1 : i32
      %parallel_loop3A_992 = scf.for %parallel_loop3A_1024 = %parallel_loop3A_989 to %parallel_loop3A_990 step %parallel_loop3A_991 iter_args(%parallel_loop3A_1025 = %mul3A_988) -> (vector<16xi32>)  : i32 {
        %parallel_loop3A_1026 = arith.constant 1 : i32
        %parallel_loop3A_1027 = arith.constant 0 : i32
        %parallel_loop3A_1028 = arith.constant 0 : i32
        %parallel_loop3A_1029 = tpu.memref_slice %arg7[%parallel_loop3A_1026, %parallel_loop3A_1027, %parallel_loop3A_1028] : memref<2x128x128xf32, #tpu.memory_space<vmem>> -> memref<1x128x128xf32, #tpu.memory_space<vmem>>
        %parallel_loop3A_1030 = tpu.memref_squeeze %parallel_loop3A_1029 : memref<1x128x128xf32, #tpu.memory_space<vmem>> -> memref<128x128xf32, #tpu.memory_space<vmem>>
        %parallel_loop3A_1031 = tpu.vector_load_idx %parallel_loop3A_1030[%add3A_979, %parallel_loop3A_1025] : memref<128x128xf32, #tpu.memory_space<vmem>>[vector<16xi32>, vector<16xi32>], vector<16xf32>,
        %parallel_loop3A_1032 = arith.index_cast %rem3A_136 : i32 to index
        %parallel_loop3A_1033 = arith.index_cast %parallel_loop3A_1024 : i32 to index
        %parallel_loop3A_1034 = arith.constant 480 : index
        %parallel_loop3A_1035 = tpu.vector_load %arg8[%parallel_loop3A_1032, %parallel_loop3A_1033, %parallel_loop3A_1034] {strides = array<i32>} : memref<2x32x512xf32, #tpu.memory_space<vmem>>, vector<16xf32>,
        tpu.vector_store %arg8[%parallel_loop3A_1032, %parallel_loop3A_1033, %parallel_loop3A_1034], %parallel_loop3A_1031 {strides = array<i32>} : memref<2x32x512xf32, #tpu.memory_space<vmem>>, vector<16xf32>,
        %parallel_loop3A_1036 = arith.constant 1 : i32
        %parallel_loop3A_1037 = vector.broadcast %parallel_loop3A_1036 : i32 to vector<16xi32>
        %parallel_loop3A_1038 = arith.addi %parallel_loop3A_1025, %parallel_loop3A_1037 : vector<16xi32>
        scf.yield %parallel_loop3A_1038 : vector<16xi32>
      } {sc.loop_unroll_factor = 8 : i64, sc.parallel_access}
      %iota3A_993 = tpu.iota {dimensions = array<i32: 0>} : vector<16xi32>
      %add3A_994 = arith.constant 112 : i32
      %add3A_995 = vector.broadcast %add3A_994 : i32 to vector<16xi32>
      %add3A_996 = arith.addi %iota3A_993, %add3A_995 : vector<16xi32>
      %get3A_997 = arith.index_cast %scan3A_135 : i32 to index
      %get3A_998 = arith.constant 496 : index
      %get3A_999 = tpu.vector_load %arg5[%get3A_997, %get3A_998] {strides = array<i32>} : memref<26x512xi32, #tpu.memory_space<vmem>>, vector<16xi32>,
      %and3A_1000 = arith.constant 3 : i32
      %and3A_1001 = vector.broadcast %and3A_1000 : i32 to vector<16xi32>
      %and3A_1002 = arith.andi %get3A_999, %and3A_1001 : vector<16xi32>
      %mul3A_1003 = arith.constant 32 : i32
      %mul3A_1004 = vector.broadcast %mul3A_1003 : i32 to vector<16xi32>
      %mul3A_1005 = arith.muli %and3A_1002, %mul3A_1004 : vector<16xi32>
      %parallel_loop3A_1006 = arith.constant 0 : i32
      %parallel_loop3A_1007 = arith.constant 32 : i32
      %parallel_loop3A_1008 = arith.constant 1 : i32
      %parallel_loop3A_1009 = scf.for %parallel_loop3A_1024 = %parallel_loop3A_1006 to %parallel_loop3A_1007 step %parallel_loop3A_1008 iter_args(%parallel_loop3A_1025 = %mul3A_1005) -> (vector<16xi32>)  : i32 {
        %parallel_loop3A_1026 = arith.constant 1 : i32
        %parallel_loop3A_1027 = arith.constant 0 : i32
        %parallel_loop3A_1028 = arith.constant 0 : i32
        %parallel_loop3A_1029 = tpu.memref_slice %arg7[%parallel_loop3A_1026, %parallel_loop3A_1027, %parallel_loop3A_1028] : memref<2x128x128xf32, #tpu.memory_space<vmem>> -> memref<1x128x128xf32, #tpu.memory_space<vmem>>
        %parallel_loop3A_1030 = tpu.memref_squeeze %parallel_loop3A_1029 : memref<1x128x128xf32, #tpu.memory_space<vmem>> -> memref<128x128xf32, #tpu.memory_space<vmem>>
        %parallel_loop3A_1031 = tpu.vector_load_idx %parallel_loop3A_1030[%add3A_996, %parallel_loop3A_1025] : memref<128x128xf32, #tpu.memory_space<vmem>>[vector<16xi32>, vector<16xi32>], vector<16xf32>,
        %parallel_loop3A_1032 = arith.index_cast %rem3A_136 : i32 to index
        %parallel_loop3A_1033 = arith.index_cast %parallel_loop3A_1024 : i32 to index
        %parallel_loop3A_1034 = arith.constant 496 : index
        %parallel_loop3A_1035 = tpu.vector_load %arg8[%parallel_loop3A_1032, %parallel_loop3A_1033, %parallel_loop3A_1034] {strides = array<i32>} : memref<2x32x512xf32, #tpu.memory_space<vmem>>, vector<16xf32>,
        tpu.vector_store %arg8[%parallel_loop3A_1032, %parallel_loop3A_1033, %parallel_loop3A_1034], %parallel_loop3A_1031 {strides = array<i32>} : memref<2x32x512xf32, #tpu.memory_space<vmem>>, vector<16xf32>,
        %parallel_loop3A_1036 = arith.constant 1 : i32
        %parallel_loop3A_1037 = vector.broadcast %parallel_loop3A_1036 : i32 to vector<16xi32>
        %parallel_loop3A_1038 = arith.addi %parallel_loop3A_1025, %parallel_loop3A_1037 : vector<16xi32>
        scf.yield %parallel_loop3A_1038 : vector<16xi32>
      } {sc.loop_unroll_factor = 8 : i64, sc.parallel_access}
      %dma_start3A_1010 = arith.constant 0 : i32
      %dma_start3A_1011 = arith.constant 0 : i32
      %dma_start3A_1012 = tpu.memref_slice %arg8[%rem3A_136, %dma_start3A_1010, %dma_start3A_1011] : memref<2x32x512xf32, #tpu.memory_space<vmem>> -> memref<1x32x512xf32, #tpu.memory_space<vmem>>
      %dma_start3A_1013 = tpu.memref_squeeze %dma_start3A_1012 : memref<1x32x512xf32, #tpu.memory_space<vmem>> -> memref<32x512xf32, #tpu.memory_space<vmem>>
      %dma_start3A_1014 = arith.constant 0 : i32
      %dma_start3A_1015 = tpu.memref_slice %arg4[%scan3A_135, %dma_start3A_1014, %mul3A_2] : memref<26x32x16384xf32, #tpu.memory_space<hbm>> -> memref<1x32x512xf32, #tpu.memory_space<hbm>>
      %dma_start3A_1016 = tpu.memref_squeeze %dma_start3A_1015 : memref<1x32x512xf32, #tpu.memory_space<hbm>> -> memref<32x512xf32, #tpu.memory_space<hbm>>
      %dma_start3A_1017 = arith.constant 0 : i32
      %dma_start3A_1018 = tpu.memref_slice %arg4[%scan3A_135, %dma_start3A_1017, %mul3A_2] : memref<26x32x16384xf32, #tpu.memory_space<hbm>> -> memref<1x32x512xf32, #tpu.memory_space<hbm>>
      %dma_start3A_1019 = tpu.memref_squeeze %dma_start3A_1018 : memref<1x32x512xf32, #tpu.memory_space<hbm>> -> memref<32x512xf32, #tpu.memory_space<hbm>>
      %dma_start3A_1020 = arith.constant 0 : i32
      %dma_start3A_1021 = arith.constant 0 : i32
      %dma_start3A_1022 = tpu.memref_slice %arg8[%rem3A_136, %dma_start3A_1020, %dma_start3A_1021] : memref<2x32x512xf32, #tpu.memory_space<vmem>> -> memref<1x32x512xf32, #tpu.memory_space<vmem>>
      %dma_start3A_1023 = tpu.memref_squeeze %dma_start3A_1022 : memref<1x32x512xf32, #tpu.memory_space<vmem>> -> memref<32x512xf32, #tpu.memory_space<vmem>>
      tpu.enqueue_dma source(%dma_start3A_1023 : memref<32x512xf32, #tpu.memory_space<vmem>>) target(%dma_start3A_1019 : memref<32x512xf32, #tpu.memory_space<hbm>>) target_semaphore(%arg10 : memref<!tpu.dma_semaphore, #tpu.memory_space<semaphore_mem>>)
    }
    %scan3A_103 = arith.constant 26 : i32
    %dma_wait3A = arith.constant 0 : i32
    %dma_wait3A_104 = arith.constant 0 : i32
    %dma_wait3A_105 = arith.constant 0 : i32
    %dma_wait3A_106 = arith.constant 0 : i32
    %dma_wait3A_107 = tpu.memref_slice %arg8[%dma_wait3A, %dma_wait3A_105, %dma_wait3A_106] : memref<2x32x512xf32, #tpu.memory_space<vmem>> -> memref<1x32x512xf32, #tpu.memory_space<vmem>>
    %dma_wait3A_108 = tpu.memref_squeeze %dma_wait3A_107 : memref<1x32x512xf32, #tpu.memory_space<vmem>> -> memref<32x512xf32, #tpu.memory_space<vmem>>
    %dma_wait3A_109 = arith.constant 0 : i32
    %dma_wait3A_110 = tpu.memref_slice %arg4[%dma_wait3A_104, %dma_wait3A_109, %mul3A_2] : memref<26x32x16384xf32, #tpu.memory_space<hbm>> -> memref<1x32x512xf32, #tpu.memory_space<hbm>>
    %dma_wait3A_111 = tpu.memref_squeeze %dma_wait3A_110 : memref<1x32x512xf32, #tpu.memory_space<hbm>> -> memref<32x512xf32, #tpu.memory_space<hbm>>
    %dma_wait3A_112 = arith.constant 0 : i32
    %dma_wait3A_113 = tpu.memref_slice %arg4[%dma_wait3A_104, %dma_wait3A_112, %mul3A_2] : memref<26x32x16384xf32, #tpu.memory_space<hbm>> -> memref<1x32x512xf32, #tpu.memory_space<hbm>>
    %dma_wait3A_114 = tpu.memref_squeeze %dma_wait3A_113 : memref<1x32x512xf32, #tpu.memory_space<hbm>> -> memref<32x512xf32, #tpu.memory_space<hbm>>
    %dma_wait3A_115 = arith.constant 0 : i32
    %dma_wait3A_116 = arith.constant 0 : i32
    %dma_wait3A_117 = tpu.memref_slice %arg8[%dma_wait3A, %dma_wait3A_115, %dma_wait3A_116] : memref<2x32x512xf32, #tpu.memory_space<vmem>> -> memref<1x32x512xf32, #tpu.memory_space<vmem>>
    %dma_wait3A_118 = tpu.memref_squeeze %dma_wait3A_117 : memref<1x32x512xf32, #tpu.memory_space<vmem>> -> memref<32x512xf32, #tpu.memory_space<vmem>>
    tpu.wait_dma2 semaphore(%arg10 : memref<!tpu.dma_semaphore, #tpu.memory_space<semaphore_mem>>) src(%dma_wait3A_118 : memref<32x512xf32, #tpu.memory_space<vmem>>) dst(%dma_wait3A_114 : memref<32x512xf32, #tpu.memory_space<hbm>>)
    %dma_wait3A_119 = arith.constant 1 : i32
    %dma_wait3A_120 = arith.constant 0 : i32
    %dma_wait3A_121 = arith.constant 0 : i32
    %dma_wait3A_122 = arith.constant 0 : i32
    %dma_wait3A_123 = tpu.memref_slice %arg8[%dma_wait3A_119, %dma_wait3A_121, %dma_wait3A_122] : memref<2x32x512xf32, #tpu.memory_space<vmem>> -> memref<1x32x512xf32, #tpu.memory_space<vmem>>
    %dma_wait3A_124 = tpu.memref_squeeze %dma_wait3A_123 : memref<1x32x512xf32, #tpu.memory_space<vmem>> -> memref<32x512xf32, #tpu.memory_space<vmem>>
    %dma_wait3A_125 = arith.constant 0 : i32
    %dma_wait3A_126 = tpu.memref_slice %arg4[%dma_wait3A_120, %dma_wait3A_125, %mul3A_2] : memref<26x32x16384xf32, #tpu.memory_space<hbm>> -> memref<1x32x512xf32, #tpu.memory_space<hbm>>
    %dma_wait3A_127 = tpu.memref_squeeze %dma_wait3A_126 : memref<1x32x512xf32, #tpu.memory_space<hbm>> -> memref<32x512xf32, #tpu.memory_space<hbm>>
    %dma_wait3A_128 = arith.constant 0 : i32
    %dma_wait3A_129 = tpu.memref_slice %arg4[%dma_wait3A_120, %dma_wait3A_128, %mul3A_2] : memref<26x32x16384xf32, #tpu.memory_space<hbm>> -> memref<1x32x512xf32, #tpu.memory_space<hbm>>
    %dma_wait3A_130 = tpu.memref_squeeze %dma_wait3A_129 : memref<1x32x512xf32, #tpu.memory_space<hbm>> -> memref<32x512xf32, #tpu.memory_space<hbm>>
    %dma_wait3A_131 = arith.constant 0 : i32
    %dma_wait3A_132 = arith.constant 0 : i32
    %dma_wait3A_133 = tpu.memref_slice %arg8[%dma_wait3A_119, %dma_wait3A_131, %dma_wait3A_132] : memref<2x32x512xf32, #tpu.memory_space<vmem>> -> memref<1x32x512xf32, #tpu.memory_space<vmem>>
    %dma_wait3A_134 = tpu.memref_squeeze %dma_wait3A_133 : memref<1x32x512xf32, #tpu.memory_space<vmem>> -> memref<32x512xf32, #tpu.memory_space<vmem>>
    tpu.wait_dma2 semaphore(%arg10 : memref<!tpu.dma_semaphore, #tpu.memory_space<semaphore_mem>>) src(%dma_wait3A_134 : memref<32x512xf32, #tpu.memory_space<vmem>>) dst(%dma_wait3A_130 : memref<32x512xf32, #tpu.memory_space<hbm>>)
    return
  }
}

</mosaic_0001>

<sc_bundles>
// kernel: kernel.3.cloned.1.call-start
scs
__scs_entry_jumppad:
0x0: {  	(pc) =	sbr.rel $0x88, $3  }
0x1: {  	(tag) =	ssettag $0x0;
	lr =	simm.s32 $0x1  }
0x2: {  	[smem:$0x3F9F] =	sst lr;
	_ =	strace $0xD0000000  }
0x3: {  	_ = 	snop  }
0x4: {  	_ = 	snop  }
0x5: {  	_ = 	snop  }
0x6: {  	_ = 	snop  }
0x7: {  	_ = 	snop  }
__scs_overlays_trampoline_lowered:
0x8: {  	[smem:$0x3FAE] =	sst s0  }
0x9: {  	[smem:$0x3FAF] =	sst s1  }
0xa: {  	[smem:$0x3FB0] =	sst s2  }
0xb: {  	[smem:$0x3FB1] =	sst s3  }
0xc: {  	[smem:$0x3FB2] =	sst s4  }
0xd: {  	[smem:$0x3FB3] =	sst s5  }
0xe: {  	[smem:$0x3FB4] =	sst s6  }
0xf: {  	[smem:$0x3FB5] =	sst s7  }
0x10: {  	[smem:$0x3FB6] =	sst s8  }
0x11: {  	[smem:$0x3FB7] =	sst s9;
	s0 =	simm.s32 @!p0 $0x0  }
0x12: {  	s1 =	sld [smem:$0x3F9D];
	s0 =	simm.s32 @p0 $0x1  }
0x13: {  	[smem:$0x3FB8] =	sst s0;
	s0 =	simm.s32 @!p1 $0x0  }
0x14: {  	s2 =	sld [smem:$0x3F9C];
	s0 =	simm.s32 @p1 $0x1  }
0x15: {  	[smem:$0x3FB9] =	sst s0;
	s0 =	simm.s32 @!p2 $0x0  }
0x16: {  	s3 =	sld [smem:$0x3FDB];
	s0 =	simm.s32 @p2 $0x1  }
0x17: {  	s4 =	simm.s32 $0x1BF5;
	[smem:$0x3FBB] =	sst s0  }
0x18: {  	s0 =	sld [smem:$0x3F9E];
	_ =	swait.ge [sflag:s4], $0x0  }
0x19: {  	s7 =	sld [smem:$0x3F9F]  }
0x1a: {  	s8 =	sadd.s32 $0xFFFFE003, lr  }
0x1b: {  	s9 =	sadd.s32 $0xFFFFFEF7, lr;
	s5 =	simm.s32 $0xFFFFFFFF;
	p2 =	slt.u32 s8, $0xFFFFF086  }
0x1c: {  	p1 =	slt.u32 s9, $0xF7A;
	s5 =	simm.s32 @!p2 $0x0  }
0x1d: {  	s5 =	simm.s32 @p1 $0x1;
	p0 =	seq.s32 s7, s2  }
0x1e: {  	s7 =	smul.u32 @!p0 $0xF7A, s2;
	p2 =	seq.s32 @!p0 s5, $0x0  }
0x1f: {  	s9 =	smul.u32 $0xF7A, s1;
	s8 =	simm.s32 @!p0 $0x1BF5;
	p2 =	por !p2, p0  }
0x20: {  	[sflag:s8] =	ssyncset.s32 @!p0 $0xFFFFF086;
	s6 =	sadd.s32 @!p0 s3, s7;
	s7 =	simm.s32 @!p0 $0x108  }
0x21: {  	s3 =	sadd.s32 s3, s9;
	s6 =	sadd.s32 @!p0 $0x88, s6;
	s7 =	simm.s32 @p2 $0x1082  }
0x22: {  	[simem:s7], [sflag:s8] =	dma.local @!p0 [hbm:s6], $0xF7A  }
0x23: {  	s9 =	sor.u32 $0xD0000000, s2;
	s6 =	simm.s32 $0x108;
	_ =	swait.ge @!p0 [sflag:s8], $0x0  }
0x24: {  	s3 =	sadd.s32 $0x88, s3;
	s6 =	simm.s32 @!p1 $0x1082;
	[sflag:s4] =	ssyncset.s32 $0xFFFFF086  }
0x25: {  	[simem:s6], [sflag:s4] =	dma.local [hbm:s3], $0xF7A  }
0x26: {  	[smem:$0x3F9F] =	sst s1;
	(tag) =	ssettag s2;
	_ =	strace s9  }
0x27: {  	s1 =	sld [smem:$0x3FAF]  }
0x28: {  	s2 =	sld [smem:$0x3FB0]  }
0x29: {  	s4 =	sld [smem:$0x3FB2]  }
0x2a: {  	p0 =	seq.s32 s5, $0x0;
	s5 =	sld [smem:$0x3FB3]  }
0x2b: {  	s6 =	sld [smem:$0x3FB4]  }
0x2c: {  	s7 =	sld [smem:$0x3FB5]  }
0x2d: {  	s3 =	simm.s32 $0x108;
	s8 =	sld [smem:$0x3FB6]  }
0x2e: {  	s3 =	simm.s32 @!p0 $0x1082;
	s9 =	sld [smem:$0x3FB7]  }
0x2f: {  	lr =	sadd.s32 s0, s3;
	s0 =	sld [smem:$0x3FAE]  }
0x30: {  	s3 =	sld [smem:$0x3FB1]  }
0x31: {  	[smem:$0x3FBA] =	sst s10  }
0x32: {  	s10 =	sld [smem:$0x3FB8];
	_ =	sdelay $0x3  }
0x33: {  	p0 =	seq.s32 s10, $0x1;
	s10 =	sld [smem:$0x3FBA];
	_ =	sdelay $0x3  }
0x34: {  	[smem:$0x3FBA] =	sst s10  }
0x35: {  	s10 =	sld [smem:$0x3FB9];
	_ =	sdelay $0x3  }
0x36: {  	p1 =	seq.s32 s10, $0x1;
	s10 =	sld [smem:$0x3FBA];
	_ =	sdelay $0x3  }
0x37: {  	[smem:$0x3FBA] =	sst s10  }
0x38: {  	s10 =	sld [smem:$0x3FBB]  }
0x39: {  	_ = 	snop;
	(pc) =	sbr.ind lr, $3  }
0x3a: {  	_ = 	snop  }
0x3b: {  	_ = 	snop  }
0x3c: {  	p2 =	seq.s32 s10, $0x1;
	s10 =	sld [smem:$0x3FBA]  }
0x3d: {  	_ =	shalt  }
0x3e: {  	_ =	shalt  }
0x3f: {  	_ =	shalt  }
0x40: {  	_ =	shalt  }
0x41: {  	_ =	shalt  }
0x42: {  	_ =	shalt  }
0x43: {  	_ =	shalt  }
0x44: {  	_ =	shalt  }
0x45: {  	_ =	shalt  }
0x46: {  	_ =	shalt  }
0x47: {  	_ =	shalt  }
0x48: {  	_ =	shalt  }
0x49: {  	_ =	shalt  }
0x4a: {  	_ =	shalt  }
0x4b: {  	_ =	shalt  }
0x4c: {  	_ =	shalt  }
0x4d: {  	_ =	shalt  }
0x4e: {  	_ =	shalt  }
0x4f: {  	_ =	shalt  }
0x50: {  	_ =	shalt  }
0x51: {  	_ =	shalt  }
0x52: {  	_ =	shalt  }
0x53: {  	_ =	shalt  }
0x54: {  	_ =	shalt  }
0x55: {  	_ =	shalt  }
0x56: {  	_ =	shalt  }
0x57: {  	_ =	shalt  }
0x58: {  	_ =	shalt  }
0x59: {  	_ =	shalt  }
0x5a: {  	_ =	shalt  }
0x5b: {  	_ =	shalt  }
0x5c: {  	_ =	shalt  }
0x5d: {  	_ =	shalt  }
0x5e: {  	_ =	shalt  }
0x5f: {  	_ =	shalt  }
0x60: {  	_ =	shalt  }
0x61: {  	_ =	shalt  }
0x62: {  	_ =	shalt  }
0x63: {  	_ =	shalt  }
0x64: {  	_ =	shalt  }
0x65: {  	_ =	shalt  }
0x66: {  	_ =	shalt  }
0x67: {  	_ =	shalt  }
0x68: {  	_ =	shalt  }
0x69: {  	_ =	shalt  }
0x6a: {  	_ =	shalt  }
0x6b: {  	_ =	shalt  }
0x6c: {  	_ =	shalt  }
0x6d: {  	_ =	shalt  }
0x6e: {  	_ =	shalt  }
0x6f: {  	_ =	shalt  }
0x70: {  	_ =	shalt  }
0x71: {  	_ =	shalt  }
0x72: {  	_ =	shalt  }
0x73: {  	_ =	shalt  }
0x74: {  	_ =	shalt  }
0x75: {  	_ =	shalt  }
0x76: {  	_ =	shalt  }
0x77: {  	_ =	shalt  }
0x78: {  	_ =	shalt  }
0x79: {  	_ =	shalt  }
0x7a: {  	_ =	shalt  }
0x7b: {  	_ =	shalt  }
0x7c: {  	_ =	shalt  }
0x7d: {  	_ =	shalt  }
0x7e: {  	_ =	shalt  }
0x7f: {  	_ =	shalt  }
0x80: {  	_ =	shalt  }
0x81: {  	_ =	shalt  }
0x82: {  	_ =	shalt  }
0x83: {  	_ =	shalt  }
0x84: {  	_ =	shalt  }
0x85: {  	_ =	shalt  }
0x86: {  	_ =	shalt  }
0x87: {  	_ =	shalt  }
.Lfunc_end0:
.L_simem_size_0:
called_computation_lowered:
.L_overlay_start_0:
0x88: {  	s2 =	sld [smem:$0x3FD9]  }
0x89: {  	s3 =	sld [smem:$0x3FFE];
	_ =	sdelay $0x1  }
0x8a: {  	s1 =	srdreg.scid  }
0x8b: {  	s0 =	sand.u32 $0x1, s1  }
0x8c: {  	s17 =	sshll.u32 s0, $0xA;
	s2 =	sadd.s32 s3, s2  }
0x8d: {  	s2 =	sadd.s32 s2, s17  }
0x8e: {  	[smem:$0x3FC6] =	sst s2  }
0x8f: {  	_ = 	snop  }
0x90: {  	s2 =	sld [smem:$0x3FC9]  }
0x91: {  	s18 =	sld [smem:$0x3FD0];
	(tm) =	ssettm $0x1  }
0x92: {  	s4 =	sld [smem:$0x3FFB];
	_ =	sdelay $0x3  }
0x93: {  	_ =	strace s4  }
0x94: {  	s4 =	sld [smem:$0x3FFC];
	_ =	sdelay $0x3  }
0x95: {  	_ =	strace s4  }
0x96: {  	s4 =	sld [smem:$0x3FFD];
	_ =	sdelay $0x3  }
0x97: {  	_ =	strace s4  }
0x98: {  	_ =	strace $0x8FFFFFFF  }
0x99: {  	s19 =	sld [smem:$0x3FDB];
	_ =	sdelay $0x1  }
0x9a: {  	s5 =	simm.s32 $_scs_section_size  }
0x9b: {  	s6 =	simm.s32 $_size__tile_overlayer_lowered;
	s7 =	simm.s32 $_tile_overlayer_lowered  }
0x9c: {  	s22 =	simm.s32 $0x1BFF;
	s21 =	sshll.u32 s7, $0x1;
	s4 =	sadd.s32 s5, s19  }
0x9d: {  	s8 =	simm.s32 $0x0;
	s20 =	sshll.u32 s6, $0x1;
	s6 =	sadd.s32 s21, s4  }
0x9e: {  	[timem:s8], [sflag:s22] =	dma.local [hbm:s6], s20  }
0x9f: {  	_ =	swait.ge [sflag:s22], s20  }
0xa0: {  	s5 =	ssub.s32 $0x0, s20;
	[sflag:s22] =	ssyncset.done $0x0  }
0xa1: {  	[sflag:s22] =	ssyncadd.s32 s5;
	_ =	sdelay $0x1  }
0xa2: {  	s23 =	simm.s32 $0x1B8B  }
0xa3: {  	_ =	swait.ge [sflag:s23], $0x1  }
0xa4: {  	[sflag:s23] =	ssyncset.done $0x0  }
0xa5: {  	s25 =	simm.s32 $0x1B8E;
	s24 =	sld [smem:$0x3FFE];
	[sflag:s23] =	ssyncadd.s32 $0xFFFFFFFF  }
0xa6: {  	s26 =	simm.s32 $execute0_lowered;
	[smem:$0x3FD2] =	sst s25  }
0xa7: {  	s6 =	sshll.u32 s26, $0x1;
	_ =	strace $0x80000046;
	[dreg:$0x1] =	wrdreg $0xFFFFFFFF  }
0xa8: {  	s28 =	simm.s32 $_size_execute0_lowered;
	s4 =	sadd.s32 s4, s6;
	[dreg:$0x0] =	wrdreg $0x0  }
0xa9: {  	s6 =	sshll.u32 s28, $0x1;
	[dreg:$0x2] =	wrdreg s4  }
0xaa: {  	[dreg:$0x3] =	wrdreg s6  }
0xab: {  	[dreg:$0x4] =	wrdreg $0xC0  }
0xac: {  	_ =	task [dreg:s8], $0x5FFFF  }
0xad: {  	[dreg:$0x1] =	wrdreg $0xFFFFFFFF  }
0xae: {  	[dreg:$0x0] =	wrdreg $0x60  }
0xaf: {  	[dreg:$0x2] =	wrdreg s2  }
0xb0: {  	[dreg:$0x3] =	wrdreg s24  }
0xb1: {  	[dreg:$0x4] =	wrdreg s18  }
0xb2: {  	[dreg:$0x5] =	wrdreg $0x9  }
0xb3: {  	_ =	task.clear_ibuf [dreg:s8], $0x6FFFF;
	_ =	strace $0x90000046  }
0xb4: {  	s29 =	simm.s32 $0x9;
	_ =	strace $0x80000048  }
0xb5: {  	_ =	swait.ge [sflag:s29], $0x1  }
0xb6: {  	[sflag:s29] =	ssyncadd.s32 $0xFFFFFFFF  }
0xb7: {  	_ =	strace $0x90000048  }
0xb8: {  	_ =	sfence  }
0xb9: {  	s30 =	sld [smem:$0x0];
	_ =	sdelay $0x2  }
0xba: {  	s31 =	sshll.u32 s1, $0xD;
	s1 =	sshrl.u32 s1, $0x2  }
0xbb: {  	s3 =	sand.u32 $0x4000, s31;
	s1 =	sadd.s32 s1, s30  }
0xbc: {  	s0 =	sor.u32 s3, s0;
	s1 =	sshll.u32 s1, $0x11  }
0xbd: {  	s0 =	sor.u32 s1, s0  }
0xbe: {  	s0 =	sadd.s32 $0x8F2B, s0  }
0xbf: {  	[sflag:s0] =	ssyncadd.remote.s32 $0x1  }
0xc0: {  	_ =	sfence.sel $0xFFFF  }
0xc1: {  	[dreg:$0x0] =	wrdreg $0xFFFFFFFF;
	(pc) =	sbr.abs _section_cstart, $3  }
0xc2: {  	[dreg:$0x1] =	wrdreg $0xFFFFFFFF  }
0xc3: {  	_ =	task.clear_ibuf [dreg:s8], $0x2FFFF;
	_ =	strace $0x9FFFFFFF  }
0xc4: {  	(tm) =	ssettm $0x7FFFFFFF  }
0xc5: {  	_ =	shalt  }
tec
execute0_lowered:
.L_overlay_start_1:
0x0: {  	(tag) =	ssettag $0x1  }
0x1: {  	s0 =	rddreg [dreg:$0x0]  }
0x2: {  	s1 =	rddreg [dreg:$0x1]  }
0x3: {  	s2 =	srdreg.scid;
	s3 =	stileid.u32  }
0x4: {  	s5 =	simm.s32 $0x0;
	s19 =	simm.s32 $0x80;
	s13 =	simm.s32 $0x4100  }
0x5: {  	s20 =	simm.s32 $0x1;
	s2 =	sand.u32 $0x1, s2;
	s3 =	sshll.u32 s3, $0xD  }
0x6: {  	v0 =	vlaneseq.u32;
	[smem:$0x7FF] =	sst s5;
	s14 =	sadd.s32 $0xF42800, s1;
	s4 =	sshll.u32 s2, $0xC  }
0x7: {  	v0 =	vmul.u32 $0x80, v0;
	s2 =	ssub.s32 $0x2, s2;
	_ =	strace $0x80000047;
	s4 =	sor.u32 s4, s3  }
0x8: {  	s29 =	sshrl.u32 s2, $0x1;
	[dreg:$0x4] =	wrdreg s4;
	s4 =	sshrl.u32 s4, $0x3  }
0x9: {  	[dreg:$0x5] =	wrdreg s14;
	v1 =	vor.u32 $0x800, v0;
	s30 =	ssub.s32 s2, s29;
	s0 =	sadd.s32 s0, s4  }
0xa: {  	s16 =	simm.s32 $0x8100;
	v2 =	vor.u32 $0x1000, v0;
	v3 =	vor.u32 $0x1800, v0;
	v4 =	vor.u32 $0x2000, v0;
	s31 =	smax.u32 s30, $0x1;
	[dreg:$0x6] =	wrdreg s0  }
0xb: {  	v5 =	vor.u32 $0x2800, v0;
	v6 =	vor.u32 $0x3000, v0;
	v7 =	vor.u32 $0x3800, v0;
	s2 =	simm.s32 $0x0;
	s4 =	simm.s32 $0x4080;
	[dreg:$0x7] =	wrdreg s31  }
.LBB2_1:
0xc: {  	[dreg:$0x8] =	wrdreg s2  }
0xd: {  	s0 =	simm.s32 $0x0;
	s1 =	rddreg [dreg:$0x6]  }
0xe: {  	s29 =	simm.s32 $0x1000;
	s3 =	simm.s32 $0x20000;
	s30 =	simm.s32 $0x3  }
0xf: {  	[tilespmem:s0], [sflag:$0x3] =	stream.strided.gather [hbm4b:s1+s29], $0x4000, s3, s29, $0x38;
	[tilespmem:$0x14100] =	vst v63  }
0x10: {  	_ =	swait.ge [sflag:s30], $0x4000  }
0x11: {  	[sflag:s30] =	ssyncset.done $0x0  }
0x12: {  	[sflag:s30] =	ssyncadd.s32 $0xFFFFC000  }
0x13: {  	v8 =	vld [tilespmem:$0x0]  }
0x14: {  	v9 =	vld [tilespmem:$0x10]  }
0x15: {  	v10 =	vld [tilespmem:$0x20]  }
0x16: {  	v11 =	vld [tilespmem:$0x30]  }
0x17: {  	v12 =	vld [tilespmem:$0x40]  }
0x18: {  	v13 =	vld [tilespmem:$0x50];
	v8 =	vshrl.u32 v8, $0x2  }
0x19: {  	v62 =	vld [tilespmem:$0x60];
	[tilespmem:$0x4000] =	vst v8;
	v8 =	vshrl.u32 v9, $0x2  }
0x1a: {  	v63 =	vld [tilespmem:$0x70];
	[tilespmem:$0x4010] =	vst v8;
	v8 =	vshrl.u32 v10, $0x2  }
0x1b: {  	[tilespmem:$0x4020] =	vst v8;
	v8 =	vshrl.u32 v11, $0x2  }
0x1c: {  	[tilespmem:$0x4030] =	vst v8;
	v8 =	vshrl.u32 v12, $0x2  }
0x1d: {  	[tilespmem:$0x4040] =	vst v8;
	v8 =	vshrl.u32 v13, $0x2  }
0x1e: {  	[tilespmem:$0x4050] =	vst v8;
	v8 =	vshrl.u32 v62, $0x2  }
0x1f: {  	[tilespmem:$0x4060] =	vst v8;
	v8 =	vshrl.u32 v63, $0x2  }
0x20: {  	s31 =	simm.s32 $0x4000;
	p0 =	por $0x0, $0x0;
	s5 =	simm.s32 $0x0;
	[tilespmem:$0x4070] =	vst v8  }
0x21: {  	[tilespmem:s13], [sflag:$0x1] =	stream.indirect.gather [hbm4b:s14+s19], $0x80, s31, s19, $0xb8;
	[tilespmem:$0x14100] =	vst v63  }
.LBB2_2:
0x22: {  	p1 =	slt.u32 s5, $0x2  }
0x23: {  	s0 =	simm.s32 @!p1 $0x2  }
0x24: {  	_ =	swait.ge @!p1 [sflag:s0], $0x4000  }
0x25: {  	[sflag:s0] =	ssyncset.done @!p1 $0x0  }
0x26: {  	[sflag:s0] =	ssyncadd.s32 @!p1 $0xFFFFC000  }
0x27: {  	s18 =	sshll.u32 s5, $0x9;
	s1 =	sshll.u32 s5, $0x7;
	_ =	swait.ge [sflag:s20], $0x4000  }
0x28: {  	s1 =	sand.u32 $0x380, s1;
	s0 =	sand.u32 $0x3000, s18;
	[sflag:s20] =	ssyncset.done $0x0  }
0x29: {  	s0 =	sor.u32 s1, s0;
	[sflag:s20] =	ssyncadd.s32 $0xFFFFC000  }
0x2a: {  	v8 =	vld [tilespmem:s0+$0x400];
	_ =	sdelay $0x4  }
0x2b: {  	v8 =	vshrl.u32 v8, $0x2  }
0x2c: {  	[tilespmem:$0x4080] =	vst v8  }
0x2d: {  	v8 =	vld [tilespmem:s0+$0x410];
	_ =	sdelay $0x4  }
0x2e: {  	v8 =	vshrl.u32 v8, $0x2  }
0x2f: {  	[tilespmem:$0x4090] =	vst v8  }
0x30: {  	v8 =	vld [tilespmem:s0+$0x420];
	_ =	sdelay $0x4  }
0x31: {  	v8 =	vshrl.u32 v8, $0x2  }
0x32: {  	[tilespmem:$0x40A0] =	vst v8  }
0x33: {  	v8 =	vld [tilespmem:s0+$0x430];
	_ =	sdelay $0x4  }
0x34: {  	v8 =	vshrl.u32 v8, $0x2  }
0x35: {  	[tilespmem:$0x40B0] =	vst v8  }
0x36: {  	v8 =	vld [tilespmem:s0+$0x440];
	_ =	sdelay $0x4  }
0x37: {  	v8 =	vshrl.u32 v8, $0x2  }
0x38: {  	[tilespmem:$0x40C0] =	vst v8  }
0x39: {  	v8 =	vld [tilespmem:s0+$0x450];
	_ =	sdelay $0x4  }
0x3a: {  	v8 =	vshrl.u32 v8, $0x2  }
0x3b: {  	[tilespmem:$0x40D0] =	vst v8  }
0x3c: {  	v8 =	vld [tilespmem:s0+$0x460];
	_ =	sdelay $0x4  }
0x3d: {  	v8 =	vshrl.u32 v8, $0x2  }
0x3e: {  	[tilespmem:$0x40E0] =	vst v8  }
0x3f: {  	v8 =	vld [tilespmem:s0+$0x470];
	_ =	sdelay $0x4  }
0x40: {  	v8 =	vshrl.u32 v8, $0x2  }
0x41: {  	[tilespmem:$0x40F0] =	vst v8  }
0x42: {  	[tilespmem:s16], [sflag:$0x1] =	stream.indirect.gather [hbm4b:s14+s19], $0x80, s4, s19, $0xb8;
	[tilespmem:$0x14100] =	vst v63  }
0x43: {  	v8 =	vld [tilespmem:s0+$0x0];
	_ =	sdelay $0x4  }
0x44: {  	[dreg:$0xc] =	wrdreg s0;
	s0 =	simm.s32 $0x1;
	v8 =	vshll.u32 v8, $0x5  }
0x45: {  	s0 =	simm.s32 @!p0 $0x0;
	v9 =	vand.u32 $0x60, v8  }
0x46: {  	s23 =	sshll.u32 s0, $0xE;
	v8 =	vand.u32 $0xFFFFFFF8, v9  }
0x47: {  	s0 =	sadd.s32 $0xD0F0, s23;
	v10 =	vadd.s32 v0, v8  }
0x48: {  	s21 =	sadd.s32 $0xD0E0, s23;
	[dreg:$0xa] =	wrdreg s0;
	v11 =	vor.u32 $0x7, v10  }
0x49: {  	s25 =	sshll.u32 s5, $0xE;
	s22 =	sadd.s32 $0xD0D0, s23;
	[dreg:$0xd] =	wrdreg s21;
	v12 =	vor.u32 $0x1, v10  }
0x4a: {  	s25 =	sand.u32 $0x4000, s25;
	s24 =	sadd.s32 $0xD0C0, s23;
	[dreg:$0xe] =	wrdreg s22;
	v13 =	vor.u32 $0x2, v10  }
0x4b: {  	s25 =	sadd.s32 $0xC100, s25;
	s26 =	sadd.s32 $0xD0B0, s23;
	[dreg:$0xf] =	wrdreg s24;
	v14 =	vor.u32 $0x3, v10  }
0x4c: {  	s28 =	sadd.s32 $0xD0A0, s23;
	s29 =	sadd.s32 $0xD090, s23;
	s30 =	sadd.s32 $0xD080, s23;
	v15 =	vor.u32 $0x4, v10;
	v8 =	vld.idx.msk [tilespmem:v10+s13+$0x0], $0xffff  }
0x4d: {  	s31 =	sadd.s32 $0xCCF0, s23;
	s1 =	sadd.s32 $0xCCD0, s23;
	s3 =	sadd.s32 $0xCCC0, s23;
	v21 =	vadd.s32 $0x8, v9;
	v16 =	vor.u32 $0x5, v10;
	v18 =	vld.idx.msk [tilespmem:v11+s13+$0x0], $0xffff  }
0x4e: {  	s6 =	sadd.s32 $0xCCB0, s23;
	s7 =	sadd.s32 $0xCCA0, s23;
	s10 =	sadd.s32 $0xCC90, s23;
	v9 =	vor.u32 $0x6, v10;
	v10 =	vand.u32 $0xFFFFFFF8, v21;
	v19 =	vld.idx.msk [tilespmem:v12+s13+$0x0], $0xffff  }
0x4f: {  	s17 =	sadd.s32 $0xCC80, s23;
	s18 =	sadd.s32 $0xC8F0, s23;
	s2 =	sadd.s32 $0xC8E0, s23;
	v20 =	vadd.s32 v0, v10;
	v22 =	vld.idx.msk [tilespmem:v13+s13+$0x0], $0xffff  }
0x50: {  	s8 =	sadd.s32 $0xC8D0, s23;
	s9 =	sadd.s32 $0xC8C0, s23;
	v10 =	vld.idx.msk [tilespmem:v14+s13+$0x0], $0xffff;
	[dreg:$0x9] =	wrdreg s5;
	v23 =	vor.u32 $0x7, v20  }
0x51: {  	s12 =	sadd.s32 $0xC8B0, s23;
	s4 =	sadd.s32 $0xC8A0, s23;
	s24 =	sadd.s32 $0xC300, s23;
	v13 =	vld.idx.msk [tilespmem:v15+s13+$0x0], $0xffff;
	v17 =	vor.u32 $0x1, v20  }
0x52: {  	s15 =	sadd.s32 $0xC890, s23;
	s11 =	sadd.s32 $0xC880, s23;
	s14 =	sadd.s32 $0xC350, s23;
	v11 =	vld.idx.msk [tilespmem:v16+s13+$0x0], $0xffff;
	[tilespmem:s24+$0x180] =	vst v18;
	v18 =	vor.u32 $0x2, v20  }
0x53: {  	s19 =	sadd.s32 $0xC340, s23;
	s20 =	sadd.s32 $0xC320, s23;
	s0 =	sadd.s32 $0xCCE0, s23;
	v14 =	vld.idx.msk [tilespmem:v9+s13+$0x0], $0xffff;
	v15 =	vor.u32 $0x3, v20;
	[tilespmem:s24+$0xFFFFFE80] =	vst v19  }
0x54: {  	s21 =	sadd.s32 $0xC370, s23;
	s22 =	sadd.s32 $0xC330, s23;
	v12 =	vor.u32 $0x4, v20;
	v9 =	vld.idx.msk [tilespmem:v20+s13+$0x0], $0xffff;
	[dreg:$0xb] =	wrdreg s25  }
0x55: {  	v21 =	vadd.s32 $0x8, v21;
	s5 =	sadd.s32 $0xC360, s23;
	s23 =	sadd.s32 $0xC310, s23;
	v16 =	vor.u32 $0x6, v20;
	v19 =	vor.u32 $0x5, v20;
	s25 =	simm.s32 $0x8;
	v20 =	vld.idx.msk [tilespmem:v23+s13+$0x0], $0xffff;
	[tilespmem:s24+$0xFFFFFF00] =	vst v22  }
.LBB2_3:
0x56: {  	v22 =	vand.u32 $0xFFFFFFF8, v21;
	s25 =	sadd.s32 $0x8, s25;
	v23 =	vld.idx.msk [tilespmem:v17+s13+$0x0], $0xffff;
	[tilespmem:s24+$0xFFFFFF80] =	vst v10  }
0x57: {  	v22 =	vadd.s32 v0, v22;
	p1 =	slt.u32 s25, $0x18;
	v24 =	vld.idx.msk [tilespmem:v18+s13+$0x0], $0xffff;
	[tilespmem:s24+$0x0] =	vst v13  }
0x58: {  	v17 =	vor.u32 $0x1, v22;
	v18 =	vor.u32 $0x2, v22;
	v25 =	vor.u32 $0x7, v22;
	v10 =	vld.idx.msk [tilespmem:v15+s13+$0x0], $0xffff;
	[tilespmem:s24+$0x80] =	vst v11  }
.Ltmp0:
0x59: {  	v15 =	vor.u32 $0x3, v22;
	v26 =	vor.u32 $0x5, v22;
	v13 =	vld.idx.msk [tilespmem:v12+s13+$0x0], $0xffff;
	v12 =	vor.u32 $0x4, v22;
	[tilespmem:s24+$0x100] =	vst v14;
	(pc) =	sbr.rel @p1 .LBB2_3-.Ltmp0, $4  }
0x5a: {  	v27 =	vor.u32 $0x6, v22;
	v11 =	vld.idx.msk [tilespmem:v19+s13+$0x0], $0xffff;
	[tilespmem:s24+$0xFFFFFE00] =	vst v8;
	s24 =	sadd.s32 $0x1000, s24;
	v19 =	vmov v26;
	v8 =	vmov v9  }
0x5b: {  	v14 =	vld.idx.msk [tilespmem:v16+s13+$0x0], $0xffff;
	[tilespmem:s24+$0x180] =	vst v20;
	v16 =	vmov v27  }
0x5c: {  	v9 =	vld.idx.msk [tilespmem:v22+s13+$0x0], $0xffff;
	[tilespmem:s24+$0xFFFFFE80] =	vst v23  }
0x5d: {  	v21 =	vadd.s32 $0x8, v21;
	v20 =	vld.idx.msk [tilespmem:v25+s13+$0x0], $0xffff;
	[tilespmem:s24+$0xFFFFFF00] =	vst v24  }
0x5e: {  	_ =	sdelay $0x1  }
0x5f: {  	[tilespmem:s24+$0xFFFFFF80] =	vst v10  }
0x60: {  	[tilespmem:s24+$0x0] =	vst v13  }
0x61: {  	v10 =	vld.idx.msk [tilespmem:v17+s13+$0x0], $0xffff;
	[tilespmem:s24+$0xFFFFFE00] =	vst v8  }
0x62: {  	v13 =	vld.idx.msk [tilespmem:v18+s13+$0x0], $0xffff;
	[tilespmem:s24+$0x80] =	vst v11  }
0x63: {  	v12 =	vld.idx.msk [tilespmem:v12+s13+$0x0], $0xffff;
	s25 =	sadd.s32 $0x1000, s24;
	[tilespmem:s24+$0x100] =	vst v14  }
0x64: {  	v8 =	vld.idx.msk [tilespmem:v19+s13+$0x0], $0xffff;
	[tilespmem:s25+$0xFFFFFE00] =	vst v9  }
0x65: {  	v11 =	vld.idx.msk [tilespmem:v15+s13+$0x0], $0xffff;
	[tilespmem:s25+$0x180] =	vst v20  }
0x66: {  	v14 =	vld.idx.msk [tilespmem:v16+s13+$0x0], $0xffff;
	[tilespmem:s25+$0xFFFFFE80] =	vst v10  }
0x67: {  	[tilespmem:s25+$0xFFFFFF00] =	vst v13  }
0x68: {  	[tilespmem:s25+$0x0] =	vst v12  }
0x69: {  	[tilespmem:s25+$0x80] =	vst v8  }
0x6a: {  	[tilespmem:s25+$0xFFFFFF80] =	vst v11  }
0x6b: {  	[tilespmem:s25+$0x100] =	vst v14  }
0x6c: {  	s25 =	rddreg [dreg:$0xc]  }
0x6d: {  	v8 =	vld [tilespmem:s25+$0x10];
	_ =	sdelay $0x4  }
0x6e: {  	v8 =	vshll.u32 v8, $0x5  }
0x6f: {  	v9 =	vand.u32 $0x60, v8  }
0x70: {  	v8 =	vand.u32 $0xFFFFFFF8, v9  }
0x71: {  	v10 =	vadd.s32 v1, v8  }
0x72: {  	v11 =	vor.u32 $0x7, v10  }
0x73: {  	v12 =	vor.u32 $0x1, v10  }
0x74: {  	v13 =	vor.u32 $0x2, v10  }
0x75: {  	v14 =	vor.u32 $0x3, v10  }
0x76: {  	v15 =	vor.u32 $0x4, v10;
	v8 =	vld.idx.msk [tilespmem:v10+s13+$0x0], $0xffff  }
0x77: {  	v21 =	vadd.s32 $0x8, v9;
	v16 =	vor.u32 $0x5, v10;
	v11 =	vld.idx.msk [tilespmem:v11+s13+$0x0], $0xffff  }
0x78: {  	v9 =	vor.u32 $0x6, v10;
	v10 =	vand.u32 $0xFFFFFFF8, v21;
	v12 =	vld.idx.msk [tilespmem:v12+s13+$0x0], $0xffff  }
0x79: {  	v18 =	vadd.s32 v1, v10;
	v22 =	vld.idx.msk [tilespmem:v13+s13+$0x0], $0xffff  }
0x7a: {  	v20 =	vld.idx.msk [tilespmem:v14+s13+$0x0], $0xffff;
	v23 =	vor.u32 $0x7, v18  }
0x7b: {  	v17 =	vld.idx.msk [tilespmem:v15+s13+$0x0], $0xffff;
	v19 =	vor.u32 $0x1, v18  }
0x7c: {  	v15 =	vld.idx.msk [tilespmem:v16+s13+$0x0], $0xffff;
	v14 =	vor.u32 $0x2, v18  }
0x7d: {  	v16 =	vld.idx.msk [tilespmem:v9+s13+$0x0], $0xffff;
	v13 =	vor.u32 $0x3, v18;
	[tilespmem:s23+$0x180] =	vst v11  }
0x7e: {  	v10 =	vor.u32 $0x4, v18;
	v9 =	vld.idx.msk [tilespmem:v18+s13+$0x0], $0xffff;
	[tilespmem:s23+$0xFFFFFE80] =	vst v12  }
0x7f: {  	s24 =	simm.s32 $0x8;
	v21 =	vadd.s32 $0x8, v21;
	v12 =	vor.u32 $0x5, v18;
	v11 =	vor.u32 $0x6, v18;
	[tilespmem:s23+$0xFFFFFF00] =	vst v22;
	v18 =	vld.idx.msk [tilespmem:v23+s13+$0x0], $0xffff  }
.LBB2_5:
0x80: {  	v22 =	vand.u32 $0xFFFFFFF8, v21;
	s24 =	sadd.s32 $0x8, s24;
	v23 =	vld.idx.msk [tilespmem:v19+s13+$0x0], $0xffff;
	[tilespmem:s23+$0xFFFFFF80] =	vst v20  }
0x81: {  	v22 =	vadd.s32 v1, v22;
	p1 =	slt.u32 s24, $0x18;
	v24 =	vld.idx.msk [tilespmem:v14+s13+$0x0], $0xffff;
	[tilespmem:s23+$0x0] =	vst v17  }
0x82: {  	v19 =	vor.u32 $0x1, v22;
	v14 =	vor.u32 $0x2, v22;
	v25 =	vor.u32 $0x7, v22;
	v20 =	vld.idx.msk [tilespmem:v13+s13+$0x0], $0xffff;
	[tilespmem:s23+$0x80] =	vst v15  }
.Ltmp1:
0x83: {  	v13 =	vor.u32 $0x3, v22;
	v26 =	vor.u32 $0x5, v22;
	v17 =	vld.idx.msk [tilespmem:v10+s13+$0x0], $0xffff;
	v10 =	vor.u32 $0x4, v22;
	[tilespmem:s23+$0x100] =	vst v16;
	(pc) =	sbr.rel @p1 .LBB2_5-.Ltmp1, $4  }
0x84: {  	v27 =	vor.u32 $0x6, v22;
	v15 =	vld.idx.msk [tilespmem:v12+s13+$0x0], $0xffff;
	[tilespmem:s23+$0xFFFFFE00] =	vst v8;
	s23 =	sadd.s32 $0x1000, s23;
	v12 =	vmov v26;
	v8 =	vmov v9  }
0x85: {  	v16 =	vld.idx.msk [tilespmem:v11+s13+$0x0], $0xffff;
	[tilespmem:s23+$0x180] =	vst v18;
	v11 =	vmov v27  }
0x86: {  	v9 =	vld.idx.msk [tilespmem:v22+s13+$0x0], $0xffff;
	[tilespmem:s23+$0xFFFFFE80] =	vst v23  }
0x87: {  	v21 =	vadd.s32 $0x8, v21;
	v18 =	vld.idx.msk [tilespmem:v25+s13+$0x0], $0xffff;
	[tilespmem:s23+$0xFFFFFF00] =	vst v24  }
0x88: {  	_ =	sdelay $0x1  }
0x89: {  	[tilespmem:s23+$0xFFFFFF80] =	vst v20  }
0x8a: {  	[tilespmem:s23+$0x0] =	vst v17  }
0x8b: {  	v19 =	vld.idx.msk [tilespmem:v19+s13+$0x0], $0xffff;
	[tilespmem:s23+$0xFFFFFE00] =	vst v8  }
0x8c: {  	v14 =	vld.idx.msk [tilespmem:v14+s13+$0x0], $0xffff;
	[tilespmem:s23+$0x80] =	vst v15  }
0x8d: {  	v13 =	vld.idx.msk [tilespmem:v13+s13+$0x0], $0xffff;
	s24 =	sadd.s32 $0x1000, s23;
	[tilespmem:s23+$0x100] =	vst v16  }
0x8e: {  	v10 =	vld.idx.msk [tilespmem:v10+s13+$0x0], $0xffff;
	[tilespmem:s24+$0xFFFFFE00] =	vst v9  }
0x8f: {  	v8 =	vld.idx.msk [tilespmem:v12+s13+$0x0], $0xffff;
	[tilespmem:s24+$0x180] =	vst v18  }
0x90: {  	v11 =	vld.idx.msk [tilespmem:v11+s13+$0x0], $0xffff;
	[tilespmem:s24+$0xFFFFFE80] =	vst v19  }
0x91: {  	[tilespmem:s24+$0xFFFFFF00] =	vst v14  }
0x92: {  	[tilespmem:s24+$0xFFFFFF80] =	vst v13  }
0x93: {  	[tilespmem:s24+$0x0] =	vst v10  }
0x94: {  	[tilespmem:s24+$0x80] =	vst v8  }
0x95: {  	[tilespmem:s24+$0x100] =	vst v11  }
0x96: {  	v8 =	vld [tilespmem:s25+$0x20];
	_ =	sdelay $0x4  }
0x97: {  	v8 =	vshll.u32 v8, $0x5  }
0x98: {  	v9 =	vand.u32 $0x60, v8  }
0x99: {  	v8 =	vand.u32 $0xFFFFFFF8, v9  }
0x9a: {  	v10 =	vadd.s32 v2, v8  }
0x9b: {  	v11 =	vor.u32 $0x7, v10  }
0x9c: {  	v12 =	vor.u32 $0x1, v10  }
0x9d: {  	v13 =	vor.u32 $0x2, v10  }
0x9e: {  	v14 =	vor.u32 $0x3, v10  }
0x9f: {  	v15 =	vor.u32 $0x4, v10;
	v8 =	vld.idx.msk [tilespmem:v10+s13+$0x0], $0xffff  }
0xa0: {  	v21 =	vadd.s32 $0x8, v9;
	v16 =	vor.u32 $0x5, v10;
	v11 =	vld.idx.msk [tilespmem:v11+s13+$0x0], $0xffff  }
0xa1: {  	v9 =	vor.u32 $0x6, v10;
	v10 =	vand.u32 $0xFFFFFFF8, v21;
	v12 =	vld.idx.msk [tilespmem:v12+s13+$0x0], $0xffff  }
0xa2: {  	v18 =	vadd.s32 v2, v10;
	v22 =	vld.idx.msk [tilespmem:v13+s13+$0x0], $0xffff  }
0xa3: {  	v20 =	vld.idx.msk [tilespmem:v14+s13+$0x0], $0xffff;
	v23 =	vor.u32 $0x7, v18  }
0xa4: {  	v17 =	vld.idx.msk [tilespmem:v15+s13+$0x0], $0xffff;
	v19 =	vor.u32 $0x1, v18  }
0xa5: {  	v15 =	vld.idx.msk [tilespmem:v16+s13+$0x0], $0xffff;
	v14 =	vor.u32 $0x2, v18  }
0xa6: {  	v16 =	vld.idx.msk [tilespmem:v9+s13+$0x0], $0xffff;
	v13 =	vor.u32 $0x3, v18;
	[tilespmem:s20+$0x180] =	vst v11  }
0xa7: {  	v10 =	vor.u32 $0x4, v18;
	v9 =	vld.idx.msk [tilespmem:v18+s13+$0x0], $0xffff;
	[tilespmem:s20+$0xFFFFFE80] =	vst v12  }
0xa8: {  	s23 =	simm.s32 $0x8;
	v21 =	vadd.s32 $0x8, v21;
	v12 =	vor.u32 $0x5, v18;
	v11 =	vor.u32 $0x6, v18;
	[tilespmem:s20+$0xFFFFFF00] =	vst v22;
	v18 =	vld.idx.msk [tilespmem:v23+s13+$0x0], $0xffff  }
.LBB2_7:
0xa9: {  	v22 =	vand.u32 $0xFFFFFFF8, v21;
	s23 =	sadd.s32 $0x8, s23;
	v23 =	vld.idx.msk [tilespmem:v19+s13+$0x0], $0xffff;
	[tilespmem:s20+$0xFFFFFF80] =	vst v20  }
0xaa: {  	v22 =	vadd.s32 v2, v22;
	p1 =	slt.u32 s23, $0x18;
	v24 =	vld.idx.msk [tilespmem:v14+s13+$0x0], $0xffff;
	[tilespmem:s20+$0x0] =	vst v17  }
0xab: {  	v19 =	vor.u32 $0x1, v22;
	v14 =	vor.u32 $0x2, v22;
	v25 =	vor.u32 $0x7, v22;
	v20 =	vld.idx.msk [tilespmem:v13+s13+$0x0], $0xffff;
	[tilespmem:s20+$0x80] =	vst v15  }
.Ltmp2:
0xac: {  	v13 =	vor.u32 $0x3, v22;
	v26 =	vor.u32 $0x5, v22;
	v17 =	vld.idx.msk [tilespmem:v10+s13+$0x0], $0xffff;
	v10 =	vor.u32 $0x4, v22;
	[tilespmem:s20+$0x100] =	vst v16;
	(pc) =	sbr.rel @p1 .LBB2_7-.Ltmp2, $4  }
0xad: {  	v27 =	vor.u32 $0x6, v22;
	v15 =	vld.idx.msk [tilespmem:v12+s13+$0x0], $0xffff;
	[tilespmem:s20+$0xFFFFFE00] =	vst v8;
	s20 =	sadd.s32 $0x1000, s20;
	v12 =	vmov v26;
	v8 =	vmov v9  }
0xae: {  	v16 =	vld.idx.msk [tilespmem:v11+s13+$0x0], $0xffff;
	[tilespmem:s20+$0x180] =	vst v18;
	v11 =	vmov v27  }
0xaf: {  	v9 =	vld.idx.msk [tilespmem:v22+s13+$0x0], $0xffff;
	[tilespmem:s20+$0xFFFFFE80] =	vst v23  }
0xb0: {  	v21 =	vadd.s32 $0x8, v21;
	v18 =	vld.idx.msk [tilespmem:v25+s13+$0x0], $0xffff;
	[tilespmem:s20+$0xFFFFFF00] =	vst v24  }
0xb1: {  	_ =	sdelay $0x1  }
0xb2: {  	[tilespmem:s20+$0xFFFFFF80] =	vst v20  }
0xb3: {  	[tilespmem:s20+$0x0] =	vst v17  }
0xb4: {  	v19 =	vld.idx.msk [tilespmem:v19+s13+$0x0], $0xffff;
	[tilespmem:s20+$0xFFFFFE00] =	vst v8  }
0xb5: {  	v14 =	vld.idx.msk [tilespmem:v14+s13+$0x0], $0xffff;
	[tilespmem:s20+$0x80] =	vst v15  }
0xb6: {  	v13 =	vld.idx.msk [tilespmem:v13+s13+$0x0], $0xffff;
	s24 =	sadd.s32 $0x1000, s20;
	[tilespmem:s20+$0x100] =	vst v16  }
0xb7: {  	v10 =	vld.idx.msk [tilespmem:v10+s13+$0x0], $0xffff;
	[tilespmem:s24+$0xFFFFFE00] =	vst v9  }
0xb8: {  	v8 =	vld.idx.msk [tilespmem:v12+s13+$0x0], $0xffff;
	[tilespmem:s24+$0x180] =	vst v18  }
0xb9: {  	v11 =	vld.idx.msk [tilespmem:v11+s13+$0x0], $0xffff;
	[tilespmem:s24+$0xFFFFFE80] =	vst v19  }
0xba: {  	[tilespmem:s24+$0xFFFFFF00] =	vst v14  }
0xbb: {  	[tilespmem:s24+$0xFFFFFF80] =	vst v13  }
0xbc: {  	[tilespmem:s24+$0x0] =	vst v10  }
0xbd: {  	[tilespmem:s24+$0x80] =	vst v8  }
0xbe: {  	[tilespmem:s24+$0x100] =	vst v11  }
0xbf: {  	v8 =	vld [tilespmem:s25+$0x30];
	_ =	sdelay $0x4  }
0xc0: {  	v8 =	vshll.u32 v8, $0x5  }
0xc1: {  	v9 =	vand.u32 $0x60, v8  }
0xc2: {  	v8 =	vand.u32 $0xFFFFFFF8, v9  }
0xc3: {  	v10 =	vadd.s32 v3, v8  }
0xc4: {  	v11 =	vor.u32 $0x7, v10  }
0xc5: {  	v12 =	vor.u32 $0x1, v10  }
0xc6: {  	v13 =	vor.u32 $0x2, v10  }
0xc7: {  	v14 =	vor.u32 $0x3, v10  }
0xc8: {  	v15 =	vor.u32 $0x4, v10;
	v8 =	vld.idx.msk [tilespmem:v10+s13+$0x0], $0xffff  }
0xc9: {  	v21 =	vadd.s32 $0x8, v9;
	v16 =	vor.u32 $0x5, v10;
	v11 =	vld.idx.msk [tilespmem:v11+s13+$0x0], $0xffff  }
0xca: {  	v9 =	vor.u32 $0x6, v10;
	v10 =	vand.u32 $0xFFFFFFF8, v21;
	v12 =	vld.idx.msk [tilespmem:v12+s13+$0x0], $0xffff  }
0xcb: {  	v18 =	vadd.s32 v3, v10;
	v22 =	vld.idx.msk [tilespmem:v13+s13+$0x0], $0xffff  }
0xcc: {  	v20 =	vld.idx.msk [tilespmem:v14+s13+$0x0], $0xffff;
	v23 =	vor.u32 $0x7, v18  }
0xcd: {  	v17 =	vld.idx.msk [tilespmem:v15+s13+$0x0], $0xffff;
	v19 =	vor.u32 $0x1, v18  }
0xce: {  	v15 =	vld.idx.msk [tilespmem:v16+s13+$0x0], $0xffff;
	v14 =	vor.u32 $0x2, v18  }
0xcf: {  	v16 =	vld.idx.msk [tilespmem:v9+s13+$0x0], $0xffff;
	v13 =	vor.u32 $0x3, v18;
	[tilespmem:s22+$0x180] =	vst v11  }
0xd0: {  	v10 =	vor.u32 $0x4, v18;
	v9 =	vld.idx.msk [tilespmem:v18+s13+$0x0], $0xffff;
	[tilespmem:s22+$0xFFFFFE80] =	vst v12  }
0xd1: {  	s20 =	simm.s32 $0x8;
	v21 =	vadd.s32 $0x8, v21;
	v12 =	vor.u32 $0x5, v18;
	v11 =	vor.u32 $0x6, v18;
	[tilespmem:s22+$0xFFFFFF00] =	vst v22;
	v18 =	vld.idx.msk [tilespmem:v23+s13+$0x0], $0xffff  }
.LBB2_9:
0xd2: {  	v22 =	vand.u32 $0xFFFFFFF8, v21;
	s20 =	sadd.s32 $0x8, s20;
	v23 =	vld.idx.msk [tilespmem:v19+s13+$0x0], $0xffff;
	[tilespmem:s22+$0xFFFFFF80] =	vst v20  }
0xd3: {  	v22 =	vadd.s32 v3, v22;
	p1 =	slt.u32 s20, $0x18;
	v24 =	vld.idx.msk [tilespmem:v14+s13+$0x0], $0xffff;
	[tilespmem:s22+$0x0] =	vst v17  }
0xd4: {  	v19 =	vor.u32 $0x1, v22;
	v14 =	vor.u32 $0x2, v22;
	v25 =	vor.u32 $0x7, v22;
	v20 =	vld.idx.msk [tilespmem:v13+s13+$0x0], $0xffff;
	[tilespmem:s22+$0x80] =	vst v15  }
.Ltmp3:
0xd5: {  	v13 =	vor.u32 $0x3, v22;
	v26 =	vor.u32 $0x5, v22;
	v17 =	vld.idx.msk [tilespmem:v10+s13+$0x0], $0xffff;
	v10 =	vor.u32 $0x4, v22;
	[tilespmem:s22+$0x100] =	vst v16;
	(pc) =	sbr.rel @p1 .LBB2_9-.Ltmp3, $4  }
0xd6: {  	v27 =	vor.u32 $0x6, v22;
	v15 =	vld.idx.msk [tilespmem:v12+s13+$0x0], $0xffff;
	[tilespmem:s22+$0xFFFFFE00] =	vst v8;
	s22 =	sadd.s32 $0x1000, s22;
	v12 =	vmov v26;
	v8 =	vmov v9  }
0xd7: {  	v16 =	vld.idx.msk [tilespmem:v11+s13+$0x0], $0xffff;
	[tilespmem:s22+$0x180] =	vst v18;
	v11 =	vmov v27  }
0xd8: {  	v9 =	vld.idx.msk [tilespmem:v22+s13+$0x0], $0xffff;
	[tilespmem:s22+$0xFFFFFE80] =	vst v23  }
0xd9: {  	v21 =	vadd.s32 $0x8, v21;
	v18 =	vld.idx.msk [tilespmem:v25+s13+$0x0], $0xffff;
	[tilespmem:s22+$0xFFFFFF00] =	vst v24  }
0xda: {  	_ =	sdelay $0x1  }
0xdb: {  	[tilespmem:s22+$0xFFFFFF80] =	vst v20  }
0xdc: {  	[tilespmem:s22+$0x0] =	vst v17  }
0xdd: {  	v19 =	vld.idx.msk [tilespmem:v19+s13+$0x0], $0xffff;
	[tilespmem:s22+$0xFFFFFE00] =	vst v8  }
0xde: {  	v14 =	vld.idx.msk [tilespmem:v14+s13+$0x0], $0xffff;
	[tilespmem:s22+$0x80] =	vst v15  }
0xdf: {  	v13 =	vld.idx.msk [tilespmem:v13+s13+$0x0], $0xffff;
	s20 =	sadd.s32 $0x1000, s22;
	[tilespmem:s22+$0x100] =	vst v16  }
0xe0: {  	v10 =	vld.idx.msk [tilespmem:v10+s13+$0x0], $0xffff;
	[tilespmem:s20+$0xFFFFFE00] =	vst v9  }
0xe1: {  	v8 =	vld.idx.msk [tilespmem:v12+s13+$0x0], $0xffff;
	[tilespmem:s20+$0x180] =	vst v18  }
0xe2: {  	v11 =	vld.idx.msk [tilespmem:v11+s13+$0x0], $0xffff;
	[tilespmem:s20+$0xFFFFFE80] =	vst v19  }
0xe3: {  	[tilespmem:s20+$0xFFFFFF00] =	vst v14  }
0xe4: {  	[tilespmem:s20+$0xFFFFFF80] =	vst v13  }
0xe5: {  	[tilespmem:s20+$0x0] =	vst v10  }
0xe6: {  	[tilespmem:s20+$0x80] =	vst v8  }
0xe7: {  	[tilespmem:s20+$0x100] =	vst v11  }
0xe8: {  	v8 =	vld [tilespmem:s25+$0x40];
	_ =	sdelay $0x4  }
0xe9: {  	v8 =	vshll.u32 v8, $0x5  }
0xea: {  	v9 =	vand.u32 $0x60, v8  }
0xeb: {  	v8 =	vand.u32 $0xFFFFFFF8, v9  }
0xec: {  	v10 =	vadd.s32 v4, v8  }
0xed: {  	v11 =	vor.u32 $0x7, v10  }
0xee: {  	v12 =	vor.u32 $0x1, v10  }
0xef: {  	v13 =	vor.u32 $0x2, v10  }
0xf0: {  	v14 =	vor.u32 $0x3, v10  }
0xf1: {  	v15 =	vor.u32 $0x4, v10;
	v8 =	vld.idx.msk [tilespmem:v10+s13+$0x0], $0xffff  }
0xf2: {  	v21 =	vadd.s32 $0x8, v9;
	v16 =	vor.u32 $0x5, v10;
	v11 =	vld.idx.msk [tilespmem:v11+s13+$0x0], $0xffff  }
0xf3: {  	v9 =	vor.u32 $0x6, v10;
	v10 =	vand.u32 $0xFFFFFFF8, v21;
	v12 =	vld.idx.msk [tilespmem:v12+s13+$0x0], $0xffff  }
0xf4: {  	v18 =	vadd.s32 v4, v10;
	v22 =	vld.idx.msk [tilespmem:v13+s13+$0x0], $0xffff  }
0xf5: {  	v20 =	vld.idx.msk [tilespmem:v14+s13+$0x0], $0xffff;
	v23 =	vor.u32 $0x7, v18  }
0xf6: {  	v17 =	vld.idx.msk [tilespmem:v15+s13+$0x0], $0xffff;
	v19 =	vor.u32 $0x1, v18  }
0xf7: {  	v15 =	vld.idx.msk [tilespmem:v16+s13+$0x0], $0xffff;
	v14 =	vor.u32 $0x2, v18  }
0xf8: {  	v16 =	vld.idx.msk [tilespmem:v9+s13+$0x0], $0xffff;
	v13 =	vor.u32 $0x3, v18;
	[tilespmem:s19+$0x180] =	vst v11  }
0xf9: {  	v10 =	vor.u32 $0x4, v18;
	v9 =	vld.idx.msk [tilespmem:v18+s13+$0x0], $0xffff;
	[tilespmem:s19+$0xFFFFFE80] =	vst v12  }
0xfa: {  	s20 =	simm.s32 $0x8;
	v21 =	vadd.s32 $0x8, v21;
	v12 =	vor.u32 $0x5, v18;
	v11 =	vor.u32 $0x6, v18;
	[tilespmem:s19+$0xFFFFFF00] =	vst v22;
	v18 =	vld.idx.msk [tilespmem:v23+s13+$0x0], $0xffff  }
.LBB2_11:
0xfb: {  	v22 =	vand.u32 $0xFFFFFFF8, v21;
	s20 =	sadd.s32 $0x8, s20;
	v23 =	vld.idx.msk [tilespmem:v19+s13+$0x0], $0xffff;
	[tilespmem:s19+$0xFFFFFF80] =	vst v20  }
0xfc: {  	v22 =	vadd.s32 v4, v22;
	p1 =	slt.u32 s20, $0x18;
	v24 =	vld.idx.msk [tilespmem:v14+s13+$0x0], $0xffff;
	[tilespmem:s19+$0x0] =	vst v17  }
0xfd: {  	v19 =	vor.u32 $0x1, v22;
	v14 =	vor.u32 $0x2, v22;
	v25 =	vor.u32 $0x7, v22;
	v20 =	vld.idx.msk [tilespmem:v13+s13+$0x0], $0xffff;
	[tilespmem:s19+$0x80] =	vst v15  }
.Ltmp4:
0xfe: {  	v13 =	vor.u32 $0x3, v22;
	v26 =	vor.u32 $0x5, v22;
	v17 =	vld.idx.msk [tilespmem:v10+s13+$0x0], $0xffff;
	v10 =	vor.u32 $0x4, v22;
	[tilespmem:s19+$0x100] =	vst v16;
	(pc) =	sbr.rel @p1 .LBB2_11-.Ltmp4, $4  }
0xff: {  	v27 =	vor.u32 $0x6, v22;
	v15 =	vld.idx.msk [tilespmem:v12+s13+$0x0], $0xffff;
	[tilespmem:s19+$0xFFFFFE00] =	vst v8;
	s19 =	sadd.s32 $0x1000, s19;
	v12 =	vmov v26;
	v8 =	vmov v9  }
0x100: {  	v16 =	vld.idx.msk [tilespmem:v11+s13+$0x0], $0xffff;
	[tilespmem:s19+$0x180] =	vst v18;
	v11 =	vmov v27  }
0x101: {  	v9 =	vld.idx.msk [tilespmem:v22+s13+$0x0], $0xffff;
	[tilespmem:s19+$0xFFFFFE80] =	vst v23  }
0x102: {  	v21 =	vadd.s32 $0x8, v21;
	v18 =	vld.idx.msk [tilespmem:v25+s13+$0x0], $0xffff;
	[tilespmem:s19+$0xFFFFFF00] =	vst v24  }
0x103: {  	_ =	sdelay $0x1  }
0x104: {  	[tilespmem:s19+$0xFFFFFF80] =	vst v20  }
0x105: {  	[tilespmem:s19+$0x0] =	vst v17  }
0x106: {  	v19 =	vld.idx.msk [tilespmem:v19+s13+$0x0], $0xffff;
	[tilespmem:s19+$0xFFFFFE00] =	vst v8  }
0x107: {  	v14 =	vld.idx.msk [tilespmem:v14+s13+$0x0], $0xffff;
	[tilespmem:s19+$0x80] =	vst v15  }
0x108: {  	v13 =	vld.idx.msk [tilespmem:v13+s13+$0x0], $0xffff;
	s24 =	sadd.s32 $0x1000, s19;
	[tilespmem:s19+$0x100] =	vst v16  }
0x109: {  	v10 =	vld.idx.msk [tilespmem:v10+s13+$0x0], $0xffff;
	[tilespmem:s24+$0xFFFFFE00] =	vst v9  }
0x10a: {  	v8 =	vld.idx.msk [tilespmem:v12+s13+$0x0], $0xffff;
	[tilespmem:s24+$0x180] =	vst v18  }
0x10b: {  	v11 =	vld.idx.msk [tilespmem:v11+s13+$0x0], $0xffff;
	[tilespmem:s24+$0xFFFFFE80] =	vst v19  }
0x10c: {  	[tilespmem:s24+$0xFFFFFF00] =	vst v14  }
0x10d: {  	[tilespmem:s24+$0xFFFFFF80] =	vst v13  }
0x10e: {  	[tilespmem:s24+$0x0] =	vst v10  }
0x10f: {  	[tilespmem:s24+$0x80] =	vst v8  }
0x110: {  	[tilespmem:s24+$0x100] =	vst v11  }
0x111: {  	v8 =	vld [tilespmem:s25+$0x50];
	_ =	sdelay $0x4  }
0x112: {  	v8 =	vshll.u32 v8, $0x5  }
0x113: {  	v9 =	vand.u32 $0x60, v8  }
0x114: {  	v8 =	vand.u32 $0xFFFFFFF8, v9  }
0x115: {  	v10 =	vadd.s32 v5, v8  }
0x116: {  	v11 =	vor.u32 $0x7, v10  }
0x117: {  	v12 =	vor.u32 $0x1, v10  }
0x118: {  	v13 =	vor.u32 $0x2, v10  }
0x119: {  	v14 =	vor.u32 $0x3, v10  }
0x11a: {  	v15 =	vor.u32 $0x4, v10;
	v8 =	vld.idx.msk [tilespmem:v10+s13+$0x0], $0xffff  }
0x11b: {  	v21 =	vadd.s32 $0x8, v9;
	v16 =	vor.u32 $0x5, v10;
	v11 =	vld.idx.msk [tilespmem:v11+s13+$0x0], $0xffff  }
0x11c: {  	v9 =	vor.u32 $0x6, v10;
	v10 =	vand.u32 $0xFFFFFFF8, v21;
	v12 =	vld.idx.msk [tilespmem:v12+s13+$0x0], $0xffff  }
0x11d: {  	v18 =	vadd.s32 v5, v10;
	v22 =	vld.idx.msk [tilespmem:v13+s13+$0x0], $0xffff  }
0x11e: {  	v20 =	vld.idx.msk [tilespmem:v14+s13+$0x0], $0xffff;
	v23 =	vor.u32 $0x7, v18  }
0x11f: {  	v17 =	vld.idx.msk [tilespmem:v15+s13+$0x0], $0xffff;
	v19 =	vor.u32 $0x1, v18  }
0x120: {  	v15 =	vld.idx.msk [tilespmem:v16+s13+$0x0], $0xffff;
	v14 =	vor.u32 $0x2, v18  }
0x121: {  	v16 =	vld.idx.msk [tilespmem:v9+s13+$0x0], $0xffff;
	v13 =	vor.u32 $0x3, v18;
	[tilespmem:s14+$0x180] =	vst v11  }
0x122: {  	v10 =	vor.u32 $0x4, v18;
	v9 =	vld.idx.msk [tilespmem:v18+s13+$0x0], $0xffff;
	[tilespmem:s14+$0xFFFFFE80] =	vst v12  }
0x123: {  	s19 =	simm.s32 $0x8;
	v21 =	vadd.s32 $0x8, v21;
	v12 =	vor.u32 $0x5, v18;
	v11 =	vor.u32 $0x6, v18;
	[tilespmem:s14+$0xFFFFFF00] =	vst v22;
	v18 =	vld.idx.msk [tilespmem:v23+s13+$0x0], $0xffff  }
.LBB2_13:
0x124: {  	v22 =	vand.u32 $0xFFFFFFF8, v21;
	s19 =	sadd.s32 $0x8, s19;
	v23 =	vld.idx.msk [tilespmem:v19+s13+$0x0], $0xffff;
	[tilespmem:s14+$0xFFFFFF80] =	vst v20  }
0x125: {  	v22 =	vadd.s32 v5, v22;
	p1 =	slt.u32 s19, $0x18;
	v24 =	vld.idx.msk [tilespmem:v14+s13+$0x0], $0xffff;
	[tilespmem:s14+$0x0] =	vst v17  }
0x126: {  	v19 =	vor.u32 $0x1, v22;
	v14 =	vor.u32 $0x2, v22;
	v25 =	vor.u32 $0x7, v22;
	v20 =	vld.idx.msk [tilespmem:v13+s13+$0x0], $0xffff;
	[tilespmem:s14+$0x80] =	vst v15  }
.Ltmp5:
0x127: {  	v13 =	vor.u32 $0x3, v22;
	v26 =	vor.u32 $0x5, v22;
	v17 =	vld.idx.msk [tilespmem:v10+s13+$0x0], $0xffff;
	v10 =	vor.u32 $0x4, v22;
	[tilespmem:s14+$0x100] =	vst v16;
	(pc) =	sbr.rel @p1 .LBB2_13-.Ltmp5, $4  }
0x128: {  	v27 =	vor.u32 $0x6, v22;
	v15 =	vld.idx.msk [tilespmem:v12+s13+$0x0], $0xffff;
	[tilespmem:s14+$0xFFFFFE00] =	vst v8;
	s14 =	sadd.s32 $0x1000, s14;
	v12 =	vmov v26;
	v8 =	vmov v9  }
0x129: {  	v16 =	vld.idx.msk [tilespmem:v11+s13+$0x0], $0xffff;
	[tilespmem:s14+$0x180] =	vst v18;
	v11 =	vmov v27  }
0x12a: {  	v9 =	vld.idx.msk [tilespmem:v22+s13+$0x0], $0xffff;
	[tilespmem:s14+$0xFFFFFE80] =	vst v23  }
0x12b: {  	v21 =	vadd.s32 $0x8, v21;
	v18 =	vld.idx.msk [tilespmem:v25+s13+$0x0], $0xffff;
	[tilespmem:s14+$0xFFFFFF00] =	vst v24  }
0x12c: {  	_ =	sdelay $0x1  }
0x12d: {  	[tilespmem:s14+$0xFFFFFF80] =	vst v20  }
0x12e: {  	[tilespmem:s14+$0x0] =	vst v17  }
0x12f: {  	v19 =	vld.idx.msk [tilespmem:v19+s13+$0x0], $0xffff;
	[tilespmem:s14+$0xFFFFFE00] =	vst v8  }
0x130: {  	v14 =	vld.idx.msk [tilespmem:v14+s13+$0x0], $0xffff;
	[tilespmem:s14+$0x80] =	vst v15  }
0x131: {  	v13 =	vld.idx.msk [tilespmem:v13+s13+$0x0], $0xffff;
	s24 =	sadd.s32 $0x1000, s14;
	[tilespmem:s14+$0x100] =	vst v16  }
0x132: {  	v10 =	vld.idx.msk [tilespmem:v10+s13+$0x0], $0xffff;
	[tilespmem:s24+$0xFFFFFE00] =	vst v9  }
0x133: {  	v8 =	vld.idx.msk [tilespmem:v12+s13+$0x0], $0xffff;
	[tilespmem:s24+$0x180] =	vst v18  }
0x134: {  	v11 =	vld.idx.msk [tilespmem:v11+s13+$0x0], $0xffff;
	[tilespmem:s24+$0xFFFFFE80] =	vst v19  }
0x135: {  	[tilespmem:s24+$0xFFFFFF00] =	vst v14  }
0x136: {  	[tilespmem:s24+$0xFFFFFF80] =	vst v13  }
0x137: {  	[tilespmem:s24+$0x0] =	vst v10  }
0x138: {  	[tilespmem:s24+$0x80] =	vst v8  }
0x139: {  	[tilespmem:s24+$0x100] =	vst v11  }
0x13a: {  	v8 =	vld [tilespmem:s25+$0x60];
	_ =	sdelay $0x4  }
0x13b: {  	v8 =	vshll.u32 v8, $0x5  }
0x13c: {  	v9 =	vand.u32 $0x60, v8  }
0x13d: {  	v8 =	vand.u32 $0xFFFFFFF8, v9  }
0x13e: {  	v10 =	vadd.s32 v6, v8  }
0x13f: {  	v11 =	vor.u32 $0x7, v10  }
0x140: {  	v12 =	vor.u32 $0x1, v10  }
0x141: {  	v13 =	vor.u32 $0x2, v10  }
0x142: {  	v14 =	vor.u32 $0x3, v10  }
0x143: {  	v15 =	vor.u32 $0x4, v10;
	v8 =	vld.idx.msk [tilespmem:v10+s13+$0x0], $0xffff  }
0x144: {  	v21 =	vadd.s32 $0x8, v9;
	v16 =	vor.u32 $0x5, v10;
	v11 =	vld.idx.msk [tilespmem:v11+s13+$0x0], $0xffff  }
0x145: {  	v9 =	vor.u32 $0x6, v10;
	v10 =	vand.u32 $0xFFFFFFF8, v21;
	v12 =	vld.idx.msk [tilespmem:v12+s13+$0x0], $0xffff  }
0x146: {  	v18 =	vadd.s32 v6, v10;
	v22 =	vld.idx.msk [tilespmem:v13+s13+$0x0], $0xffff  }
0x147: {  	v20 =	vld.idx.msk [tilespmem:v14+s13+$0x0], $0xffff;
	v23 =	vor.u32 $0x7, v18  }
0x148: {  	v17 =	vld.idx.msk [tilespmem:v15+s13+$0x0], $0xffff;
	v19 =	vor.u32 $0x1, v18  }
0x149: {  	v15 =	vld.idx.msk [tilespmem:v16+s13+$0x0], $0xffff;
	v14 =	vor.u32 $0x2, v18  }
0x14a: {  	v16 =	vld.idx.msk [tilespmem:v9+s13+$0x0], $0xffff;
	v13 =	vor.u32 $0x3, v18;
	[tilespmem:s5+$0x180] =	vst v11  }
0x14b: {  	v10 =	vor.u32 $0x4, v18;
	v9 =	vld.idx.msk [tilespmem:v18+s13+$0x0], $0xffff;
	[tilespmem:s5+$0xFFFFFE80] =	vst v12  }
0x14c: {  	s20 =	simm.s32 $0x1;
	s14 =	simm.s32 $0x8;
	v21 =	vadd.s32 $0x8, v21;
	v12 =	vor.u32 $0x5, v18;
	v11 =	vor.u32 $0x6, v18;
	[tilespmem:s5+$0xFFFFFF00] =	vst v22;
	v18 =	vld.idx.msk [tilespmem:v23+s13+$0x0], $0xffff  }
.LBB2_15:
0x14d: {  	v22 =	vand.u32 $0xFFFFFFF8, v21;
	s14 =	sadd.s32 $0x8, s14;
	v23 =	vld.idx.msk [tilespmem:v19+s13+$0x0], $0xffff;
	[tilespmem:s5+$0xFFFFFF80] =	vst v20  }
0x14e: {  	v22 =	vadd.s32 v6, v22;
	p1 =	slt.u32 s14, $0x18;
	v24 =	vld.idx.msk [tilespmem:v14+s13+$0x0], $0xffff;
	[tilespmem:s5+$0x0] =	vst v17  }
0x14f: {  	v19 =	vor.u32 $0x1, v22;
	v14 =	vor.u32 $0x2, v22;
	v25 =	vor.u32 $0x7, v22;
	v20 =	vld.idx.msk [tilespmem:v13+s13+$0x0], $0xffff;
	[tilespmem:s5+$0x80] =	vst v15  }
.Ltmp6:
0x150: {  	v13 =	vor.u32 $0x3, v22;
	v26 =	vor.u32 $0x5, v22;
	v17 =	vld.idx.msk [tilespmem:v10+s13+$0x0], $0xffff;
	v10 =	vor.u32 $0x4, v22;
	[tilespmem:s5+$0x100] =	vst v16;
	(pc) =	sbr.rel @p1 .LBB2_15-.Ltmp6, $4  }
0x151: {  	v27 =	vor.u32 $0x6, v22;
	v15 =	vld.idx.msk [tilespmem:v12+s13+$0x0], $0xffff;
	[tilespmem:s5+$0xFFFFFE00] =	vst v8;
	s5 =	sadd.s32 $0x1000, s5;
	v12 =	vmov v26;
	v8 =	vmov v9  }
0x152: {  	v16 =	vld.idx.msk [tilespmem:v11+s13+$0x0], $0xffff;
	[tilespmem:s5+$0x180] =	vst v18;
	v11 =	vmov v27  }
0x153: {  	v9 =	vld.idx.msk [tilespmem:v22+s13+$0x0], $0xffff;
	[tilespmem:s5+$0xFFFFFE80] =	vst v23  }
0x154: {  	v21 =	vadd.s32 $0x8, v21;
	v18 =	vld.idx.msk [tilespmem:v25+s13+$0x0], $0xffff;
	[tilespmem:s5+$0xFFFFFF00] =	vst v24  }
0x155: {  	_ =	sdelay $0x1  }
0x156: {  	[tilespmem:s5+$0xFFFFFF80] =	vst v20  }
0x157: {  	[tilespmem:s5+$0x0] =	vst v17  }
0x158: {  	v19 =	vld.idx.msk [tilespmem:v19+s13+$0x0], $0xffff;
	[tilespmem:s5+$0xFFFFFE00] =	vst v8  }
0x159: {  	v14 =	vld.idx.msk [tilespmem:v14+s13+$0x0], $0xffff;
	[tilespmem:s5+$0x80] =	vst v15  }
0x15a: {  	v13 =	vld.idx.msk [tilespmem:v13+s13+$0x0], $0xffff;
	s24 =	sadd.s32 $0x1000, s5;
	[tilespmem:s5+$0x100] =	vst v16  }
0x15b: {  	v10 =	vld.idx.msk [tilespmem:v10+s13+$0x0], $0xffff;
	[tilespmem:s24+$0xFFFFFE00] =	vst v9  }
0x15c: {  	v8 =	vld.idx.msk [tilespmem:v12+s13+$0x0], $0xffff;
	[tilespmem:s24+$0x180] =	vst v18  }
0x15d: {  	v11 =	vld.idx.msk [tilespmem:v11+s13+$0x0], $0xffff;
	[tilespmem:s24+$0xFFFFFE80] =	vst v19  }
0x15e: {  	[tilespmem:s24+$0xFFFFFF00] =	vst v14  }
0x15f: {  	[tilespmem:s24+$0xFFFFFF80] =	vst v13  }
0x160: {  	[tilespmem:s24+$0x0] =	vst v10  }
0x161: {  	[tilespmem:s24+$0x80] =	vst v8  }
0x162: {  	[tilespmem:s24+$0x100] =	vst v11  }
0x163: {  	v8 =	vld [tilespmem:s25+$0x70];
	_ =	sdelay $0x4  }
0x164: {  	v8 =	vshll.u32 v8, $0x5  }
0x165: {  	v9 =	vand.u32 $0x60, v8  }
0x166: {  	v8 =	vand.u32 $0xFFFFFFF8, v9  }
0x167: {  	v10 =	vadd.s32 v7, v8  }
0x168: {  	v11 =	vor.u32 $0x7, v10  }
0x169: {  	v12 =	vor.u32 $0x1, v10  }
0x16a: {  	v13 =	vor.u32 $0x2, v10  }
0x16b: {  	v14 =	vor.u32 $0x3, v10  }
0x16c: {  	v15 =	vor.u32 $0x4, v10;
	v8 =	vld.idx.msk [tilespmem:v10+s13+$0x0], $0xffff  }
0x16d: {  	v21 =	vadd.s32 $0x8, v9;
	v16 =	vor.u32 $0x5, v10;
	v11 =	vld.idx.msk [tilespmem:v11+s13+$0x0], $0xffff  }
0x16e: {  	v9 =	vor.u32 $0x6, v10;
	v10 =	vand.u32 $0xFFFFFFF8, v21;
	v12 =	vld.idx.msk [tilespmem:v12+s13+$0x0], $0xffff  }
0x16f: {  	v18 =	vadd.s32 v7, v10;
	v22 =	vld.idx.msk [tilespmem:v13+s13+$0x0], $0xffff  }
0x170: {  	v20 =	vld.idx.msk [tilespmem:v14+s13+$0x0], $0xffff;
	v23 =	vor.u32 $0x7, v18  }
0x171: {  	v17 =	vld.idx.msk [tilespmem:v15+s13+$0x0], $0xffff;
	v19 =	vor.u32 $0x1, v18  }
0x172: {  	v15 =	vld.idx.msk [tilespmem:v16+s13+$0x0], $0xffff;
	v14 =	vor.u32 $0x2, v18  }
0x173: {  	v16 =	vld.idx.msk [tilespmem:v9+s13+$0x0], $0xffff;
	v13 =	vor.u32 $0x3, v18;
	[tilespmem:s21+$0x180] =	vst v11  }
0x174: {  	v10 =	vor.u32 $0x4, v18;
	v9 =	vld.idx.msk [tilespmem:v18+s13+$0x0], $0xffff;
	[tilespmem:s21+$0xFFFFFE80] =	vst v12  }
0x175: {  	s19 =	simm.s32 $0x80;
	s5 =	simm.s32 $0x8;
	v21 =	vadd.s32 $0x8, v21;
	v12 =	vor.u32 $0x5, v18;
	v11 =	vor.u32 $0x6, v18;
	[tilespmem:s21+$0xFFFFFF00] =	vst v22;
	v18 =	vld.idx.msk [tilespmem:v23+s13+$0x0], $0xffff  }
.LBB2_17:
0x176: {  	v22 =	vand.u32 $0xFFFFFFF8, v21;
	s5 =	sadd.s32 $0x8, s5;
	v23 =	vld.idx.msk [tilespmem:v19+s13+$0x0], $0xffff;
	[tilespmem:s21+$0xFFFFFF80] =	vst v20  }
0x177: {  	v22 =	vadd.s32 v7, v22;
	p1 =	slt.u32 s5, $0x18;
	v24 =	vld.idx.msk [tilespmem:v14+s13+$0x0], $0xffff;
	[tilespmem:s21+$0x0] =	vst v17  }
0x178: {  	v19 =	vor.u32 $0x1, v22;
	v14 =	vor.u32 $0x2, v22;
	v25 =	vor.u32 $0x7, v22;
	v20 =	vld.idx.msk [tilespmem:v13+s13+$0x0], $0xffff;
	[tilespmem:s21+$0x80] =	vst v15  }
.Ltmp7:
0x179: {  	v13 =	vor.u32 $0x3, v22;
	v26 =	vor.u32 $0x5, v22;
	v17 =	vld.idx.msk [tilespmem:v10+s13+$0x0], $0xffff;
	v10 =	vor.u32 $0x4, v22;
	[tilespmem:s21+$0x100] =	vst v16;
	(pc) =	sbr.rel @p1 .LBB2_17-.Ltmp7, $4  }
0x17a: {  	v27 =	vor.u32 $0x6, v22;
	v15 =	vld.idx.msk [tilespmem:v12+s13+$0x0], $0xffff;
	[tilespmem:s21+$0xFFFFFE00] =	vst v8;
	s21 =	sadd.s32 $0x1000, s21;
	v12 =	vmov v26;
	v8 =	vmov v9  }
0x17b: {  	v16 =	vld.idx.msk [tilespmem:v11+s13+$0x0], $0xffff;
	[tilespmem:s21+$0x180] =	vst v18;
	v11 =	vmov v27  }
0x17c: {  	v9 =	vld.idx.msk [tilespmem:v22+s13+$0x0], $0xffff;
	[tilespmem:s21+$0xFFFFFE80] =	vst v23  }
0x17d: {  	v21 =	vadd.s32 $0x8, v21;
	v18 =	vld.idx.msk [tilespmem:v25+s13+$0x0], $0xffff;
	[tilespmem:s21+$0xFFFFFF00] =	vst v24  }
0x17e: {  	_ =	sdelay $0x1  }
0x17f: {  	[tilespmem:s21+$0xFFFFFF80] =	vst v20  }
0x180: {  	[tilespmem:s21+$0x0] =	vst v17  }
0x181: {  	v19 =	vld.idx.msk [tilespmem:v19+s13+$0x0], $0xffff;
	[tilespmem:s21+$0xFFFFFE00] =	vst v8  }
0x182: {  	v14 =	vld.idx.msk [tilespmem:v14+s13+$0x0], $0xffff;
	[tilespmem:s21+$0x80] =	vst v15  }
0x183: {  	v13 =	vld.idx.msk [tilespmem:v13+s13+$0x0], $0xffff;
	s5 =	sadd.s32 $0x1000, s21;
	[tilespmem:s21+$0x100] =	vst v16  }
0x184: {  	v10 =	vld.idx.msk [tilespmem:v10+s13+$0x0], $0xffff;
	[tilespmem:s5+$0xFFFFFE00] =	vst v9  }
0x185: {  	v8 =	vld.idx.msk [tilespmem:v12+s13+$0x0], $0xffff;
	[tilespmem:s5+$0x180] =	vst v18  }
0x186: {  	v11 =	vld.idx.msk [tilespmem:v11+s13+$0x0], $0xffff;
	[tilespmem:s5+$0xFFFFFE80] =	vst v19  }
0x187: {  	[tilespmem:s5+$0xFFFFFF00] =	vst v14  }
0x188: {  	[tilespmem:s5+$0xFFFFFF80] =	vst v13  }
0x189: {  	[tilespmem:s5+$0x0] =	vst v10  }
0x18a: {  	[tilespmem:s5+$0x80] =	vst v8  }
0x18b: {  	[tilespmem:s5+$0x100] =	vst v11  }
0x18c: {  	_ =	swait.ge [sflag:s20], $0x4000  }
0x18d: {  	[sflag:s20] =	ssyncset.done $0x0  }
0x18e: {  	[sflag:s20] =	ssyncadd.s32 $0xFFFFC000  }
0x18f: {  	v8 =	vld [tilespmem:s25+$0x800];
	_ =	sdelay $0x4  }
0x190: {  	v8 =	vshrl.u32 v8, $0x2  }
0x191: {  	[tilespmem:$0x4000] =	vst v8  }
0x192: {  	v8 =	vld [tilespmem:s25+$0x810];
	_ =	sdelay $0x4  }
0x193: {  	v8 =	vshrl.u32 v8, $0x2  }
0x194: {  	[tilespmem:$0x4010] =	vst v8  }
0x195: {  	v8 =	vld [tilespmem:s25+$0x820];
	_ =	sdelay $0x4  }
0x196: {  	v8 =	vshrl.u32 v8, $0x2  }
0x197: {  	[tilespmem:$0x4020] =	vst v8  }
0x198: {  	v8 =	vld [tilespmem:s25+$0x830];
	_ =	sdelay $0x4  }
0x199: {  	v8 =	vshrl.u32 v8, $0x2  }
0x19a: {  	[tilespmem:$0x4030] =	vst v8  }
0x19b: {  	v8 =	vld [tilespmem:s25+$0x840];
	_ =	sdelay $0x4  }
0x19c: {  	v8 =	vshrl.u32 v8, $0x2  }
0x19d: {  	[tilespmem:$0x4040] =	vst v8  }
0x19e: {  	v8 =	vld [tilespmem:s25+$0x850];
	_ =	sdelay $0x4  }
0x19f: {  	v8 =	vshrl.u32 v8, $0x2  }
0x1a0: {  	[tilespmem:$0x4050] =	vst v8  }
0x1a1: {  	v8 =	vld [tilespmem:s25+$0x860];
	_ =	sdelay $0x4  }
0x1a2: {  	v8 =	vshrl.u32 v8, $0x2  }
0x1a3: {  	[tilespmem:$0x4060] =	vst v8  }
0x1a4: {  	v8 =	vld [tilespmem:s25+$0x870];
	_ =	sdelay $0x4  }
0x1a5: {  	v8 =	vshrl.u32 v8, $0x2  }
0x1a6: {  	s24 =	simm.s32 $0x4000;
	s14 =	rddreg [dreg:$0x5];
	[tilespmem:$0x4070] =	vst v8  }
0x1a7: {  	[tilespmem:s13], [sflag:$0x1] =	stream.indirect.gather [hbm4b:s14+s19], $0x80, s24, s19, $0xb8;
	[tilespmem:$0x14100] =	vst v63  }
0x1a8: {  	v8 =	vld [tilespmem:s25+$0x400];
	_ =	sdelay $0x4  }
0x1a9: {  	v8 =	vshll.u32 v8, $0x5  }
0x1aa: {  	v9 =	vand.u32 $0x60, v8  }
0x1ab: {  	v8 =	vand.u32 $0xFFFFFFF8, v9  }
0x1ac: {  	v10 =	vadd.s32 v0, v8  }
0x1ad: {  	v11 =	vor.u32 $0x7, v10  }
0x1ae: {  	v12 =	vor.u32 $0x1, v10  }
0x1af: {  	v13 =	vor.u32 $0x2, v10  }
0x1b0: {  	v14 =	vor.u32 $0x3, v10  }
0x1b1: {  	v15 =	vor.u32 $0x4, v10;
	v8 =	vld.idx.msk [tilespmem:v10+s16+$0x0], $0xffff  }
0x1b2: {  	v21 =	vadd.s32 $0x8, v9;
	v16 =	vor.u32 $0x5, v10;
	v11 =	vld.idx.msk [tilespmem:v11+s16+$0x0], $0xffff  }
0x1b3: {  	v9 =	vor.u32 $0x6, v10;
	v10 =	vand.u32 $0xFFFFFFF8, v21;
	v12 =	vld.idx.msk [tilespmem:v12+s16+$0x0], $0xffff  }
0x1b4: {  	v18 =	vadd.s32 v0, v10;
	v22 =	vld.idx.msk [tilespmem:v13+s16+$0x0], $0xffff  }
0x1b5: {  	v20 =	vld.idx.msk [tilespmem:v14+s16+$0x0], $0xffff;
	v23 =	vor.u32 $0x7, v18  }
0x1b6: {  	v17 =	vld.idx.msk [tilespmem:v15+s16+$0x0], $0xffff;
	v19 =	vor.u32 $0x1, v18  }
0x1b7: {  	v15 =	vld.idx.msk [tilespmem:v16+s16+$0x0], $0xffff;
	v14 =	vor.u32 $0x2, v18  }
0x1b8: {  	v16 =	vld.idx.msk [tilespmem:v9+s16+$0x0], $0xffff;
	v13 =	vor.u32 $0x3, v18;
	[tilespmem:s11+$0x0] =	vst v11  }
0x1b9: {  	v10 =	vor.u32 $0x4, v18;
	v9 =	vld.idx.msk [tilespmem:v18+s16+$0x0], $0xffff;
	[tilespmem:s11+$0xFFFFFD00] =	vst v12  }
0x1ba: {  	s5 =	simm.s32 $0x8;
	v21 =	vadd.s32 $0x8, v21;
	v12 =	vor.u32 $0x5, v18;
	v11 =	vor.u32 $0x6, v18;
	[tilespmem:s11+$0xFFFFFD80] =	vst v22;
	v18 =	vld.idx.msk [tilespmem:v23+s16+$0x0], $0xffff  }
.LBB2_19:
0x1bb: {  	v22 =	vand.u32 $0xFFFFFFF8, v21;
	s5 =	sadd.s32 $0x8, s5;
	v23 =	vld.idx.msk [tilespmem:v19+s16+$0x0], $0xffff;
	[tilespmem:s11+$0xFFFFFE00] =	vst v20  }
0x1bc: {  	v22 =	vadd.s32 v0, v22;
	p1 =	slt.u32 s5, $0x18;
	v24 =	vld.idx.msk [tilespmem:v14+s16+$0x0], $0xffff;
	[tilespmem:s11+$0xFFFFFE80] =	vst v17  }
0x1bd: {  	v19 =	vor.u32 $0x1, v22;
	v14 =	vor.u32 $0x2, v22;
	v25 =	vor.u32 $0x7, v22;
	v20 =	vld.idx.msk [tilespmem:v13+s16+$0x0], $0xffff;
	[tilespmem:s11+$0xFFFFFF00] =	vst v15  }
.Ltmp8:
0x1be: {  	v13 =	vor.u32 $0x3, v22;
	v26 =	vor.u32 $0x5, v22;
	v17 =	vld.idx.msk [tilespmem:v10+s16+$0x0], $0xffff;
	v10 =	vor.u32 $0x4, v22;
	[tilespmem:s11+$0xFFFFFF80] =	vst v16;
	(pc) =	sbr.rel @p1 .LBB2_19-.Ltmp8, $4  }
0x1bf: {  	v27 =	vor.u32 $0x6, v22;
	v15 =	vld.idx.msk [tilespmem:v12+s16+$0x0], $0xffff;
	[tilespmem:s11+$0xFFFFFC80] =	vst v8;
	s11 =	sadd.s32 $0x1000, s11;
	v12 =	vmov v26;
	v8 =	vmov v9  }
0x1c0: {  	v16 =	vld.idx.msk [tilespmem:v11+s16+$0x0], $0xffff;
	[tilespmem:s11+$0x0] =	vst v18;
	v11 =	vmov v27  }
0x1c1: {  	v9 =	vld.idx.msk [tilespmem:v22+s16+$0x0], $0xffff;
	[tilespmem:s11+$0xFFFFFD00] =	vst v23  }
0x1c2: {  	v21 =	vadd.s32 $0x8, v21;
	v18 =	vld.idx.msk [tilespmem:v25+s16+$0x0], $0xffff;
	[tilespmem:s11+$0xFFFFFD80] =	vst v24  }
0x1c3: {  	_ =	sdelay $0x1  }
0x1c4: {  	[tilespmem:s11+$0xFFFFFE00] =	vst v20  }
0x1c5: {  	[tilespmem:s11+$0xFFFFFE80] =	vst v17  }
0x1c6: {  	v19 =	vld.idx.msk [tilespmem:v19+s16+$0x0], $0xffff;
	[tilespmem:s11+$0xFFFFFC80] =	vst v8  }
0x1c7: {  	v14 =	vld.idx.msk [tilespmem:v14+s16+$0x0], $0xffff;
	[tilespmem:s11+$0xFFFFFF00] =	vst v15  }
0x1c8: {  	v13 =	vld.idx.msk [tilespmem:v13+s16+$0x0], $0xffff;
	s5 =	sadd.s32 $0x1000, s11;
	[tilespmem:s11+$0xFFFFFF80] =	vst v16  }
0x1c9: {  	v10 =	vld.idx.msk [tilespmem:v10+s16+$0x0], $0xffff;
	[tilespmem:s5+$0xFFFFFC80] =	vst v9  }
0x1ca: {  	v8 =	vld.idx.msk [tilespmem:v12+s16+$0x0], $0xffff;
	[tilespmem:s5+$0x0] =	vst v18  }
0x1cb: {  	v11 =	vld.idx.msk [tilespmem:v11+s16+$0x0], $0xffff;
	[tilespmem:s5+$0xFFFFFD00] =	vst v19  }
0x1cc: {  	[tilespmem:s5+$0xFFFFFD80] =	vst v14  }
0x1cd: {  	[tilespmem:s5+$0xFFFFFE00] =	vst v13  }
0x1ce: {  	[tilespmem:s5+$0xFFFFFE80] =	vst v10  }
0x1cf: {  	[tilespmem:s5+$0xFFFFFF00] =	vst v8  }
0x1d0: {  	[tilespmem:s5+$0xFFFFFF80] =	vst v11  }
0x1d1: {  	v8 =	vld [tilespmem:s25+$0x410];
	_ =	sdelay $0x4  }
0x1d2: {  	v8 =	vshll.u32 v8, $0x5  }
0x1d3: {  	v9 =	vand.u32 $0x60, v8  }
0x1d4: {  	v8 =	vand.u32 $0xFFFFFFF8, v9  }
0x1d5: {  	v10 =	vadd.s32 v1, v8  }
0x1d6: {  	v11 =	vor.u32 $0x7, v10  }
0x1d7: {  	v12 =	vor.u32 $0x1, v10  }
0x1d8: {  	v13 =	vor.u32 $0x2, v10  }
0x1d9: {  	v14 =	vor.u32 $0x3, v10  }
0x1da: {  	v15 =	vor.u32 $0x4, v10;
	v8 =	vld.idx.msk [tilespmem:v10+s16+$0x0], $0xffff  }
0x1db: {  	v21 =	vadd.s32 $0x8, v9;
	v16 =	vor.u32 $0x5, v10;
	v11 =	vld.idx.msk [tilespmem:v11+s16+$0x0], $0xffff  }
0x1dc: {  	v9 =	vor.u32 $0x6, v10;
	v10 =	vand.u32 $0xFFFFFFF8, v21;
	v12 =	vld.idx.msk [tilespmem:v12+s16+$0x0], $0xffff  }
0x1dd: {  	v18 =	vadd.s32 v1, v10;
	v22 =	vld.idx.msk [tilespmem:v13+s16+$0x0], $0xffff  }
0x1de: {  	v20 =	vld.idx.msk [tilespmem:v14+s16+$0x0], $0xffff;
	v23 =	vor.u32 $0x7, v18  }
0x1df: {  	v17 =	vld.idx.msk [tilespmem:v15+s16+$0x0], $0xffff;
	v19 =	vor.u32 $0x1, v18  }
0x1e0: {  	v15 =	vld.idx.msk [tilespmem:v16+s16+$0x0], $0xffff;
	v14 =	vor.u32 $0x2, v18  }
0x1e1: {  	v16 =	vld.idx.msk [tilespmem:v9+s16+$0x0], $0xffff;
	v13 =	vor.u32 $0x3, v18;
	[tilespmem:s15+$0x0] =	vst v11  }
0x1e2: {  	v10 =	vor.u32 $0x4, v18;
	v9 =	vld.idx.msk [tilespmem:v18+s16+$0x0], $0xffff;
	[tilespmem:s15+$0xFFFFFD00] =	vst v12  }
0x1e3: {  	s5 =	simm.s32 $0x8;
	v21 =	vadd.s32 $0x8, v21;
	v12 =	vor.u32 $0x5, v18;
	v11 =	vor.u32 $0x6, v18;
	[tilespmem:s15+$0xFFFFFD80] =	vst v22;
	v18 =	vld.idx.msk [tilespmem:v23+s16+$0x0], $0xffff  }
.LBB2_21:
0x1e4: {  	v22 =	vand.u32 $0xFFFFFFF8, v21;
	s5 =	sadd.s32 $0x8, s5;
	v23 =	vld.idx.msk [tilespmem:v19+s16+$0x0], $0xffff;
	[tilespmem:s15+$0xFFFFFE00] =	vst v20  }
0x1e5: {  	v22 =	vadd.s32 v1, v22;
	p1 =	slt.u32 s5, $0x18;
	v24 =	vld.idx.msk [tilespmem:v14+s16+$0x0], $0xffff;
	[tilespmem:s15+$0xFFFFFE80] =	vst v17  }
0x1e6: {  	v19 =	vor.u32 $0x1, v22;
	v14 =	vor.u32 $0x2, v22;
	v25 =	vor.u32 $0x7, v22;
	v20 =	vld.idx.msk [tilespmem:v13+s16+$0x0], $0xffff;
	[tilespmem:s15+$0xFFFFFF00] =	vst v15  }
.Ltmp9:
0x1e7: {  	v13 =	vor.u32 $0x3, v22;
	v26 =	vor.u32 $0x5, v22;
	v17 =	vld.idx.msk [tilespmem:v10+s16+$0x0], $0xffff;
	v10 =	vor.u32 $0x4, v22;
	[tilespmem:s15+$0xFFFFFF80] =	vst v16;
	(pc) =	sbr.rel @p1 .LBB2_21-.Ltmp9, $4  }
0x1e8: {  	v27 =	vor.u32 $0x6, v22;
	v15 =	vld.idx.msk [tilespmem:v12+s16+$0x0], $0xffff;
	[tilespmem:s15+$0xFFFFFC80] =	vst v8;
	s15 =	sadd.s32 $0x1000, s15;
	v12 =	vmov v26;
	v8 =	vmov v9  }
0x1e9: {  	v16 =	vld.idx.msk [tilespmem:v11+s16+$0x0], $0xffff;
	[tilespmem:s15+$0x0] =	vst v18;
	v11 =	vmov v27  }
0x1ea: {  	v9 =	vld.idx.msk [tilespmem:v22+s16+$0x0], $0xffff;
	[tilespmem:s15+$0xFFFFFD00] =	vst v23  }
0x1eb: {  	v21 =	vadd.s32 $0x8, v21;
	v18 =	vld.idx.msk [tilespmem:v25+s16+$0x0], $0xffff;
	[tilespmem:s15+$0xFFFFFD80] =	vst v24  }
0x1ec: {  	_ =	sdelay $0x1  }
0x1ed: {  	[tilespmem:s15+$0xFFFFFE00] =	vst v20  }
0x1ee: {  	[tilespmem:s15+$0xFFFFFE80] =	vst v17  }
0x1ef: {  	v19 =	vld.idx.msk [tilespmem:v19+s16+$0x0], $0xffff;
	[tilespmem:s15+$0xFFFFFC80] =	vst v8  }
0x1f0: {  	v14 =	vld.idx.msk [tilespmem:v14+s16+$0x0], $0xffff;
	[tilespmem:s15+$0xFFFFFF00] =	vst v15  }
0x1f1: {  	v13 =	vld.idx.msk [tilespmem:v13+s16+$0x0], $0xffff;
	s5 =	sadd.s32 $0x1000, s15;
	[tilespmem:s15+$0xFFFFFF80] =	vst v16  }
0x1f2: {  	v10 =	vld.idx.msk [tilespmem:v10+s16+$0x0], $0xffff;
	[tilespmem:s5+$0xFFFFFC80] =	vst v9  }
0x1f3: {  	v8 =	vld.idx.msk [tilespmem:v12+s16+$0x0], $0xffff;
	[tilespmem:s5+$0x0] =	vst v18  }
0x1f4: {  	v11 =	vld.idx.msk [tilespmem:v11+s16+$0x0], $0xffff;
	[tilespmem:s5+$0xFFFFFD00] =	vst v19  }
0x1f5: {  	[tilespmem:s5+$0xFFFFFD80] =	vst v14  }
0x1f6: {  	[tilespmem:s5+$0xFFFFFE00] =	vst v13  }
0x1f7: {  	[tilespmem:s5+$0xFFFFFE80] =	vst v10  }
0x1f8: {  	[tilespmem:s5+$0xFFFFFF00] =	vst v8  }
0x1f9: {  	[tilespmem:s5+$0xFFFFFF80] =	vst v11  }
0x1fa: {  	v8 =	vld [tilespmem:s25+$0x420];
	_ =	sdelay $0x4  }
0x1fb: {  	v8 =	vshll.u32 v8, $0x5  }
0x1fc: {  	v9 =	vand.u32 $0x60, v8  }
0x1fd: {  	v8 =	vand.u32 $0xFFFFFFF8, v9  }
0x1fe: {  	v10 =	vadd.s32 v2, v8  }
0x1ff: {  	v11 =	vor.u32 $0x7, v10  }
0x200: {  	v12 =	vor.u32 $0x1, v10  }
0x201: {  	v13 =	vor.u32 $0x2, v10  }
0x202: {  	v14 =	vor.u32 $0x3, v10  }
0x203: {  	v15 =	vor.u32 $0x4, v10;
	v8 =	vld.idx.msk [tilespmem:v10+s16+$0x0], $0xffff  }
0x204: {  	v21 =	vadd.s32 $0x8, v9;
	v16 =	vor.u32 $0x5, v10;
	v11 =	vld.idx.msk [tilespmem:v11+s16+$0x0], $0xffff  }
0x205: {  	v9 =	vor.u32 $0x6, v10;
	v10 =	vand.u32 $0xFFFFFFF8, v21;
	v12 =	vld.idx.msk [tilespmem:v12+s16+$0x0], $0xffff  }
0x206: {  	v18 =	vadd.s32 v2, v10;
	v22 =	vld.idx.msk [tilespmem:v13+s16+$0x0], $0xffff  }
0x207: {  	v20 =	vld.idx.msk [tilespmem:v14+s16+$0x0], $0xffff;
	v23 =	vor.u32 $0x7, v18  }
0x208: {  	v17 =	vld.idx.msk [tilespmem:v15+s16+$0x0], $0xffff;
	v19 =	vor.u32 $0x1, v18  }
0x209: {  	v15 =	vld.idx.msk [tilespmem:v16+s16+$0x0], $0xffff;
	v14 =	vor.u32 $0x2, v18  }
0x20a: {  	v16 =	vld.idx.msk [tilespmem:v9+s16+$0x0], $0xffff;
	v13 =	vor.u32 $0x3, v18;
	[tilespmem:s4+$0x0] =	vst v11  }
0x20b: {  	v10 =	vor.u32 $0x4, v18;
	v9 =	vld.idx.msk [tilespmem:v18+s16+$0x0], $0xffff;
	[tilespmem:s4+$0xFFFFFD00] =	vst v12  }
0x20c: {  	s5 =	simm.s32 $0x8;
	v21 =	vadd.s32 $0x8, v21;
	v12 =	vor.u32 $0x5, v18;
	v11 =	vor.u32 $0x6, v18;
	[tilespmem:s4+$0xFFFFFD80] =	vst v22;
	v18 =	vld.idx.msk [tilespmem:v23+s16+$0x0], $0xffff  }
.LBB2_23:
0x20d: {  	v22 =	vand.u32 $0xFFFFFFF8, v21;
	s5 =	sadd.s32 $0x8, s5;
	v23 =	vld.idx.msk [tilespmem:v19+s16+$0x0], $0xffff;
	[tilespmem:s4+$0xFFFFFE00] =	vst v20  }
0x20e: {  	v22 =	vadd.s32 v2, v22;
	p1 =	slt.u32 s5, $0x18;
	v24 =	vld.idx.msk [tilespmem:v14+s16+$0x0], $0xffff;
	[tilespmem:s4+$0xFFFFFE80] =	vst v17  }
0x20f: {  	v19 =	vor.u32 $0x1, v22;
	v14 =	vor.u32 $0x2, v22;
	v25 =	vor.u32 $0x7, v22;
	v20 =	vld.idx.msk [tilespmem:v13+s16+$0x0], $0xffff;
	[tilespmem:s4+$0xFFFFFF00] =	vst v15  }
.Ltmp10:
0x210: {  	v13 =	vor.u32 $0x3, v22;
	v26 =	vor.u32 $0x5, v22;
	v17 =	vld.idx.msk [tilespmem:v10+s16+$0x0], $0xffff;
	v10 =	vor.u32 $0x4, v22;
	[tilespmem:s4+$0xFFFFFF80] =	vst v16;
	(pc) =	sbr.rel @p1 .LBB2_23-.Ltmp10, $4  }
0x211: {  	v27 =	vor.u32 $0x6, v22;
	v15 =	vld.idx.msk [tilespmem:v12+s16+$0x0], $0xffff;
	[tilespmem:s4+$0xFFFFFC80] =	vst v8;
	s4 =	sadd.s32 $0x1000, s4;
	v12 =	vmov v26;
	v8 =	vmov v9  }
0x212: {  	v16 =	vld.idx.msk [tilespmem:v11+s16+$0x0], $0xffff;
	[tilespmem:s4+$0x0] =	vst v18;
	v11 =	vmov v27  }
0x213: {  	v9 =	vld.idx.msk [tilespmem:v22+s16+$0x0], $0xffff;
	[tilespmem:s4+$0xFFFFFD00] =	vst v23  }
0x214: {  	v21 =	vadd.s32 $0x8, v21;
	v18 =	vld.idx.msk [tilespmem:v25+s16+$0x0], $0xffff;
	[tilespmem:s4+$0xFFFFFD80] =	vst v24  }
0x215: {  	_ =	sdelay $0x1  }
0x216: {  	[tilespmem:s4+$0xFFFFFE00] =	vst v20  }
0x217: {  	[tilespmem:s4+$0xFFFFFE80] =	vst v17  }
0x218: {  	v19 =	vld.idx.msk [tilespmem:v19+s16+$0x0], $0xffff;
	[tilespmem:s4+$0xFFFFFC80] =	vst v8  }
0x219: {  	v14 =	vld.idx.msk [tilespmem:v14+s16+$0x0], $0xffff;
	[tilespmem:s4+$0xFFFFFF00] =	vst v15  }
0x21a: {  	v13 =	vld.idx.msk [tilespmem:v13+s16+$0x0], $0xffff;
	s24 =	sadd.s32 $0x1000, s4;
	[tilespmem:s4+$0xFFFFFF80] =	vst v16  }
0x21b: {  	v10 =	vld.idx.msk [tilespmem:v10+s16+$0x0], $0xffff;
	[tilespmem:s24+$0xFFFFFC80] =	vst v9  }
0x21c: {  	v8 =	vld.idx.msk [tilespmem:v12+s16+$0x0], $0xffff;
	[tilespmem:s24+$0x0] =	vst v18  }
0x21d: {  	v11 =	vld.idx.msk [tilespmem:v11+s16+$0x0], $0xffff;
	[tilespmem:s24+$0xFFFFFD00] =	vst v19  }
0x21e: {  	[tilespmem:s24+$0xFFFFFD80] =	vst v14  }
0x21f: {  	[tilespmem:s24+$0xFFFFFE00] =	vst v13  }
0x220: {  	[tilespmem:s24+$0xFFFFFE80] =	vst v10  }
0x221: {  	[tilespmem:s24+$0xFFFFFF00] =	vst v8  }
0x222: {  	[tilespmem:s24+$0xFFFFFF80] =	vst v11  }
0x223: {  	v8 =	vld [tilespmem:s25+$0x430];
	_ =	sdelay $0x4  }
0x224: {  	v8 =	vshll.u32 v8, $0x5  }
0x225: {  	v9 =	vand.u32 $0x60, v8  }
0x226: {  	v8 =	vand.u32 $0xFFFFFFF8, v9  }
0x227: {  	v10 =	vadd.s32 v3, v8  }
0x228: {  	v11 =	vor.u32 $0x7, v10  }
0x229: {  	v12 =	vor.u32 $0x1, v10  }
0x22a: {  	v13 =	vor.u32 $0x2, v10  }
0x22b: {  	v14 =	vor.u32 $0x3, v10  }
0x22c: {  	v15 =	vor.u32 $0x4, v10;
	v8 =	vld.idx.msk [tilespmem:v10+s16+$0x0], $0xffff  }
0x22d: {  	v21 =	vadd.s32 $0x8, v9;
	v16 =	vor.u32 $0x5, v10;
	v11 =	vld.idx.msk [tilespmem:v11+s16+$0x0], $0xffff  }
0x22e: {  	v9 =	vor.u32 $0x6, v10;
	v10 =	vand.u32 $0xFFFFFFF8, v21;
	v12 =	vld.idx.msk [tilespmem:v12+s16+$0x0], $0xffff  }
0x22f: {  	v18 =	vadd.s32 v3, v10;
	v22 =	vld.idx.msk [tilespmem:v13+s16+$0x0], $0xffff  }
0x230: {  	v20 =	vld.idx.msk [tilespmem:v14+s16+$0x0], $0xffff;
	v23 =	vor.u32 $0x7, v18  }
0x231: {  	v17 =	vld.idx.msk [tilespmem:v15+s16+$0x0], $0xffff;
	v19 =	vor.u32 $0x1, v18  }
0x232: {  	v15 =	vld.idx.msk [tilespmem:v16+s16+$0x0], $0xffff;
	v14 =	vor.u32 $0x2, v18  }
0x233: {  	v16 =	vld.idx.msk [tilespmem:v9+s16+$0x0], $0xffff;
	v13 =	vor.u32 $0x3, v18;
	[tilespmem:s12+$0x0] =	vst v11  }
0x234: {  	v10 =	vor.u32 $0x4, v18;
	v9 =	vld.idx.msk [tilespmem:v18+s16+$0x0], $0xffff;
	[tilespmem:s12+$0xFFFFFD00] =	vst v12  }
0x235: {  	s4 =	simm.s32 $0x8;
	v21 =	vadd.s32 $0x8, v21;
	v12 =	vor.u32 $0x5, v18;
	v11 =	vor.u32 $0x6, v18;
	[tilespmem:s12+$0xFFFFFD80] =	vst v22;
	v18 =	vld.idx.msk [tilespmem:v23+s16+$0x0], $0xffff  }
.LBB2_25:
0x236: {  	v22 =	vand.u32 $0xFFFFFFF8, v21;
	s4 =	sadd.s32 $0x8, s4;
	v23 =	vld.idx.msk [tilespmem:v19+s16+$0x0], $0xffff;
	[tilespmem:s12+$0xFFFFFE00] =	vst v20  }
0x237: {  	v22 =	vadd.s32 v3, v22;
	p1 =	slt.u32 s4, $0x18;
	v24 =	vld.idx.msk [tilespmem:v14+s16+$0x0], $0xffff;
	[tilespmem:s12+$0xFFFFFE80] =	vst v17  }
0x238: {  	v19 =	vor.u32 $0x1, v22;
	v14 =	vor.u32 $0x2, v22;
	v25 =	vor.u32 $0x7, v22;
	v20 =	vld.idx.msk [tilespmem:v13+s16+$0x0], $0xffff;
	[tilespmem:s12+$0xFFFFFF00] =	vst v15  }
.Ltmp11:
0x239: {  	v13 =	vor.u32 $0x3, v22;
	v26 =	vor.u32 $0x5, v22;
	v17 =	vld.idx.msk [tilespmem:v10+s16+$0x0], $0xffff;
	v10 =	vor.u32 $0x4, v22;
	[tilespmem:s12+$0xFFFFFF80] =	vst v16;
	(pc) =	sbr.rel @p1 .LBB2_25-.Ltmp11, $4  }
0x23a: {  	v27 =	vor.u32 $0x6, v22;
	v15 =	vld.idx.msk [tilespmem:v12+s16+$0x0], $0xffff;
	[tilespmem:s12+$0xFFFFFC80] =	vst v8;
	s12 =	sadd.s32 $0x1000, s12;
	v12 =	vmov v26;
	v8 =	vmov v9  }
0x23b: {  	v16 =	vld.idx.msk [tilespmem:v11+s16+$0x0], $0xffff;
	[tilespmem:s12+$0x0] =	vst v18;
	v11 =	vmov v27  }
0x23c: {  	v9 =	vld.idx.msk [tilespmem:v22+s16+$0x0], $0xffff;
	[tilespmem:s12+$0xFFFFFD00] =	vst v23  }
0x23d: {  	v21 =	vadd.s32 $0x8, v21;
	v18 =	vld.idx.msk [tilespmem:v25+s16+$0x0], $0xffff;
	[tilespmem:s12+$0xFFFFFD80] =	vst v24  }
0x23e: {  	_ =	sdelay $0x1  }
0x23f: {  	[tilespmem:s12+$0xFFFFFE00] =	vst v20  }
0x240: {  	[tilespmem:s12+$0xFFFFFE80] =	vst v17  }
0x241: {  	v19 =	vld.idx.msk [tilespmem:v19+s16+$0x0], $0xffff;
	[tilespmem:s12+$0xFFFFFC80] =	vst v8  }
0x242: {  	v14 =	vld.idx.msk [tilespmem:v14+s16+$0x0], $0xffff;
	[tilespmem:s12+$0xFFFFFF00] =	vst v15  }
0x243: {  	v13 =	vld.idx.msk [tilespmem:v13+s16+$0x0], $0xffff;
	s4 =	sadd.s32 $0x1000, s12;
	[tilespmem:s12+$0xFFFFFF80] =	vst v16  }
0x244: {  	v10 =	vld.idx.msk [tilespmem:v10+s16+$0x0], $0xffff;
	[tilespmem:s4+$0xFFFFFC80] =	vst v9  }
0x245: {  	v8 =	vld.idx.msk [tilespmem:v12+s16+$0x0], $0xffff;
	[tilespmem:s4+$0x0] =	vst v18  }
0x246: {  	v11 =	vld.idx.msk [tilespmem:v11+s16+$0x0], $0xffff;
	[tilespmem:s4+$0xFFFFFD00] =	vst v19  }
0x247: {  	[tilespmem:s4+$0xFFFFFD80] =	vst v14  }
0x248: {  	[tilespmem:s4+$0xFFFFFE00] =	vst v13  }
0x249: {  	[tilespmem:s4+$0xFFFFFE80] =	vst v10  }
0x24a: {  	[tilespmem:s4+$0xFFFFFF00] =	vst v8  }
0x24b: {  	[tilespmem:s4+$0xFFFFFF80] =	vst v11  }
0x24c: {  	v8 =	vld [tilespmem:s25+$0x440];
	_ =	sdelay $0x4  }
0x24d: {  	v8 =	vshll.u32 v8, $0x5  }
0x24e: {  	v9 =	vand.u32 $0x60, v8  }
0x24f: {  	v8 =	vand.u32 $0xFFFFFFF8, v9  }
0x250: {  	v10 =	vadd.s32 v4, v8  }
0x251: {  	v11 =	vor.u32 $0x7, v10  }
0x252: {  	v12 =	vor.u32 $0x1, v10  }
0x253: {  	v13 =	vor.u32 $0x2, v10  }
0x254: {  	v14 =	vor.u32 $0x3, v10  }
0x255: {  	v15 =	vor.u32 $0x4, v10;
	v8 =	vld.idx.msk [tilespmem:v10+s16+$0x0], $0xffff  }
0x256: {  	v21 =	vadd.s32 $0x8, v9;
	v16 =	vor.u32 $0x5, v10;
	v11 =	vld.idx.msk [tilespmem:v11+s16+$0x0], $0xffff  }
0x257: {  	v9 =	vor.u32 $0x6, v10;
	v10 =	vand.u32 $0xFFFFFFF8, v21;
	v12 =	vld.idx.msk [tilespmem:v12+s16+$0x0], $0xffff  }
0x258: {  	v18 =	vadd.s32 v4, v10;
	v22 =	vld.idx.msk [tilespmem:v13+s16+$0x0], $0xffff  }
0x259: {  	v20 =	vld.idx.msk [tilespmem:v14+s16+$0x0], $0xffff;
	v23 =	vor.u32 $0x7, v18  }
0x25a: {  	v17 =	vld.idx.msk [tilespmem:v15+s16+$0x0], $0xffff;
	v19 =	vor.u32 $0x1, v18  }
0x25b: {  	v15 =	vld.idx.msk [tilespmem:v16+s16+$0x0], $0xffff;
	v14 =	vor.u32 $0x2, v18;
	[tilespmem:s9+$0x0] =	vst v11  }
0x25c: {  	v16 =	vld.idx.msk [tilespmem:v9+s16+$0x0], $0xffff;
	v13 =	vor.u32 $0x3, v18;
	[tilespmem:s9+$0xFFFFFD00] =	vst v12  }
0x25d: {  	v10 =	vor.u32 $0x4, v18;
	v9 =	vld.idx.msk [tilespmem:v18+s16+$0x0], $0xffff;
	[tilespmem:s9+$0xFFFFFD80] =	vst v22  }
0x25e: {  	s4 =	simm.s32 $0x8;
	v21 =	vadd.s32 $0x8, v21;
	v12 =	vor.u32 $0x5, v18;
	v11 =	vor.u32 $0x6, v18;
	v18 =	vld.idx.msk [tilespmem:v23+s16+$0x0], $0xffff;
	s5 =	rddreg [dreg:$0x9]  }
.LBB2_27:
0x25f: {  	v22 =	vand.u32 $0xFFFFFFF8, v21;
	s4 =	sadd.s32 $0x8, s4;
	v23 =	vld.idx.msk [tilespmem:v19+s16+$0x0], $0xffff;
	[tilespmem:s9+$0xFFFFFE00] =	vst v20  }
0x260: {  	v22 =	vadd.s32 v4, v22;
	p1 =	slt.u32 s4, $0x18;
	v24 =	vld.idx.msk [tilespmem:v14+s16+$0x0], $0xffff;
	[tilespmem:s9+$0xFFFFFE80] =	vst v17  }
0x261: {  	v19 =	vor.u32 $0x1, v22;
	v14 =	vor.u32 $0x2, v22;
	v25 =	vor.u32 $0x7, v22;
	v20 =	vld.idx.msk [tilespmem:v13+s16+$0x0], $0xffff;
	[tilespmem:s9+$0xFFFFFF00] =	vst v15  }
.Ltmp12:
0x262: {  	v13 =	vor.u32 $0x3, v22;
	v26 =	vor.u32 $0x5, v22;
	v17 =	vld.idx.msk [tilespmem:v10+s16+$0x0], $0xffff;
	v10 =	vor.u32 $0x4, v22;
	[tilespmem:s9+$0xFFFFFF80] =	vst v16;
	(pc) =	sbr.rel @p1 .LBB2_27-.Ltmp12, $4  }
0x263: {  	v27 =	vor.u32 $0x6, v22;
	v15 =	vld.idx.msk [tilespmem:v12+s16+$0x0], $0xffff;
	[tilespmem:s9+$0xFFFFFC80] =	vst v8;
	s9 =	sadd.s32 $0x1000, s9;
	v12 =	vmov v26;
	v8 =	vmov v9  }
0x264: {  	v16 =	vld.idx.msk [tilespmem:v11+s16+$0x0], $0xffff;
	[tilespmem:s9+$0x0] =	vst v18;
	v11 =	vmov v27  }
0x265: {  	v9 =	vld.idx.msk [tilespmem:v22+s16+$0x0], $0xffff;
	[tilespmem:s9+$0xFFFFFD00] =	vst v23  }
0x266: {  	v21 =	vadd.s32 $0x8, v21;
	v18 =	vld.idx.msk [tilespmem:v25+s16+$0x0], $0xffff;
	[tilespmem:s9+$0xFFFFFD80] =	vst v24  }
0x267: {  	_ =	sdelay $0x1  }
0x268: {  	[tilespmem:s9+$0xFFFFFE00] =	vst v20  }
0x269: {  	[tilespmem:s9+$0xFFFFFE80] =	vst v17  }
0x26a: {  	v19 =	vld.idx.msk [tilespmem:v19+s16+$0x0], $0xffff;
	[tilespmem:s9+$0xFFFFFC80] =	vst v8  }
0x26b: {  	v14 =	vld.idx.msk [tilespmem:v14+s16+$0x0], $0xffff;
	[tilespmem:s9+$0xFFFFFF00] =	vst v15  }
0x26c: {  	v13 =	vld.idx.msk [tilespmem:v13+s16+$0x0], $0xffff;
	s4 =	sadd.s32 $0x1000, s9;
	[tilespmem:s9+$0xFFFFFF80] =	vst v16  }
0x26d: {  	v10 =	vld.idx.msk [tilespmem:v10+s16+$0x0], $0xffff;
	[tilespmem:s4+$0xFFFFFC80] =	vst v9  }
0x26e: {  	v8 =	vld.idx.msk [tilespmem:v12+s16+$0x0], $0xffff;
	[tilespmem:s4+$0x0] =	vst v18  }
0x26f: {  	v11 =	vld.idx.msk [tilespmem:v11+s16+$0x0], $0xffff;
	[tilespmem:s4+$0xFFFFFD00] =	vst v19  }
0x270: {  	[tilespmem:s4+$0xFFFFFD80] =	vst v14  }
0x271: {  	[tilespmem:s4+$0xFFFFFE00] =	vst v13  }
0x272: {  	[tilespmem:s4+$0xFFFFFE80] =	vst v10  }
0x273: {  	[tilespmem:s4+$0xFFFFFF00] =	vst v8  }
0x274: {  	[tilespmem:s4+$0xFFFFFF80] =	vst v11  }
0x275: {  	v8 =	vld [tilespmem:s25+$0x450];
	_ =	sdelay $0x4  }
0x276: {  	v8 =	vshll.u32 v8, $0x5  }
0x277: {  	v9 =	vand.u32 $0x60, v8  }
0x278: {  	v8 =	vand.u32 $0xFFFFFFF8, v9  }
0x279: {  	v10 =	vadd.s32 v5, v8  }
0x27a: {  	v11 =	vor.u32 $0x7, v10  }
0x27b: {  	v12 =	vor.u32 $0x1, v10  }
0x27c: {  	v13 =	vor.u32 $0x2, v10  }
0x27d: {  	v14 =	vor.u32 $0x3, v10  }
0x27e: {  	v15 =	vor.u32 $0x4, v10;
	v8 =	vld.idx.msk [tilespmem:v10+s16+$0x0], $0xffff  }
0x27f: {  	v21 =	vadd.s32 $0x8, v9;
	v16 =	vor.u32 $0x5, v10;
	v11 =	vld.idx.msk [tilespmem:v11+s16+$0x0], $0xffff  }
0x280: {  	v9 =	vor.u32 $0x6, v10;
	v10 =	vand.u32 $0xFFFFFFF8, v21;
	v12 =	vld.idx.msk [tilespmem:v12+s16+$0x0], $0xffff  }
0x281: {  	v18 =	vadd.s32 v5, v10;
	v22 =	vld.idx.msk [tilespmem:v13+s16+$0x0], $0xffff  }
0x282: {  	v20 =	vld.idx.msk [tilespmem:v14+s16+$0x0], $0xffff;
	v23 =	vor.u32 $0x7, v18  }
0x283: {  	v17 =	vld.idx.msk [tilespmem:v15+s16+$0x0], $0xffff;
	v19 =	vor.u32 $0x1, v18  }
0x284: {  	v15 =	vld.idx.msk [tilespmem:v16+s16+$0x0], $0xffff;
	v14 =	vor.u32 $0x2, v18  }
0x285: {  	v16 =	vld.idx.msk [tilespmem:v9+s16+$0x0], $0xffff;
	v13 =	vor.u32 $0x3, v18;
	[tilespmem:s8+$0x0] =	vst v11  }
0x286: {  	v10 =	vor.u32 $0x4, v18;
	v9 =	vld.idx.msk [tilespmem:v18+s16+$0x0], $0xffff;
	[tilespmem:s8+$0xFFFFFD00] =	vst v12  }
0x287: {  	s4 =	simm.s32 $0x8;
	v21 =	vadd.s32 $0x8, v21;
	v12 =	vor.u32 $0x5, v18;
	v11 =	vor.u32 $0x6, v18;
	[tilespmem:s8+$0xFFFFFD80] =	vst v22;
	v18 =	vld.idx.msk [tilespmem:v23+s16+$0x0], $0xffff  }
.LBB2_29:
0x288: {  	v22 =	vand.u32 $0xFFFFFFF8, v21;
	s4 =	sadd.s32 $0x8, s4;
	v23 =	vld.idx.msk [tilespmem:v19+s16+$0x0], $0xffff;
	[tilespmem:s8+$0xFFFFFE00] =	vst v20  }
0x289: {  	v22 =	vadd.s32 v5, v22;
	p1 =	slt.u32 s4, $0x18;
	v24 =	vld.idx.msk [tilespmem:v14+s16+$0x0], $0xffff;
	[tilespmem:s8+$0xFFFFFE80] =	vst v17  }
0x28a: {  	v19 =	vor.u32 $0x1, v22;
	v14 =	vor.u32 $0x2, v22;
	v25 =	vor.u32 $0x7, v22;
	v20 =	vld.idx.msk [tilespmem:v13+s16+$0x0], $0xffff;
	[tilespmem:s8+$0xFFFFFF00] =	vst v15  }
.Ltmp13:
0x28b: {  	v13 =	vor.u32 $0x3, v22;
	v26 =	vor.u32 $0x5, v22;
	v17 =	vld.idx.msk [tilespmem:v10+s16+$0x0], $0xffff;
	v10 =	vor.u32 $0x4, v22;
	[tilespmem:s8+$0xFFFFFF80] =	vst v16;
	(pc) =	sbr.rel @p1 .LBB2_29-.Ltmp13, $4  }
0x28c: {  	v27 =	vor.u32 $0x6, v22;
	v15 =	vld.idx.msk [tilespmem:v12+s16+$0x0], $0xffff;
	[tilespmem:s8+$0xFFFFFC80] =	vst v8;
	s8 =	sadd.s32 $0x1000, s8;
	v12 =	vmov v26;
	v8 =	vmov v9  }
0x28d: {  	v16 =	vld.idx.msk [tilespmem:v11+s16+$0x0], $0xffff;
	[tilespmem:s8+$0x0] =	vst v18;
	v11 =	vmov v27  }
0x28e: {  	v9 =	vld.idx.msk [tilespmem:v22+s16+$0x0], $0xffff;
	[tilespmem:s8+$0xFFFFFD00] =	vst v23  }
0x28f: {  	v21 =	vadd.s32 $0x8, v21;
	v18 =	vld.idx.msk [tilespmem:v25+s16+$0x0], $0xffff;
	[tilespmem:s8+$0xFFFFFD80] =	vst v24  }
0x290: {  	_ =	sdelay $0x1  }
0x291: {  	[tilespmem:s8+$0xFFFFFE00] =	vst v20  }
0x292: {  	[tilespmem:s8+$0xFFFFFE80] =	vst v17  }
0x293: {  	v19 =	vld.idx.msk [tilespmem:v19+s16+$0x0], $0xffff;
	[tilespmem:s8+$0xFFFFFC80] =	vst v8  }
0x294: {  	v14 =	vld.idx.msk [tilespmem:v14+s16+$0x0], $0xffff;
	[tilespmem:s8+$0xFFFFFF00] =	vst v15  }
0x295: {  	v13 =	vld.idx.msk [tilespmem:v13+s16+$0x0], $0xffff;
	s4 =	sadd.s32 $0x1000, s8;
	[tilespmem:s8+$0xFFFFFF80] =	vst v16  }
0x296: {  	v10 =	vld.idx.msk [tilespmem:v10+s16+$0x0], $0xffff;
	[tilespmem:s4+$0xFFFFFC80] =	vst v9  }
0x297: {  	v8 =	vld.idx.msk [tilespmem:v12+s16+$0x0], $0xffff;
	[tilespmem:s4+$0x0] =	vst v18  }
0x298: {  	v11 =	vld.idx.msk [tilespmem:v11+s16+$0x0], $0xffff;
	[tilespmem:s4+$0xFFFFFD00] =	vst v19  }
0x299: {  	[tilespmem:s4+$0xFFFFFD80] =	vst v14  }
0x29a: {  	[tilespmem:s4+$0xFFFFFE00] =	vst v13  }
0x29b: {  	[tilespmem:s4+$0xFFFFFE80] =	vst v10  }
0x29c: {  	[tilespmem:s4+$0xFFFFFF00] =	vst v8  }
0x29d: {  	[tilespmem:s4+$0xFFFFFF80] =	vst v11  }
0x29e: {  	v8 =	vld [tilespmem:s25+$0x460];
	_ =	sdelay $0x4  }
0x29f: {  	v8 =	vshll.u32 v8, $0x5  }
0x2a0: {  	v9 =	vand.u32 $0x60, v8  }
0x2a1: {  	v8 =	vand.u32 $0xFFFFFFF8, v9  }
0x2a2: {  	v10 =	vadd.s32 v6, v8  }
0x2a3: {  	v11 =	vor.u32 $0x7, v10  }
0x2a4: {  	v12 =	vor.u32 $0x1, v10  }
0x2a5: {  	v13 =	vor.u32 $0x2, v10  }
0x2a6: {  	v14 =	vor.u32 $0x3, v10  }
0x2a7: {  	v15 =	vor.u32 $0x4, v10;
	v8 =	vld.idx.msk [tilespmem:v10+s16+$0x0], $0xffff  }
0x2a8: {  	v21 =	vadd.s32 $0x8, v9;
	v16 =	vor.u32 $0x5, v10;
	v11 =	vld.idx.msk [tilespmem:v11+s16+$0x0], $0xffff  }
0x2a9: {  	v9 =	vor.u32 $0x6, v10;
	v10 =	vand.u32 $0xFFFFFFF8, v21;
	v12 =	vld.idx.msk [tilespmem:v12+s16+$0x0], $0xffff  }
0x2aa: {  	v18 =	vadd.s32 v6, v10;
	v22 =	vld.idx.msk [tilespmem:v13+s16+$0x0], $0xffff  }
0x2ab: {  	v20 =	vld.idx.msk [tilespmem:v14+s16+$0x0], $0xffff;
	v23 =	vor.u32 $0x7, v18  }
0x2ac: {  	v17 =	vld.idx.msk [tilespmem:v15+s16+$0x0], $0xffff;
	v19 =	vor.u32 $0x1, v18  }
0x2ad: {  	v15 =	vld.idx.msk [tilespmem:v16+s16+$0x0], $0xffff;
	v14 =	vor.u32 $0x2, v18  }
0x2ae: {  	v16 =	vld.idx.msk [tilespmem:v9+s16+$0x0], $0xffff;
	v13 =	vor.u32 $0x3, v18;
	[tilespmem:s2+$0x0] =	vst v11  }
0x2af: {  	v10 =	vor.u32 $0x4, v18;
	v9 =	vld.idx.msk [tilespmem:v18+s16+$0x0], $0xffff;
	[tilespmem:s2+$0xFFFFFD00] =	vst v12  }
0x2b0: {  	s4 =	simm.s32 $0x8;
	v21 =	vadd.s32 $0x8, v21;
	v12 =	vor.u32 $0x5, v18;
	v11 =	vor.u32 $0x6, v18;
	[tilespmem:s2+$0xFFFFFD80] =	vst v22;
	v18 =	vld.idx.msk [tilespmem:v23+s16+$0x0], $0xffff  }
.LBB2_31:
0x2b1: {  	v22 =	vand.u32 $0xFFFFFFF8, v21;
	s4 =	sadd.s32 $0x8, s4;
	v23 =	vld.idx.msk [tilespmem:v19+s16+$0x0], $0xffff;
	[tilespmem:s2+$0xFFFFFE00] =	vst v20  }
0x2b2: {  	v22 =	vadd.s32 v6, v22;
	p1 =	slt.u32 s4, $0x18;
	v24 =	vld.idx.msk [tilespmem:v14+s16+$0x0], $0xffff;
	[tilespmem:s2+$0xFFFFFE80] =	vst v17  }
0x2b3: {  	v19 =	vor.u32 $0x1, v22;
	v14 =	vor.u32 $0x2, v22;
	v25 =	vor.u32 $0x7, v22;
	v20 =	vld.idx.msk [tilespmem:v13+s16+$0x0], $0xffff;
	[tilespmem:s2+$0xFFFFFF00] =	vst v15  }
.Ltmp14:
0x2b4: {  	v13 =	vor.u32 $0x3, v22;
	v26 =	vor.u32 $0x5, v22;
	v17 =	vld.idx.msk [tilespmem:v10+s16+$0x0], $0xffff;
	v10 =	vor.u32 $0x4, v22;
	[tilespmem:s2+$0xFFFFFF80] =	vst v16;
	(pc) =	sbr.rel @p1 .LBB2_31-.Ltmp14, $4  }
0x2b5: {  	v27 =	vor.u32 $0x6, v22;
	v15 =	vld.idx.msk [tilespmem:v12+s16+$0x0], $0xffff;
	[tilespmem:s2+$0xFFFFFC80] =	vst v8;
	s2 =	sadd.s32 $0x1000, s2;
	v12 =	vmov v26;
	v8 =	vmov v9  }
0x2b6: {  	v16 =	vld.idx.msk [tilespmem:v11+s16+$0x0], $0xffff;
	[tilespmem:s2+$0x0] =	vst v18;
	v11 =	vmov v27  }
0x2b7: {  	v9 =	vld.idx.msk [tilespmem:v22+s16+$0x0], $0xffff;
	[tilespmem:s2+$0xFFFFFD00] =	vst v23  }
0x2b8: {  	v21 =	vadd.s32 $0x8, v21;
	v18 =	vld.idx.msk [tilespmem:v25+s16+$0x0], $0xffff;
	[tilespmem:s2+$0xFFFFFD80] =	vst v24  }
0x2b9: {  	_ =	sdelay $0x1  }
0x2ba: {  	[tilespmem:s2+$0xFFFFFE00] =	vst v20  }
0x2bb: {  	[tilespmem:s2+$0xFFFFFE80] =	vst v17  }
0x2bc: {  	v19 =	vld.idx.msk [tilespmem:v19+s16+$0x0], $0xffff;
	[tilespmem:s2+$0xFFFFFC80] =	vst v8  }
0x2bd: {  	v14 =	vld.idx.msk [tilespmem:v14+s16+$0x0], $0xffff;
	[tilespmem:s2+$0xFFFFFF00] =	vst v15  }
0x2be: {  	v13 =	vld.idx.msk [tilespmem:v13+s16+$0x0], $0xffff;
	s24 =	sadd.s32 $0x1000, s2;
	[tilespmem:s2+$0xFFFFFF80] =	vst v16  }
0x2bf: {  	v10 =	vld.idx.msk [tilespmem:v10+s16+$0x0], $0xffff;
	[tilespmem:s24+$0xFFFFFC80] =	vst v9  }
0x2c0: {  	v8 =	vld.idx.msk [tilespmem:v12+s16+$0x0], $0xffff;
	[tilespmem:s24+$0x0] =	vst v18  }
0x2c1: {  	v11 =	vld.idx.msk [tilespmem:v11+s16+$0x0], $0xffff;
	[tilespmem:s24+$0xFFFFFD00] =	vst v19  }
0x2c2: {  	[tilespmem:s24+$0xFFFFFD80] =	vst v14  }
0x2c3: {  	[tilespmem:s24+$0xFFFFFE00] =	vst v13  }
0x2c4: {  	[tilespmem:s24+$0xFFFFFE80] =	vst v10  }
0x2c5: {  	[tilespmem:s24+$0xFFFFFF00] =	vst v8  }
0x2c6: {  	[tilespmem:s24+$0xFFFFFF80] =	vst v11  }
0x2c7: {  	v8 =	vld [tilespmem:s25+$0x470];
	_ =	sdelay $0x4  }
0x2c8: {  	v8 =	vshll.u32 v8, $0x5  }
0x2c9: {  	v9 =	vand.u32 $0x60, v8  }
0x2ca: {  	v8 =	vand.u32 $0xFFFFFFF8, v9  }
0x2cb: {  	v10 =	vadd.s32 v7, v8  }
0x2cc: {  	v11 =	vor.u32 $0x7, v10  }
0x2cd: {  	v12 =	vor.u32 $0x1, v10  }
0x2ce: {  	v13 =	vor.u32 $0x2, v10  }
0x2cf: {  	v14 =	vor.u32 $0x3, v10  }
0x2d0: {  	v15 =	vor.u32 $0x4, v10;
	v8 =	vld.idx.msk [tilespmem:v10+s16+$0x0], $0xffff  }
0x2d1: {  	v21 =	vadd.s32 $0x8, v9;
	v16 =	vor.u32 $0x5, v10;
	v11 =	vld.idx.msk [tilespmem:v11+s16+$0x0], $0xffff  }
0x2d2: {  	v9 =	vor.u32 $0x6, v10;
	v10 =	vand.u32 $0xFFFFFFF8, v21;
	v12 =	vld.idx.msk [tilespmem:v12+s16+$0x0], $0xffff  }
0x2d3: {  	v18 =	vadd.s32 v7, v10;
	v22 =	vld.idx.msk [tilespmem:v13+s16+$0x0], $0xffff  }
0x2d4: {  	v20 =	vld.idx.msk [tilespmem:v14+s16+$0x0], $0xffff;
	v23 =	vor.u32 $0x7, v18  }
0x2d5: {  	v17 =	vld.idx.msk [tilespmem:v15+s16+$0x0], $0xffff;
	v19 =	vor.u32 $0x1, v18  }
0x2d6: {  	v15 =	vld.idx.msk [tilespmem:v16+s16+$0x0], $0xffff;
	v14 =	vor.u32 $0x2, v18  }
0x2d7: {  	v16 =	vld.idx.msk [tilespmem:v9+s16+$0x0], $0xffff;
	v13 =	vor.u32 $0x3, v18;
	[tilespmem:s18+$0x0] =	vst v11  }
0x2d8: {  	v10 =	vor.u32 $0x4, v18;
	v9 =	vld.idx.msk [tilespmem:v18+s16+$0x0], $0xffff;
	[tilespmem:s18+$0xFFFFFD00] =	vst v12  }
0x2d9: {  	s2 =	simm.s32 $0x8;
	v21 =	vadd.s32 $0x8, v21;
	v12 =	vor.u32 $0x5, v18;
	v11 =	vor.u32 $0x6, v18;
	[tilespmem:s18+$0xFFFFFD80] =	vst v22;
	v18 =	vld.idx.msk [tilespmem:v23+s16+$0x0], $0xffff  }
.LBB2_33:
0x2da: {  	v22 =	vand.u32 $0xFFFFFFF8, v21;
	s2 =	sadd.s32 $0x8, s2;
	v23 =	vld.idx.msk [tilespmem:v19+s16+$0x0], $0xffff;
	[tilespmem:s18+$0xFFFFFE00] =	vst v20  }
0x2db: {  	v22 =	vadd.s32 v7, v22;
	p1 =	slt.u32 s2, $0x18;
	v24 =	vld.idx.msk [tilespmem:v14+s16+$0x0], $0xffff;
	[tilespmem:s18+$0xFFFFFE80] =	vst v17  }
0x2dc: {  	v19 =	vor.u32 $0x1, v22;
	v14 =	vor.u32 $0x2, v22;
	v25 =	vor.u32 $0x7, v22;
	v20 =	vld.idx.msk [tilespmem:v13+s16+$0x0], $0xffff;
	[tilespmem:s18+$0xFFFFFF00] =	vst v15  }
.Ltmp15:
0x2dd: {  	v13 =	vor.u32 $0x3, v22;
	v26 =	vor.u32 $0x5, v22;
	v17 =	vld.idx.msk [tilespmem:v10+s16+$0x0], $0xffff;
	v10 =	vor.u32 $0x4, v22;
	[tilespmem:s18+$0xFFFFFF80] =	vst v16;
	(pc) =	sbr.rel @p1 .LBB2_33-.Ltmp15, $4  }
0x2de: {  	v27 =	vor.u32 $0x6, v22;
	v15 =	vld.idx.msk [tilespmem:v12+s16+$0x0], $0xffff;
	[tilespmem:s18+$0xFFFFFC80] =	vst v8;
	s18 =	sadd.s32 $0x1000, s18;
	v12 =	vmov v26;
	v8 =	vmov v9  }
0x2df: {  	v16 =	vld.idx.msk [tilespmem:v11+s16+$0x0], $0xffff;
	[tilespmem:s18+$0x0] =	vst v18;
	v11 =	vmov v27  }
0x2e0: {  	v9 =	vld.idx.msk [tilespmem:v22+s16+$0x0], $0xffff;
	[tilespmem:s18+$0xFFFFFD00] =	vst v23  }
0x2e1: {  	v21 =	vadd.s32 $0x8, v21;
	v18 =	vld.idx.msk [tilespmem:v25+s16+$0x0], $0xffff;
	[tilespmem:s18+$0xFFFFFD80] =	vst v24  }
0x2e2: {  	_ =	sdelay $0x1  }
0x2e3: {  	[tilespmem:s18+$0xFFFFFE00] =	vst v20  }
0x2e4: {  	[tilespmem:s18+$0xFFFFFE80] =	vst v17  }
0x2e5: {  	v19 =	vld.idx.msk [tilespmem:v19+s16+$0x0], $0xffff;
	[tilespmem:s18+$0xFFFFFC80] =	vst v8  }
0x2e6: {  	v14 =	vld.idx.msk [tilespmem:v14+s16+$0x0], $0xffff;
	[tilespmem:s18+$0xFFFFFF00] =	vst v15  }
0x2e7: {  	v13 =	vld.idx.msk [tilespmem:v13+s16+$0x0], $0xffff;
	s2 =	sadd.s32 $0x1000, s18;
	[tilespmem:s18+$0xFFFFFF80] =	vst v16  }
0x2e8: {  	v10 =	vld.idx.msk [tilespmem:v10+s16+$0x0], $0xffff;
	[tilespmem:s2+$0xFFFFFC80] =	vst v9  }
0x2e9: {  	v8 =	vld.idx.msk [tilespmem:v12+s16+$0x0], $0xffff;
	[tilespmem:s2+$0x0] =	vst v18  }
0x2ea: {  	v11 =	vld.idx.msk [tilespmem:v11+s16+$0x0], $0xffff;
	[tilespmem:s2+$0xFFFFFD00] =	vst v19  }
0x2eb: {  	[tilespmem:s2+$0xFFFFFD80] =	vst v14  }
0x2ec: {  	[tilespmem:s2+$0xFFFFFE00] =	vst v13  }
0x2ed: {  	[tilespmem:s2+$0xFFFFFE80] =	vst v10  }
0x2ee: {  	[tilespmem:s2+$0xFFFFFF00] =	vst v8  }
0x2ef: {  	[tilespmem:s2+$0xFFFFFF80] =	vst v11  }
0x2f0: {  	_ =	swait.ge [sflag:s20], $0x4000  }
0x2f1: {  	[sflag:s20] =	ssyncset.done $0x0  }
0x2f2: {  	[sflag:s20] =	ssyncadd.s32 $0xFFFFC000  }
0x2f3: {  	v8 =	vld [tilespmem:s25+$0xC00];
	_ =	sdelay $0x4  }
0x2f4: {  	v8 =	vshrl.u32 v8, $0x2  }
0x2f5: {  	[tilespmem:$0x4080] =	vst v8  }
0x2f6: {  	v8 =	vld [tilespmem:s25+$0xC10];
	_ =	sdelay $0x4  }
0x2f7: {  	v8 =	vshrl.u32 v8, $0x2  }
0x2f8: {  	[tilespmem:$0x4090] =	vst v8  }
0x2f9: {  	v8 =	vld [tilespmem:s25+$0xC20];
	_ =	sdelay $0x4  }
0x2fa: {  	v8 =	vshrl.u32 v8, $0x2  }
0x2fb: {  	[tilespmem:$0x40A0] =	vst v8  }
0x2fc: {  	v8 =	vld [tilespmem:s25+$0xC30];
	_ =	sdelay $0x4  }
0x2fd: {  	v8 =	vshrl.u32 v8, $0x2  }
0x2fe: {  	[tilespmem:$0x40B0] =	vst v8  }
0x2ff: {  	v8 =	vld [tilespmem:s25+$0xC40];
	_ =	sdelay $0x4  }
0x300: {  	v8 =	vshrl.u32 v8, $0x2  }
0x301: {  	[tilespmem:$0x40C0] =	vst v8  }
0x302: {  	v8 =	vld [tilespmem:s25+$0xC50];
	_ =	sdelay $0x4  }
0x303: {  	v8 =	vshrl.u32 v8, $0x2  }
0x304: {  	[tilespmem:$0x40D0] =	vst v8  }
0x305: {  	v8 =	vld [tilespmem:s25+$0xC60];
	_ =	sdelay $0x4  }
0x306: {  	v8 =	vshrl.u32 v8, $0x2  }
0x307: {  	[tilespmem:$0x40E0] =	vst v8  }
0x308: {  	v8 =	vld [tilespmem:s25+$0xC70];
	_ =	sdelay $0x4  }
0x309: {  	v8 =	vshrl.u32 v8, $0x2  }
0x30a: {  	s4 =	simm.s32 $0x4080;
	[tilespmem:$0x40F0] =	vst v8  }
0x30b: {  	[tilespmem:s16], [sflag:$0x1] =	stream.indirect.gather [hbm4b:s14+s19], $0x80, s4, s19, $0xb8;
	[tilespmem:$0x14100] =	vst v63  }
0x30c: {  	v8 =	vld [tilespmem:s25+$0x800];
	_ =	sdelay $0x4  }
0x30d: {  	v8 =	vshll.u32 v8, $0x5  }
0x30e: {  	v9 =	vand.u32 $0x60, v8  }
0x30f: {  	v8 =	vand.u32 $0xFFFFFFF8, v9  }
0x310: {  	v10 =	vadd.s32 v0, v8  }
0x311: {  	v11 =	vor.u32 $0x7, v10  }
0x312: {  	v12 =	vor.u32 $0x1, v10  }
0x313: {  	v13 =	vor.u32 $0x2, v10  }
0x314: {  	v14 =	vor.u32 $0x3, v10  }
0x315: {  	v15 =	vor.u32 $0x4, v10;
	v8 =	vld.idx.msk [tilespmem:v10+s13+$0x0], $0xffff  }
0x316: {  	v21 =	vadd.s32 $0x8, v9;
	v16 =	vor.u32 $0x5, v10;
	v11 =	vld.idx.msk [tilespmem:v11+s13+$0x0], $0xffff  }
0x317: {  	v9 =	vor.u32 $0x6, v10;
	v10 =	vand.u32 $0xFFFFFFF8, v21;
	v12 =	vld.idx.msk [tilespmem:v12+s13+$0x0], $0xffff  }
0x318: {  	v18 =	vadd.s32 v0, v10;
	v22 =	vld.idx.msk [tilespmem:v13+s13+$0x0], $0xffff  }
0x319: {  	v20 =	vld.idx.msk [tilespmem:v14+s13+$0x0], $0xffff;
	v23 =	vor.u32 $0x7, v18  }
0x31a: {  	v17 =	vld.idx.msk [tilespmem:v15+s13+$0x0], $0xffff;
	v19 =	vor.u32 $0x1, v18  }
0x31b: {  	v15 =	vld.idx.msk [tilespmem:v16+s13+$0x0], $0xffff;
	v14 =	vor.u32 $0x2, v18  }
0x31c: {  	v16 =	vld.idx.msk [tilespmem:v9+s13+$0x0], $0xffff;
	v13 =	vor.u32 $0x3, v18;
	[tilespmem:s17+$0x0] =	vst v11  }
0x31d: {  	v10 =	vor.u32 $0x4, v18;
	v9 =	vld.idx.msk [tilespmem:v18+s13+$0x0], $0xffff;
	[tilespmem:s17+$0xFFFFFD00] =	vst v12  }
0x31e: {  	s2 =	simm.s32 $0x8;
	v21 =	vadd.s32 $0x8, v21;
	v12 =	vor.u32 $0x5, v18;
	v11 =	vor.u32 $0x6, v18;
	[tilespmem:s17+$0xFFFFFD80] =	vst v22;
	v18 =	vld.idx.msk [tilespmem:v23+s13+$0x0], $0xffff  }
.LBB2_35:
0x31f: {  	v22 =	vand.u32 $0xFFFFFFF8, v21;
	s2 =	sadd.s32 $0x8, s2;
	v23 =	vld.idx.msk [tilespmem:v19+s13+$0x0], $0xffff;
	[tilespmem:s17+$0xFFFFFE00] =	vst v20  }
0x320: {  	v22 =	vadd.s32 v0, v22;
	p1 =	slt.u32 s2, $0x18;
	v24 =	vld.idx.msk [tilespmem:v14+s13+$0x0], $0xffff;
	[tilespmem:s17+$0xFFFFFE80] =	vst v17  }
0x321: {  	v19 =	vor.u32 $0x1, v22;
	v14 =	vor.u32 $0x2, v22;
	v25 =	vor.u32 $0x7, v22;
	v20 =	vld.idx.msk [tilespmem:v13+s13+$0x0], $0xffff;
	[tilespmem:s17+$0xFFFFFF00] =	vst v15  }
.Ltmp16:
0x322: {  	v13 =	vor.u32 $0x3, v22;
	v26 =	vor.u32 $0x5, v22;
	v17 =	vld.idx.msk [tilespmem:v10+s13+$0x0], $0xffff;
	v10 =	vor.u32 $0x4, v22;
	[tilespmem:s17+$0xFFFFFF80] =	vst v16;
	(pc) =	sbr.rel @p1 .LBB2_35-.Ltmp16, $4  }
0x323: {  	v27 =	vor.u32 $0x6, v22;
	v15 =	vld.idx.msk [tilespmem:v12+s13+$0x0], $0xffff;
	[tilespmem:s17+$0xFFFFFC80] =	vst v8;
	s17 =	sadd.s32 $0x1000, s17;
	v12 =	vmov v26;
	v8 =	vmov v9  }
0x324: {  	v16 =	vld.idx.msk [tilespmem:v11+s13+$0x0], $0xffff;
	[tilespmem:s17+$0x0] =	vst v18;
	v11 =	vmov v27  }
0x325: {  	v9 =	vld.idx.msk [tilespmem:v22+s13+$0x0], $0xffff;
	[tilespmem:s17+$0xFFFFFD00] =	vst v23  }
0x326: {  	v21 =	vadd.s32 $0x8, v21;
	v18 =	vld.idx.msk [tilespmem:v25+s13+$0x0], $0xffff;
	[tilespmem:s17+$0xFFFFFD80] =	vst v24  }
0x327: {  	_ =	sdelay $0x1  }
0x328: {  	[tilespmem:s17+$0xFFFFFE00] =	vst v20  }
0x329: {  	[tilespmem:s17+$0xFFFFFE80] =	vst v17  }
0x32a: {  	v19 =	vld.idx.msk [tilespmem:v19+s13+$0x0], $0xffff;
	[tilespmem:s17+$0xFFFFFC80] =	vst v8  }
0x32b: {  	v14 =	vld.idx.msk [tilespmem:v14+s13+$0x0], $0xffff;
	[tilespmem:s17+$0xFFFFFF00] =	vst v15  }
0x32c: {  	v13 =	vld.idx.msk [tilespmem:v13+s13+$0x0], $0xffff;
	s2 =	sadd.s32 $0x1000, s17;
	[tilespmem:s17+$0xFFFFFF80] =	vst v16  }
0x32d: {  	v10 =	vld.idx.msk [tilespmem:v10+s13+$0x0], $0xffff;
	[tilespmem:s2+$0xFFFFFC80] =	vst v9  }
0x32e: {  	v8 =	vld.idx.msk [tilespmem:v12+s13+$0x0], $0xffff;
	[tilespmem:s2+$0x0] =	vst v18  }
0x32f: {  	v11 =	vld.idx.msk [tilespmem:v11+s13+$0x0], $0xffff;
	[tilespmem:s2+$0xFFFFFD00] =	vst v19  }
0x330: {  	[tilespmem:s2+$0xFFFFFD80] =	vst v14  }
0x331: {  	[tilespmem:s2+$0xFFFFFE00] =	vst v13  }
0x332: {  	[tilespmem:s2+$0xFFFFFE80] =	vst v10  }
0x333: {  	[tilespmem:s2+$0xFFFFFF00] =	vst v8  }
0x334: {  	[tilespmem:s2+$0xFFFFFF80] =	vst v11  }
0x335: {  	v8 =	vld [tilespmem:s25+$0x810];
	_ =	sdelay $0x4  }
0x336: {  	v8 =	vshll.u32 v8, $0x5  }
0x337: {  	v9 =	vand.u32 $0x60, v8  }
0x338: {  	v8 =	vand.u32 $0xFFFFFFF8, v9  }
0x339: {  	v10 =	vadd.s32 v1, v8  }
0x33a: {  	v11 =	vor.u32 $0x7, v10  }
0x33b: {  	v12 =	vor.u32 $0x1, v10  }
0x33c: {  	v13 =	vor.u32 $0x2, v10  }
0x33d: {  	v14 =	vor.u32 $0x3, v10  }
0x33e: {  	v15 =	vor.u32 $0x4, v10;
	v8 =	vld.idx.msk [tilespmem:v10+s13+$0x0], $0xffff  }
0x33f: {  	v21 =	vadd.s32 $0x8, v9;
	v16 =	vor.u32 $0x5, v10;
	v11 =	vld.idx.msk [tilespmem:v11+s13+$0x0], $0xffff  }
0x340: {  	v9 =	vor.u32 $0x6, v10;
	v10 =	vand.u32 $0xFFFFFFF8, v21;
	v12 =	vld.idx.msk [tilespmem:v12+s13+$0x0], $0xffff  }
0x341: {  	v18 =	vadd.s32 v1, v10;
	v22 =	vld.idx.msk [tilespmem:v13+s13+$0x0], $0xffff  }
0x342: {  	v20 =	vld.idx.msk [tilespmem:v14+s13+$0x0], $0xffff;
	v23 =	vor.u32 $0x7, v18  }
0x343: {  	v17 =	vld.idx.msk [tilespmem:v15+s13+$0x0], $0xffff;
	v19 =	vor.u32 $0x1, v18  }
0x344: {  	v15 =	vld.idx.msk [tilespmem:v16+s13+$0x0], $0xffff;
	v14 =	vor.u32 $0x2, v18  }
0x345: {  	v16 =	vld.idx.msk [tilespmem:v9+s13+$0x0], $0xffff;
	v13 =	vor.u32 $0x3, v18;
	[tilespmem:s10+$0x0] =	vst v11  }
0x346: {  	v10 =	vor.u32 $0x4, v18;
	v9 =	vld.idx.msk [tilespmem:v18+s13+$0x0], $0xffff;
	[tilespmem:s10+$0xFFFFFD00] =	vst v12  }
0x347: {  	s2 =	simm.s32 $0x8;
	v21 =	vadd.s32 $0x8, v21;
	v12 =	vor.u32 $0x5, v18;
	v11 =	vor.u32 $0x6, v18;
	[tilespmem:s10+$0xFFFFFD80] =	vst v22;
	v18 =	vld.idx.msk [tilespmem:v23+s13+$0x0], $0xffff  }
.LBB2_37:
0x348: {  	v22 =	vand.u32 $0xFFFFFFF8, v21;
	s2 =	sadd.s32 $0x8, s2;
	v23 =	vld.idx.msk [tilespmem:v19+s13+$0x0], $0xffff;
	[tilespmem:s10+$0xFFFFFE00] =	vst v20  }
0x349: {  	v22 =	vadd.s32 v1, v22;
	p1 =	slt.u32 s2, $0x18;
	v24 =	vld.idx.msk [tilespmem:v14+s13+$0x0], $0xffff;
	[tilespmem:s10+$0xFFFFFE80] =	vst v17  }
0x34a: {  	v19 =	vor.u32 $0x1, v22;
	v14 =	vor.u32 $0x2, v22;
	v25 =	vor.u32 $0x7, v22;
	v20 =	vld.idx.msk [tilespmem:v13+s13+$0x0], $0xffff;
	[tilespmem:s10+$0xFFFFFF00] =	vst v15  }
.Ltmp17:
0x34b: {  	v13 =	vor.u32 $0x3, v22;
	v26 =	vor.u32 $0x5, v22;
	v17 =	vld.idx.msk [tilespmem:v10+s13+$0x0], $0xffff;
	v10 =	vor.u32 $0x4, v22;
	[tilespmem:s10+$0xFFFFFF80] =	vst v16;
	(pc) =	sbr.rel @p1 .LBB2_37-.Ltmp17, $4  }
0x34c: {  	v27 =	vor.u32 $0x6, v22;
	v15 =	vld.idx.msk [tilespmem:v12+s13+$0x0], $0xffff;
	[tilespmem:s10+$0xFFFFFC80] =	vst v8;
	s10 =	sadd.s32 $0x1000, s10;
	v12 =	vmov v26;
	v8 =	vmov v9  }
0x34d: {  	v16 =	vld.idx.msk [tilespmem:v11+s13+$0x0], $0xffff;
	[tilespmem:s10+$0x0] =	vst v18;
	v11 =	vmov v27  }
0x34e: {  	v9 =	vld.idx.msk [tilespmem:v22+s13+$0x0], $0xffff;
	[tilespmem:s10+$0xFFFFFD00] =	vst v23  }
0x34f: {  	v21 =	vadd.s32 $0x8, v21;
	v18 =	vld.idx.msk [tilespmem:v25+s13+$0x0], $0xffff;
	[tilespmem:s10+$0xFFFFFD80] =	vst v24  }
0x350: {  	_ =	sdelay $0x1  }
0x351: {  	[tilespmem:s10+$0xFFFFFE00] =	vst v20  }
0x352: {  	[tilespmem:s10+$0xFFFFFE80] =	vst v17  }
0x353: {  	v19 =	vld.idx.msk [tilespmem:v19+s13+$0x0], $0xffff;
	[tilespmem:s10+$0xFFFFFC80] =	vst v8  }
0x354: {  	v14 =	vld.idx.msk [tilespmem:v14+s13+$0x0], $0xffff;
	[tilespmem:s10+$0xFFFFFF00] =	vst v15  }
0x355: {  	v13 =	vld.idx.msk [tilespmem:v13+s13+$0x0], $0xffff;
	s2 =	sadd.s32 $0x1000, s10;
	[tilespmem:s10+$0xFFFFFF80] =	vst v16  }
0x356: {  	v10 =	vld.idx.msk [tilespmem:v10+s13+$0x0], $0xffff;
	[tilespmem:s2+$0xFFFFFC80] =	vst v9  }
0x357: {  	v8 =	vld.idx.msk [tilespmem:v12+s13+$0x0], $0xffff;
	[tilespmem:s2+$0x0] =	vst v18  }
0x358: {  	v11 =	vld.idx.msk [tilespmem:v11+s13+$0x0], $0xffff;
	[tilespmem:s2+$0xFFFFFD00] =	vst v19  }
0x359: {  	[tilespmem:s2+$0xFFFFFD80] =	vst v14  }
0x35a: {  	[tilespmem:s2+$0xFFFFFE00] =	vst v13  }
0x35b: {  	[tilespmem:s2+$0xFFFFFE80] =	vst v10  }
0x35c: {  	[tilespmem:s2+$0xFFFFFF00] =	vst v8  }
0x35d: {  	[tilespmem:s2+$0xFFFFFF80] =	vst v11  }
0x35e: {  	v8 =	vld [tilespmem:s25+$0x820];
	_ =	sdelay $0x4  }
0x35f: {  	v8 =	vshll.u32 v8, $0x5  }
0x360: {  	v9 =	vand.u32 $0x60, v8  }
0x361: {  	v8 =	vand.u32 $0xFFFFFFF8, v9  }
0x362: {  	v10 =	vadd.s32 v2, v8  }
0x363: {  	v11 =	vor.u32 $0x7, v10  }
0x364: {  	v12 =	vor.u32 $0x1, v10  }
0x365: {  	v13 =	vor.u32 $0x2, v10  }
0x366: {  	v14 =	vor.u32 $0x3, v10  }
0x367: {  	v15 =	vor.u32 $0x4, v10;
	v8 =	vld.idx.msk [tilespmem:v10+s13+$0x0], $0xffff  }
0x368: {  	v21 =	vadd.s32 $0x8, v9;
	v16 =	vor.u32 $0x5, v10;
	v11 =	vld.idx.msk [tilespmem:v11+s13+$0x0], $0xffff  }
0x369: {  	v9 =	vor.u32 $0x6, v10;
	v10 =	vand.u32 $0xFFFFFFF8, v21;
	v12 =	vld.idx.msk [tilespmem:v12+s13+$0x0], $0xffff  }
0x36a: {  	v18 =	vadd.s32 v2, v10;
	v22 =	vld.idx.msk [tilespmem:v13+s13+$0x0], $0xffff  }
0x36b: {  	v20 =	vld.idx.msk [tilespmem:v14+s13+$0x0], $0xffff;
	v23 =	vor.u32 $0x7, v18  }
0x36c: {  	v17 =	vld.idx.msk [tilespmem:v15+s13+$0x0], $0xffff;
	v19 =	vor.u32 $0x1, v18  }
0x36d: {  	v15 =	vld.idx.msk [tilespmem:v16+s13+$0x0], $0xffff;
	v14 =	vor.u32 $0x2, v18  }
0x36e: {  	v16 =	vld.idx.msk [tilespmem:v9+s13+$0x0], $0xffff;
	v13 =	vor.u32 $0x3, v18;
	[tilespmem:s7+$0x0] =	vst v11  }
0x36f: {  	v10 =	vor.u32 $0x4, v18;
	v9 =	vld.idx.msk [tilespmem:v18+s13+$0x0], $0xffff;
	[tilespmem:s7+$0xFFFFFD00] =	vst v12  }
0x370: {  	s2 =	simm.s32 $0x8;
	v21 =	vadd.s32 $0x8, v21;
	v12 =	vor.u32 $0x5, v18;
	v11 =	vor.u32 $0x6, v18;
	[tilespmem:s7+$0xFFFFFD80] =	vst v22;
	v18 =	vld.idx.msk [tilespmem:v23+s13+$0x0], $0xffff  }
.LBB2_39:
0x371: {  	v22 =	vand.u32 $0xFFFFFFF8, v21;
	s2 =	sadd.s32 $0x8, s2;
	v23 =	vld.idx.msk [tilespmem:v19+s13+$0x0], $0xffff;
	[tilespmem:s7+$0xFFFFFE00] =	vst v20  }
0x372: {  	v22 =	vadd.s32 v2, v22;
	p1 =	slt.u32 s2, $0x18;
	v24 =	vld.idx.msk [tilespmem:v14+s13+$0x0], $0xffff;
	[tilespmem:s7+$0xFFFFFE80] =	vst v17  }
0x373: {  	v19 =	vor.u32 $0x1, v22;
	v14 =	vor.u32 $0x2, v22;
	v25 =	vor.u32 $0x7, v22;
	v20 =	vld.idx.msk [tilespmem:v13+s13+$0x0], $0xffff;
	[tilespmem:s7+$0xFFFFFF00] =	vst v15  }
.Ltmp18:
0x374: {  	v13 =	vor.u32 $0x3, v22;
	v26 =	vor.u32 $0x5, v22;
	v17 =	vld.idx.msk [tilespmem:v10+s13+$0x0], $0xffff;
	v10 =	vor.u32 $0x4, v22;
	[tilespmem:s7+$0xFFFFFF80] =	vst v16;
	(pc) =	sbr.rel @p1 .LBB2_39-.Ltmp18, $4  }
0x375: {  	v27 =	vor.u32 $0x6, v22;
	v15 =	vld.idx.msk [tilespmem:v12+s13+$0x0], $0xffff;
	[tilespmem:s7+$0xFFFFFC80] =	vst v8;
	s7 =	sadd.s32 $0x1000, s7;
	v12 =	vmov v26;
	v8 =	vmov v9  }
0x376: {  	v16 =	vld.idx.msk [tilespmem:v11+s13+$0x0], $0xffff;
	[tilespmem:s7+$0x0] =	vst v18;
	v11 =	vmov v27  }
0x377: {  	v9 =	vld.idx.msk [tilespmem:v22+s13+$0x0], $0xffff;
	[tilespmem:s7+$0xFFFFFD00] =	vst v23  }
0x378: {  	v21 =	vadd.s32 $0x8, v21;
	v18 =	vld.idx.msk [tilespmem:v25+s13+$0x0], $0xffff;
	[tilespmem:s7+$0xFFFFFD80] =	vst v24  }
0x379: {  	_ =	sdelay $0x1  }
0x37a: {  	[tilespmem:s7+$0xFFFFFE00] =	vst v20  }
0x37b: {  	[tilespmem:s7+$0xFFFFFE80] =	vst v17  }
0x37c: {  	v19 =	vld.idx.msk [tilespmem:v19+s13+$0x0], $0xffff;
	[tilespmem:s7+$0xFFFFFC80] =	vst v8  }
0x37d: {  	v14 =	vld.idx.msk [tilespmem:v14+s13+$0x0], $0xffff;
	[tilespmem:s7+$0xFFFFFF00] =	vst v15  }
0x37e: {  	v13 =	vld.idx.msk [tilespmem:v13+s13+$0x0], $0xffff;
	s2 =	sadd.s32 $0x1000, s7;
	[tilespmem:s7+$0xFFFFFF80] =	vst v16  }
0x37f: {  	v10 =	vld.idx.msk [tilespmem:v10+s13+$0x0], $0xffff;
	[tilespmem:s2+$0xFFFFFC80] =	vst v9  }
0x380: {  	v8 =	vld.idx.msk [tilespmem:v12+s13+$0x0], $0xffff;
	[tilespmem:s2+$0x0] =	vst v18  }
0x381: {  	v11 =	vld.idx.msk [tilespmem:v11+s13+$0x0], $0xffff;
	[tilespmem:s2+$0xFFFFFD00] =	vst v19  }
0x382: {  	[tilespmem:s2+$0xFFFFFD80] =	vst v14  }
0x383: {  	[tilespmem:s2+$0xFFFFFE00] =	vst v13  }
0x384: {  	[tilespmem:s2+$0xFFFFFE80] =	vst v10  }
0x385: {  	[tilespmem:s2+$0xFFFFFF00] =	vst v8  }
0x386: {  	[tilespmem:s2+$0xFFFFFF80] =	vst v11  }
0x387: {  	v8 =	vld [tilespmem:s25+$0x830];
	_ =	sdelay $0x4  }
0x388: {  	v8 =	vshll.u32 v8, $0x5  }
0x389: {  	v9 =	vand.u32 $0x60, v8  }
0x38a: {  	v8 =	vand.u32 $0xFFFFFFF8, v9  }
0x38b: {  	v10 =	vadd.s32 v3, v8  }
0x38c: {  	v11 =	vor.u32 $0x7, v10  }
0x38d: {  	v12 =	vor.u32 $0x1, v10  }
0x38e: {  	v13 =	vor.u32 $0x2, v10  }
0x38f: {  	v14 =	vor.u32 $0x3, v10  }
0x390: {  	v15 =	vor.u32 $0x4, v10;
	v8 =	vld.idx.msk [tilespmem:v10+s13+$0x0], $0xffff  }
0x391: {  	v21 =	vadd.s32 $0x8, v9;
	v16 =	vor.u32 $0x5, v10;
	v11 =	vld.idx.msk [tilespmem:v11+s13+$0x0], $0xffff  }
0x392: {  	v9 =	vor.u32 $0x6, v10;
	v10 =	vand.u32 $0xFFFFFFF8, v21;
	v12 =	vld.idx.msk [tilespmem:v12+s13+$0x0], $0xffff  }
0x393: {  	v18 =	vadd.s32 v3, v10;
	v22 =	vld.idx.msk [tilespmem:v13+s13+$0x0], $0xffff  }
0x394: {  	v20 =	vld.idx.msk [tilespmem:v14+s13+$0x0], $0xffff;
	v23 =	vor.u32 $0x7, v18  }
0x395: {  	v17 =	vld.idx.msk [tilespmem:v15+s13+$0x0], $0xffff;
	v19 =	vor.u32 $0x1, v18  }
0x396: {  	v15 =	vld.idx.msk [tilespmem:v16+s13+$0x0], $0xffff;
	v14 =	vor.u32 $0x2, v18  }
0x397: {  	v16 =	vld.idx.msk [tilespmem:v9+s13+$0x0], $0xffff;
	v13 =	vor.u32 $0x3, v18;
	[tilespmem:s6+$0x0] =	vst v11  }
0x398: {  	v10 =	vor.u32 $0x4, v18;
	v9 =	vld.idx.msk [tilespmem:v18+s13+$0x0], $0xffff;
	[tilespmem:s6+$0xFFFFFD00] =	vst v12  }
0x399: {  	s2 =	simm.s32 $0x8;
	v21 =	vadd.s32 $0x8, v21;
	v12 =	vor.u32 $0x5, v18;
	v11 =	vor.u32 $0x6, v18;
	[tilespmem:s6+$0xFFFFFD80] =	vst v22;
	v18 =	vld.idx.msk [tilespmem:v23+s13+$0x0], $0xffff  }
.LBB2_41:
0x39a: {  	v22 =	vand.u32 $0xFFFFFFF8, v21;
	s2 =	sadd.s32 $0x8, s2;
	v23 =	vld.idx.msk [tilespmem:v19+s13+$0x0], $0xffff;
	[tilespmem:s6+$0xFFFFFE00] =	vst v20  }
0x39b: {  	v22 =	vadd.s32 v3, v22;
	p1 =	slt.u32 s2, $0x18;
	v24 =	vld.idx.msk [tilespmem:v14+s13+$0x0], $0xffff;
	[tilespmem:s6+$0xFFFFFE80] =	vst v17  }
0x39c: {  	v19 =	vor.u32 $0x1, v22;
	v14 =	vor.u32 $0x2, v22;
	v25 =	vor.u32 $0x7, v22;
	v20 =	vld.idx.msk [tilespmem:v13+s13+$0x0], $0xffff;
	[tilespmem:s6+$0xFFFFFF00] =	vst v15  }
.Ltmp19:
0x39d: {  	v13 =	vor.u32 $0x3, v22;
	v26 =	vor.u32 $0x5, v22;
	v17 =	vld.idx.msk [tilespmem:v10+s13+$0x0], $0xffff;
	v10 =	vor.u32 $0x4, v22;
	[tilespmem:s6+$0xFFFFFF80] =	vst v16;
	(pc) =	sbr.rel @p1 .LBB2_41-.Ltmp19, $4  }
0x39e: {  	v27 =	vor.u32 $0x6, v22;
	v15 =	vld.idx.msk [tilespmem:v12+s13+$0x0], $0xffff;
	[tilespmem:s6+$0xFFFFFC80] =	vst v8;
	s6 =	sadd.s32 $0x1000, s6;
	v12 =	vmov v26;
	v8 =	vmov v9  }
0x39f: {  	v16 =	vld.idx.msk [tilespmem:v11+s13+$0x0], $0xffff;
	[tilespmem:s6+$0x0] =	vst v18;
	v11 =	vmov v27  }
0x3a0: {  	v9 =	vld.idx.msk [tilespmem:v22+s13+$0x0], $0xffff;
	[tilespmem:s6+$0xFFFFFD00] =	vst v23  }
0x3a1: {  	v21 =	vadd.s32 $0x8, v21;
	v18 =	vld.idx.msk [tilespmem:v25+s13+$0x0], $0xffff;
	[tilespmem:s6+$0xFFFFFD80] =	vst v24  }
0x3a2: {  	_ =	sdelay $0x1  }
0x3a3: {  	[tilespmem:s6+$0xFFFFFE00] =	vst v20  }
0x3a4: {  	[tilespmem:s6+$0xFFFFFE80] =	vst v17  }
0x3a5: {  	v19 =	vld.idx.msk [tilespmem:v19+s13+$0x0], $0xffff;
	[tilespmem:s6+$0xFFFFFC80] =	vst v8  }
0x3a6: {  	v14 =	vld.idx.msk [tilespmem:v14+s13+$0x0], $0xffff;
	[tilespmem:s6+$0xFFFFFF00] =	vst v15  }
0x3a7: {  	v13 =	vld.idx.msk [tilespmem:v13+s13+$0x0], $0xffff;
	s2 =	sadd.s32 $0x1000, s6;
	[tilespmem:s6+$0xFFFFFF80] =	vst v16  }
0x3a8: {  	v10 =	vld.idx.msk [tilespmem:v10+s13+$0x0], $0xffff;
	[tilespmem:s2+$0xFFFFFC80] =	vst v9  }
0x3a9: {  	v8 =	vld.idx.msk [tilespmem:v12+s13+$0x0], $0xffff;
	[tilespmem:s2+$0x0] =	vst v18  }
0x3aa: {  	v11 =	vld.idx.msk [tilespmem:v11+s13+$0x0], $0xffff;
	[tilespmem:s2+$0xFFFFFD00] =	vst v19  }
0x3ab: {  	[tilespmem:s2+$0xFFFFFD80] =	vst v14  }
0x3ac: {  	[tilespmem:s2+$0xFFFFFE00] =	vst v13  }
0x3ad: {  	[tilespmem:s2+$0xFFFFFE80] =	vst v10  }
0x3ae: {  	[tilespmem:s2+$0xFFFFFF00] =	vst v8  }
0x3af: {  	[tilespmem:s2+$0xFFFFFF80] =	vst v11  }
0x3b0: {  	v8 =	vld [tilespmem:s25+$0x840];
	_ =	sdelay $0x4  }
0x3b1: {  	v8 =	vshll.u32 v8, $0x5  }
0x3b2: {  	v9 =	vand.u32 $0x60, v8  }
0x3b3: {  	v8 =	vand.u32 $0xFFFFFFF8, v9  }
0x3b4: {  	v10 =	vadd.s32 v4, v8  }
0x3b5: {  	v11 =	vor.u32 $0x7, v10  }
0x3b6: {  	v12 =	vor.u32 $0x1, v10  }
0x3b7: {  	v13 =	vor.u32 $0x2, v10  }
0x3b8: {  	v14 =	vor.u32 $0x3, v10  }
0x3b9: {  	v15 =	vor.u32 $0x4, v10;
	v8 =	vld.idx.msk [tilespmem:v10+s13+$0x0], $0xffff  }
0x3ba: {  	v21 =	vadd.s32 $0x8, v9;
	v16 =	vor.u32 $0x5, v10;
	v11 =	vld.idx.msk [tilespmem:v11+s13+$0x0], $0xffff  }
0x3bb: {  	v9 =	vor.u32 $0x6, v10;
	v10 =	vand.u32 $0xFFFFFFF8, v21;
	v12 =	vld.idx.msk [tilespmem:v12+s13+$0x0], $0xffff  }
0x3bc: {  	v18 =	vadd.s32 v4, v10;
	v22 =	vld.idx.msk [tilespmem:v13+s13+$0x0], $0xffff  }
0x3bd: {  	v20 =	vld.idx.msk [tilespmem:v14+s13+$0x0], $0xffff;
	v23 =	vor.u32 $0x7, v18  }
0x3be: {  	v17 =	vld.idx.msk [tilespmem:v15+s13+$0x0], $0xffff;
	v19 =	vor.u32 $0x1, v18  }
0x3bf: {  	v15 =	vld.idx.msk [tilespmem:v16+s13+$0x0], $0xffff;
	v14 =	vor.u32 $0x2, v18;
	[tilespmem:s3+$0x0] =	vst v11  }
0x3c0: {  	v16 =	vld.idx.msk [tilespmem:v9+s13+$0x0], $0xffff;
	v13 =	vor.u32 $0x3, v18;
	[tilespmem:s3+$0xFFFFFD00] =	vst v12  }
0x3c1: {  	v10 =	vor.u32 $0x4, v18;
	v9 =	vld.idx.msk [tilespmem:v18+s13+$0x0], $0xffff;
	[tilespmem:s3+$0xFFFFFD80] =	vst v22  }
0x3c2: {  	s2 =	simm.s32 $0x8;
	v21 =	vadd.s32 $0x8, v21;
	v12 =	vor.u32 $0x5, v18;
	v11 =	vor.u32 $0x6, v18;
	v18 =	vld.idx.msk [tilespmem:v23+s13+$0x0], $0xffff;
	s7 =	rddreg [dreg:$0xf]  }
.LBB2_43:
0x3c3: {  	v22 =	vand.u32 $0xFFFFFFF8, v21;
	s2 =	sadd.s32 $0x8, s2;
	v23 =	vld.idx.msk [tilespmem:v19+s13+$0x0], $0xffff;
	[tilespmem:s3+$0xFFFFFE00] =	vst v20  }
0x3c4: {  	v22 =	vadd.s32 v4, v22;
	p1 =	slt.u32 s2, $0x18;
	v24 =	vld.idx.msk [tilespmem:v14+s13+$0x0], $0xffff;
	[tilespmem:s3+$0xFFFFFE80] =	vst v17  }
0x3c5: {  	v19 =	vor.u32 $0x1, v22;
	v14 =	vor.u32 $0x2, v22;
	v25 =	vor.u32 $0x7, v22;
	v20 =	vld.idx.msk [tilespmem:v13+s13+$0x0], $0xffff;
	[tilespmem:s3+$0xFFFFFF00] =	vst v15  }
.Ltmp20:
0x3c6: {  	v13 =	vor.u32 $0x3, v22;
	v26 =	vor.u32 $0x5, v22;
	v17 =	vld.idx.msk [tilespmem:v10+s13+$0x0], $0xffff;
	v10 =	vor.u32 $0x4, v22;
	[tilespmem:s3+$0xFFFFFF80] =	vst v16;
	(pc) =	sbr.rel @p1 .LBB2_43-.Ltmp20, $4  }
0x3c7: {  	v27 =	vor.u32 $0x6, v22;
	v15 =	vld.idx.msk [tilespmem:v12+s13+$0x0], $0xffff;
	[tilespmem:s3+$0xFFFFFC80] =	vst v8;
	s3 =	sadd.s32 $0x1000, s3;
	v12 =	vmov v26;
	v8 =	vmov v9  }
0x3c8: {  	v16 =	vld.idx.msk [tilespmem:v11+s13+$0x0], $0xffff;
	[tilespmem:s3+$0x0] =	vst v18;
	v11 =	vmov v27  }
0x3c9: {  	v9 =	vld.idx.msk [tilespmem:v22+s13+$0x0], $0xffff;
	[tilespmem:s3+$0xFFFFFD00] =	vst v23  }
0x3ca: {  	v21 =	vadd.s32 $0x8, v21;
	v18 =	vld.idx.msk [tilespmem:v25+s13+$0x0], $0xffff;
	[tilespmem:s3+$0xFFFFFD80] =	vst v24  }
0x3cb: {  	_ =	sdelay $0x1  }
0x3cc: {  	[tilespmem:s3+$0xFFFFFE00] =	vst v20  }
0x3cd: {  	[tilespmem:s3+$0xFFFFFE80] =	vst v17  }
0x3ce: {  	v19 =	vld.idx.msk [tilespmem:v19+s13+$0x0], $0xffff;
	[tilespmem:s3+$0xFFFFFC80] =	vst v8  }
0x3cf: {  	v14 =	vld.idx.msk [tilespmem:v14+s13+$0x0], $0xffff;
	[tilespmem:s3+$0xFFFFFF00] =	vst v15  }
0x3d0: {  	v13 =	vld.idx.msk [tilespmem:v13+s13+$0x0], $0xffff;
	s2 =	sadd.s32 $0x1000, s3;
	[tilespmem:s3+$0xFFFFFF80] =	vst v16  }
0x3d1: {  	v10 =	vld.idx.msk [tilespmem:v10+s13+$0x0], $0xffff;
	[tilespmem:s2+$0xFFFFFC80] =	vst v9  }
0x3d2: {  	v8 =	vld.idx.msk [tilespmem:v12+s13+$0x0], $0xffff;
	[tilespmem:s2+$0x0] =	vst v18  }
0x3d3: {  	v11 =	vld.idx.msk [tilespmem:v11+s13+$0x0], $0xffff;
	[tilespmem:s2+$0xFFFFFD00] =	vst v19  }
0x3d4: {  	[tilespmem:s2+$0xFFFFFD80] =	vst v14  }
0x3d5: {  	[tilespmem:s2+$0xFFFFFE00] =	vst v13  }
0x3d6: {  	[tilespmem:s2+$0xFFFFFE80] =	vst v10  }
0x3d7: {  	[tilespmem:s2+$0xFFFFFF00] =	vst v8  }
0x3d8: {  	[tilespmem:s2+$0xFFFFFF80] =	vst v11  }
0x3d9: {  	v8 =	vld [tilespmem:s25+$0x850];
	_ =	sdelay $0x4  }
0x3da: {  	v8 =	vshll.u32 v8, $0x5  }
0x3db: {  	v9 =	vand.u32 $0x60, v8  }
0x3dc: {  	v8 =	vand.u32 $0xFFFFFFF8, v9  }
0x3dd: {  	v10 =	vadd.s32 v5, v8  }
0x3de: {  	v11 =	vor.u32 $0x7, v10  }
0x3df: {  	v12 =	vor.u32 $0x1, v10  }
0x3e0: {  	v13 =	vor.u32 $0x2, v10  }
0x3e1: {  	v14 =	vor.u32 $0x3, v10  }
0x3e2: {  	v15 =	vor.u32 $0x4, v10;
	v8 =	vld.idx.msk [tilespmem:v10+s13+$0x0], $0xffff  }
0x3e3: {  	v21 =	vadd.s32 $0x8, v9;
	v16 =	vor.u32 $0x5, v10;
	v11 =	vld.idx.msk [tilespmem:v11+s13+$0x0], $0xffff  }
0x3e4: {  	v9 =	vor.u32 $0x6, v10;
	v10 =	vand.u32 $0xFFFFFFF8, v21;
	v12 =	vld.idx.msk [tilespmem:v12+s13+$0x0], $0xffff  }
0x3e5: {  	v18 =	vadd.s32 v5, v10;
	v22 =	vld.idx.msk [tilespmem:v13+s13+$0x0], $0xffff  }
0x3e6: {  	v20 =	vld.idx.msk [tilespmem:v14+s13+$0x0], $0xffff;
	v23 =	vor.u32 $0x7, v18  }
0x3e7: {  	v17 =	vld.idx.msk [tilespmem:v15+s13+$0x0], $0xffff;
	v19 =	vor.u32 $0x1, v18  }
0x3e8: {  	v15 =	vld.idx.msk [tilespmem:v16+s13+$0x0], $0xffff;
	v14 =	vor.u32 $0x2, v18;
	[tilespmem:s1+$0x0] =	vst v11  }
0x3e9: {  	v16 =	vld.idx.msk [tilespmem:v9+s13+$0x0], $0xffff;
	v13 =	vor.u32 $0x3, v18;
	[tilespmem:s1+$0xFFFFFD00] =	vst v12  }
0x3ea: {  	v10 =	vor.u32 $0x4, v18;
	v9 =	vld.idx.msk [tilespmem:v18+s13+$0x0], $0xffff;
	[tilespmem:s1+$0xFFFFFD80] =	vst v22  }
0x3eb: {  	s2 =	simm.s32 $0x8;
	v21 =	vadd.s32 $0x8, v21;
	v12 =	vor.u32 $0x5, v18;
	v11 =	vor.u32 $0x6, v18;
	v18 =	vld.idx.msk [tilespmem:v23+s13+$0x0], $0xffff;
	s6 =	rddreg [dreg:$0xe]  }
.LBB2_45:
0x3ec: {  	v22 =	vand.u32 $0xFFFFFFF8, v21;
	s2 =	sadd.s32 $0x8, s2;
	v23 =	vld.idx.msk [tilespmem:v19+s13+$0x0], $0xffff;
	[tilespmem:s1+$0xFFFFFE00] =	vst v20  }
0x3ed: {  	v22 =	vadd.s32 v5, v22;
	p1 =	slt.u32 s2, $0x18;
	v24 =	vld.idx.msk [tilespmem:v14+s13+$0x0], $0xffff;
	[tilespmem:s1+$0xFFFFFE80] =	vst v17  }
0x3ee: {  	v19 =	vor.u32 $0x1, v22;
	v14 =	vor.u32 $0x2, v22;
	v25 =	vor.u32 $0x7, v22;
	v20 =	vld.idx.msk [tilespmem:v13+s13+$0x0], $0xffff;
	[tilespmem:s1+$0xFFFFFF00] =	vst v15  }
.Ltmp21:
0x3ef: {  	v13 =	vor.u32 $0x3, v22;
	v26 =	vor.u32 $0x5, v22;
	v17 =	vld.idx.msk [tilespmem:v10+s13+$0x0], $0xffff;
	v10 =	vor.u32 $0x4, v22;
	[tilespmem:s1+$0xFFFFFF80] =	vst v16;
	(pc) =	sbr.rel @p1 .LBB2_45-.Ltmp21, $4  }
0x3f0: {  	v27 =	vor.u32 $0x6, v22;
	v15 =	vld.idx.msk [tilespmem:v12+s13+$0x0], $0xffff;
	[tilespmem:s1+$0xFFFFFC80] =	vst v8;
	s1 =	sadd.s32 $0x1000, s1;
	v12 =	vmov v26;
	v8 =	vmov v9  }
0x3f1: {  	v16 =	vld.idx.msk [tilespmem:v11+s13+$0x0], $0xffff;
	[tilespmem:s1+$0x0] =	vst v18;
	v11 =	vmov v27  }
0x3f2: {  	v9 =	vld.idx.msk [tilespmem:v22+s13+$0x0], $0xffff;
	[tilespmem:s1+$0xFFFFFD00] =	vst v23  }
0x3f3: {  	v21 =	vadd.s32 $0x8, v21;
	v18 =	vld.idx.msk [tilespmem:v25+s13+$0x0], $0xffff;
	[tilespmem:s1+$0xFFFFFD80] =	vst v24  }
0x3f4: {  	_ =	sdelay $0x1  }
0x3f5: {  	[tilespmem:s1+$0xFFFFFE00] =	vst v20  }
0x3f6: {  	[tilespmem:s1+$0xFFFFFE80] =	vst v17  }
0x3f7: {  	v19 =	vld.idx.msk [tilespmem:v19+s13+$0x0], $0xffff;
	[tilespmem:s1+$0xFFFFFC80] =	vst v8  }
0x3f8: {  	v14 =	vld.idx.msk [tilespmem:v14+s13+$0x0], $0xffff;
	[tilespmem:s1+$0xFFFFFF00] =	vst v15  }
0x3f9: {  	v13 =	vld.idx.msk [tilespmem:v13+s13+$0x0], $0xffff;
	s24 =	sadd.s32 $0x1000, s1;
	[tilespmem:s1+$0xFFFFFF80] =	vst v16  }
0x3fa: {  	v10 =	vld.idx.msk [tilespmem:v10+s13+$0x0], $0xffff;
	[tilespmem:s24+$0xFFFFFC80] =	vst v9  }
0x3fb: {  	v8 =	vld.idx.msk [tilespmem:v12+s13+$0x0], $0xffff;
	[tilespmem:s24+$0x0] =	vst v18  }
0x3fc: {  	v11 =	vld.idx.msk [tilespmem:v11+s13+$0x0], $0xffff;
	[tilespmem:s24+$0xFFFFFD00] =	vst v19  }
0x3fd: {  	[tilespmem:s24+$0xFFFFFD80] =	vst v14  }
0x3fe: {  	[tilespmem:s24+$0xFFFFFE00] =	vst v13  }
0x3ff: {  	[tilespmem:s24+$0xFFFFFE80] =	vst v10  }
0x400: {  	[tilespmem:s24+$0xFFFFFF00] =	vst v8  }
0x401: {  	[tilespmem:s24+$0xFFFFFF80] =	vst v11  }
0x402: {  	v8 =	vld [tilespmem:s25+$0x860];
	_ =	sdelay $0x4  }
0x403: {  	v8 =	vshll.u32 v8, $0x5  }
0x404: {  	v9 =	vand.u32 $0x60, v8  }
0x405: {  	v8 =	vand.u32 $0xFFFFFFF8, v9  }
0x406: {  	v10 =	vadd.s32 v6, v8  }
0x407: {  	v11 =	vor.u32 $0x7, v10  }
0x408: {  	v12 =	vor.u32 $0x1, v10  }
0x409: {  	v13 =	vor.u32 $0x2, v10  }
0x40a: {  	v14 =	vor.u32 $0x3, v10  }
0x40b: {  	v15 =	vor.u32 $0x4, v10;
	v8 =	vld.idx.msk [tilespmem:v10+s13+$0x0], $0xffff  }
0x40c: {  	v21 =	vadd.s32 $0x8, v9;
	v16 =	vor.u32 $0x5, v10;
	v11 =	vld.idx.msk [tilespmem:v11+s13+$0x0], $0xffff  }
0x40d: {  	v9 =	vor.u32 $0x6, v10;
	v10 =	vand.u32 $0xFFFFFFF8, v21;
	v12 =	vld.idx.msk [tilespmem:v12+s13+$0x0], $0xffff  }
0x40e: {  	v18 =	vadd.s32 v6, v10;
	v22 =	vld.idx.msk [tilespmem:v13+s13+$0x0], $0xffff  }
0x40f: {  	v20 =	vld.idx.msk [tilespmem:v14+s13+$0x0], $0xffff;
	v23 =	vor.u32 $0x7, v18  }
0x410: {  	v17 =	vld.idx.msk [tilespmem:v15+s13+$0x0], $0xffff;
	v19 =	vor.u32 $0x1, v18  }
0x411: {  	v15 =	vld.idx.msk [tilespmem:v16+s13+$0x0], $0xffff;
	v14 =	vor.u32 $0x2, v18  }
0x412: {  	v16 =	vld.idx.msk [tilespmem:v9+s13+$0x0], $0xffff;
	v13 =	vor.u32 $0x3, v18;
	[tilespmem:s0+$0x0] =	vst v11  }
0x413: {  	v10 =	vor.u32 $0x4, v18;
	v9 =	vld.idx.msk [tilespmem:v18+s13+$0x0], $0xffff;
	[tilespmem:s0+$0xFFFFFD00] =	vst v12  }
0x414: {  	s1 =	simm.s32 $0x8;
	v21 =	vadd.s32 $0x8, v21;
	v12 =	vor.u32 $0x5, v18;
	v11 =	vor.u32 $0x6, v18;
	[tilespmem:s0+$0xFFFFFD80] =	vst v22;
	v18 =	vld.idx.msk [tilespmem:v23+s13+$0x0], $0xffff  }
.LBB2_47:
0x415: {  	v22 =	vand.u32 $0xFFFFFFF8, v21;
	s1 =	sadd.s32 $0x8, s1;
	v23 =	vld.idx.msk [tilespmem:v19+s13+$0x0], $0xffff;
	[tilespmem:s0+$0xFFFFFE00] =	vst v20  }
0x416: {  	v22 =	vadd.s32 v6, v22;
	p1 =	slt.u32 s1, $0x18;
	v24 =	vld.idx.msk [tilespmem:v14+s13+$0x0], $0xffff;
	[tilespmem:s0+$0xFFFFFE80] =	vst v17  }
0x417: {  	v19 =	vor.u32 $0x1, v22;
	v14 =	vor.u32 $0x2, v22;
	v25 =	vor.u32 $0x7, v22;
	v20 =	vld.idx.msk [tilespmem:v13+s13+$0x0], $0xffff;
	[tilespmem:s0+$0xFFFFFF00] =	vst v15  }
.Ltmp22:
0x418: {  	v13 =	vor.u32 $0x3, v22;
	v26 =	vor.u32 $0x5, v22;
	v17 =	vld.idx.msk [tilespmem:v10+s13+$0x0], $0xffff;
	v10 =	vor.u32 $0x4, v22;
	[tilespmem:s0+$0xFFFFFF80] =	vst v16;
	(pc) =	sbr.rel @p1 .LBB2_47-.Ltmp22, $4  }
0x419: {  	v27 =	vor.u32 $0x6, v22;
	v15 =	vld.idx.msk [tilespmem:v12+s13+$0x0], $0xffff;
	[tilespmem:s0+$0xFFFFFC80] =	vst v8;
	s0 =	sadd.s32 $0x1000, s0;
	v12 =	vmov v26;
	v8 =	vmov v9  }
0x41a: {  	v16 =	vld.idx.msk [tilespmem:v11+s13+$0x0], $0xffff;
	[tilespmem:s0+$0x0] =	vst v18;
	v11 =	vmov v27  }
0x41b: {  	v9 =	vld.idx.msk [tilespmem:v22+s13+$0x0], $0xffff;
	[tilespmem:s0+$0xFFFFFD00] =	vst v23  }
0x41c: {  	v21 =	vadd.s32 $0x8, v21;
	v18 =	vld.idx.msk [tilespmem:v25+s13+$0x0], $0xffff;
	[tilespmem:s0+$0xFFFFFD80] =	vst v24  }
0x41d: {  	_ =	sdelay $0x1  }
0x41e: {  	[tilespmem:s0+$0xFFFFFE00] =	vst v20  }
0x41f: {  	[tilespmem:s0+$0xFFFFFE80] =	vst v17  }
0x420: {  	v19 =	vld.idx.msk [tilespmem:v19+s13+$0x0], $0xffff;
	[tilespmem:s0+$0xFFFFFC80] =	vst v8  }
0x421: {  	v14 =	vld.idx.msk [tilespmem:v14+s13+$0x0], $0xffff;
	[tilespmem:s0+$0xFFFFFF00] =	vst v15  }
0x422: {  	v13 =	vld.idx.msk [tilespmem:v13+s13+$0x0], $0xffff;
	s24 =	sadd.s32 $0x1000, s0;
	[tilespmem:s0+$0xFFFFFF80] =	vst v16  }
0x423: {  	v10 =	vld.idx.msk [tilespmem:v10+s13+$0x0], $0xffff;
	[tilespmem:s24+$0xFFFFFC80] =	vst v9  }
0x424: {  	v8 =	vld.idx.msk [tilespmem:v12+s13+$0x0], $0xffff;
	[tilespmem:s24+$0x0] =	vst v18  }
0x425: {  	v11 =	vld.idx.msk [tilespmem:v11+s13+$0x0], $0xffff;
	[tilespmem:s24+$0xFFFFFD00] =	vst v19  }
0x426: {  	[tilespmem:s24+$0xFFFFFD80] =	vst v14  }
0x427: {  	[tilespmem:s24+$0xFFFFFE00] =	vst v13  }
0x428: {  	[tilespmem:s24+$0xFFFFFE80] =	vst v10  }
0x429: {  	[tilespmem:s24+$0xFFFFFF00] =	vst v8  }
0x42a: {  	[tilespmem:s24+$0xFFFFFF80] =	vst v11  }
0x42b: {  	v8 =	vld [tilespmem:s25+$0x870];
	_ =	sdelay $0x4  }
0x42c: {  	v8 =	vshll.u32 v8, $0x5  }
0x42d: {  	v9 =	vand.u32 $0x60, v8  }
0x42e: {  	v8 =	vand.u32 $0xFFFFFFF8, v9  }
0x42f: {  	v10 =	vadd.s32 v7, v8  }
0x430: {  	v11 =	vor.u32 $0x7, v10  }
0x431: {  	v12 =	vor.u32 $0x1, v10  }
0x432: {  	v13 =	vor.u32 $0x2, v10  }
0x433: {  	v14 =	vor.u32 $0x3, v10  }
0x434: {  	v15 =	vor.u32 $0x4, v10;
	v8 =	vld.idx.msk [tilespmem:v10+s13+$0x0], $0xffff  }
0x435: {  	v21 =	vadd.s32 $0x8, v9;
	v16 =	vor.u32 $0x5, v10;
	v11 =	vld.idx.msk [tilespmem:v11+s13+$0x0], $0xffff  }
0x436: {  	v9 =	vor.u32 $0x6, v10;
	v10 =	vand.u32 $0xFFFFFFF8, v21;
	v12 =	vld.idx.msk [tilespmem:v12+s13+$0x0], $0xffff  }
0x437: {  	v18 =	vadd.s32 v7, v10;
	v22 =	vld.idx.msk [tilespmem:v13+s13+$0x0], $0xffff  }
0x438: {  	v20 =	vld.idx.msk [tilespmem:v14+s13+$0x0], $0xffff;
	v23 =	vor.u32 $0x7, v18  }
0x439: {  	v17 =	vld.idx.msk [tilespmem:v15+s13+$0x0], $0xffff;
	v19 =	vor.u32 $0x1, v18  }
0x43a: {  	v15 =	vld.idx.msk [tilespmem:v16+s13+$0x0], $0xffff;
	v14 =	vor.u32 $0x2, v18  }
0x43b: {  	v16 =	vld.idx.msk [tilespmem:v9+s13+$0x0], $0xffff;
	v13 =	vor.u32 $0x3, v18;
	[tilespmem:s31+$0x0] =	vst v11  }
0x43c: {  	v10 =	vor.u32 $0x4, v18;
	v9 =	vld.idx.msk [tilespmem:v18+s13+$0x0], $0xffff;
	[tilespmem:s31+$0xFFFFFD00] =	vst v12  }
0x43d: {  	s0 =	simm.s32 $0x8;
	v21 =	vadd.s32 $0x8, v21;
	v12 =	vor.u32 $0x5, v18;
	v11 =	vor.u32 $0x6, v18;
	[tilespmem:s31+$0xFFFFFD80] =	vst v22;
	v18 =	vld.idx.msk [tilespmem:v23+s13+$0x0], $0xffff  }
.LBB2_49:
0x43e: {  	v22 =	vand.u32 $0xFFFFFFF8, v21;
	s0 =	sadd.s32 $0x8, s0;
	v23 =	vld.idx.msk [tilespmem:v19+s13+$0x0], $0xffff;
	[tilespmem:s31+$0xFFFFFE00] =	vst v20  }
0x43f: {  	v22 =	vadd.s32 v7, v22;
	p1 =	slt.u32 s0, $0x18;
	v24 =	vld.idx.msk [tilespmem:v14+s13+$0x0], $0xffff;
	[tilespmem:s31+$0xFFFFFE80] =	vst v17  }
0x440: {  	v19 =	vor.u32 $0x1, v22;
	v14 =	vor.u32 $0x2, v22;
	v25 =	vor.u32 $0x7, v22;
	v20 =	vld.idx.msk [tilespmem:v13+s13+$0x0], $0xffff;
	[tilespmem:s31+$0xFFFFFF00] =	vst v15  }
.Ltmp23:
0x441: {  	v13 =	vor.u32 $0x3, v22;
	v26 =	vor.u32 $0x5, v22;
	v17 =	vld.idx.msk [tilespmem:v10+s13+$0x0], $0xffff;
	v10 =	vor.u32 $0x4, v22;
	[tilespmem:s31+$0xFFFFFF80] =	vst v16;
	(pc) =	sbr.rel @p1 .LBB2_49-.Ltmp23, $4  }
0x442: {  	v27 =	vor.u32 $0x6, v22;
	v15 =	vld.idx.msk [tilespmem:v12+s13+$0x0], $0xffff;
	[tilespmem:s31+$0xFFFFFC80] =	vst v8;
	s31 =	sadd.s32 $0x1000, s31;
	v12 =	vmov v26;
	v8 =	vmov v9  }
0x443: {  	v16 =	vld.idx.msk [tilespmem:v11+s13+$0x0], $0xffff;
	[tilespmem:s31+$0x0] =	vst v18;
	v11 =	vmov v27  }
0x444: {  	v9 =	vld.idx.msk [tilespmem:v22+s13+$0x0], $0xffff;
	[tilespmem:s31+$0xFFFFFD00] =	vst v23  }
0x445: {  	v21 =	vadd.s32 $0x8, v21;
	v18 =	vld.idx.msk [tilespmem:v25+s13+$0x0], $0xffff;
	[tilespmem:s31+$0xFFFFFD80] =	vst v24  }
0x446: {  	_ =	sdelay $0x1  }
0x447: {  	[tilespmem:s31+$0xFFFFFE00] =	vst v20  }
0x448: {  	[tilespmem:s31+$0xFFFFFE80] =	vst v17  }
0x449: {  	v19 =	vld.idx.msk [tilespmem:v19+s13+$0x0], $0xffff;
	[tilespmem:s31+$0xFFFFFC80] =	vst v8  }
0x44a: {  	v14 =	vld.idx.msk [tilespmem:v14+s13+$0x0], $0xffff;
	[tilespmem:s31+$0xFFFFFF00] =	vst v15  }
0x44b: {  	v13 =	vld.idx.msk [tilespmem:v13+s13+$0x0], $0xffff;
	s0 =	sadd.s32 $0x1000, s31;
	[tilespmem:s31+$0xFFFFFF80] =	vst v16  }
0x44c: {  	v10 =	vld.idx.msk [tilespmem:v10+s13+$0x0], $0xffff;
	[tilespmem:s0+$0xFFFFFC80] =	vst v9  }
0x44d: {  	v8 =	vld.idx.msk [tilespmem:v12+s13+$0x0], $0xffff;
	[tilespmem:s0+$0x0] =	vst v18  }
0x44e: {  	v11 =	vld.idx.msk [tilespmem:v11+s13+$0x0], $0xffff;
	[tilespmem:s0+$0xFFFFFD00] =	vst v19  }
0x44f: {  	[tilespmem:s0+$0xFFFFFD80] =	vst v14  }
0x450: {  	[tilespmem:s0+$0xFFFFFE00] =	vst v13  }
0x451: {  	[tilespmem:s0+$0xFFFFFE80] =	vst v10  }
0x452: {  	[tilespmem:s0+$0xFFFFFF00] =	vst v8  }
0x453: {  	p1 =	seq.s32 s5, $0x19;
	[tilespmem:s0+$0xFFFFFF80] =	vst v11;
	s0 =	sadd.s32 $0x1, s5  }
0x454: {  	_ =	swait.ge [sflag:s20], $0x4000;
	s1 =	sshll.u32 @!p1 s0, $0x9;
	s2 =	sshll.u32 @!p1 s0, $0x7  }
0x455: {  	[sflag:s20] =	ssyncset.done $0x0;
	s1 =	sand.u32 @!p1 $0x7000, s1;
	s2 =	sand.u32 @!p1 $0x380, s2  }
0x456: {  	[sflag:s20] =	ssyncadd.s32 $0xFFFFC000;
	s1 =	sor.u32 @!p1 s2, s1  }
0x457: {  	v8 =	vld @!p1 [tilespmem:s1+$0x0];
	_ =	sdelay $0x4  }
0x458: {  	v8 =	vshrl.u32 @!p1 v8, $0x2  }
0x459: {  	[tilespmem:$0x4000] =	vst @!p1 v8  }
0x45a: {  	v8 =	vld @!p1 [tilespmem:s1+$0x10];
	_ =	sdelay $0x4  }
0x45b: {  	v8 =	vshrl.u32 @!p1 v8, $0x2  }
0x45c: {  	[tilespmem:$0x4010] =	vst @!p1 v8  }
0x45d: {  	v8 =	vld @!p1 [tilespmem:s1+$0x20];
	_ =	sdelay $0x4  }
0x45e: {  	v8 =	vshrl.u32 @!p1 v8, $0x2  }
0x45f: {  	[tilespmem:$0x4020] =	vst @!p1 v8  }
0x460: {  	v8 =	vld @!p1 [tilespmem:s1+$0x30];
	_ =	sdelay $0x4  }
0x461: {  	v8 =	vshrl.u32 @!p1 v8, $0x2  }
0x462: {  	[tilespmem:$0x4030] =	vst @!p1 v8  }
0x463: {  	v8 =	vld @!p1 [tilespmem:s1+$0x40];
	_ =	sdelay $0x4  }
0x464: {  	v8 =	vshrl.u32 @!p1 v8, $0x2  }
0x465: {  	[tilespmem:$0x4040] =	vst @!p1 v8  }
0x466: {  	v8 =	vld @!p1 [tilespmem:s1+$0x50];
	_ =	sdelay $0x4  }
0x467: {  	v8 =	vshrl.u32 @!p1 v8, $0x2  }
0x468: {  	[tilespmem:$0x4050] =	vst @!p1 v8  }
0x469: {  	v8 =	vld @!p1 [tilespmem:s1+$0x60];
	_ =	sdelay $0x4  }
0x46a: {  	v8 =	vshrl.u32 @!p1 v8, $0x2  }
0x46b: {  	[tilespmem:$0x4060] =	vst @!p1 v8  }
0x46c: {  	v8 =	vld @!p1 [tilespmem:s1+$0x70];
	_ =	sdelay $0x4  }
0x46d: {  	v8 =	vshrl.u32 @!p1 v8, $0x2  }
0x46e: {  	s3 =	simm.s32 @!p1 $0x4100;
	s2 =	simm.s32 @!p1 $0x4000;
	s1 =	simm.s32 @!p1 $0x80;
	[tilespmem:$0x4070] =	vst @!p1 v8  }
0x46f: {  	[tilespmem:s3], [sflag:$0x1] =	stream.indirect.gather @!p1 [hbm4b:s14+s1], $0x80, s2, s1, $0xb8;
	[tilespmem:$0x14100] =	vst v63  }
0x470: {  	v8 =	vld [tilespmem:s25+$0xC00];
	_ =	sdelay $0x4  }
0x471: {  	v8 =	vshll.u32 v8, $0x5  }
0x472: {  	v9 =	vand.u32 $0x60, v8  }
0x473: {  	v8 =	vand.u32 $0xFFFFFFF8, v9  }
0x474: {  	v10 =	vadd.s32 v0, v8  }
0x475: {  	v11 =	vor.u32 $0x7, v10  }
0x476: {  	v12 =	vor.u32 $0x1, v10  }
0x477: {  	v13 =	vor.u32 $0x2, v10  }
0x478: {  	v14 =	vor.u32 $0x3, v10  }
0x479: {  	v15 =	vor.u32 $0x4, v10;
	v8 =	vld.idx.msk [tilespmem:v10+s16+$0x0], $0xffff  }
0x47a: {  	v21 =	vadd.s32 $0x8, v9;
	v16 =	vor.u32 $0x5, v10;
	v11 =	vld.idx.msk [tilespmem:v11+s16+$0x0], $0xffff  }
0x47b: {  	v9 =	vor.u32 $0x6, v10;
	v10 =	vand.u32 $0xFFFFFFF8, v21;
	v12 =	vld.idx.msk [tilespmem:v12+s16+$0x0], $0xffff  }
0x47c: {  	v18 =	vadd.s32 v0, v10;
	v22 =	vld.idx.msk [tilespmem:v13+s16+$0x0], $0xffff  }
0x47d: {  	v20 =	vld.idx.msk [tilespmem:v14+s16+$0x0], $0xffff;
	v23 =	vor.u32 $0x7, v18  }
0x47e: {  	v17 =	vld.idx.msk [tilespmem:v15+s16+$0x0], $0xffff;
	v19 =	vor.u32 $0x1, v18  }
0x47f: {  	v15 =	vld.idx.msk [tilespmem:v16+s16+$0x0], $0xffff;
	v14 =	vor.u32 $0x2, v18  }
0x480: {  	v16 =	vld.idx.msk [tilespmem:v9+s16+$0x0], $0xffff;
	v13 =	vor.u32 $0x3, v18;
	[tilespmem:s30+$0x0] =	vst v11  }
0x481: {  	v10 =	vor.u32 $0x4, v18;
	v9 =	vld.idx.msk [tilespmem:v18+s16+$0x0], $0xffff;
	[tilespmem:s30+$0xFFFFFD00] =	vst v12  }
0x482: {  	s1 =	simm.s32 $0x8;
	v21 =	vadd.s32 $0x8, v21;
	v12 =	vor.u32 $0x5, v18;
	v11 =	vor.u32 $0x6, v18;
	[tilespmem:s30+$0xFFFFFD80] =	vst v22;
	v18 =	vld.idx.msk [tilespmem:v23+s16+$0x0], $0xffff  }
.LBB2_51:
0x483: {  	v22 =	vand.u32 $0xFFFFFFF8, v21;
	s1 =	sadd.s32 $0x8, s1;
	v23 =	vld.idx.msk [tilespmem:v19+s16+$0x0], $0xffff;
	[tilespmem:s30+$0xFFFFFE00] =	vst v20  }
0x484: {  	v22 =	vadd.s32 v0, v22;
	p1 =	slt.u32 s1, $0x18;
	v24 =	vld.idx.msk [tilespmem:v14+s16+$0x0], $0xffff;
	[tilespmem:s30+$0xFFFFFE80] =	vst v17  }
0x485: {  	v19 =	vor.u32 $0x1, v22;
	v14 =	vor.u32 $0x2, v22;
	v25 =	vor.u32 $0x7, v22;
	v20 =	vld.idx.msk [tilespmem:v13+s16+$0x0], $0xffff;
	[tilespmem:s30+$0xFFFFFF00] =	vst v15  }
.Ltmp24:
0x486: {  	v13 =	vor.u32 $0x3, v22;
	v26 =	vor.u32 $0x5, v22;
	v17 =	vld.idx.msk [tilespmem:v10+s16+$0x0], $0xffff;
	v10 =	vor.u32 $0x4, v22;
	[tilespmem:s30+$0xFFFFFF80] =	vst v16;
	(pc) =	sbr.rel @p1 .LBB2_51-.Ltmp24, $4  }
0x487: {  	v27 =	vor.u32 $0x6, v22;
	v15 =	vld.idx.msk [tilespmem:v12+s16+$0x0], $0xffff;
	[tilespmem:s30+$0xFFFFFC80] =	vst v8;
	s30 =	sadd.s32 $0x1000, s30;
	v12 =	vmov v26;
	v8 =	vmov v9  }
0x488: {  	v16 =	vld.idx.msk [tilespmem:v11+s16+$0x0], $0xffff;
	[tilespmem:s30+$0x0] =	vst v18;
	v11 =	vmov v27  }
0x489: {  	v9 =	vld.idx.msk [tilespmem:v22+s16+$0x0], $0xffff;
	[tilespmem:s30+$0xFFFFFD00] =	vst v23  }
0x48a: {  	v21 =	vadd.s32 $0x8, v21;
	v18 =	vld.idx.msk [tilespmem:v25+s16+$0x0], $0xffff;
	[tilespmem:s30+$0xFFFFFD80] =	vst v24  }
0x48b: {  	_ =	sdelay $0x1  }
0x48c: {  	[tilespmem:s30+$0xFFFFFE00] =	vst v20  }
0x48d: {  	[tilespmem:s30+$0xFFFFFE80] =	vst v17  }
0x48e: {  	v19 =	vld.idx.msk [tilespmem:v19+s16+$0x0], $0xffff;
	[tilespmem:s30+$0xFFFFFC80] =	vst v8  }
0x48f: {  	v14 =	vld.idx.msk [tilespmem:v14+s16+$0x0], $0xffff;
	[tilespmem:s30+$0xFFFFFF00] =	vst v15  }
0x490: {  	v13 =	vld.idx.msk [tilespmem:v13+s16+$0x0], $0xffff;
	s1 =	sadd.s32 $0x1000, s30;
	[tilespmem:s30+$0xFFFFFF80] =	vst v16  }
0x491: {  	v10 =	vld.idx.msk [tilespmem:v10+s16+$0x0], $0xffff;
	[tilespmem:s1+$0xFFFFFC80] =	vst v9  }
0x492: {  	v8 =	vld.idx.msk [tilespmem:v12+s16+$0x0], $0xffff;
	[tilespmem:s1+$0x0] =	vst v18  }
0x493: {  	v11 =	vld.idx.msk [tilespmem:v11+s16+$0x0], $0xffff;
	[tilespmem:s1+$0xFFFFFD00] =	vst v19  }
0x494: {  	[tilespmem:s1+$0xFFFFFD80] =	vst v14  }
0x495: {  	[tilespmem:s1+$0xFFFFFE00] =	vst v13  }
0x496: {  	[tilespmem:s1+$0xFFFFFE80] =	vst v10  }
0x497: {  	[tilespmem:s1+$0xFFFFFF00] =	vst v8  }
0x498: {  	[tilespmem:s1+$0xFFFFFF80] =	vst v11  }
0x499: {  	v8 =	vld [tilespmem:s25+$0xC10];
	_ =	sdelay $0x4  }
0x49a: {  	v8 =	vshll.u32 v8, $0x5  }
0x49b: {  	v9 =	vand.u32 $0x60, v8  }
0x49c: {  	v8 =	vand.u32 $0xFFFFFFF8, v9  }
0x49d: {  	v10 =	vadd.s32 v1, v8  }
0x49e: {  	v11 =	vor.u32 $0x7, v10  }
0x49f: {  	v12 =	vor.u32 $0x1, v10  }
0x4a0: {  	v13 =	vor.u32 $0x2, v10;
	_ =	sdelay $0x1  }
0x4a1: {  	v14 =	vor.u32 $0x3, v10;
	v8 =	vld.idx.msk [tilespmem:v10+s16+$0x0], $0xffff  }
0x4a2: {  	v15 =	vor.u32 $0x4, v10;
	v11 =	vld.idx.msk [tilespmem:v11+s16+$0x0], $0xffff  }
0x4a3: {  	v21 =	vadd.s32 $0x8, v9;
	v16 =	vor.u32 $0x5, v10;
	v12 =	vld.idx.msk [tilespmem:v12+s16+$0x0], $0xffff  }
0x4a4: {  	v9 =	vor.u32 $0x6, v10;
	v10 =	vand.u32 $0xFFFFFFF8, v21;
	v22 =	vld.idx.msk [tilespmem:v13+s16+$0x0], $0xffff  }
0x4a5: {  	v18 =	vadd.s32 v1, v10  }
0x4a6: {  	v20 =	vld.idx.msk [tilespmem:v14+s16+$0x0], $0xffff;
	v23 =	vor.u32 $0x7, v18  }
0x4a7: {  	v17 =	vld.idx.msk [tilespmem:v15+s16+$0x0], $0xffff;
	v19 =	vor.u32 $0x1, v18;
	[tilespmem:s29+$0x0] =	vst v11  }
0x4a8: {  	v15 =	vld.idx.msk [tilespmem:v16+s16+$0x0], $0xffff;
	v14 =	vor.u32 $0x2, v18;
	[tilespmem:s29+$0xFFFFFD00] =	vst v12  }
0x4a9: {  	v16 =	vld.idx.msk [tilespmem:v9+s16+$0x0], $0xffff;
	v13 =	vor.u32 $0x3, v18;
	[tilespmem:s29+$0xFFFFFD80] =	vst v22  }
0x4aa: {  	v10 =	vor.u32 $0x4, v18;
	v9 =	vld.idx.msk [tilespmem:v18+s16+$0x0], $0xffff;
	s2 =	rddreg [dreg:$0xa]  }
0x4ab: {  	s1 =	simm.s32 $0x8;
	v21 =	vadd.s32 $0x8, v21;
	v12 =	vor.u32 $0x5, v18;
	v11 =	vor.u32 $0x6, v18;
	v18 =	vld.idx.msk [tilespmem:v23+s16+$0x0], $0xffff;
	s3 =	rddreg [dreg:$0xd]  }
.LBB2_53:
0x4ac: {  	v22 =	vand.u32 $0xFFFFFFF8, v21;
	s1 =	sadd.s32 $0x8, s1;
	v23 =	vld.idx.msk [tilespmem:v19+s16+$0x0], $0xffff;
	[tilespmem:s29+$0xFFFFFE00] =	vst v20  }
0x4ad: {  	v22 =	vadd.s32 v1, v22;
	p1 =	slt.u32 s1, $0x18;
	v24 =	vld.idx.msk [tilespmem:v14+s16+$0x0], $0xffff;
	[tilespmem:s29+$0xFFFFFE80] =	vst v17  }
0x4ae: {  	v19 =	vor.u32 $0x1, v22;
	v14 =	vor.u32 $0x2, v22;
	v25 =	vor.u32 $0x7, v22;
	v20 =	vld.idx.msk [tilespmem:v13+s16+$0x0], $0xffff;
	[tilespmem:s29+$0xFFFFFF00] =	vst v15  }
.Ltmp25:
0x4af: {  	v13 =	vor.u32 $0x3, v22;
	v26 =	vor.u32 $0x5, v22;
	v17 =	vld.idx.msk [tilespmem:v10+s16+$0x0], $0xffff;
	v10 =	vor.u32 $0x4, v22;
	[tilespmem:s29+$0xFFFFFF80] =	vst v16;
	(pc) =	sbr.rel @p1 .LBB2_53-.Ltmp25, $4  }
0x4b0: {  	v27 =	vor.u32 $0x6, v22;
	v15 =	vld.idx.msk [tilespmem:v12+s16+$0x0], $0xffff;
	[tilespmem:s29+$0xFFFFFC80] =	vst v8;
	s29 =	sadd.s32 $0x1000, s29;
	v12 =	vmov v26;
	v8 =	vmov v9  }
0x4b1: {  	v16 =	vld.idx.msk [tilespmem:v11+s16+$0x0], $0xffff;
	[tilespmem:s29+$0x0] =	vst v18;
	v11 =	vmov v27  }
0x4b2: {  	v9 =	vld.idx.msk [tilespmem:v22+s16+$0x0], $0xffff;
	[tilespmem:s29+$0xFFFFFD00] =	vst v23  }
0x4b3: {  	v21 =	vadd.s32 $0x8, v21;
	v18 =	vld.idx.msk [tilespmem:v25+s16+$0x0], $0xffff;
	[tilespmem:s29+$0xFFFFFD80] =	vst v24  }
0x4b4: {  	_ =	sdelay $0x1  }
0x4b5: {  	[tilespmem:s29+$0xFFFFFE00] =	vst v20  }
0x4b6: {  	[tilespmem:s29+$0xFFFFFE80] =	vst v17  }
0x4b7: {  	v19 =	vld.idx.msk [tilespmem:v19+s16+$0x0], $0xffff;
	[tilespmem:s29+$0xFFFFFC80] =	vst v8  }
0x4b8: {  	v14 =	vld.idx.msk [tilespmem:v14+s16+$0x0], $0xffff;
	[tilespmem:s29+$0xFFFFFF00] =	vst v15  }
0x4b9: {  	v13 =	vld.idx.msk [tilespmem:v13+s16+$0x0], $0xffff;
	s1 =	sadd.s32 $0x1000, s29;
	[tilespmem:s29+$0xFFFFFF80] =	vst v16  }
0x4ba: {  	v10 =	vld.idx.msk [tilespmem:v10+s16+$0x0], $0xffff;
	[tilespmem:s1+$0xFFFFFC80] =	vst v9  }
0x4bb: {  	v8 =	vld.idx.msk [tilespmem:v12+s16+$0x0], $0xffff;
	[tilespmem:s1+$0x0] =	vst v18  }
0x4bc: {  	v11 =	vld.idx.msk [tilespmem:v11+s16+$0x0], $0xffff;
	[tilespmem:s1+$0xFFFFFD00] =	vst v19  }
0x4bd: {  	[tilespmem:s1+$0xFFFFFD80] =	vst v14  }
0x4be: {  	[tilespmem:s1+$0xFFFFFE00] =	vst v13  }
0x4bf: {  	[tilespmem:s1+$0xFFFFFE80] =	vst v10  }
0x4c0: {  	[tilespmem:s1+$0xFFFFFF00] =	vst v8  }
0x4c1: {  	[tilespmem:s1+$0xFFFFFF80] =	vst v11  }
0x4c2: {  	v8 =	vld [tilespmem:s25+$0xC20];
	_ =	sdelay $0x4  }
0x4c3: {  	v8 =	vshll.u32 v8, $0x5  }
0x4c4: {  	v9 =	vand.u32 $0x60, v8  }
0x4c5: {  	v8 =	vand.u32 $0xFFFFFFF8, v9  }
0x4c6: {  	v10 =	vadd.s32 v2, v8  }
0x4c7: {  	v11 =	vor.u32 $0x7, v10  }
0x4c8: {  	v12 =	vor.u32 $0x1, v10  }
0x4c9: {  	v13 =	vor.u32 $0x2, v10  }
0x4ca: {  	v14 =	vor.u32 $0x3, v10  }
0x4cb: {  	v15 =	vor.u32 $0x4, v10;
	v8 =	vld.idx.msk [tilespmem:v10+s16+$0x0], $0xffff  }
0x4cc: {  	v21 =	vadd.s32 $0x8, v9;
	v16 =	vor.u32 $0x5, v10;
	v11 =	vld.idx.msk [tilespmem:v11+s16+$0x0], $0xffff  }
0x4cd: {  	v9 =	vor.u32 $0x6, v10;
	v10 =	vand.u32 $0xFFFFFFF8, v21;
	v12 =	vld.idx.msk [tilespmem:v12+s16+$0x0], $0xffff  }
0x4ce: {  	v18 =	vadd.s32 v2, v10;
	v22 =	vld.idx.msk [tilespmem:v13+s16+$0x0], $0xffff  }
0x4cf: {  	v20 =	vld.idx.msk [tilespmem:v14+s16+$0x0], $0xffff;
	v23 =	vor.u32 $0x7, v18  }
0x4d0: {  	v17 =	vld.idx.msk [tilespmem:v15+s16+$0x0], $0xffff;
	v19 =	vor.u32 $0x1, v18  }
0x4d1: {  	v15 =	vld.idx.msk [tilespmem:v16+s16+$0x0], $0xffff;
	v14 =	vor.u32 $0x2, v18  }
0x4d2: {  	v16 =	vld.idx.msk [tilespmem:v9+s16+$0x0], $0xffff;
	v13 =	vor.u32 $0x3, v18;
	[tilespmem:s28+$0x0] =	vst v11  }
0x4d3: {  	v10 =	vor.u32 $0x4, v18;
	v9 =	vld.idx.msk [tilespmem:v18+s16+$0x0], $0xffff;
	[tilespmem:s28+$0xFFFFFD00] =	vst v12  }
0x4d4: {  	s1 =	simm.s32 $0x8;
	v21 =	vadd.s32 $0x8, v21;
	v12 =	vor.u32 $0x5, v18;
	v11 =	vor.u32 $0x6, v18;
	[tilespmem:s28+$0xFFFFFD80] =	vst v22;
	v18 =	vld.idx.msk [tilespmem:v23+s16+$0x0], $0xffff  }
.LBB2_55:
0x4d5: {  	v22 =	vand.u32 $0xFFFFFFF8, v21;
	s1 =	sadd.s32 $0x8, s1;
	v23 =	vld.idx.msk [tilespmem:v19+s16+$0x0], $0xffff;
	[tilespmem:s28+$0xFFFFFE00] =	vst v20  }
0x4d6: {  	v22 =	vadd.s32 v2, v22;
	p1 =	slt.u32 s1, $0x18;
	v24 =	vld.idx.msk [tilespmem:v14+s16+$0x0], $0xffff;
	[tilespmem:s28+$0xFFFFFE80] =	vst v17  }
0x4d7: {  	v19 =	vor.u32 $0x1, v22;
	v14 =	vor.u32 $0x2, v22;
	v25 =	vor.u32 $0x7, v22;
	v20 =	vld.idx.msk [tilespmem:v13+s16+$0x0], $0xffff;
	[tilespmem:s28+$0xFFFFFF00] =	vst v15  }
.Ltmp26:
0x4d8: {  	v13 =	vor.u32 $0x3, v22;
	v26 =	vor.u32 $0x5, v22;
	v17 =	vld.idx.msk [tilespmem:v10+s16+$0x0], $0xffff;
	v10 =	vor.u32 $0x4, v22;
	[tilespmem:s28+$0xFFFFFF80] =	vst v16;
	(pc) =	sbr.rel @p1 .LBB2_55-.Ltmp26, $4  }
0x4d9: {  	v27 =	vor.u32 $0x6, v22;
	v15 =	vld.idx.msk [tilespmem:v12+s16+$0x0], $0xffff;
	[tilespmem:s28+$0xFFFFFC80] =	vst v8;
	s28 =	sadd.s32 $0x1000, s28;
	v12 =	vmov v26;
	v8 =	vmov v9  }
0x4da: {  	v16 =	vld.idx.msk [tilespmem:v11+s16+$0x0], $0xffff;
	[tilespmem:s28+$0x0] =	vst v18;
	v11 =	vmov v27  }
0x4db: {  	v9 =	vld.idx.msk [tilespmem:v22+s16+$0x0], $0xffff;
	[tilespmem:s28+$0xFFFFFD00] =	vst v23  }
0x4dc: {  	v21 =	vadd.s32 $0x8, v21;
	v18 =	vld.idx.msk [tilespmem:v25+s16+$0x0], $0xffff;
	[tilespmem:s28+$0xFFFFFD80] =	vst v24  }
0x4dd: {  	_ =	sdelay $0x1  }
0x4de: {  	[tilespmem:s28+$0xFFFFFE00] =	vst v20  }
0x4df: {  	[tilespmem:s28+$0xFFFFFE80] =	vst v17  }
0x4e0: {  	v19 =	vld.idx.msk [tilespmem:v19+s16+$0x0], $0xffff;
	[tilespmem:s28+$0xFFFFFC80] =	vst v8  }
0x4e1: {  	v14 =	vld.idx.msk [tilespmem:v14+s16+$0x0], $0xffff;
	[tilespmem:s28+$0xFFFFFF00] =	vst v15  }
0x4e2: {  	v13 =	vld.idx.msk [tilespmem:v13+s16+$0x0], $0xffff;
	s1 =	sadd.s32 $0x1000, s28;
	[tilespmem:s28+$0xFFFFFF80] =	vst v16  }
0x4e3: {  	v10 =	vld.idx.msk [tilespmem:v10+s16+$0x0], $0xffff;
	[tilespmem:s1+$0xFFFFFC80] =	vst v9  }
0x4e4: {  	v8 =	vld.idx.msk [tilespmem:v12+s16+$0x0], $0xffff;
	[tilespmem:s1+$0x0] =	vst v18  }
0x4e5: {  	v11 =	vld.idx.msk [tilespmem:v11+s16+$0x0], $0xffff;
	[tilespmem:s1+$0xFFFFFD00] =	vst v19  }
0x4e6: {  	[tilespmem:s1+$0xFFFFFD80] =	vst v14  }
0x4e7: {  	[tilespmem:s1+$0xFFFFFE00] =	vst v13  }
0x4e8: {  	[tilespmem:s1+$0xFFFFFE80] =	vst v10  }
0x4e9: {  	[tilespmem:s1+$0xFFFFFF00] =	vst v8  }
0x4ea: {  	[tilespmem:s1+$0xFFFFFF80] =	vst v11  }
0x4eb: {  	v8 =	vld [tilespmem:s25+$0xC30];
	_ =	sdelay $0x4  }
0x4ec: {  	v8 =	vshll.u32 v8, $0x5  }
0x4ed: {  	v9 =	vand.u32 $0x60, v8  }
0x4ee: {  	v8 =	vand.u32 $0xFFFFFFF8, v9  }
0x4ef: {  	v10 =	vadd.s32 v3, v8  }
0x4f0: {  	v11 =	vor.u32 $0x7, v10  }
0x4f1: {  	v12 =	vor.u32 $0x1, v10  }
0x4f2: {  	v13 =	vor.u32 $0x2, v10  }
0x4f3: {  	v14 =	vor.u32 $0x3, v10  }
0x4f4: {  	v15 =	vor.u32 $0x4, v10;
	v8 =	vld.idx.msk [tilespmem:v10+s16+$0x0], $0xffff  }
0x4f5: {  	v21 =	vadd.s32 $0x8, v9;
	v16 =	vor.u32 $0x5, v10;
	v11 =	vld.idx.msk [tilespmem:v11+s16+$0x0], $0xffff  }
0x4f6: {  	v9 =	vor.u32 $0x6, v10;
	v10 =	vand.u32 $0xFFFFFFF8, v21;
	v12 =	vld.idx.msk [tilespmem:v12+s16+$0x0], $0xffff  }
0x4f7: {  	v18 =	vadd.s32 v3, v10;
	v22 =	vld.idx.msk [tilespmem:v13+s16+$0x0], $0xffff  }
0x4f8: {  	v20 =	vld.idx.msk [tilespmem:v14+s16+$0x0], $0xffff;
	v23 =	vor.u32 $0x7, v18  }
0x4f9: {  	v17 =	vld.idx.msk [tilespmem:v15+s16+$0x0], $0xffff;
	v19 =	vor.u32 $0x1, v18  }
0x4fa: {  	v15 =	vld.idx.msk [tilespmem:v16+s16+$0x0], $0xffff;
	v14 =	vor.u32 $0x2, v18  }
0x4fb: {  	v16 =	vld.idx.msk [tilespmem:v9+s16+$0x0], $0xffff;
	v13 =	vor.u32 $0x3, v18;
	[tilespmem:s26+$0x0] =	vst v11  }
0x4fc: {  	v10 =	vor.u32 $0x4, v18;
	v9 =	vld.idx.msk [tilespmem:v18+s16+$0x0], $0xffff;
	[tilespmem:s26+$0xFFFFFD00] =	vst v12  }
0x4fd: {  	s1 =	simm.s32 $0x8;
	v21 =	vadd.s32 $0x8, v21;
	v12 =	vor.u32 $0x5, v18;
	v11 =	vor.u32 $0x6, v18;
	[tilespmem:s26+$0xFFFFFD80] =	vst v22;
	v18 =	vld.idx.msk [tilespmem:v23+s16+$0x0], $0xffff  }
.LBB2_57:
0x4fe: {  	v22 =	vand.u32 $0xFFFFFFF8, v21;
	s1 =	sadd.s32 $0x8, s1;
	v23 =	vld.idx.msk [tilespmem:v19+s16+$0x0], $0xffff;
	[tilespmem:s26+$0xFFFFFE00] =	vst v20  }
0x4ff: {  	v22 =	vadd.s32 v3, v22;
	p1 =	slt.u32 s1, $0x18;
	v24 =	vld.idx.msk [tilespmem:v14+s16+$0x0], $0xffff;
	[tilespmem:s26+$0xFFFFFE80] =	vst v17  }
0x500: {  	v19 =	vor.u32 $0x1, v22;
	v14 =	vor.u32 $0x2, v22;
	v25 =	vor.u32 $0x7, v22;
	v20 =	vld.idx.msk [tilespmem:v13+s16+$0x0], $0xffff;
	[tilespmem:s26+$0xFFFFFF00] =	vst v15  }
.Ltmp27:
0x501: {  	v13 =	vor.u32 $0x3, v22;
	v26 =	vor.u32 $0x5, v22;
	v17 =	vld.idx.msk [tilespmem:v10+s16+$0x0], $0xffff;
	v10 =	vor.u32 $0x4, v22;
	[tilespmem:s26+$0xFFFFFF80] =	vst v16;
	(pc) =	sbr.rel @p1 .LBB2_57-.Ltmp27, $4  }
0x502: {  	v27 =	vor.u32 $0x6, v22;
	v15 =	vld.idx.msk [tilespmem:v12+s16+$0x0], $0xffff;
	[tilespmem:s26+$0xFFFFFC80] =	vst v8;
	s26 =	sadd.s32 $0x1000, s26;
	v12 =	vmov v26;
	v8 =	vmov v9  }
0x503: {  	v16 =	vld.idx.msk [tilespmem:v11+s16+$0x0], $0xffff;
	[tilespmem:s26+$0x0] =	vst v18;
	v11 =	vmov v27  }
0x504: {  	v9 =	vld.idx.msk [tilespmem:v22+s16+$0x0], $0xffff;
	[tilespmem:s26+$0xFFFFFD00] =	vst v23  }
0x505: {  	v21 =	vadd.s32 $0x8, v21;
	v18 =	vld.idx.msk [tilespmem:v25+s16+$0x0], $0xffff;
	[tilespmem:s26+$0xFFFFFD80] =	vst v24  }
0x506: {  	_ =	sdelay $0x1  }
0x507: {  	[tilespmem:s26+$0xFFFFFE00] =	vst v20  }
0x508: {  	[tilespmem:s26+$0xFFFFFE80] =	vst v17  }
0x509: {  	v19 =	vld.idx.msk [tilespmem:v19+s16+$0x0], $0xffff;
	[tilespmem:s26+$0xFFFFFC80] =	vst v8  }
0x50a: {  	v14 =	vld.idx.msk [tilespmem:v14+s16+$0x0], $0xffff;
	[tilespmem:s26+$0xFFFFFF00] =	vst v15  }
0x50b: {  	v13 =	vld.idx.msk [tilespmem:v13+s16+$0x0], $0xffff;
	s1 =	sadd.s32 $0x1000, s26;
	[tilespmem:s26+$0xFFFFFF80] =	vst v16  }
0x50c: {  	v10 =	vld.idx.msk [tilespmem:v10+s16+$0x0], $0xffff;
	[tilespmem:s1+$0xFFFFFC80] =	vst v9  }
0x50d: {  	v8 =	vld.idx.msk [tilespmem:v12+s16+$0x0], $0xffff;
	[tilespmem:s1+$0x0] =	vst v18  }
0x50e: {  	v11 =	vld.idx.msk [tilespmem:v11+s16+$0x0], $0xffff;
	[tilespmem:s1+$0xFFFFFD00] =	vst v19  }
0x50f: {  	[tilespmem:s1+$0xFFFFFD80] =	vst v14  }
0x510: {  	[tilespmem:s1+$0xFFFFFE00] =	vst v13  }
0x511: {  	[tilespmem:s1+$0xFFFFFE80] =	vst v10  }
0x512: {  	[tilespmem:s1+$0xFFFFFF00] =	vst v8  }
0x513: {  	[tilespmem:s1+$0xFFFFFF80] =	vst v11  }
0x514: {  	v8 =	vld [tilespmem:s25+$0xC40];
	_ =	sdelay $0x4  }
0x515: {  	v8 =	vshll.u32 v8, $0x5  }
0x516: {  	v9 =	vand.u32 $0x60, v8  }
0x517: {  	v8 =	vand.u32 $0xFFFFFFF8, v9  }
0x518: {  	v10 =	vadd.s32 v4, v8  }
0x519: {  	v11 =	vor.u32 $0x7, v10  }
0x51a: {  	v12 =	vor.u32 $0x1, v10  }
0x51b: {  	v13 =	vor.u32 $0x2, v10  }
0x51c: {  	v14 =	vor.u32 $0x3, v10  }
0x51d: {  	v15 =	vor.u32 $0x4, v10;
	v8 =	vld.idx.msk [tilespmem:v10+s16+$0x0], $0xffff  }
0x51e: {  	v21 =	vadd.s32 $0x8, v9;
	v16 =	vor.u32 $0x5, v10;
	v11 =	vld.idx.msk [tilespmem:v11+s16+$0x0], $0xffff  }
0x51f: {  	v9 =	vor.u32 $0x6, v10;
	v10 =	vand.u32 $0xFFFFFFF8, v21;
	v12 =	vld.idx.msk [tilespmem:v12+s16+$0x0], $0xffff  }
0x520: {  	v18 =	vadd.s32 v4, v10;
	v22 =	vld.idx.msk [tilespmem:v13+s16+$0x0], $0xffff  }
0x521: {  	v20 =	vld.idx.msk [tilespmem:v14+s16+$0x0], $0xffff;
	v23 =	vor.u32 $0x7, v18  }
0x522: {  	v17 =	vld.idx.msk [tilespmem:v15+s16+$0x0], $0xffff;
	v19 =	vor.u32 $0x1, v18  }
0x523: {  	v15 =	vld.idx.msk [tilespmem:v16+s16+$0x0], $0xffff;
	v14 =	vor.u32 $0x2, v18  }
0x524: {  	v16 =	vld.idx.msk [tilespmem:v9+s16+$0x0], $0xffff;
	v13 =	vor.u32 $0x3, v18;
	[tilespmem:s7+$0x0] =	vst v11  }
0x525: {  	v10 =	vor.u32 $0x4, v18;
	v9 =	vld.idx.msk [tilespmem:v18+s16+$0x0], $0xffff;
	[tilespmem:s7+$0xFFFFFD00] =	vst v12  }
0x526: {  	s1 =	simm.s32 $0x8;
	v21 =	vadd.s32 $0x8, v21;
	v12 =	vor.u32 $0x5, v18;
	v11 =	vor.u32 $0x6, v18;
	[tilespmem:s7+$0xFFFFFD80] =	vst v22;
	v18 =	vld.idx.msk [tilespmem:v23+s16+$0x0], $0xffff  }
.LBB2_59:
0x527: {  	v22 =	vand.u32 $0xFFFFFFF8, v21;
	s1 =	sadd.s32 $0x8, s1;
	v23 =	vld.idx.msk [tilespmem:v19+s16+$0x0], $0xffff;
	[tilespmem:s7+$0xFFFFFE00] =	vst v20  }
0x528: {  	v22 =	vadd.s32 v4, v22;
	p1 =	slt.u32 s1, $0x18;
	v24 =	vld.idx.msk [tilespmem:v14+s16+$0x0], $0xffff;
	[tilespmem:s7+$0xFFFFFE80] =	vst v17  }
0x529: {  	v19 =	vor.u32 $0x1, v22;
	v14 =	vor.u32 $0x2, v22;
	v25 =	vor.u32 $0x7, v22;
	v20 =	vld.idx.msk [tilespmem:v13+s16+$0x0], $0xffff;
	[tilespmem:s7+$0xFFFFFF00] =	vst v15  }
.Ltmp28:
0x52a: {  	v13 =	vor.u32 $0x3, v22;
	v26 =	vor.u32 $0x5, v22;
	v17 =	vld.idx.msk [tilespmem:v10+s16+$0x0], $0xffff;
	v10 =	vor.u32 $0x4, v22;
	[tilespmem:s7+$0xFFFFFF80] =	vst v16;
	(pc) =	sbr.rel @p1 .LBB2_59-.Ltmp28, $4  }
0x52b: {  	v27 =	vor.u32 $0x6, v22;
	v15 =	vld.idx.msk [tilespmem:v12+s16+$0x0], $0xffff;
	[tilespmem:s7+$0xFFFFFC80] =	vst v8;
	s7 =	sadd.s32 $0x1000, s7;
	v12 =	vmov v26;
	v8 =	vmov v9  }
0x52c: {  	v16 =	vld.idx.msk [tilespmem:v11+s16+$0x0], $0xffff;
	[tilespmem:s7+$0x0] =	vst v18;
	v11 =	vmov v27  }
0x52d: {  	v9 =	vld.idx.msk [tilespmem:v22+s16+$0x0], $0xffff;
	[tilespmem:s7+$0xFFFFFD00] =	vst v23  }
0x52e: {  	v21 =	vadd.s32 $0x8, v21;
	v18 =	vld.idx.msk [tilespmem:v25+s16+$0x0], $0xffff;
	[tilespmem:s7+$0xFFFFFD80] =	vst v24  }
0x52f: {  	_ =	sdelay $0x1  }
0x530: {  	[tilespmem:s7+$0xFFFFFE00] =	vst v20  }
0x531: {  	[tilespmem:s7+$0xFFFFFE80] =	vst v17  }
0x532: {  	v19 =	vld.idx.msk [tilespmem:v19+s16+$0x0], $0xffff;
	[tilespmem:s7+$0xFFFFFC80] =	vst v8  }
0x533: {  	v14 =	vld.idx.msk [tilespmem:v14+s16+$0x0], $0xffff;
	[tilespmem:s7+$0xFFFFFF00] =	vst v15  }
0x534: {  	v13 =	vld.idx.msk [tilespmem:v13+s16+$0x0], $0xffff;
	s1 =	sadd.s32 $0x1000, s7;
	[tilespmem:s7+$0xFFFFFF80] =	vst v16  }
0x535: {  	v10 =	vld.idx.msk [tilespmem:v10+s16+$0x0], $0xffff;
	[tilespmem:s1+$0xFFFFFC80] =	vst v9  }
0x536: {  	v8 =	vld.idx.msk [tilespmem:v12+s16+$0x0], $0xffff;
	[tilespmem:s1+$0x0] =	vst v18  }
0x537: {  	v11 =	vld.idx.msk [tilespmem:v11+s16+$0x0], $0xffff;
	[tilespmem:s1+$0xFFFFFD00] =	vst v19  }
0x538: {  	[tilespmem:s1+$0xFFFFFD80] =	vst v14  }
0x539: {  	[tilespmem:s1+$0xFFFFFE00] =	vst v13  }
0x53a: {  	[tilespmem:s1+$0xFFFFFE80] =	vst v10  }
0x53b: {  	[tilespmem:s1+$0xFFFFFF00] =	vst v8  }
0x53c: {  	[tilespmem:s1+$0xFFFFFF80] =	vst v11  }
0x53d: {  	v8 =	vld [tilespmem:s25+$0xC50];
	_ =	sdelay $0x4  }
0x53e: {  	v8 =	vshll.u32 v8, $0x5  }
0x53f: {  	v9 =	vand.u32 $0x60, v8  }
0x540: {  	v8 =	vand.u32 $0xFFFFFFF8, v9  }
0x541: {  	v10 =	vadd.s32 v5, v8  }
0x542: {  	v11 =	vor.u32 $0x7, v10  }
0x543: {  	v12 =	vor.u32 $0x1, v10  }
0x544: {  	v13 =	vor.u32 $0x2, v10  }
0x545: {  	v14 =	vor.u32 $0x3, v10  }
0x546: {  	v15 =	vor.u32 $0x4, v10;
	v8 =	vld.idx.msk [tilespmem:v10+s16+$0x0], $0xffff  }
0x547: {  	v21 =	vadd.s32 $0x8, v9;
	v16 =	vor.u32 $0x5, v10;
	v11 =	vld.idx.msk [tilespmem:v11+s16+$0x0], $0xffff  }
0x548: {  	v9 =	vor.u32 $0x6, v10;
	v10 =	vand.u32 $0xFFFFFFF8, v21;
	v12 =	vld.idx.msk [tilespmem:v12+s16+$0x0], $0xffff  }
0x549: {  	v18 =	vadd.s32 v5, v10;
	v22 =	vld.idx.msk [tilespmem:v13+s16+$0x0], $0xffff  }
0x54a: {  	v20 =	vld.idx.msk [tilespmem:v14+s16+$0x0], $0xffff;
	v23 =	vor.u32 $0x7, v18  }
0x54b: {  	v17 =	vld.idx.msk [tilespmem:v15+s16+$0x0], $0xffff;
	v19 =	vor.u32 $0x1, v18  }
0x54c: {  	v15 =	vld.idx.msk [tilespmem:v16+s16+$0x0], $0xffff;
	v14 =	vor.u32 $0x2, v18  }
0x54d: {  	v16 =	vld.idx.msk [tilespmem:v9+s16+$0x0], $0xffff;
	v13 =	vor.u32 $0x3, v18;
	[tilespmem:s6+$0x0] =	vst v11  }
0x54e: {  	v10 =	vor.u32 $0x4, v18;
	v9 =	vld.idx.msk [tilespmem:v18+s16+$0x0], $0xffff;
	[tilespmem:s6+$0xFFFFFD00] =	vst v12  }
0x54f: {  	s1 =	simm.s32 $0x8;
	v21 =	vadd.s32 $0x8, v21;
	v12 =	vor.u32 $0x5, v18;
	v11 =	vor.u32 $0x6, v18;
	[tilespmem:s6+$0xFFFFFD80] =	vst v22;
	v18 =	vld.idx.msk [tilespmem:v23+s16+$0x0], $0xffff  }
.LBB2_61:
0x550: {  	v22 =	vand.u32 $0xFFFFFFF8, v21;
	s1 =	sadd.s32 $0x8, s1;
	v23 =	vld.idx.msk [tilespmem:v19+s16+$0x0], $0xffff;
	[tilespmem:s6+$0xFFFFFE00] =	vst v20  }
0x551: {  	v22 =	vadd.s32 v5, v22;
	p1 =	slt.u32 s1, $0x18;
	v24 =	vld.idx.msk [tilespmem:v14+s16+$0x0], $0xffff;
	[tilespmem:s6+$0xFFFFFE80] =	vst v17  }
0x552: {  	v19 =	vor.u32 $0x1, v22;
	v14 =	vor.u32 $0x2, v22;
	v25 =	vor.u32 $0x7, v22;
	v20 =	vld.idx.msk [tilespmem:v13+s16+$0x0], $0xffff;
	[tilespmem:s6+$0xFFFFFF00] =	vst v15  }
.Ltmp29:
0x553: {  	v13 =	vor.u32 $0x3, v22;
	v26 =	vor.u32 $0x5, v22;
	v17 =	vld.idx.msk [tilespmem:v10+s16+$0x0], $0xffff;
	v10 =	vor.u32 $0x4, v22;
	[tilespmem:s6+$0xFFFFFF80] =	vst v16;
	(pc) =	sbr.rel @p1 .LBB2_61-.Ltmp29, $4  }
0x554: {  	v27 =	vor.u32 $0x6, v22;
	v15 =	vld.idx.msk [tilespmem:v12+s16+$0x0], $0xffff;
	[tilespmem:s6+$0xFFFFFC80] =	vst v8;
	s6 =	sadd.s32 $0x1000, s6;
	v12 =	vmov v26;
	v8 =	vmov v9  }
0x555: {  	v16 =	vld.idx.msk [tilespmem:v11+s16+$0x0], $0xffff;
	[tilespmem:s6+$0x0] =	vst v18;
	v11 =	vmov v27  }
0x556: {  	v9 =	vld.idx.msk [tilespmem:v22+s16+$0x0], $0xffff;
	[tilespmem:s6+$0xFFFFFD00] =	vst v23  }
0x557: {  	v21 =	vadd.s32 $0x8, v21;
	v18 =	vld.idx.msk [tilespmem:v25+s16+$0x0], $0xffff;
	[tilespmem:s6+$0xFFFFFD80] =	vst v24  }
0x558: {  	_ =	sdelay $0x1  }
0x559: {  	[tilespmem:s6+$0xFFFFFE00] =	vst v20  }
0x55a: {  	[tilespmem:s6+$0xFFFFFE80] =	vst v17  }
0x55b: {  	v19 =	vld.idx.msk [tilespmem:v19+s16+$0x0], $0xffff;
	[tilespmem:s6+$0xFFFFFC80] =	vst v8  }
0x55c: {  	v14 =	vld.idx.msk [tilespmem:v14+s16+$0x0], $0xffff;
	[tilespmem:s6+$0xFFFFFF00] =	vst v15  }
0x55d: {  	v13 =	vld.idx.msk [tilespmem:v13+s16+$0x0], $0xffff;
	s1 =	sadd.s32 $0x1000, s6;
	[tilespmem:s6+$0xFFFFFF80] =	vst v16  }
0x55e: {  	v10 =	vld.idx.msk [tilespmem:v10+s16+$0x0], $0xffff;
	[tilespmem:s1+$0xFFFFFC80] =	vst v9  }
0x55f: {  	v8 =	vld.idx.msk [tilespmem:v12+s16+$0x0], $0xffff;
	[tilespmem:s1+$0x0] =	vst v18  }
0x560: {  	v11 =	vld.idx.msk [tilespmem:v11+s16+$0x0], $0xffff;
	[tilespmem:s1+$0xFFFFFD00] =	vst v19  }
0x561: {  	[tilespmem:s1+$0xFFFFFD80] =	vst v14  }
0x562: {  	[tilespmem:s1+$0xFFFFFE00] =	vst v13  }
0x563: {  	[tilespmem:s1+$0xFFFFFE80] =	vst v10  }
0x564: {  	[tilespmem:s1+$0xFFFFFF00] =	vst v8  }
0x565: {  	[tilespmem:s1+$0xFFFFFF80] =	vst v11  }
0x566: {  	v8 =	vld [tilespmem:s25+$0xC60];
	_ =	sdelay $0x4  }
0x567: {  	v8 =	vshll.u32 v8, $0x5  }
0x568: {  	v9 =	vand.u32 $0x60, v8  }
0x569: {  	v8 =	vand.u32 $0xFFFFFFF8, v9  }
0x56a: {  	v10 =	vadd.s32 v6, v8  }
0x56b: {  	v11 =	vor.u32 $0x7, v10  }
0x56c: {  	v12 =	vor.u32 $0x1, v10  }
0x56d: {  	v13 =	vor.u32 $0x2, v10  }
0x56e: {  	v14 =	vor.u32 $0x3, v10  }
0x56f: {  	v15 =	vor.u32 $0x4, v10;
	v8 =	vld.idx.msk [tilespmem:v10+s16+$0x0], $0xffff  }
0x570: {  	v21 =	vadd.s32 $0x8, v9;
	v16 =	vor.u32 $0x5, v10;
	v11 =	vld.idx.msk [tilespmem:v11+s16+$0x0], $0xffff  }
0x571: {  	v9 =	vor.u32 $0x6, v10;
	v10 =	vand.u32 $0xFFFFFFF8, v21;
	v12 =	vld.idx.msk [tilespmem:v12+s16+$0x0], $0xffff  }
0x572: {  	v18 =	vadd.s32 v6, v10;
	v22 =	vld.idx.msk [tilespmem:v13+s16+$0x0], $0xffff  }
0x573: {  	v20 =	vld.idx.msk [tilespmem:v14+s16+$0x0], $0xffff;
	v23 =	vor.u32 $0x7, v18  }
0x574: {  	v17 =	vld.idx.msk [tilespmem:v15+s16+$0x0], $0xffff;
	v19 =	vor.u32 $0x1, v18  }
0x575: {  	v15 =	vld.idx.msk [tilespmem:v16+s16+$0x0], $0xffff;
	v14 =	vor.u32 $0x2, v18  }
0x576: {  	v16 =	vld.idx.msk [tilespmem:v9+s16+$0x0], $0xffff;
	v13 =	vor.u32 $0x3, v18;
	[tilespmem:s3+$0x0] =	vst v11  }
0x577: {  	v10 =	vor.u32 $0x4, v18;
	v9 =	vld.idx.msk [tilespmem:v18+s16+$0x0], $0xffff;
	[tilespmem:s3+$0xFFFFFD00] =	vst v12  }
0x578: {  	s1 =	simm.s32 $0x8;
	v21 =	vadd.s32 $0x8, v21;
	v12 =	vor.u32 $0x5, v18;
	v11 =	vor.u32 $0x6, v18;
	[tilespmem:s3+$0xFFFFFD80] =	vst v22;
	v18 =	vld.idx.msk [tilespmem:v23+s16+$0x0], $0xffff  }
.LBB2_63:
0x579: {  	v22 =	vand.u32 $0xFFFFFFF8, v21;
	s1 =	sadd.s32 $0x8, s1;
	v23 =	vld.idx.msk [tilespmem:v19+s16+$0x0], $0xffff;
	[tilespmem:s3+$0xFFFFFE00] =	vst v20  }
0x57a: {  	v22 =	vadd.s32 v6, v22;
	p1 =	slt.u32 s1, $0x18;
	v24 =	vld.idx.msk [tilespmem:v14+s16+$0x0], $0xffff;
	[tilespmem:s3+$0xFFFFFE80] =	vst v17  }
0x57b: {  	v19 =	vor.u32 $0x1, v22;
	v14 =	vor.u32 $0x2, v22;
	v25 =	vor.u32 $0x7, v22;
	v20 =	vld.idx.msk [tilespmem:v13+s16+$0x0], $0xffff;
	[tilespmem:s3+$0xFFFFFF00] =	vst v15  }
.Ltmp30:
0x57c: {  	v13 =	vor.u32 $0x3, v22;
	v26 =	vor.u32 $0x5, v22;
	v17 =	vld.idx.msk [tilespmem:v10+s16+$0x0], $0xffff;
	v10 =	vor.u32 $0x4, v22;
	[tilespmem:s3+$0xFFFFFF80] =	vst v16;
	(pc) =	sbr.rel @p1 .LBB2_63-.Ltmp30, $4  }
0x57d: {  	v27 =	vor.u32 $0x6, v22;
	v15 =	vld.idx.msk [tilespmem:v12+s16+$0x0], $0xffff;
	[tilespmem:s3+$0xFFFFFC80] =	vst v8;
	s3 =	sadd.s32 $0x1000, s3;
	v12 =	vmov v26;
	v8 =	vmov v9  }
0x57e: {  	v16 =	vld.idx.msk [tilespmem:v11+s16+$0x0], $0xffff;
	[tilespmem:s3+$0x0] =	vst v18;
	v11 =	vmov v27  }
0x57f: {  	v9 =	vld.idx.msk [tilespmem:v22+s16+$0x0], $0xffff;
	[tilespmem:s3+$0xFFFFFD00] =	vst v23  }
0x580: {  	v21 =	vadd.s32 $0x8, v21;
	v18 =	vld.idx.msk [tilespmem:v25+s16+$0x0], $0xffff;
	[tilespmem:s3+$0xFFFFFD80] =	vst v24  }
0x581: {  	_ =	sdelay $0x1  }
0x582: {  	[tilespmem:s3+$0xFFFFFE00] =	vst v20  }
0x583: {  	[tilespmem:s3+$0xFFFFFE80] =	vst v17  }
0x584: {  	v19 =	vld.idx.msk [tilespmem:v19+s16+$0x0], $0xffff;
	[tilespmem:s3+$0xFFFFFC80] =	vst v8  }
0x585: {  	v14 =	vld.idx.msk [tilespmem:v14+s16+$0x0], $0xffff;
	[tilespmem:s3+$0xFFFFFF00] =	vst v15  }
0x586: {  	v13 =	vld.idx.msk [tilespmem:v13+s16+$0x0], $0xffff;
	s1 =	sadd.s32 $0x1000, s3;
	[tilespmem:s3+$0xFFFFFF80] =	vst v16  }
0x587: {  	v10 =	vld.idx.msk [tilespmem:v10+s16+$0x0], $0xffff;
	[tilespmem:s1+$0xFFFFFC80] =	vst v9  }
0x588: {  	v8 =	vld.idx.msk [tilespmem:v12+s16+$0x0], $0xffff;
	[tilespmem:s1+$0x0] =	vst v18  }
0x589: {  	v11 =	vld.idx.msk [tilespmem:v11+s16+$0x0], $0xffff;
	[tilespmem:s1+$0xFFFFFD00] =	vst v19  }
0x58a: {  	[tilespmem:s1+$0xFFFFFD80] =	vst v14  }
0x58b: {  	[tilespmem:s1+$0xFFFFFE00] =	vst v13  }
0x58c: {  	[tilespmem:s1+$0xFFFFFE80] =	vst v10  }
0x58d: {  	[tilespmem:s1+$0xFFFFFF00] =	vst v8  }
0x58e: {  	[tilespmem:s1+$0xFFFFFF80] =	vst v11  }
0x58f: {  	v8 =	vld [tilespmem:s25+$0xC70];
	_ =	sdelay $0x4  }
0x590: {  	v8 =	vshll.u32 v8, $0x5  }
0x591: {  	v9 =	vand.u32 $0x60, v8  }
0x592: {  	v8 =	vand.u32 $0xFFFFFFF8, v9  }
0x593: {  	v10 =	vadd.s32 v7, v8  }
0x594: {  	v11 =	vor.u32 $0x7, v10  }
0x595: {  	v12 =	vor.u32 $0x1, v10  }
0x596: {  	v13 =	vor.u32 $0x2, v10  }
0x597: {  	v14 =	vor.u32 $0x3, v10  }
0x598: {  	v15 =	vor.u32 $0x4, v10;
	v8 =	vld.idx.msk [tilespmem:v10+s16+$0x0], $0xffff  }
0x599: {  	v21 =	vadd.s32 $0x8, v9;
	v16 =	vor.u32 $0x5, v10;
	v11 =	vld.idx.msk [tilespmem:v11+s16+$0x0], $0xffff  }
0x59a: {  	v9 =	vor.u32 $0x6, v10;
	v10 =	vand.u32 $0xFFFFFFF8, v21;
	v12 =	vld.idx.msk [tilespmem:v12+s16+$0x0], $0xffff  }
0x59b: {  	v18 =	vadd.s32 v7, v10;
	v22 =	vld.idx.msk [tilespmem:v13+s16+$0x0], $0xffff  }
0x59c: {  	v20 =	vld.idx.msk [tilespmem:v14+s16+$0x0], $0xffff;
	v23 =	vor.u32 $0x7, v18  }
0x59d: {  	v17 =	vld.idx.msk [tilespmem:v15+s16+$0x0], $0xffff;
	v19 =	vor.u32 $0x1, v18  }
0x59e: {  	v15 =	vld.idx.msk [tilespmem:v16+s16+$0x0], $0xffff;
	v14 =	vor.u32 $0x2, v18  }
0x59f: {  	v16 =	vld.idx.msk [tilespmem:v9+s16+$0x0], $0xffff;
	v13 =	vor.u32 $0x3, v18;
	[tilespmem:s2+$0x0] =	vst v11  }
0x5a0: {  	v10 =	vor.u32 $0x4, v18;
	v9 =	vld.idx.msk [tilespmem:v18+s16+$0x0], $0xffff;
	[tilespmem:s2+$0xFFFFFD00] =	vst v12  }
0x5a1: {  	s1 =	simm.s32 $0x8;
	v21 =	vadd.s32 $0x8, v21;
	v12 =	vor.u32 $0x5, v18;
	v11 =	vor.u32 $0x6, v18;
	[tilespmem:s2+$0xFFFFFD80] =	vst v22;
	v18 =	vld.idx.msk [tilespmem:v23+s16+$0x0], $0xffff  }
.LBB2_65:
0x5a2: {  	v22 =	vand.u32 $0xFFFFFFF8, v21;
	s1 =	sadd.s32 $0x8, s1;
	v23 =	vld.idx.msk [tilespmem:v19+s16+$0x0], $0xffff;
	[tilespmem:s2+$0xFFFFFE00] =	vst v20  }
0x5a3: {  	v22 =	vadd.s32 v7, v22;
	p1 =	slt.u32 s1, $0x18;
	v24 =	vld.idx.msk [tilespmem:v14+s16+$0x0], $0xffff;
	[tilespmem:s2+$0xFFFFFE80] =	vst v17  }
0x5a4: {  	v19 =	vor.u32 $0x1, v22;
	v14 =	vor.u32 $0x2, v22;
	v25 =	vor.u32 $0x7, v22;
	v20 =	vld.idx.msk [tilespmem:v13+s16+$0x0], $0xffff;
	[tilespmem:s2+$0xFFFFFF00] =	vst v15  }
.Ltmp31:
0x5a5: {  	v13 =	vor.u32 $0x3, v22;
	v26 =	vor.u32 $0x5, v22;
	v17 =	vld.idx.msk [tilespmem:v10+s16+$0x0], $0xffff;
	v10 =	vor.u32 $0x4, v22;
	[tilespmem:s2+$0xFFFFFF80] =	vst v16;
	(pc) =	sbr.rel @p1 .LBB2_65-.Ltmp31, $4  }
0x5a6: {  	v27 =	vor.u32 $0x6, v22;
	v15 =	vld.idx.msk [tilespmem:v12+s16+$0x0], $0xffff;
	[tilespmem:s2+$0xFFFFFC80] =	vst v8;
	s2 =	sadd.s32 $0x1000, s2;
	v12 =	vmov v26;
	v8 =	vmov v9  }
0x5a7: {  	v16 =	vld.idx.msk [tilespmem:v11+s16+$0x0], $0xffff;
	[tilespmem:s2+$0x0] =	vst v18;
	v11 =	vmov v27  }
0x5a8: {  	v9 =	vld.idx.msk [tilespmem:v22+s16+$0x0], $0xffff;
	[tilespmem:s2+$0xFFFFFD00] =	vst v23  }
0x5a9: {  	v21 =	vadd.s32 $0x8, v21;
	v18 =	vld.idx.msk [tilespmem:v25+s16+$0x0], $0xffff;
	[tilespmem:s2+$0xFFFFFD80] =	vst v24  }
0x5aa: {  	_ =	sdelay $0x2  }
0x5ab: {  	[tilespmem:s2+$0xFFFFFE00] =	vst v20  }
0x5ac: {  	v19 =	vld.idx.msk [tilespmem:v19+s16+$0x0], $0xffff;
	[tilespmem:s2+$0xFFFFFE80] =	vst v17  }
0x5ad: {  	v14 =	vld.idx.msk [tilespmem:v14+s16+$0x0], $0xffff;
	[tilespmem:s2+$0xFFFFFC80] =	vst v8  }
0x5ae: {  	v13 =	vld.idx.msk [tilespmem:v13+s16+$0x0], $0xffff;
	[tilespmem:s2+$0xFFFFFF00] =	vst v15  }
0x5af: {  	v10 =	vld.idx.msk [tilespmem:v10+s16+$0x0], $0xffff;
	s1 =	sadd.s32 $0x1000, s2;
	[tilespmem:s2+$0xFFFFFF80] =	vst v16  }
0x5b0: {  	v8 =	vld.idx.msk [tilespmem:v12+s16+$0x0], $0xffff;
	[tilespmem:s1+$0x0] =	vst v18  }
0x5b1: {  	[tilespmem:s1+$0xFFFFFD00] =	vst v19  }
0x5b2: {  	v11 =	vld.idx.msk [tilespmem:v11+s16+$0x0], $0xffff;
	[tilespmem:s1+$0xFFFFFD80] =	vst v14  }
0x5b3: {  	[tilespmem:s1+$0xFFFFFE00] =	vst v13  }
0x5b4: {  	[tilespmem:s1+$0xFFFFFE80] =	vst v10  }
0x5b5: {  	p1 =	sne.s32 s0, $0x1A;
	[tilespmem:s1+$0xFFFFFF00] =	vst v8  }
.Ltmp32:
0x5b6: {  	s26 =	sshll.u32 s5, $0x13;
	s3 =	rddreg [dreg:$0x4];
	(pc) =	sbr.rel @p1 .LBB2_2-.Ltmp32, $4  }
0x5b7: {  	s28 =	rddreg [dreg:$0x2];
	s29 =	simm.s32 $0x1000;
	[tilespmem:s1+$0xFFFFFF80] =	vst v11;
	s2 =	sor.u32 s3, s26  }
0x5b8: {  	s30 =	simm.s32 $0x20000;
	p0 =	por !p0, !p0;
	[tilespmem:s1+$0xFFFFFC80] =	vst v9;
	s2 =	sshrl.u32 s2, $0x3  }
0x5b9: {  	s5 =	smov.u32 s0;
	s31 =	rddreg [dreg:$0xb];
	s1 =	sadd.s32 s28, s2  }
0x5ba: {  	[hbm4b:s1+s29] =	stream.strided.scatter [tilespmem:s31], [sflag:$0x2], $0x4000, s30, s29, $0x38;
	[tilespmem:$0x14100] =	vst v63  }
0x5bb: {  	s1 =	simm.s32 $0x2  }
0x5bc: {  	_ =	swait.ge [sflag:s1], $0x4000  }
0x5bd: {  	[sflag:s1] =	ssyncset.done $0x0  }
0x5be: {  	[sflag:s1] =	ssyncadd.s32 $0xFFFFC000  }
0x5bf: {  	_ =	swait.ge [sflag:s1], $0x4000  }
0x5c0: {  	s2 =	rddreg [dreg:$0x8]  }
0x5c1: {  	s0 =	rddreg [dreg:$0x7];
	s2 =	sadd.s32 $0x1, s2  }
0x5c2: {  	p0 =	sne.s32 s2, s0  }
.Ltmp33:
0x5c3: {  	_ = 	snop;
	(pc) =	sbr.rel @p0 .LBB2_1-.Ltmp33, $3  }
0x5c4: {  	_ =	sdelay $0x1  }
0x5c5: {  	[sflag:s1] =	ssyncset.done $0x0  }
0x5c6: {  	[sflag:s1] =	ssyncadd.s32 $0xFFFFC000  }
0x5c7: {  	_ =	sfence.sel $0x180000  }
0x5c8: {  	[bflag:$0x0] =	sbarrier.arrive $0xFFFF  }
0x5c9: {  	_ =	strace $0x90000047  }
0x5ca: {  	s0 =	stileid.u32;
	[bflag:$0x2] =	sbarrier.arrive $0xFFFF  }
0x5cb: {  	p0 =	sne.s32 s0, $0x0;
	s0 =	rddreg [dreg:$0x3]  }
0x5cc: {  	s0 =	sadd.s32 @!p0 $0x100000, s0  }
0x5cd: {  	[sflag:s0] =	ssyncadd.tile.s32 @!p0 $0x1;
	_ =	shalt  }
.Lfunc_end2:
_tile_overlayer_lowered:
.L_overlay_start_2:
0x5ce: {  	(tag) =	ssettag $0x2  }
0x5cf: {  	s0 =	rddreg [dreg:$0x0];
	s2 =	stileid.u32  }
0x5d0: {  	s1 =	rddreg [dreg:$0x1];
	p0 =	sne.s32 s2, $0x0  }
0x5d1: {  	s3 =	rddreg [dreg:$0x2];
	[bflag:$0x3] =	sbarrier.arrive $0xFFFF;
	s2 =	simm.s32 @!p0 $0x1C03  }
0x5d2: {  	[timem:s3], [sflag:s2] =	dma.local @!p0 [hbm:s0], s1  }
0x5d3: {  	s0 =	simm.s32 @!p0 $0x3  }
0x5d4: {  	_ =	swait.ge @!p0 [sflag:s0], s1  }
0x5d5: {  	s1 =	ssub.s32 @!p0 $0x0, s1;
	[sflag:s0] =	ssyncset.done @!p0 $0x0  }
0x5d6: {  	[sflag:s0] =	ssyncadd.s32 @!p0 s1  }
0x5d7: {  	[bflag:$0x3] =	sbarrier.arrive $0xFFFF  }
0x5d8: {  	_ =	shalt  }

</sc_bundles>
